<compile_context>
chip_gen: v7x
topology: tpu7x:2x2x1
jax: 0.10.2.dev20260603
libtpu: 0.0.44.dev20260713+nightly
codegen_flags: <defaults>
</compile_context>

<pallas_src>
import functools

import jax
import jax.numpy as jnp
from jax import lax
from jax.experimental import pallas as pl
from jax.experimental.pallas import tpu as pltpu
from jax.experimental.pallas import tpu_sc as plsc

N = 10000
NPAD = 10240
C = 128
NC, NS = 2, 16
NT = NC * NS
RPS = NPAD // NS
BLK = 2048
TRASH = N
NBUF = 4

_HI = lax.Precision.HIGHEST
_SC_PARAMS = pltpu.CompilerParams(use_tc_tiling_on_sc=False)
_MESH = plsc.VectorSubcoreMesh(core_axis_name="c", subcore_axis_name="s")


def _row_mask(i):
    rows = lax.broadcasted_iota(jnp.int32, (BLK, 1), 0) + i * BLK
    return rows < N



def _sc_scatter(ys, src, dst):
    d = ys[0].shape[1]
    assert all(y.shape[1] == d for y in ys)
    nbuf = 2 if d >= 64 else 8
    cc = src.shape[2]
    nchunk = src.shape[1]
    assert nchunk % nbuf == 0

    @functools.partial(
        pl.kernel,
        mesh=_MESH,
        out_type=[jax.ShapeDtypeStruct((NC, NPAD, d), jnp.float32)
                  for _ in ys],
        scratch_types=[
            pltpu.VMEM((nchunk, cc), jnp.int32),
            pltpu.VMEM((nchunk, cc), jnp.int32),
            *[pltpu.VMEM((cc, d), jnp.float32) for _ in range(nbuf)],
            pltpu.VMEM_SHARED((NPAD, d), jnp.float32),
            pltpu.VMEM_SHARED((NPAD, d), jnp.float32),
            *[pltpu.SemaphoreType.DMA for _ in range(nbuf)],
            *[pltpu.SemaphoreType.DMA for _ in range(nbuf)],
        ],
        compiler_params=_SC_PARAMS,
    )
    def k(*refs):
        y_hbms = refs[0:len(ys)]
        src_hbm = refs[len(ys)]
        dst_hbm = refs[len(ys) + 1]
        out_hbms = refs[len(ys) + 2:2 * len(ys) + 2]
        r = refs[2 * len(ys) + 2:]
        src_v, dst_v = r[0], r[1]
        rows_v = r[2:2 + nbuf]
        y_sh = r[2 + nbuf]
        acc_sh = r[3 + nbuf]
        gsem = r[4 + nbuf:4 + 2 * nbuf]
        ssem = r[4 + 2 * nbuf:4 + 3 * nbuf]
        cid = lax.axis_index("c")
        sid = lax.axis_index("s")
        wid = cid * NS + sid
        r0 = sid * RPS
        pltpu.sync_copy(src_hbm.at[wid], src_v)
        pltpu.sync_copy(dst_hbm.at[wid], dst_v)

        def gather_start(cidx, b):
            pltpu.async_copy(y_sh.at[src_v.at[cidx]], rows_v[b], gsem[b])

        def gather_wait(cidx, b):
            pltpu.make_async_copy(y_sh.at[src_v.at[cidx]], rows_v[b],
                                  gsem[b]).wait()

        def scatter_start(cidx, b):
            pltpu.async_copy(rows_v[b], acc_sh.at[dst_v.at[cidx]], ssem[b],
                             add=True)

        def scatter_wait(cidx, b):
            pltpu.make_async_copy(rows_v[b], acc_sh.at[dst_v.at[cidx]],
                                  ssem[b]).wait()

        for y_hbm, out_hbm in zip(y_hbms, out_hbms):
            pltpu.sync_copy(y_hbm.at[pl.ds(r0, RPS)],
                            acc_sh.at[pl.ds(r0, RPS)])
            pltpu.sync_copy(y_hbm.at[pl.ds(r0, RPS)],
                            y_sh.at[pl.ds(r0, RPS)])
            plsc.subcore_barrier()

            for b in range(nbuf):
                gather_start(b, b)

            @pl.loop(nbuf, nchunk, step=nbuf)
            def _(j):
                for b in range(nbuf):
                    gather_wait(j - nbuf + b, b)
                    scatter_start(j - nbuf + b, b)
                for b in range(nbuf):
                    scatter_wait(j - nbuf + b, b)
                    gather_start(j + b, b)

            for b in range(nbuf):
                gather_wait(nchunk - nbuf + b, b)
                scatter_start(nchunk - nbuf + b, b)
            for b in range(nbuf):
                scatter_wait(nchunk - nbuf + b, b)

            plsc.subcore_barrier()
            pltpu.sync_copy(acc_sh.at[pl.ds(r0, RPS)],
                            out_hbm.at[cid].at[pl.ds(r0, RPS)])

    return k(*ys, src, dst)


def _sc_degree(zeros, dst, ones):
    nchunk = dst.shape[1]
    nbuf = 4

    @functools.partial(
        pl.kernel,
        mesh=_MESH,
        out_type=jax.ShapeDtypeStruct((NC, NPAD, 16), jnp.float32),
        scratch_types=[
            pltpu.VMEM((nchunk, C), jnp.int32),
            pltpu.VMEM((C, 16), jnp.float32),
            pltpu.VMEM_SHARED((NPAD, 16), jnp.float32),
            *[pltpu.SemaphoreType.DMA for _ in range(nbuf)],
        ],
        compiler_params=_SC_PARAMS,
    )
    def k(z_hbm, dst_hbm, ones_hbm, out_hbm, dst_v, ones_v, acc_sh, *sems):
        cid = lax.axis_index("c")
        sid = lax.axis_index("s")
        wid = cid * NS + sid
        r0 = sid * RPS
        pltpu.sync_copy(dst_hbm.at[wid], dst_v)
        pltpu.sync_copy(z_hbm.at[pl.ds(r0, RPS)], acc_sh.at[pl.ds(r0, RPS)])
        pltpu.sync_copy(ones_hbm, ones_v)
        plsc.subcore_barrier()

        def scatter_start(cidx, b):
            pltpu.async_copy(ones_v, acc_sh.at[dst_v.at[cidx]], sems[b],
                             add=True)

        def scatter_wait(cidx, b):
            pltpu.make_async_copy(ones_v, acc_sh.at[dst_v.at[cidx]],
                                  sems[b]).wait()

        for b in range(nbuf):
            scatter_start(b, b)

        @pl.loop(nbuf, nchunk, step=nbuf)
        def _(j):
            for b in range(nbuf):
                scatter_wait(j - nbuf + b, b)
                scatter_start(j + b, b)

        for b in range(nbuf):
            scatter_wait(nchunk - nbuf + b, b)

        plsc.subcore_barrier()
        pltpu.sync_copy(acc_sh.at[pl.ds(r0, RPS)],
                        out_hbm.at[cid].at[pl.ds(r0, RPS)])

    return k(zeros, dst, ones)



def _blk(d):
    return pl.BlockSpec((BLK, d), lambda i: (i, 0))


def _blk3(d):
    return pl.BlockSpec((NC, BLK, d), lambda i: (0, i, 0))


def _tc_mm(x, w):
    n, kdim = x.shape
    dout = w.shape[1]

    def body(x_ref, w_ref, o_ref):
        o_ref[...] = jnp.dot(x_ref[...], w_ref[...], precision=_HI,
                             preferred_element_type=jnp.float32)

    return pl.pallas_call(
        body,
        grid=(n // BLK,),
        in_specs=[_blk(kdim), pl.BlockSpec((kdim, dout), lambda i: (0, 0))],
        out_specs=_blk(dout),
        out_shape=jax.ShapeDtypeStruct((n, dout), jnp.float32),
    )(x, w)


def _split_out(o, douts, o_refs, mask):
    off = 0
    for dk, o_ref in zip(douts, o_refs):
        o_ref[...] = jnp.where(mask, o[:, off:off + dk], 0.0)
        off += dk


def _tc_scale(xw, dp, douts):
    d = xw.shape[1]

    def body(xw_ref, dp_ref, *o_refs):
        i = pl.program_id(0)
        mask = _row_mask(i)
        deg = jnp.where(mask, dp_ref[0, :, 0:1] + dp_ref[1, :, 0:1] + 1.0,
                        1.0)
        dinv = lax.rsqrt(jnp.maximum(deg, 1e-12))
        o_refs[-1][...] = dinv
        _split_out(xw_ref[...] * dinv, douts, o_refs[:-1], mask)

    return pl.pallas_call(
        body,
        grid=(NPAD // BLK,),
        in_specs=[_blk(d), _blk3(16)],
        out_specs=[*[_blk(dk) for dk in douts], _blk(1)],
        out_shape=[*[jax.ShapeDtypeStruct((NPAD, dk), jnp.float32)
                     for dk in douts],
                   jax.ShapeDtypeStruct((NPAD, 1), jnp.float32)],
    )(xw, dp)


def _tc_layer(parts, dinv, b, w, douts):
    npart = len(parts)
    din = w.shape[0]
    dins = [y.shape[1] for _, y in parts]

    def body(*refs):
        i = pl.program_id(0)
        mask = _row_mask(i)
        zs = []
        for kk in range(npart):
            p_ref, y_ref = refs[2 * kk], refs[2 * kk + 1]
            zs.append(p_ref[0] + p_ref[1] - y_ref[...])
        z = zs[0] if npart == 1 else jnp.concatenate(zs, axis=1)
        dinv_ref, b_ref, w_ref = refs[2 * npart:2 * npart + 3]
        o_refs = refs[2 * npart + 3:]
        t = z * dinv_ref[...] + b_ref[...]
        h = jnp.where(t >= 0, t, 0.1 * t)
        o = jnp.dot(h, w_ref[...], precision=_HI,
                    preferred_element_type=jnp.float32) * dinv_ref[...]
        _split_out(o, douts, o_refs, mask)

    flat = []
    in_specs = []
    for (p, y), dk in zip(parts, dins):
        flat += [p, y]
        in_specs += [_blk3(dk), _blk(dk)]
    flat += [dinv, b, w]
    in_specs += [_blk(1), pl.BlockSpec((1, din), lambda i: (0, 0)),
                 pl.BlockSpec((din, w.shape[1]), lambda i: (0, 0))]
    return pl.pallas_call(
        body,
        grid=(NPAD // BLK,),
        in_specs=in_specs,
        out_specs=[_blk(dk) for dk in douts],
        out_shape=[jax.ShapeDtypeStruct((NPAD, dk), jnp.float32)
                   for dk in douts],
    )(*flat)


def _tc_final(p, yprev, dinv, b):
    fb = 2000

    def body(p_ref, y_ref, dinv_ref, b_ref, o_ref):
        z = p_ref[0] + p_ref[1] - y_ref[...]
        t = z[:, 0:2] * dinv_ref[...] + b_ref[...]
        m = jnp.max(t, axis=1, keepdims=True)
        e = jnp.exp(t - m)
        o_ref[...] = e / jnp.sum(e, axis=1, keepdims=True)

    return pl.pallas_call(
        body,
        grid=(N // fb,),
        in_specs=[pl.BlockSpec((NC, fb, 16), lambda i: (0, i, 0)),
                  pl.BlockSpec((fb, 16), lambda i: (i, 0)),
                  pl.BlockSpec((fb, 1), lambda i: (i, 0)),
                  pl.BlockSpec((1, 2), lambda i: (0, 0))],
        out_specs=pl.BlockSpec((fb, 2), lambda i: (i, 0)),
        out_shape=jax.ShapeDtypeStruct((N, 2), jnp.float32),
    )(p, yprev, dinv, b)



def kernel(x, edge_index, W1, b1, W2, b2, W3, b3, W4, b4):
    f32 = jnp.float32
    e = edge_index.shape[1]
    epad = -(-e // (NT * C * NBUF)) * (NT * C * NBUF)
    fill = jnp.full((epad - e,), TRASH, jnp.int32)
    src = jnp.concatenate([edge_index[0], fill]).reshape(NT, -1, C)
    dst = jnp.concatenate([edge_index[1], fill]).reshape(NT, -1, C)

    x_p = jnp.pad(x, ((0, NPAD - N), (0, 0)))
    W2p = jnp.pad(W2, ((0, 0), (0, 28)))
    b2p = jnp.pad(b2, (0, 28)).reshape(1, 128)
    W3p = jnp.pad(W3, ((0, 28), (0, 0)))
    W4p = jnp.pad(W4, ((0, 0), (0, 14)))

    zeros16 = jnp.zeros((NPAD, 16), f32)
    ones16 = jnp.ones((C, 16), f32)

    xw1 = _tc_mm(x_p, W1)
    dp = _sc_degree(zeros16, dst, ones16)
    y1a, y1b, dinv = _tc_scale(xw1, dp, (64, 64))

    pa, pb = _sc_scatter([y1a, y1b], src, dst)
    y2a, y2b = _tc_layer([(pa, y1a), (pb, y1b)], dinv,
                         b1.reshape(1, 128), W2p, (64, 64))
    pa, pb = _sc_scatter([y2a, y2b], src, dst)
    y3, = _tc_layer([(pa, y2a), (pb, y2b)], dinv, b2p, W3p, (32,))
    p, = _sc_scatter([y3], src, dst)
    y4, = _tc_layer([(p, y3)], dinv, b3.reshape(1, 32), W4p, (16,))
    p, = _sc_scatter([y4], src, dst)
    return _tc_final(p, y4, dinv, b4.reshape(1, 2))

# --- scband reference (transcript-rebuilt; emitter-appended) ---
"""Pipeline reference for scband-gcn-13683765805592 (READ-ONLY COPY).

The authoritative reference and input builder live on the scoring server;
editing this copy changes nothing except your own understanding.
"""

import jax, jax.numpy as jnp
import numpy as np

N = 10000
E = 320000
D = 128


def setup_inputs(seed: int = 0) -> dict:
    key = jax.random.key(seed)
    ks = jax.random.split(key, 12)
    x = jax.random.normal(ks[0], (N, D), dtype=jnp.float32)
    edge_index = jax.random.randint(ks[1], (2, E), 0, N, dtype=jnp.int32)

    def glorot(k, fan_in, fan_out):
        limit = np.sqrt(6.0 / (fan_in + fan_out))
        return jax.random.uniform(k, (fan_in, fan_out), dtype=jnp.float32, minval=-limit, maxval=limit)

    W1 = glorot(ks[2], D, 128)
    b1 = jnp.zeros((128,), dtype=jnp.float32)
    W2 = glorot(ks[3], 128, 100)
    b2 = jnp.zeros((100,), dtype=jnp.float32)
    W3 = glorot(ks[4], 100, 32)
    b3 = jnp.zeros((32,), dtype=jnp.float32)
    W4 = glorot(ks[5], 32, 2)
    b4 = jnp.zeros((2,), dtype=jnp.float32)
    return {"x": x, "edge_index": edge_index, "W1": W1, "b1": b1, "W2": W2, "b2": b2, "W3": W3, "b3": b3, "W4": W4, "b4": b4}


def _gcn_conv(x, edge_index, W, b):
    n = x.shape[0]
    loop = jnp.arange(n, dtype=edge_index.dtype)
    src = jnp.concatenate([edge_index[0], loop])
    dst = jnp.concatenate([edge_index[1], loop])
    deg = jax.ops.segment_sum(jnp.ones_like(src, dtype=x.dtype), dst, num_segments=n)
    dinv = jax.lax.rsqrt(jnp.maximum(deg, 1e-12))
    norm = dinv[src] * dinv[dst]
    xw = x @ W
    msgs = jnp.take(xw, src, axis=0) * norm[:, None]
    out = jax.ops.segment_sum(msgs, dst, num_segments=n)
    return out + b


def reference(x, edge_index, W1, b1, W2, b2, W3, b3, W4, b4):
    # dropout omitted: inference mode (F.dropout is identity when training=False)
    h = _gcn_conv(x, edge_index, W1, b1)
    h = jax.nn.leaky_relu(h, negative_slope=0.1)
    h = _gcn_conv(h, edge_index, W2, b2)
    h = jax.nn.leaky_relu(h, negative_slope=0.1)
    h = _gcn_conv(h, edge_index, W3, b3)
    h = jax.nn.leaky_relu(h, negative_slope=0.1)
    h = _gcn_conv(h, edge_index, W4, b4)
    return jax.nn.softmax(h, axis=-1)

if __name__ == "__main__":
    import jax
    _d = setup_inputs()
    print(jax.jit(kernel)(*tuple(_d.values())))

</pallas_src>

<mosaic_0001>
#map = affine_map<(d0, d1) -> (0, 0)>
#map1 = affine_map<(d0, d1) -> (0, 0, 0)>
module attributes {stable_mosaic.version = 14 : i64} {
  func.func @k(%arg0: i32, %arg1: i32, %arg2: memref<10240x64xf32, #tpu.memory_space<hbm>>, %arg3: memref<10240x64xf32, #tpu.memory_space<hbm>>, %arg4: memref<32x80x128xi32, #tpu.memory_space<hbm>>, %arg5: memref<32x80x128xi32, #tpu.memory_space<hbm>>, %arg6: memref<2x10240x64xf32, #tpu.memory_space<hbm>>, %arg7: memref<2x10240x64xf32, #tpu.memory_space<hbm>>, %arg8: memref<80x128xi32, #tpu.memory_space<vmem>>, %arg9: memref<80x128xi32, #tpu.memory_space<vmem>>, %arg10: memref<128x64xf32, #tpu.memory_space<vmem>>, %arg11: memref<128x64xf32, #tpu.memory_space<vmem>>, %arg12: memref<10240x64xf32, #tpu.memory_space<vmem_shared>>, %arg13: memref<10240x64xf32, #tpu.memory_space<vmem_shared>>, %arg14: memref<!tpu.dma_semaphore, #tpu.memory_space<semaphore_mem>>, %arg15: memref<!tpu.dma_semaphore, #tpu.memory_space<semaphore_mem>>, %arg16: memref<!tpu.dma_semaphore, #tpu.memory_space<semaphore_mem>>, %arg17: memref<!tpu.dma_semaphore, #tpu.memory_space<semaphore_mem>>) attributes {dimension_semantics = [#tpu.dimension_semantics<core_parallel>, #tpu.dimension_semantics<subcore_parallel>], iteration_bounds = array<i64: 2, 16>, scalar_prefetch = 0 : i64, scratch_operands = 10 : i64, tpu.core_type = #tpu.core_type<sc_vector_subcore>, window_params = [{transform_indices = #map}, {transform_indices = #map}, {transform_indices = #map1}, {transform_indices = #map1}, {transform_indices = #map1}, {transform_indices = #map1}]} {
    %mul3A = arith.constant 16 : i32
    %mul3A_0 = arith.muli %arg0, %mul3A : i32
    %add3A = arith.addi %mul3A_0, %arg1 : i32
    %mul3A_1 = arith.constant 640 : i32
    %mul3A_2 = arith.muli %arg1, %mul3A_1 : i32
    "tpu.region"() ({
      %run_scoped3A = tpu.sem_alloc : memref<!tpu.dma_semaphore, #tpu.memory_space<semaphore_mem>>
      %dma_start3A_125 = arith.constant 0 : i32
      %dma_start3A_126 = arith.constant 0 : i32
      %dma_start3A_127 = tpu.memref_slice %arg4[%add3A, %dma_start3A_125, %dma_start3A_126] : memref<32x80x128xi32, #tpu.memory_space<hbm>> -> memref<1x80x128xi32, #tpu.memory_space<hbm>>
      %dma_start3A_128 = tpu.memref_squeeze %dma_start3A_127 : memref<1x80x128xi32, #tpu.memory_space<hbm>> -> memref<80x128xi32, #tpu.memory_space<hbm>>
      %dma_start3A_129 = arith.constant 0 : i32
      %dma_start3A_130 = arith.constant 0 : i32
      %dma_start3A_131 = tpu.memref_slice %arg4[%add3A, %dma_start3A_129, %dma_start3A_130] : memref<32x80x128xi32, #tpu.memory_space<hbm>> -> memref<1x80x128xi32, #tpu.memory_space<hbm>>
      %dma_start3A_132 = tpu.memref_squeeze %dma_start3A_131 : memref<1x80x128xi32, #tpu.memory_space<hbm>> -> memref<80x128xi32, #tpu.memory_space<hbm>>
      tpu.enqueue_dma source(%dma_start3A_132 : memref<80x128xi32, #tpu.memory_space<hbm>>) target(%arg8 : memref<80x128xi32, #tpu.memory_space<vmem>>) target_semaphore(%run_scoped3A : memref<!tpu.dma_semaphore, #tpu.memory_space<semaphore_mem>>)
      %dma_wait3A_133 = arith.constant 0 : i32
      %dma_wait3A_134 = arith.constant 0 : i32
      %dma_wait3A_135 = tpu.memref_slice %arg4[%add3A, %dma_wait3A_133, %dma_wait3A_134] : memref<32x80x128xi32, #tpu.memory_space<hbm>> -> memref<1x80x128xi32, #tpu.memory_space<hbm>>
      %dma_wait3A_136 = tpu.memref_squeeze %dma_wait3A_135 : memref<1x80x128xi32, #tpu.memory_space<hbm>> -> memref<80x128xi32, #tpu.memory_space<hbm>>
      %dma_wait3A_137 = arith.constant 0 : i32
      %dma_wait3A_138 = arith.constant 0 : i32
      %dma_wait3A_139 = tpu.memref_slice %arg4[%add3A, %dma_wait3A_137, %dma_wait3A_138] : memref<32x80x128xi32, #tpu.memory_space<hbm>> -> memref<1x80x128xi32, #tpu.memory_space<hbm>>
      %dma_wait3A_140 = tpu.memref_squeeze %dma_wait3A_139 : memref<1x80x128xi32, #tpu.memory_space<hbm>> -> memref<80x128xi32, #tpu.memory_space<hbm>>
      tpu.wait_dma2 semaphore(%run_scoped3A : memref<!tpu.dma_semaphore, #tpu.memory_space<semaphore_mem>>) src(%dma_wait3A_140 : memref<80x128xi32, #tpu.memory_space<hbm>>) dst(%arg8 : memref<80x128xi32, #tpu.memory_space<vmem>>)
      tpu.yield
    }) : () -> ()
    "tpu.region"() ({
      %run_scoped3A = tpu.sem_alloc : memref<!tpu.dma_semaphore, #tpu.memory_space<semaphore_mem>>
      %dma_start3A_125 = arith.constant 0 : i32
      %dma_start3A_126 = arith.constant 0 : i32
      %dma_start3A_127 = tpu.memref_slice %arg5[%add3A, %dma_start3A_125, %dma_start3A_126] : memref<32x80x128xi32, #tpu.memory_space<hbm>> -> memref<1x80x128xi32, #tpu.memory_space<hbm>>
      %dma_start3A_128 = tpu.memref_squeeze %dma_start3A_127 : memref<1x80x128xi32, #tpu.memory_space<hbm>> -> memref<80x128xi32, #tpu.memory_space<hbm>>
      %dma_start3A_129 = arith.constant 0 : i32
      %dma_start3A_130 = arith.constant 0 : i32
      %dma_start3A_131 = tpu.memref_slice %arg5[%add3A, %dma_start3A_129, %dma_start3A_130] : memref<32x80x128xi32, #tpu.memory_space<hbm>> -> memref<1x80x128xi32, #tpu.memory_space<hbm>>
      %dma_start3A_132 = tpu.memref_squeeze %dma_start3A_131 : memref<1x80x128xi32, #tpu.memory_space<hbm>> -> memref<80x128xi32, #tpu.memory_space<hbm>>
      tpu.enqueue_dma source(%dma_start3A_132 : memref<80x128xi32, #tpu.memory_space<hbm>>) target(%arg9 : memref<80x128xi32, #tpu.memory_space<vmem>>) target_semaphore(%run_scoped3A : memref<!tpu.dma_semaphore, #tpu.memory_space<semaphore_mem>>)
      %dma_wait3A_133 = arith.constant 0 : i32
      %dma_wait3A_134 = arith.constant 0 : i32
      %dma_wait3A_135 = tpu.memref_slice %arg5[%add3A, %dma_wait3A_133, %dma_wait3A_134] : memref<32x80x128xi32, #tpu.memory_space<hbm>> -> memref<1x80x128xi32, #tpu.memory_space<hbm>>
      %dma_wait3A_136 = tpu.memref_squeeze %dma_wait3A_135 : memref<1x80x128xi32, #tpu.memory_space<hbm>> -> memref<80x128xi32, #tpu.memory_space<hbm>>
      %dma_wait3A_137 = arith.constant 0 : i32
      %dma_wait3A_138 = arith.constant 0 : i32
      %dma_wait3A_139 = tpu.memref_slice %arg5[%add3A, %dma_wait3A_137, %dma_wait3A_138] : memref<32x80x128xi32, #tpu.memory_space<hbm>> -> memref<1x80x128xi32, #tpu.memory_space<hbm>>
      %dma_wait3A_140 = tpu.memref_squeeze %dma_wait3A_139 : memref<1x80x128xi32, #tpu.memory_space<hbm>> -> memref<80x128xi32, #tpu.memory_space<hbm>>
      tpu.wait_dma2 semaphore(%run_scoped3A : memref<!tpu.dma_semaphore, #tpu.memory_space<semaphore_mem>>) src(%dma_wait3A_140 : memref<80x128xi32, #tpu.memory_space<hbm>>) dst(%arg9 : memref<80x128xi32, #tpu.memory_space<vmem>>)
      tpu.yield
    }) : () -> ()
    "tpu.region"() ({
      %run_scoped3A = tpu.sem_alloc : memref<!tpu.dma_semaphore, #tpu.memory_space<semaphore_mem>>
      %dma_start3A_125 = arith.constant 0 : i32
      %dma_start3A_126 = tpu.memref_slice %arg13[%mul3A_2, %dma_start3A_125] : memref<10240x64xf32, #tpu.memory_space<vmem_shared>> -> memref<640x64xf32, #tpu.memory_space<vmem_shared>>
      %dma_start3A_127 = arith.constant 0 : i32
      %dma_start3A_128 = tpu.memref_slice %arg2[%mul3A_2, %dma_start3A_127] : memref<10240x64xf32, #tpu.memory_space<hbm>> -> memref<640x64xf32, #tpu.memory_space<hbm>>
      tpu.enqueue_dma source(%dma_start3A_128 : memref<640x64xf32, #tpu.memory_space<hbm>>) target(%dma_start3A_126 : memref<640x64xf32, #tpu.memory_space<vmem_shared>>) target_semaphore(%run_scoped3A : memref<!tpu.dma_semaphore, #tpu.memory_space<semaphore_mem>>)
      %dma_wait3A_129 = arith.constant 0 : i32
      %dma_wait3A_130 = tpu.memref_slice %arg13[%mul3A_2, %dma_wait3A_129] : memref<10240x64xf32, #tpu.memory_space<vmem_shared>> -> memref<640x64xf32, #tpu.memory_space<vmem_shared>>
      %dma_wait3A_131 = arith.constant 0 : i32
      %dma_wait3A_132 = tpu.memref_slice %arg2[%mul3A_2, %dma_wait3A_131] : memref<10240x64xf32, #tpu.memory_space<hbm>> -> memref<640x64xf32, #tpu.memory_space<hbm>>
      tpu.wait_dma2 semaphore(%run_scoped3A : memref<!tpu.dma_semaphore, #tpu.memory_space<semaphore_mem>>) src(%dma_wait3A_132 : memref<640x64xf32, #tpu.memory_space<hbm>>) dst(%dma_wait3A_130 : memref<640x64xf32, #tpu.memory_space<vmem_shared>>)
      tpu.yield
    }) : () -> ()
    "tpu.region"() ({
      %run_scoped3A = tpu.sem_alloc : memref<!tpu.dma_semaphore, #tpu.memory_space<semaphore_mem>>
      %dma_start3A_125 = arith.constant 0 : i32
      %dma_start3A_126 = tpu.memref_slice %arg12[%mul3A_2, %dma_start3A_125] : memref<10240x64xf32, #tpu.memory_space<vmem_shared>> -> memref<640x64xf32, #tpu.memory_space<vmem_shared>>
      %dma_start3A_127 = arith.constant 0 : i32
      %dma_start3A_128 = tpu.memref_slice %arg2[%mul3A_2, %dma_start3A_127] : memref<10240x64xf32, #tpu.memory_space<hbm>> -> memref<640x64xf32, #tpu.memory_space<hbm>>
      tpu.enqueue_dma source(%dma_start3A_128 : memref<640x64xf32, #tpu.memory_space<hbm>>) target(%dma_start3A_126 : memref<640x64xf32, #tpu.memory_space<vmem_shared>>) target_semaphore(%run_scoped3A : memref<!tpu.dma_semaphore, #tpu.memory_space<semaphore_mem>>)
      %dma_wait3A_129 = arith.constant 0 : i32
      %dma_wait3A_130 = tpu.memref_slice %arg12[%mul3A_2, %dma_wait3A_129] : memref<10240x64xf32, #tpu.memory_space<vmem_shared>> -> memref<640x64xf32, #tpu.memory_space<vmem_shared>>
      %dma_wait3A_131 = arith.constant 0 : i32
      %dma_wait3A_132 = tpu.memref_slice %arg2[%mul3A_2, %dma_wait3A_131] : memref<10240x64xf32, #tpu.memory_space<hbm>> -> memref<640x64xf32, #tpu.memory_space<hbm>>
      tpu.wait_dma2 semaphore(%run_scoped3A : memref<!tpu.dma_semaphore, #tpu.memory_space<semaphore_mem>>) src(%dma_wait3A_132 : memref<640x64xf32, #tpu.memory_space<hbm>>) dst(%dma_wait3A_130 : memref<640x64xf32, #tpu.memory_space<vmem_shared>>)
      tpu.yield
    }) : () -> ()
    %barrier3A = arith.constant 0 : index
    tpu.barrier barrier_id(%barrier3A)
    %dma_start3A = arith.constant 0 : i32
    %dma_start3A_3 = arith.constant 0 : i32
    %dma_start3A_4 = tpu.memref_slice %arg8[%dma_start3A, %dma_start3A_3] : memref<80x128xi32, #tpu.memory_space<vmem>> -> memref<1x128xi32, #tpu.memory_space<vmem>>
    %dma_start3A_5 = tpu.memref_squeeze %dma_start3A_4 : memref<1x128xi32, #tpu.memory_space<vmem>> -> memref<128xi32, #tpu.memory_space<vmem>>
    %dma_start3A_6 = arith.constant 0 : i32
    %dma_start3A_7 = arith.constant 0 : i32
    %dma_start3A_8 = tpu.memref_slice %arg12[%dma_start3A_6, %dma_start3A_7] : memref<10240x64xf32, #tpu.memory_space<vmem_shared>> -> memref<10240x64xf32, #tpu.memory_space<vmem_shared>>
    tpu.enqueue_indirect_dma source(%dma_start3A_8 : memref<10240x64xf32, #tpu.memory_space<vmem_shared>>) target(%arg10 : memref<128x64xf32, #tpu.memory_space<vmem>>) offsets(%dma_start3A_5 : memref<128xi32, #tpu.memory_space<vmem>>) semaphore(%arg14 : memref<!tpu.dma_semaphore, #tpu.memory_space<semaphore_mem>>)
    %dma_start3A_9 = arith.constant 1 : i32
    %dma_start3A_10 = arith.constant 0 : i32
    %dma_start3A_11 = tpu.memref_slice %arg8[%dma_start3A_9, %dma_start3A_10] : memref<80x128xi32, #tpu.memory_space<vmem>> -> memref<1x128xi32, #tpu.memory_space<vmem>>
    %dma_start3A_12 = tpu.memref_squeeze %dma_start3A_11 : memref<1x128xi32, #tpu.memory_space<vmem>> -> memref<128xi32, #tpu.memory_space<vmem>>
    %dma_start3A_13 = arith.constant 0 : i32
    %dma_start3A_14 = arith.constant 0 : i32
    %dma_start3A_15 = tpu.memref_slice %arg12[%dma_start3A_13, %dma_start3A_14] : memref<10240x64xf32, #tpu.memory_space<vmem_shared>> -> memref<10240x64xf32, #tpu.memory_space<vmem_shared>>
    tpu.enqueue_indirect_dma source(%dma_start3A_15 : memref<10240x64xf32, #tpu.memory_space<vmem_shared>>) target(%arg11 : memref<128x64xf32, #tpu.memory_space<vmem>>) offsets(%dma_start3A_12 : memref<128xi32, #tpu.memory_space<vmem>>) semaphore(%arg15 : memref<!tpu.dma_semaphore, #tpu.memory_space<semaphore_mem>>)
    %scan3A = arith.constant 0 : i32
    %scan3A_16 = arith.constant 39 : i32
    %scan3A_17 = arith.addi %scan3A, %scan3A_16 : i32
    %scan3A_18 = arith.constant 1 : i32
    scf.for %scan3A_125 = %scan3A to %scan3A_17 step %scan3A_18  : i32 {
      %mul3A_126 = arith.constant 2 : i32
      %mul3A_127 = arith.muli %scan3A_125, %mul3A_126 : i32
      %add3A_128 = arith.constant 2 : i32
      %add3A_129 = arith.addi %add3A_128, %mul3A_127 : i32
      %sub3A = arith.constant 2 : i32
      %sub3A_130 = arith.subi %add3A_129, %sub3A : i32
      %add3A_131 = arith.constant 0 : i32
      %add3A_132 = arith.addi %sub3A_130, %add3A_131 : i32
      %dma_wait3A_133 = arith.constant 0 : i32
      %dma_wait3A_134 = tpu.memref_slice %arg8[%add3A_132, %dma_wait3A_133] : memref<80x128xi32, #tpu.memory_space<vmem>> -> memref<1x128xi32, #tpu.memory_space<vmem>>
      %dma_wait3A_135 = tpu.memref_squeeze %dma_wait3A_134 : memref<1x128xi32, #tpu.memory_space<vmem>> -> memref<128xi32, #tpu.memory_space<vmem>>
      %dma_wait3A_136 = arith.constant 0 : i32
      %dma_wait3A_137 = arith.constant 0 : i32
      %dma_wait3A_138 = tpu.memref_slice %arg12[%dma_wait3A_136, %dma_wait3A_137] : memref<10240x64xf32, #tpu.memory_space<vmem_shared>> -> memref<10240x64xf32, #tpu.memory_space<vmem_shared>>
      tpu.wait_indirect_dma semaphore(%arg14 : memref<!tpu.dma_semaphore, #tpu.memory_space<semaphore_mem>>) src(%dma_wait3A_138 : memref<10240x64xf32, #tpu.memory_space<vmem_shared>>) dst(%arg10 : memref<128x64xf32, #tpu.memory_space<vmem>>)
      %sub3A_139 = arith.constant 2 : i32
      %sub3A_140 = arith.subi %add3A_129, %sub3A_139 : i32
      %add3A_141 = arith.constant 0 : i32
      %add3A_142 = arith.addi %sub3A_140, %add3A_141 : i32
      %dma_start3A_143 = arith.constant 0 : i32
      %dma_start3A_144 = tpu.memref_slice %arg9[%add3A_142, %dma_start3A_143] : memref<80x128xi32, #tpu.memory_space<vmem>> -> memref<1x128xi32, #tpu.memory_space<vmem>>
      %dma_start3A_145 = tpu.memref_squeeze %dma_start3A_144 : memref<1x128xi32, #tpu.memory_space<vmem>> -> memref<128xi32, #tpu.memory_space<vmem>>
      %dma_start3A_146 = arith.constant 0 : i32
      %dma_start3A_147 = arith.constant 0 : i32
      %dma_start3A_148 = tpu.memref_slice %arg13[%dma_start3A_146, %dma_start3A_147] : memref<10240x64xf32, #tpu.memory_space<vmem_shared>> -> memref<10240x64xf32, #tpu.memory_space<vmem_shared>>
      tpu.enqueue_indirect_dma source(%arg10 : memref<128x64xf32, #tpu.memory_space<vmem>>) target(%dma_start3A_148 : memref<10240x64xf32, #tpu.memory_space<vmem_shared>>) offsets(%dma_start3A_145 : memref<128xi32, #tpu.memory_space<vmem>>) semaphore(%arg16 : memref<!tpu.dma_semaphore, #tpu.memory_space<semaphore_mem>>) {add = true}
      %sub3A_149 = arith.constant 2 : i32
      %sub3A_150 = arith.subi %add3A_129, %sub3A_149 : i32
      %add3A_151 = arith.constant 1 : i32
      %add3A_152 = arith.addi %sub3A_150, %add3A_151 : i32
      %dma_wait3A_153 = arith.constant 0 : i32
      %dma_wait3A_154 = tpu.memref_slice %arg8[%add3A_152, %dma_wait3A_153] : memref<80x128xi32, #tpu.memory_space<vmem>> -> memref<1x128xi32, #tpu.memory_space<vmem>>
      %dma_wait3A_155 = tpu.memref_squeeze %dma_wait3A_154 : memref<1x128xi32, #tpu.memory_space<vmem>> -> memref<128xi32, #tpu.memory_space<vmem>>
      %dma_wait3A_156 = arith.constant 0 : i32
      %dma_wait3A_157 = arith.constant 0 : i32
      %dma_wait3A_158 = tpu.memref_slice %arg12[%dma_wait3A_156, %dma_wait3A_157] : memref<10240x64xf32, #tpu.memory_space<vmem_shared>> -> memref<10240x64xf32, #tpu.memory_space<vmem_shared>>
      tpu.wait_indirect_dma semaphore(%arg15 : memref<!tpu.dma_semaphore, #tpu.memory_space<semaphore_mem>>) src(%dma_wait3A_158 : memref<10240x64xf32, #tpu.memory_space<vmem_shared>>) dst(%arg11 : memref<128x64xf32, #tpu.memory_space<vmem>>)
      %sub3A_159 = arith.constant 2 : i32
      %sub3A_160 = arith.subi %add3A_129, %sub3A_159 : i32
      %add3A_161 = arith.constant 1 : i32
      %add3A_162 = arith.addi %sub3A_160, %add3A_161 : i32
      %dma_start3A_163 = arith.constant 0 : i32
      %dma_start3A_164 = tpu.memref_slice %arg9[%add3A_162, %dma_start3A_163] : memref<80x128xi32, #tpu.memory_space<vmem>> -> memref<1x128xi32, #tpu.memory_space<vmem>>
      %dma_start3A_165 = tpu.memref_squeeze %dma_start3A_164 : memref<1x128xi32, #tpu.memory_space<vmem>> -> memref<128xi32, #tpu.memory_space<vmem>>
      %dma_start3A_166 = arith.constant 0 : i32
      %dma_start3A_167 = arith.constant 0 : i32
      %dma_start3A_168 = tpu.memref_slice %arg13[%dma_start3A_166, %dma_start3A_167] : memref<10240x64xf32, #tpu.memory_space<vmem_shared>> -> memref<10240x64xf32, #tpu.memory_space<vmem_shared>>
      tpu.enqueue_indirect_dma source(%arg11 : memref<128x64xf32, #tpu.memory_space<vmem>>) target(%dma_start3A_168 : memref<10240x64xf32, #tpu.memory_space<vmem_shared>>) offsets(%dma_start3A_165 : memref<128xi32, #tpu.memory_space<vmem>>) semaphore(%arg17 : memref<!tpu.dma_semaphore, #tpu.memory_space<semaphore_mem>>) {add = true}
      %sub3A_169 = arith.constant 2 : i32
      %sub3A_170 = arith.subi %add3A_129, %sub3A_169 : i32
      %add3A_171 = arith.constant 0 : i32
      %add3A_172 = arith.addi %sub3A_170, %add3A_171 : i32
      %dma_wait3A_173 = arith.constant 0 : i32
      %dma_wait3A_174 = tpu.memref_slice %arg9[%add3A_172, %dma_wait3A_173] : memref<80x128xi32, #tpu.memory_space<vmem>> -> memref<1x128xi32, #tpu.memory_space<vmem>>
      %dma_wait3A_175 = tpu.memref_squeeze %dma_wait3A_174 : memref<1x128xi32, #tpu.memory_space<vmem>> -> memref<128xi32, #tpu.memory_space<vmem>>
      %dma_wait3A_176 = arith.constant 0 : i32
      %dma_wait3A_177 = arith.constant 0 : i32
      %dma_wait3A_178 = tpu.memref_slice %arg13[%dma_wait3A_176, %dma_wait3A_177] : memref<10240x64xf32, #tpu.memory_space<vmem_shared>> -> memref<10240x64xf32, #tpu.memory_space<vmem_shared>>
      tpu.wait_indirect_dma semaphore(%arg16 : memref<!tpu.dma_semaphore, #tpu.memory_space<semaphore_mem>>) src(%arg10 : memref<128x64xf32, #tpu.memory_space<vmem>>) dst(%dma_wait3A_178 : memref<10240x64xf32, #tpu.memory_space<vmem_shared>>)
      %add3A_179 = arith.constant 0 : i32
      %add3A_180 = arith.addi %add3A_129, %add3A_179 : i32
      %dma_start3A_181 = arith.constant 0 : i32
      %dma_start3A_182 = tpu.memref_slice %arg8[%add3A_180, %dma_start3A_181] : memref<80x128xi32, #tpu.memory_space<vmem>> -> memref<1x128xi32, #tpu.memory_space<vmem>>
      %dma_start3A_183 = tpu.memref_squeeze %dma_start3A_182 : memref<1x128xi32, #tpu.memory_space<vmem>> -> memref<128xi32, #tpu.memory_space<vmem>>
      %dma_start3A_184 = arith.constant 0 : i32
      %dma_start3A_185 = arith.constant 0 : i32
      %dma_start3A_186 = tpu.memref_slice %arg12[%dma_start3A_184, %dma_start3A_185] : memref<10240x64xf32, #tpu.memory_space<vmem_shared>> -> memref<10240x64xf32, #tpu.memory_space<vmem_shared>>
      tpu.enqueue_indirect_dma source(%dma_start3A_186 : memref<10240x64xf32, #tpu.memory_space<vmem_shared>>) target(%arg10 : memref<128x64xf32, #tpu.memory_space<vmem>>) offsets(%dma_start3A_183 : memref<128xi32, #tpu.memory_space<vmem>>) semaphore(%arg14 : memref<!tpu.dma_semaphore, #tpu.memory_space<semaphore_mem>>)
      %sub3A_187 = arith.constant 2 : i32
      %sub3A_188 = arith.subi %add3A_129, %sub3A_187 : i32
      %add3A_189 = arith.constant 1 : i32
      %add3A_190 = arith.addi %sub3A_188, %add3A_189 : i32
      %dma_wait3A_191 = arith.constant 0 : i32
      %dma_wait3A_192 = tpu.memref_slice %arg9[%add3A_190, %dma_wait3A_191] : memref<80x128xi32, #tpu.memory_space<vmem>> -> memref<1x128xi32, #tpu.memory_space<vmem>>
      %dma_wait3A_193 = tpu.memref_squeeze %dma_wait3A_192 : memref<1x128xi32, #tpu.memory_space<vmem>> -> memref<128xi32, #tpu.memory_space<vmem>>
      %dma_wait3A_194 = arith.constant 0 : i32
      %dma_wait3A_195 = arith.constant 0 : i32
      %dma_wait3A_196 = tpu.memref_slice %arg13[%dma_wait3A_194, %dma_wait3A_195] : memref<10240x64xf32, #tpu.memory_space<vmem_shared>> -> memref<10240x64xf32, #tpu.memory_space<vmem_shared>>
      tpu.wait_indirect_dma semaphore(%arg17 : memref<!tpu.dma_semaphore, #tpu.memory_space<semaphore_mem>>) src(%arg11 : memref<128x64xf32, #tpu.memory_space<vmem>>) dst(%dma_wait3A_196 : memref<10240x64xf32, #tpu.memory_space<vmem_shared>>)
      %add3A_197 = arith.constant 1 : i32
      %add3A_198 = arith.addi %add3A_129, %add3A_197 : i32
      %dma_start3A_199 = arith.constant 0 : i32
      %dma_start3A_200 = tpu.memref_slice %arg8[%add3A_198, %dma_start3A_199] : memref<80x128xi32, #tpu.memory_space<vmem>> -> memref<1x128xi32, #tpu.memory_space<vmem>>
      %dma_start3A_201 = tpu.memref_squeeze %dma_start3A_200 : memref<1x128xi32, #tpu.memory_space<vmem>> -> memref<128xi32, #tpu.memory_space<vmem>>
      %dma_start3A_202 = arith.constant 0 : i32
      %dma_start3A_203 = arith.constant 0 : i32
      %dma_start3A_204 = tpu.memref_slice %arg12[%dma_start3A_202, %dma_start3A_203] : memref<10240x64xf32, #tpu.memory_space<vmem_shared>> -> memref<10240x64xf32, #tpu.memory_space<vmem_shared>>
      tpu.enqueue_indirect_dma source(%dma_start3A_204 : memref<10240x64xf32, #tpu.memory_space<vmem_shared>>) target(%arg11 : memref<128x64xf32, #tpu.memory_space<vmem>>) offsets(%dma_start3A_201 : memref<128xi32, #tpu.memory_space<vmem>>) semaphore(%arg15 : memref<!tpu.dma_semaphore, #tpu.memory_space<semaphore_mem>>)
    }
    %scan3A_19 = arith.constant 39 : i32
    %dma_wait3A = arith.constant 78 : i32
    %dma_wait3A_20 = arith.constant 0 : i32
    %dma_wait3A_21 = tpu.memref_slice %arg8[%dma_wait3A, %dma_wait3A_20] : memref<80x128xi32, #tpu.memory_space<vmem>> -> memref<1x128xi32, #tpu.memory_space<vmem>>
    %dma_wait3A_22 = tpu.memref_squeeze %dma_wait3A_21 : memref<1x128xi32, #tpu.memory_space<vmem>> -> memref<128xi32, #tpu.memory_space<vmem>>
    %dma_wait3A_23 = arith.constant 0 : i32
    %dma_wait3A_24 = arith.constant 0 : i32
    %dma_wait3A_25 = tpu.memref_slice %arg12[%dma_wait3A_23, %dma_wait3A_24] : memref<10240x64xf32, #tpu.memory_space<vmem_shared>> -> memref<10240x64xf32, #tpu.memory_space<vmem_shared>>
    tpu.wait_indirect_dma semaphore(%arg14 : memref<!tpu.dma_semaphore, #tpu.memory_space<semaphore_mem>>) src(%dma_wait3A_25 : memref<10240x64xf32, #tpu.memory_space<vmem_shared>>) dst(%arg10 : memref<128x64xf32, #tpu.memory_space<vmem>>)
    %dma_start3A_26 = arith.constant 78 : i32
    %dma_start3A_27 = arith.constant 0 : i32
    %dma_start3A_28 = tpu.memref_slice %arg9[%dma_start3A_26, %dma_start3A_27] : memref<80x128xi32, #tpu.memory_space<vmem>> -> memref<1x128xi32, #tpu.memory_space<vmem>>
    %dma_start3A_29 = tpu.memref_squeeze %dma_start3A_28 : memref<1x128xi32, #tpu.memory_space<vmem>> -> memref<128xi32, #tpu.memory_space<vmem>>
    %dma_start3A_30 = arith.constant 0 : i32
    %dma_start3A_31 = arith.constant 0 : i32
    %dma_start3A_32 = tpu.memref_slice %arg13[%dma_start3A_30, %dma_start3A_31] : memref<10240x64xf32, #tpu.memory_space<vmem_shared>> -> memref<10240x64xf32, #tpu.memory_space<vmem_shared>>
    tpu.enqueue_indirect_dma source(%arg10 : memref<128x64xf32, #tpu.memory_space<vmem>>) target(%dma_start3A_32 : memref<10240x64xf32, #tpu.memory_space<vmem_shared>>) offsets(%dma_start3A_29 : memref<128xi32, #tpu.memory_space<vmem>>) semaphore(%arg16 : memref<!tpu.dma_semaphore, #tpu.memory_space<semaphore_mem>>) {add = true}
    %dma_wait3A_33 = arith.constant 79 : i32
    %dma_wait3A_34 = arith.constant 0 : i32
    %dma_wait3A_35 = tpu.memref_slice %arg8[%dma_wait3A_33, %dma_wait3A_34] : memref<80x128xi32, #tpu.memory_space<vmem>> -> memref<1x128xi32, #tpu.memory_space<vmem>>
    %dma_wait3A_36 = tpu.memref_squeeze %dma_wait3A_35 : memref<1x128xi32, #tpu.memory_space<vmem>> -> memref<128xi32, #tpu.memory_space<vmem>>
    %dma_wait3A_37 = arith.constant 0 : i32
    %dma_wait3A_38 = arith.constant 0 : i32
    %dma_wait3A_39 = tpu.memref_slice %arg12[%dma_wait3A_37, %dma_wait3A_38] : memref<10240x64xf32, #tpu.memory_space<vmem_shared>> -> memref<10240x64xf32, #tpu.memory_space<vmem_shared>>
    tpu.wait_indirect_dma semaphore(%arg15 : memref<!tpu.dma_semaphore, #tpu.memory_space<semaphore_mem>>) src(%dma_wait3A_39 : memref<10240x64xf32, #tpu.memory_space<vmem_shared>>) dst(%arg11 : memref<128x64xf32, #tpu.memory_space<vmem>>)
    %dma_start3A_40 = arith.constant 79 : i32
    %dma_start3A_41 = arith.constant 0 : i32
    %dma_start3A_42 = tpu.memref_slice %arg9[%dma_start3A_40, %dma_start3A_41] : memref<80x128xi32, #tpu.memory_space<vmem>> -> memref<1x128xi32, #tpu.memory_space<vmem>>
    %dma_start3A_43 = tpu.memref_squeeze %dma_start3A_42 : memref<1x128xi32, #tpu.memory_space<vmem>> -> memref<128xi32, #tpu.memory_space<vmem>>
    %dma_start3A_44 = arith.constant 0 : i32
    %dma_start3A_45 = arith.constant 0 : i32
    %dma_start3A_46 = tpu.memref_slice %arg13[%dma_start3A_44, %dma_start3A_45] : memref<10240x64xf32, #tpu.memory_space<vmem_shared>> -> memref<10240x64xf32, #tpu.memory_space<vmem_shared>>
    tpu.enqueue_indirect_dma source(%arg11 : memref<128x64xf32, #tpu.memory_space<vmem>>) target(%dma_start3A_46 : memref<10240x64xf32, #tpu.memory_space<vmem_shared>>) offsets(%dma_start3A_43 : memref<128xi32, #tpu.memory_space<vmem>>) semaphore(%arg17 : memref<!tpu.dma_semaphore, #tpu.memory_space<semaphore_mem>>) {add = true}
    %dma_wait3A_47 = arith.constant 78 : i32
    %dma_wait3A_48 = arith.constant 0 : i32
    %dma_wait3A_49 = tpu.memref_slice %arg9[%dma_wait3A_47, %dma_wait3A_48] : memref<80x128xi32, #tpu.memory_space<vmem>> -> memref<1x128xi32, #tpu.memory_space<vmem>>
    %dma_wait3A_50 = tpu.memref_squeeze %dma_wait3A_49 : memref<1x128xi32, #tpu.memory_space<vmem>> -> memref<128xi32, #tpu.memory_space<vmem>>
    %dma_wait3A_51 = arith.constant 0 : i32
    %dma_wait3A_52 = arith.constant 0 : i32
    %dma_wait3A_53 = tpu.memref_slice %arg13[%dma_wait3A_51, %dma_wait3A_52] : memref<10240x64xf32, #tpu.memory_space<vmem_shared>> -> memref<10240x64xf32, #tpu.memory_space<vmem_shared>>
    tpu.wait_indirect_dma semaphore(%arg16 : memref<!tpu.dma_semaphore, #tpu.memory_space<semaphore_mem>>) src(%arg10 : memref<128x64xf32, #tpu.memory_space<vmem>>) dst(%dma_wait3A_53 : memref<10240x64xf32, #tpu.memory_space<vmem_shared>>)
    %dma_wait3A_54 = arith.constant 79 : i32
    %dma_wait3A_55 = arith.constant 0 : i32
    %dma_wait3A_56 = tpu.memref_slice %arg9[%dma_wait3A_54, %dma_wait3A_55] : memref<80x128xi32, #tpu.memory_space<vmem>> -> memref<1x128xi32, #tpu.memory_space<vmem>>
    %dma_wait3A_57 = tpu.memref_squeeze %dma_wait3A_56 : memref<1x128xi32, #tpu.memory_space<vmem>> -> memref<128xi32, #tpu.memory_space<vmem>>
    %dma_wait3A_58 = arith.constant 0 : i32
    %dma_wait3A_59 = arith.constant 0 : i32
    %dma_wait3A_60 = tpu.memref_slice %arg13[%dma_wait3A_58, %dma_wait3A_59] : memref<10240x64xf32, #tpu.memory_space<vmem_shared>> -> memref<10240x64xf32, #tpu.memory_space<vmem_shared>>
    tpu.wait_indirect_dma semaphore(%arg17 : memref<!tpu.dma_semaphore, #tpu.memory_space<semaphore_mem>>) src(%arg11 : memref<128x64xf32, #tpu.memory_space<vmem>>) dst(%dma_wait3A_60 : memref<10240x64xf32, #tpu.memory_space<vmem_shared>>)
    %barrier3A_61 = arith.constant 0 : index
    tpu.barrier barrier_id(%barrier3A_61)
    "tpu.region"() ({
      %run_scoped3A = tpu.sem_alloc : memref<!tpu.dma_semaphore, #tpu.memory_space<semaphore_mem>>
      %dma_start3A_125 = arith.constant 0 : i32
      %dma_start3A_126 = arith.constant 0 : i32
      %dma_start3A_127 = tpu.memref_slice %arg6[%arg0, %dma_start3A_125, %dma_start3A_126] : memref<2x10240x64xf32, #tpu.memory_space<hbm>> -> memref<1x10240x64xf32, #tpu.memory_space<hbm>>
      %dma_start3A_128 = tpu.memref_squeeze %dma_start3A_127 : memref<1x10240x64xf32, #tpu.memory_space<hbm>> -> memref<10240x64xf32, #tpu.memory_space<hbm>>
      %dma_start3A_129 = arith.constant 0 : i32
      %dma_start3A_130 = tpu.memref_slice %dma_start3A_128[%mul3A_2, %dma_start3A_129] : memref<10240x64xf32, #tpu.memory_space<hbm>> -> memref<640x64xf32, #tpu.memory_space<hbm>>
      %dma_start3A_131 = arith.constant 0 : i32
      %dma_start3A_132 = tpu.memref_slice %arg13[%mul3A_2, %dma_start3A_131] : memref<10240x64xf32, #tpu.memory_space<vmem_shared>> -> memref<640x64xf32, #tpu.memory_space<vmem_shared>>
      tpu.enqueue_dma source(%dma_start3A_132 : memref<640x64xf32, #tpu.memory_space<vmem_shared>>) target(%dma_start3A_130 : memref<640x64xf32, #tpu.memory_space<hbm>>) target_semaphore(%run_scoped3A : memref<!tpu.dma_semaphore, #tpu.memory_space<semaphore_mem>>)
      %dma_wait3A_133 = arith.constant 0 : i32
      %dma_wait3A_134 = arith.constant 0 : i32
      %dma_wait3A_135 = tpu.memref_slice %arg6[%arg0, %dma_wait3A_133, %dma_wait3A_134] : memref<2x10240x64xf32, #tpu.memory_space<hbm>> -> memref<1x10240x64xf32, #tpu.memory_space<hbm>>
      %dma_wait3A_136 = tpu.memref_squeeze %dma_wait3A_135 : memref<1x10240x64xf32, #tpu.memory_space<hbm>> -> memref<10240x64xf32, #tpu.memory_space<hbm>>
      %dma_wait3A_137 = arith.constant 0 : i32
      %dma_wait3A_138 = tpu.memref_slice %dma_wait3A_136[%mul3A_2, %dma_wait3A_137] : memref<10240x64xf32, #tpu.memory_space<hbm>> -> memref<640x64xf32, #tpu.memory_space<hbm>>
      %dma_wait3A_139 = arith.constant 0 : i32
      %dma_wait3A_140 = tpu.memref_slice %arg13[%mul3A_2, %dma_wait3A_139] : memref<10240x64xf32, #tpu.memory_space<vmem_shared>> -> memref<640x64xf32, #tpu.memory_space<vmem_shared>>
      tpu.wait_dma2 semaphore(%run_scoped3A : memref<!tpu.dma_semaphore, #tpu.memory_space<semaphore_mem>>) src(%dma_wait3A_140 : memref<640x64xf32, #tpu.memory_space<vmem_shared>>) dst(%dma_wait3A_138 : memref<640x64xf32, #tpu.memory_space<hbm>>)
      tpu.yield
    }) : () -> ()
    "tpu.region"() ({
      %run_scoped3A = tpu.sem_alloc : memref<!tpu.dma_semaphore, #tpu.memory_space<semaphore_mem>>
      %dma_start3A_125 = arith.constant 0 : i32
      %dma_start3A_126 = tpu.memref_slice %arg13[%mul3A_2, %dma_start3A_125] : memref<10240x64xf32, #tpu.memory_space<vmem_shared>> -> memref<640x64xf32, #tpu.memory_space<vmem_shared>>
      %dma_start3A_127 = arith.constant 0 : i32
      %dma_start3A_128 = tpu.memref_slice %arg3[%mul3A_2, %dma_start3A_127] : memref<10240x64xf32, #tpu.memory_space<hbm>> -> memref<640x64xf32, #tpu.memory_space<hbm>>
      tpu.enqueue_dma source(%dma_start3A_128 : memref<640x64xf32, #tpu.memory_space<hbm>>) target(%dma_start3A_126 : memref<640x64xf32, #tpu.memory_space<vmem_shared>>) target_semaphore(%run_scoped3A : memref<!tpu.dma_semaphore, #tpu.memory_space<semaphore_mem>>)
      %dma_wait3A_129 = arith.constant 0 : i32
      %dma_wait3A_130 = tpu.memref_slice %arg13[%mul3A_2, %dma_wait3A_129] : memref<10240x64xf32, #tpu.memory_space<vmem_shared>> -> memref<640x64xf32, #tpu.memory_space<vmem_shared>>
      %dma_wait3A_131 = arith.constant 0 : i32
      %dma_wait3A_132 = tpu.memref_slice %arg3[%mul3A_2, %dma_wait3A_131] : memref<10240x64xf32, #tpu.memory_space<hbm>> -> memref<640x64xf32, #tpu.memory_space<hbm>>
      tpu.wait_dma2 semaphore(%run_scoped3A : memref<!tpu.dma_semaphore, #tpu.memory_space<semaphore_mem>>) src(%dma_wait3A_132 : memref<640x64xf32, #tpu.memory_space<hbm>>) dst(%dma_wait3A_130 : memref<640x64xf32, #tpu.memory_space<vmem_shared>>)
      tpu.yield
    }) : () -> ()
    "tpu.region"() ({
      %run_scoped3A = tpu.sem_alloc : memref<!tpu.dma_semaphore, #tpu.memory_space<semaphore_mem>>
      %dma_start3A_125 = arith.constant 0 : i32
      %dma_start3A_126 = tpu.memref_slice %arg12[%mul3A_2, %dma_start3A_125] : memref<10240x64xf32, #tpu.memory_space<vmem_shared>> -> memref<640x64xf32, #tpu.memory_space<vmem_shared>>
      %dma_start3A_127 = arith.constant 0 : i32
      %dma_start3A_128 = tpu.memref_slice %arg3[%mul3A_2, %dma_start3A_127] : memref<10240x64xf32, #tpu.memory_space<hbm>> -> memref<640x64xf32, #tpu.memory_space<hbm>>
      tpu.enqueue_dma source(%dma_start3A_128 : memref<640x64xf32, #tpu.memory_space<hbm>>) target(%dma_start3A_126 : memref<640x64xf32, #tpu.memory_space<vmem_shared>>) target_semaphore(%run_scoped3A : memref<!tpu.dma_semaphore, #tpu.memory_space<semaphore_mem>>)
      %dma_wait3A_129 = arith.constant 0 : i32
      %dma_wait3A_130 = tpu.memref_slice %arg12[%mul3A_2, %dma_wait3A_129] : memref<10240x64xf32, #tpu.memory_space<vmem_shared>> -> memref<640x64xf32, #tpu.memory_space<vmem_shared>>
      %dma_wait3A_131 = arith.constant 0 : i32
      %dma_wait3A_132 = tpu.memref_slice %arg3[%mul3A_2, %dma_wait3A_131] : memref<10240x64xf32, #tpu.memory_space<hbm>> -> memref<640x64xf32, #tpu.memory_space<hbm>>
      tpu.wait_dma2 semaphore(%run_scoped3A : memref<!tpu.dma_semaphore, #tpu.memory_space<semaphore_mem>>) src(%dma_wait3A_132 : memref<640x64xf32, #tpu.memory_space<hbm>>) dst(%dma_wait3A_130 : memref<640x64xf32, #tpu.memory_space<vmem_shared>>)
      tpu.yield
    }) : () -> ()
    %barrier3A_62 = arith.constant 0 : index
    tpu.barrier barrier_id(%barrier3A_62)
    %dma_start3A_63 = arith.constant 0 : i32
    %dma_start3A_64 = arith.constant 0 : i32
    %dma_start3A_65 = tpu.memref_slice %arg8[%dma_start3A_63, %dma_start3A_64] : memref<80x128xi32, #tpu.memory_space<vmem>> -> memref<1x128xi32, #tpu.memory_space<vmem>>
    %dma_start3A_66 = tpu.memref_squeeze %dma_start3A_65 : memref<1x128xi32, #tpu.memory_space<vmem>> -> memref<128xi32, #tpu.memory_space<vmem>>
    %dma_start3A_67 = arith.constant 0 : i32
    %dma_start3A_68 = arith.constant 0 : i32
    %dma_start3A_69 = tpu.memref_slice %arg12[%dma_start3A_67, %dma_start3A_68] : memref<10240x64xf32, #tpu.memory_space<vmem_shared>> -> memref<10240x64xf32, #tpu.memory_space<vmem_shared>>
    tpu.enqueue_indirect_dma source(%dma_start3A_69 : memref<10240x64xf32, #tpu.memory_space<vmem_shared>>) target(%arg10 : memref<128x64xf32, #tpu.memory_space<vmem>>) offsets(%dma_start3A_66 : memref<128xi32, #tpu.memory_space<vmem>>) semaphore(%arg14 : memref<!tpu.dma_semaphore, #tpu.memory_space<semaphore_mem>>)
    %dma_start3A_70 = arith.constant 1 : i32
    %dma_start3A_71 = arith.constant 0 : i32
    %dma_start3A_72 = tpu.memref_slice %arg8[%dma_start3A_70, %dma_start3A_71] : memref<80x128xi32, #tpu.memory_space<vmem>> -> memref<1x128xi32, #tpu.memory_space<vmem>>
    %dma_start3A_73 = tpu.memref_squeeze %dma_start3A_72 : memref<1x128xi32, #tpu.memory_space<vmem>> -> memref<128xi32, #tpu.memory_space<vmem>>
    %dma_start3A_74 = arith.constant 0 : i32
    %dma_start3A_75 = arith.constant 0 : i32
    %dma_start3A_76 = tpu.memref_slice %arg12[%dma_start3A_74, %dma_start3A_75] : memref<10240x64xf32, #tpu.memory_space<vmem_shared>> -> memref<10240x64xf32, #tpu.memory_space<vmem_shared>>
    tpu.enqueue_indirect_dma source(%dma_start3A_76 : memref<10240x64xf32, #tpu.memory_space<vmem_shared>>) target(%arg11 : memref<128x64xf32, #tpu.memory_space<vmem>>) offsets(%dma_start3A_73 : memref<128xi32, #tpu.memory_space<vmem>>) semaphore(%arg15 : memref<!tpu.dma_semaphore, #tpu.memory_space<semaphore_mem>>)
    %scan3A_77 = arith.constant 0 : i32
    %scan3A_78 = arith.constant 39 : i32
    %scan3A_79 = arith.addi %scan3A_77, %scan3A_78 : i32
    %scan3A_80 = arith.constant 1 : i32
    scf.for %scan3A_125 = %scan3A_77 to %scan3A_79 step %scan3A_80  : i32 {
      %mul3A_126 = arith.constant 2 : i32
      %mul3A_127 = arith.muli %scan3A_125, %mul3A_126 : i32
      %add3A_128 = arith.constant 2 : i32
      %add3A_129 = arith.addi %add3A_128, %mul3A_127 : i32
      %sub3A = arith.constant 2 : i32
      %sub3A_130 = arith.subi %add3A_129, %sub3A : i32
      %add3A_131 = arith.constant 0 : i32
      %add3A_132 = arith.addi %sub3A_130, %add3A_131 : i32
      %dma_wait3A_133 = arith.constant 0 : i32
      %dma_wait3A_134 = tpu.memref_slice %arg8[%add3A_132, %dma_wait3A_133] : memref<80x128xi32, #tpu.memory_space<vmem>> -> memref<1x128xi32, #tpu.memory_space<vmem>>
      %dma_wait3A_135 = tpu.memref_squeeze %dma_wait3A_134 : memref<1x128xi32, #tpu.memory_space<vmem>> -> memref<128xi32, #tpu.memory_space<vmem>>
      %dma_wait3A_136 = arith.constant 0 : i32
      %dma_wait3A_137 = arith.constant 0 : i32
      %dma_wait3A_138 = tpu.memref_slice %arg12[%dma_wait3A_136, %dma_wait3A_137] : memref<10240x64xf32, #tpu.memory_space<vmem_shared>> -> memref<10240x64xf32, #tpu.memory_space<vmem_shared>>
      tpu.wait_indirect_dma semaphore(%arg14 : memref<!tpu.dma_semaphore, #tpu.memory_space<semaphore_mem>>) src(%dma_wait3A_138 : memref<10240x64xf32, #tpu.memory_space<vmem_shared>>) dst(%arg10 : memref<128x64xf32, #tpu.memory_space<vmem>>)
      %sub3A_139 = arith.constant 2 : i32
      %sub3A_140 = arith.subi %add3A_129, %sub3A_139 : i32
      %add3A_141 = arith.constant 0 : i32
      %add3A_142 = arith.addi %sub3A_140, %add3A_141 : i32
      %dma_start3A_143 = arith.constant 0 : i32
      %dma_start3A_144 = tpu.memref_slice %arg9[%add3A_142, %dma_start3A_143] : memref<80x128xi32, #tpu.memory_space<vmem>> -> memref<1x128xi32, #tpu.memory_space<vmem>>
      %dma_start3A_145 = tpu.memref_squeeze %dma_start3A_144 : memref<1x128xi32, #tpu.memory_space<vmem>> -> memref<128xi32, #tpu.memory_space<vmem>>
      %dma_start3A_146 = arith.constant 0 : i32
      %dma_start3A_147 = arith.constant 0 : i32
      %dma_start3A_148 = tpu.memref_slice %arg13[%dma_start3A_146, %dma_start3A_147] : memref<10240x64xf32, #tpu.memory_space<vmem_shared>> -> memref<10240x64xf32, #tpu.memory_space<vmem_shared>>
      tpu.enqueue_indirect_dma source(%arg10 : memref<128x64xf32, #tpu.memory_space<vmem>>) target(%dma_start3A_148 : memref<10240x64xf32, #tpu.memory_space<vmem_shared>>) offsets(%dma_start3A_145 : memref<128xi32, #tpu.memory_space<vmem>>) semaphore(%arg16 : memref<!tpu.dma_semaphore, #tpu.memory_space<semaphore_mem>>) {add = true}
      %sub3A_149 = arith.constant 2 : i32
      %sub3A_150 = arith.subi %add3A_129, %sub3A_149 : i32
      %add3A_151 = arith.constant 1 : i32
      %add3A_152 = arith.addi %sub3A_150, %add3A_151 : i32
      %dma_wait3A_153 = arith.constant 0 : i32
      %dma_wait3A_154 = tpu.memref_slice %arg8[%add3A_152, %dma_wait3A_153] : memref<80x128xi32, #tpu.memory_space<vmem>> -> memref<1x128xi32, #tpu.memory_space<vmem>>
      %dma_wait3A_155 = tpu.memref_squeeze %dma_wait3A_154 : memref<1x128xi32, #tpu.memory_space<vmem>> -> memref<128xi32, #tpu.memory_space<vmem>>
      %dma_wait3A_156 = arith.constant 0 : i32
      %dma_wait3A_157 = arith.constant 0 : i32
      %dma_wait3A_158 = tpu.memref_slice %arg12[%dma_wait3A_156, %dma_wait3A_157] : memref<10240x64xf32, #tpu.memory_space<vmem_shared>> -> memref<10240x64xf32, #tpu.memory_space<vmem_shared>>
      tpu.wait_indirect_dma semaphore(%arg15 : memref<!tpu.dma_semaphore, #tpu.memory_space<semaphore_mem>>) src(%dma_wait3A_158 : memref<10240x64xf32, #tpu.memory_space<vmem_shared>>) dst(%arg11 : memref<128x64xf32, #tpu.memory_space<vmem>>)
      %sub3A_159 = arith.constant 2 : i32
      %sub3A_160 = arith.subi %add3A_129, %sub3A_159 : i32
      %add3A_161 = arith.constant 1 : i32
      %add3A_162 = arith.addi %sub3A_160, %add3A_161 : i32
      %dma_start3A_163 = arith.constant 0 : i32
      %dma_start3A_164 = tpu.memref_slice %arg9[%add3A_162, %dma_start3A_163] : memref<80x128xi32, #tpu.memory_space<vmem>> -> memref<1x128xi32, #tpu.memory_space<vmem>>
      %dma_start3A_165 = tpu.memref_squeeze %dma_start3A_164 : memref<1x128xi32, #tpu.memory_space<vmem>> -> memref<128xi32, #tpu.memory_space<vmem>>
      %dma_start3A_166 = arith.constant 0 : i32
      %dma_start3A_167 = arith.constant 0 : i32
      %dma_start3A_168 = tpu.memref_slice %arg13[%dma_start3A_166, %dma_start3A_167] : memref<10240x64xf32, #tpu.memory_space<vmem_shared>> -> memref<10240x64xf32, #tpu.memory_space<vmem_shared>>
      tpu.enqueue_indirect_dma source(%arg11 : memref<128x64xf32, #tpu.memory_space<vmem>>) target(%dma_start3A_168 : memref<10240x64xf32, #tpu.memory_space<vmem_shared>>) offsets(%dma_start3A_165 : memref<128xi32, #tpu.memory_space<vmem>>) semaphore(%arg17 : memref<!tpu.dma_semaphore, #tpu.memory_space<semaphore_mem>>) {add = true}
      %sub3A_169 = arith.constant 2 : i32
      %sub3A_170 = arith.subi %add3A_129, %sub3A_169 : i32
      %add3A_171 = arith.constant 0 : i32
      %add3A_172 = arith.addi %sub3A_170, %add3A_171 : i32
      %dma_wait3A_173 = arith.constant 0 : i32
      %dma_wait3A_174 = tpu.memref_slice %arg9[%add3A_172, %dma_wait3A_173] : memref<80x128xi32, #tpu.memory_space<vmem>> -> memref<1x128xi32, #tpu.memory_space<vmem>>
      %dma_wait3A_175 = tpu.memref_squeeze %dma_wait3A_174 : memref<1x128xi32, #tpu.memory_space<vmem>> -> memref<128xi32, #tpu.memory_space<vmem>>
      %dma_wait3A_176 = arith.constant 0 : i32
      %dma_wait3A_177 = arith.constant 0 : i32
      %dma_wait3A_178 = tpu.memref_slice %arg13[%dma_wait3A_176, %dma_wait3A_177] : memref<10240x64xf32, #tpu.memory_space<vmem_shared>> -> memref<10240x64xf32, #tpu.memory_space<vmem_shared>>
      tpu.wait_indirect_dma semaphore(%arg16 : memref<!tpu.dma_semaphore, #tpu.memory_space<semaphore_mem>>) src(%arg10 : memref<128x64xf32, #tpu.memory_space<vmem>>) dst(%dma_wait3A_178 : memref<10240x64xf32, #tpu.memory_space<vmem_shared>>)
      %add3A_179 = arith.constant 0 : i32
      %add3A_180 = arith.addi %add3A_129, %add3A_179 : i32
      %dma_start3A_181 = arith.constant 0 : i32
      %dma_start3A_182 = tpu.memref_slice %arg8[%add3A_180, %dma_start3A_181] : memref<80x128xi32, #tpu.memory_space<vmem>> -> memref<1x128xi32, #tpu.memory_space<vmem>>
      %dma_start3A_183 = tpu.memref_squeeze %dma_start3A_182 : memref<1x128xi32, #tpu.memory_space<vmem>> -> memref<128xi32, #tpu.memory_space<vmem>>
      %dma_start3A_184 = arith.constant 0 : i32
      %dma_start3A_185 = arith.constant 0 : i32
      %dma_start3A_186 = tpu.memref_slice %arg12[%dma_start3A_184, %dma_start3A_185] : memref<10240x64xf32, #tpu.memory_space<vmem_shared>> -> memref<10240x64xf32, #tpu.memory_space<vmem_shared>>
      tpu.enqueue_indirect_dma source(%dma_start3A_186 : memref<10240x64xf32, #tpu.memory_space<vmem_shared>>) target(%arg10 : memref<128x64xf32, #tpu.memory_space<vmem>>) offsets(%dma_start3A_183 : memref<128xi32, #tpu.memory_space<vmem>>) semaphore(%arg14 : memref<!tpu.dma_semaphore, #tpu.memory_space<semaphore_mem>>)
      %sub3A_187 = arith.constant 2 : i32
      %sub3A_188 = arith.subi %add3A_129, %sub3A_187 : i32
      %add3A_189 = arith.constant 1 : i32
      %add3A_190 = arith.addi %sub3A_188, %add3A_189 : i32
      %dma_wait3A_191 = arith.constant 0 : i32
      %dma_wait3A_192 = tpu.memref_slice %arg9[%add3A_190, %dma_wait3A_191] : memref<80x128xi32, #tpu.memory_space<vmem>> -> memref<1x128xi32, #tpu.memory_space<vmem>>
      %dma_wait3A_193 = tpu.memref_squeeze %dma_wait3A_192 : memref<1x128xi32, #tpu.memory_space<vmem>> -> memref<128xi32, #tpu.memory_space<vmem>>
      %dma_wait3A_194 = arith.constant 0 : i32
      %dma_wait3A_195 = arith.constant 0 : i32
      %dma_wait3A_196 = tpu.memref_slice %arg13[%dma_wait3A_194, %dma_wait3A_195] : memref<10240x64xf32, #tpu.memory_space<vmem_shared>> -> memref<10240x64xf32, #tpu.memory_space<vmem_shared>>
      tpu.wait_indirect_dma semaphore(%arg17 : memref<!tpu.dma_semaphore, #tpu.memory_space<semaphore_mem>>) src(%arg11 : memref<128x64xf32, #tpu.memory_space<vmem>>) dst(%dma_wait3A_196 : memref<10240x64xf32, #tpu.memory_space<vmem_shared>>)
      %add3A_197 = arith.constant 1 : i32
      %add3A_198 = arith.addi %add3A_129, %add3A_197 : i32
      %dma_start3A_199 = arith.constant 0 : i32
      %dma_start3A_200 = tpu.memref_slice %arg8[%add3A_198, %dma_start3A_199] : memref<80x128xi32, #tpu.memory_space<vmem>> -> memref<1x128xi32, #tpu.memory_space<vmem>>
      %dma_start3A_201 = tpu.memref_squeeze %dma_start3A_200 : memref<1x128xi32, #tpu.memory_space<vmem>> -> memref<128xi32, #tpu.memory_space<vmem>>
      %dma_start3A_202 = arith.constant 0 : i32
      %dma_start3A_203 = arith.constant 0 : i32
      %dma_start3A_204 = tpu.memref_slice %arg12[%dma_start3A_202, %dma_start3A_203] : memref<10240x64xf32, #tpu.memory_space<vmem_shared>> -> memref<10240x64xf32, #tpu.memory_space<vmem_shared>>
      tpu.enqueue_indirect_dma source(%dma_start3A_204 : memref<10240x64xf32, #tpu.memory_space<vmem_shared>>) target(%arg11 : memref<128x64xf32, #tpu.memory_space<vmem>>) offsets(%dma_start3A_201 : memref<128xi32, #tpu.memory_space<vmem>>) semaphore(%arg15 : memref<!tpu.dma_semaphore, #tpu.memory_space<semaphore_mem>>)
    }
    %scan3A_81 = arith.constant 39 : i32
    %dma_wait3A_82 = arith.constant 78 : i32
    %dma_wait3A_83 = arith.constant 0 : i32
    %dma_wait3A_84 = tpu.memref_slice %arg8[%dma_wait3A_82, %dma_wait3A_83] : memref<80x128xi32, #tpu.memory_space<vmem>> -> memref<1x128xi32, #tpu.memory_space<vmem>>
    %dma_wait3A_85 = tpu.memref_squeeze %dma_wait3A_84 : memref<1x128xi32, #tpu.memory_space<vmem>> -> memref<128xi32, #tpu.memory_space<vmem>>
    %dma_wait3A_86 = arith.constant 0 : i32
    %dma_wait3A_87 = arith.constant 0 : i32
    %dma_wait3A_88 = tpu.memref_slice %arg12[%dma_wait3A_86, %dma_wait3A_87] : memref<10240x64xf32, #tpu.memory_space<vmem_shared>> -> memref<10240x64xf32, #tpu.memory_space<vmem_shared>>
    tpu.wait_indirect_dma semaphore(%arg14 : memref<!tpu.dma_semaphore, #tpu.memory_space<semaphore_mem>>) src(%dma_wait3A_88 : memref<10240x64xf32, #tpu.memory_space<vmem_shared>>) dst(%arg10 : memref<128x64xf32, #tpu.memory_space<vmem>>)
    %dma_start3A_89 = arith.constant 78 : i32
    %dma_start3A_90 = arith.constant 0 : i32
    %dma_start3A_91 = tpu.memref_slice %arg9[%dma_start3A_89, %dma_start3A_90] : memref<80x128xi32, #tpu.memory_space<vmem>> -> memref<1x128xi32, #tpu.memory_space<vmem>>
    %dma_start3A_92 = tpu.memref_squeeze %dma_start3A_91 : memref<1x128xi32, #tpu.memory_space<vmem>> -> memref<128xi32, #tpu.memory_space<vmem>>
    %dma_start3A_93 = arith.constant 0 : i32
    %dma_start3A_94 = arith.constant 0 : i32
    %dma_start3A_95 = tpu.memref_slice %arg13[%dma_start3A_93, %dma_start3A_94] : memref<10240x64xf32, #tpu.memory_space<vmem_shared>> -> memref<10240x64xf32, #tpu.memory_space<vmem_shared>>
    tpu.enqueue_indirect_dma source(%arg10 : memref<128x64xf32, #tpu.memory_space<vmem>>) target(%dma_start3A_95 : memref<10240x64xf32, #tpu.memory_space<vmem_shared>>) offsets(%dma_start3A_92 : memref<128xi32, #tpu.memory_space<vmem>>) semaphore(%arg16 : memref<!tpu.dma_semaphore, #tpu.memory_space<semaphore_mem>>) {add = true}
    %dma_wait3A_96 = arith.constant 79 : i32
    %dma_wait3A_97 = arith.constant 0 : i32
    %dma_wait3A_98 = tpu.memref_slice %arg8[%dma_wait3A_96, %dma_wait3A_97] : memref<80x128xi32, #tpu.memory_space<vmem>> -> memref<1x128xi32, #tpu.memory_space<vmem>>
    %dma_wait3A_99 = tpu.memref_squeeze %dma_wait3A_98 : memref<1x128xi32, #tpu.memory_space<vmem>> -> memref<128xi32, #tpu.memory_space<vmem>>
    %dma_wait3A_100 = arith.constant 0 : i32
    %dma_wait3A_101 = arith.constant 0 : i32
    %dma_wait3A_102 = tpu.memref_slice %arg12[%dma_wait3A_100, %dma_wait3A_101] : memref<10240x64xf32, #tpu.memory_space<vmem_shared>> -> memref<10240x64xf32, #tpu.memory_space<vmem_shared>>
    tpu.wait_indirect_dma semaphore(%arg15 : memref<!tpu.dma_semaphore, #tpu.memory_space<semaphore_mem>>) src(%dma_wait3A_102 : memref<10240x64xf32, #tpu.memory_space<vmem_shared>>) dst(%arg11 : memref<128x64xf32, #tpu.memory_space<vmem>>)
    %dma_start3A_103 = arith.constant 79 : i32
    %dma_start3A_104 = arith.constant 0 : i32
    %dma_start3A_105 = tpu.memref_slice %arg9[%dma_start3A_103, %dma_start3A_104] : memref<80x128xi32, #tpu.memory_space<vmem>> -> memref<1x128xi32, #tpu.memory_space<vmem>>
    %dma_start3A_106 = tpu.memref_squeeze %dma_start3A_105 : memref<1x128xi32, #tpu.memory_space<vmem>> -> memref<128xi32, #tpu.memory_space<vmem>>
    %dma_start3A_107 = arith.constant 0 : i32
    %dma_start3A_108 = arith.constant 0 : i32
    %dma_start3A_109 = tpu.memref_slice %arg13[%dma_start3A_107, %dma_start3A_108] : memref<10240x64xf32, #tpu.memory_space<vmem_shared>> -> memref<10240x64xf32, #tpu.memory_space<vmem_shared>>
    tpu.enqueue_indirect_dma source(%arg11 : memref<128x64xf32, #tpu.memory_space<vmem>>) target(%dma_start3A_109 : memref<10240x64xf32, #tpu.memory_space<vmem_shared>>) offsets(%dma_start3A_106 : memref<128xi32, #tpu.memory_space<vmem>>) semaphore(%arg17 : memref<!tpu.dma_semaphore, #tpu.memory_space<semaphore_mem>>) {add = true}
    %dma_wait3A_110 = arith.constant 78 : i32
    %dma_wait3A_111 = arith.constant 0 : i32
    %dma_wait3A_112 = tpu.memref_slice %arg9[%dma_wait3A_110, %dma_wait3A_111] : memref<80x128xi32, #tpu.memory_space<vmem>> -> memref<1x128xi32, #tpu.memory_space<vmem>>
    %dma_wait3A_113 = tpu.memref_squeeze %dma_wait3A_112 : memref<1x128xi32, #tpu.memory_space<vmem>> -> memref<128xi32, #tpu.memory_space<vmem>>
    %dma_wait3A_114 = arith.constant 0 : i32
    %dma_wait3A_115 = arith.constant 0 : i32
    %dma_wait3A_116 = tpu.memref_slice %arg13[%dma_wait3A_114, %dma_wait3A_115] : memref<10240x64xf32, #tpu.memory_space<vmem_shared>> -> memref<10240x64xf32, #tpu.memory_space<vmem_shared>>
    tpu.wait_indirect_dma semaphore(%arg16 : memref<!tpu.dma_semaphore, #tpu.memory_space<semaphore_mem>>) src(%arg10 : memref<128x64xf32, #tpu.memory_space<vmem>>) dst(%dma_wait3A_116 : memref<10240x64xf32, #tpu.memory_space<vmem_shared>>)
    %dma_wait3A_117 = arith.constant 79 : i32
    %dma_wait3A_118 = arith.constant 0 : i32
    %dma_wait3A_119 = tpu.memref_slice %arg9[%dma_wait3A_117, %dma_wait3A_118] : memref<80x128xi32, #tpu.memory_space<vmem>> -> memref<1x128xi32, #tpu.memory_space<vmem>>
    %dma_wait3A_120 = tpu.memref_squeeze %dma_wait3A_119 : memref<1x128xi32, #tpu.memory_space<vmem>> -> memref<128xi32, #tpu.memory_space<vmem>>
    %dma_wait3A_121 = arith.constant 0 : i32
    %dma_wait3A_122 = arith.constant 0 : i32
    %dma_wait3A_123 = tpu.memref_slice %arg13[%dma_wait3A_121, %dma_wait3A_122] : memref<10240x64xf32, #tpu.memory_space<vmem_shared>> -> memref<10240x64xf32, #tpu.memory_space<vmem_shared>>
    tpu.wait_indirect_dma semaphore(%arg17 : memref<!tpu.dma_semaphore, #tpu.memory_space<semaphore_mem>>) src(%arg11 : memref<128x64xf32, #tpu.memory_space<vmem>>) dst(%dma_wait3A_123 : memref<10240x64xf32, #tpu.memory_space<vmem_shared>>)
    %barrier3A_124 = arith.constant 0 : index
    tpu.barrier barrier_id(%barrier3A_124)
    "tpu.region"() ({
      %run_scoped3A = tpu.sem_alloc : memref<!tpu.dma_semaphore, #tpu.memory_space<semaphore_mem>>
      %dma_start3A_125 = arith.constant 0 : i32
      %dma_start3A_126 = arith.constant 0 : i32
      %dma_start3A_127 = tpu.memref_slice %arg7[%arg0, %dma_start3A_125, %dma_start3A_126] : memref<2x10240x64xf32, #tpu.memory_space<hbm>> -> memref<1x10240x64xf32, #tpu.memory_space<hbm>>
      %dma_start3A_128 = tpu.memref_squeeze %dma_start3A_127 : memref<1x10240x64xf32, #tpu.memory_space<hbm>> -> memref<10240x64xf32, #tpu.memory_space<hbm>>
      %dma_start3A_129 = arith.constant 0 : i32
      %dma_start3A_130 = tpu.memref_slice %dma_start3A_128[%mul3A_2, %dma_start3A_129] : memref<10240x64xf32, #tpu.memory_space<hbm>> -> memref<640x64xf32, #tpu.memory_space<hbm>>
      %dma_start3A_131 = arith.constant 0 : i32
      %dma_start3A_132 = tpu.memref_slice %arg13[%mul3A_2, %dma_start3A_131] : memref<10240x64xf32, #tpu.memory_space<vmem_shared>> -> memref<640x64xf32, #tpu.memory_space<vmem_shared>>
      tpu.enqueue_dma source(%dma_start3A_132 : memref<640x64xf32, #tpu.memory_space<vmem_shared>>) target(%dma_start3A_130 : memref<640x64xf32, #tpu.memory_space<hbm>>) target_semaphore(%run_scoped3A : memref<!tpu.dma_semaphore, #tpu.memory_space<semaphore_mem>>)
      %dma_wait3A_133 = arith.constant 0 : i32
      %dma_wait3A_134 = arith.constant 0 : i32
      %dma_wait3A_135 = tpu.memref_slice %arg7[%arg0, %dma_wait3A_133, %dma_wait3A_134] : memref<2x10240x64xf32, #tpu.memory_space<hbm>> -> memref<1x10240x64xf32, #tpu.memory_space<hbm>>
      %dma_wait3A_136 = tpu.memref_squeeze %dma_wait3A_135 : memref<1x10240x64xf32, #tpu.memory_space<hbm>> -> memref<10240x64xf32, #tpu.memory_space<hbm>>
      %dma_wait3A_137 = arith.constant 0 : i32
      %dma_wait3A_138 = tpu.memref_slice %dma_wait3A_136[%mul3A_2, %dma_wait3A_137] : memref<10240x64xf32, #tpu.memory_space<hbm>> -> memref<640x64xf32, #tpu.memory_space<hbm>>
      %dma_wait3A_139 = arith.constant 0 : i32
      %dma_wait3A_140 = tpu.memref_slice %arg13[%mul3A_2, %dma_wait3A_139] : memref<10240x64xf32, #tpu.memory_space<vmem_shared>> -> memref<640x64xf32, #tpu.memory_space<vmem_shared>>
      tpu.wait_dma2 semaphore(%run_scoped3A : memref<!tpu.dma_semaphore, #tpu.memory_space<semaphore_mem>>) src(%dma_wait3A_140 : memref<640x64xf32, #tpu.memory_space<vmem_shared>>) dst(%dma_wait3A_138 : memref<640x64xf32, #tpu.memory_space<hbm>>)
      tpu.yield
    }) : () -> ()
    return
  }
}

#map = affine_map<(d0, d1) -> (0, 0)>
#map1 = affine_map<(d0, d1) -> (0, 0, 0)>
module attributes {stable_mosaic.version = 14 : i64} {
  func.func @k(%arg0: i32, %arg1: i32, %arg2: memref<10240x16xf32, #tpu.memory_space<hbm>>, %arg3: memref<32x80x128xi32, #tpu.memory_space<hbm>>, %arg4: memref<128x16xf32, #tpu.memory_space<hbm>>, %arg5: memref<2x10240x16xf32, #tpu.memory_space<hbm>>, %arg6: memref<80x128xi32, #tpu.memory_space<vmem>>, %arg7: memref<128x16xf32, #tpu.memory_space<vmem>>, %arg8: memref<10240x16xf32, #tpu.memory_space<vmem_shared>>, %arg9: memref<!tpu.dma_semaphore, #tpu.memory_space<semaphore_mem>>, %arg10: memref<!tpu.dma_semaphore, #tpu.memory_space<semaphore_mem>>, %arg11: memref<!tpu.dma_semaphore, #tpu.memory_space<semaphore_mem>>, %arg12: memref<!tpu.dma_semaphore, #tpu.memory_space<semaphore_mem>>) attributes {dimension_semantics = [#tpu.dimension_semantics<core_parallel>, #tpu.dimension_semantics<subcore_parallel>], iteration_bounds = array<i64: 2, 16>, scalar_prefetch = 0 : i64, scratch_operands = 7 : i64, tpu.core_type = #tpu.core_type<sc_vector_subcore>, window_params = [{transform_indices = #map}, {transform_indices = #map1}, {transform_indices = #map}, {transform_indices = #map1}]} {
    %mul3A = arith.constant 16 : i32
    %mul3A_0 = arith.muli %arg0, %mul3A : i32
    %add3A = arith.addi %mul3A_0, %arg1 : i32
    %mul3A_1 = arith.constant 640 : i32
    %mul3A_2 = arith.muli %arg1, %mul3A_1 : i32
    "tpu.region"() ({
      %run_scoped3A = tpu.sem_alloc : memref<!tpu.dma_semaphore, #tpu.memory_space<semaphore_mem>>
      %dma_start3A_62 = arith.constant 0 : i32
      %dma_start3A_63 = arith.constant 0 : i32
      %dma_start3A_64 = tpu.memref_slice %arg3[%add3A, %dma_start3A_62, %dma_start3A_63] : memref<32x80x128xi32, #tpu.memory_space<hbm>> -> memref<1x80x128xi32, #tpu.memory_space<hbm>>
      %dma_start3A_65 = tpu.memref_squeeze %dma_start3A_64 : memref<1x80x128xi32, #tpu.memory_space<hbm>> -> memref<80x128xi32, #tpu.memory_space<hbm>>
      %dma_start3A_66 = arith.constant 0 : i32
      %dma_start3A_67 = arith.constant 0 : i32
      %dma_start3A_68 = tpu.memref_slice %arg3[%add3A, %dma_start3A_66, %dma_start3A_67] : memref<32x80x128xi32, #tpu.memory_space<hbm>> -> memref<1x80x128xi32, #tpu.memory_space<hbm>>
      %dma_start3A_69 = tpu.memref_squeeze %dma_start3A_68 : memref<1x80x128xi32, #tpu.memory_space<hbm>> -> memref<80x128xi32, #tpu.memory_space<hbm>>
      tpu.enqueue_dma source(%dma_start3A_69 : memref<80x128xi32, #tpu.memory_space<hbm>>) target(%arg6 : memref<80x128xi32, #tpu.memory_space<vmem>>) target_semaphore(%run_scoped3A : memref<!tpu.dma_semaphore, #tpu.memory_space<semaphore_mem>>)
      %dma_wait3A_70 = arith.constant 0 : i32
      %dma_wait3A_71 = arith.constant 0 : i32
      %dma_wait3A_72 = tpu.memref_slice %arg3[%add3A, %dma_wait3A_70, %dma_wait3A_71] : memref<32x80x128xi32, #tpu.memory_space<hbm>> -> memref<1x80x128xi32, #tpu.memory_space<hbm>>
      %dma_wait3A_73 = tpu.memref_squeeze %dma_wait3A_72 : memref<1x80x128xi32, #tpu.memory_space<hbm>> -> memref<80x128xi32, #tpu.memory_space<hbm>>
      %dma_wait3A_74 = arith.constant 0 : i32
      %dma_wait3A_75 = arith.constant 0 : i32
      %dma_wait3A_76 = tpu.memref_slice %arg3[%add3A, %dma_wait3A_74, %dma_wait3A_75] : memref<32x80x128xi32, #tpu.memory_space<hbm>> -> memref<1x80x128xi32, #tpu.memory_space<hbm>>
      %dma_wait3A_77 = tpu.memref_squeeze %dma_wait3A_76 : memref<1x80x128xi32, #tpu.memory_space<hbm>> -> memref<80x128xi32, #tpu.memory_space<hbm>>
      tpu.wait_dma2 semaphore(%run_scoped3A : memref<!tpu.dma_semaphore, #tpu.memory_space<semaphore_mem>>) src(%dma_wait3A_77 : memref<80x128xi32, #tpu.memory_space<hbm>>) dst(%arg6 : memref<80x128xi32, #tpu.memory_space<vmem>>)
      tpu.yield
    }) : () -> ()
    "tpu.region"() ({
      %run_scoped3A = tpu.sem_alloc : memref<!tpu.dma_semaphore, #tpu.memory_space<semaphore_mem>>
      %dma_start3A_62 = arith.constant 0 : i32
      %dma_start3A_63 = tpu.memref_slice %arg8[%mul3A_2, %dma_start3A_62] : memref<10240x16xf32, #tpu.memory_space<vmem_shared>> -> memref<640x16xf32, #tpu.memory_space<vmem_shared>>
      %dma_start3A_64 = arith.constant 0 : i32
      %dma_start3A_65 = tpu.memref_slice %arg2[%mul3A_2, %dma_start3A_64] : memref<10240x16xf32, #tpu.memory_space<hbm>> -> memref<640x16xf32, #tpu.memory_space<hbm>>
      tpu.enqueue_dma source(%dma_start3A_65 : memref<640x16xf32, #tpu.memory_space<hbm>>) target(%dma_start3A_63 : memref<640x16xf32, #tpu.memory_space<vmem_shared>>) target_semaphore(%run_scoped3A : memref<!tpu.dma_semaphore, #tpu.memory_space<semaphore_mem>>)
      %dma_wait3A_66 = arith.constant 0 : i32
      %dma_wait3A_67 = tpu.memref_slice %arg8[%mul3A_2, %dma_wait3A_66] : memref<10240x16xf32, #tpu.memory_space<vmem_shared>> -> memref<640x16xf32, #tpu.memory_space<vmem_shared>>
      %dma_wait3A_68 = arith.constant 0 : i32
      %dma_wait3A_69 = tpu.memref_slice %arg2[%mul3A_2, %dma_wait3A_68] : memref<10240x16xf32, #tpu.memory_space<hbm>> -> memref<640x16xf32, #tpu.memory_space<hbm>>
      tpu.wait_dma2 semaphore(%run_scoped3A : memref<!tpu.dma_semaphore, #tpu.memory_space<semaphore_mem>>) src(%dma_wait3A_69 : memref<640x16xf32, #tpu.memory_space<hbm>>) dst(%dma_wait3A_67 : memref<640x16xf32, #tpu.memory_space<vmem_shared>>)
      tpu.yield
    }) : () -> ()
    "tpu.region"() ({
      %run_scoped3A = tpu.sem_alloc : memref<!tpu.dma_semaphore, #tpu.memory_space<semaphore_mem>>
      tpu.enqueue_dma source(%arg4 : memref<128x16xf32, #tpu.memory_space<hbm>>) target(%arg7 : memref<128x16xf32, #tpu.memory_space<vmem>>) target_semaphore(%run_scoped3A : memref<!tpu.dma_semaphore, #tpu.memory_space<semaphore_mem>>)
      tpu.wait_dma2 semaphore(%run_scoped3A : memref<!tpu.dma_semaphore, #tpu.memory_space<semaphore_mem>>) src(%arg4 : memref<128x16xf32, #tpu.memory_space<hbm>>) dst(%arg7 : memref<128x16xf32, #tpu.memory_space<vmem>>)
      tpu.yield
    }) : () -> ()
    %barrier3A = arith.constant 0 : index
    tpu.barrier barrier_id(%barrier3A)
    %dma_start3A = arith.constant 0 : i32
    %dma_start3A_3 = arith.constant 0 : i32
    %dma_start3A_4 = tpu.memref_slice %arg6[%dma_start3A, %dma_start3A_3] : memref<80x128xi32, #tpu.memory_space<vmem>> -> memref<1x128xi32, #tpu.memory_space<vmem>>
    %dma_start3A_5 = tpu.memref_squeeze %dma_start3A_4 : memref<1x128xi32, #tpu.memory_space<vmem>> -> memref<128xi32, #tpu.memory_space<vmem>>
    %dma_start3A_6 = arith.constant 0 : i32
    %dma_start3A_7 = arith.constant 0 : i32
    %dma_start3A_8 = tpu.memref_slice %arg8[%dma_start3A_6, %dma_start3A_7] : memref<10240x16xf32, #tpu.memory_space<vmem_shared>> -> memref<10240x16xf32, #tpu.memory_space<vmem_shared>>
    tpu.enqueue_indirect_dma source(%arg7 : memref<128x16xf32, #tpu.memory_space<vmem>>) target(%dma_start3A_8 : memref<10240x16xf32, #tpu.memory_space<vmem_shared>>) offsets(%dma_start3A_5 : memref<128xi32, #tpu.memory_space<vmem>>) semaphore(%arg9 : memref<!tpu.dma_semaphore, #tpu.memory_space<semaphore_mem>>) {add = true}
    %dma_start3A_9 = arith.constant 1 : i32
    %dma_start3A_10 = arith.constant 0 : i32
    %dma_start3A_11 = tpu.memref_slice %arg6[%dma_start3A_9, %dma_start3A_10] : memref<80x128xi32, #tpu.memory_space<vmem>> -> memref<1x128xi32, #tpu.memory_space<vmem>>
    %dma_start3A_12 = tpu.memref_squeeze %dma_start3A_11 : memref<1x128xi32, #tpu.memory_space<vmem>> -> memref<128xi32, #tpu.memory_space<vmem>>
    %dma_start3A_13 = arith.constant 0 : i32
    %dma_start3A_14 = arith.constant 0 : i32
    %dma_start3A_15 = tpu.memref_slice %arg8[%dma_start3A_13, %dma_start3A_14] : memref<10240x16xf32, #tpu.memory_space<vmem_shared>> -> memref<10240x16xf32, #tpu.memory_space<vmem_shared>>
    tpu.enqueue_indirect_dma source(%arg7 : memref<128x16xf32, #tpu.memory_space<vmem>>) target(%dma_start3A_15 : memref<10240x16xf32, #tpu.memory_space<vmem_shared>>) offsets(%dma_start3A_12 : memref<128xi32, #tpu.memory_space<vmem>>) semaphore(%arg10 : memref<!tpu.dma_semaphore, #tpu.memory_space<semaphore_mem>>) {add = true}
    %dma_start3A_16 = arith.constant 2 : i32
    %dma_start3A_17 = arith.constant 0 : i32
    %dma_start3A_18 = tpu.memref_slice %arg6[%dma_start3A_16, %dma_start3A_17] : memref<80x128xi32, #tpu.memory_space<vmem>> -> memref<1x128xi32, #tpu.memory_space<vmem>>
    %dma_start3A_19 = tpu.memref_squeeze %dma_start3A_18 : memref<1x128xi32, #tpu.memory_space<vmem>> -> memref<128xi32, #tpu.memory_space<vmem>>
    %dma_start3A_20 = arith.constant 0 : i32
    %dma_start3A_21 = arith.constant 0 : i32
    %dma_start3A_22 = tpu.memref_slice %arg8[%dma_start3A_20, %dma_start3A_21] : memref<10240x16xf32, #tpu.memory_space<vmem_shared>> -> memref<10240x16xf32, #tpu.memory_space<vmem_shared>>
    tpu.enqueue_indirect_dma source(%arg7 : memref<128x16xf32, #tpu.memory_space<vmem>>) target(%dma_start3A_22 : memref<10240x16xf32, #tpu.memory_space<vmem_shared>>) offsets(%dma_start3A_19 : memref<128xi32, #tpu.memory_space<vmem>>) semaphore(%arg11 : memref<!tpu.dma_semaphore, #tpu.memory_space<semaphore_mem>>) {add = true}
    %dma_start3A_23 = arith.constant 3 : i32
    %dma_start3A_24 = arith.constant 0 : i32
    %dma_start3A_25 = tpu.memref_slice %arg6[%dma_start3A_23, %dma_start3A_24] : memref<80x128xi32, #tpu.memory_space<vmem>> -> memref<1x128xi32, #tpu.memory_space<vmem>>
    %dma_start3A_26 = tpu.memref_squeeze %dma_start3A_25 : memref<1x128xi32, #tpu.memory_space<vmem>> -> memref<128xi32, #tpu.memory_space<vmem>>
    %dma_start3A_27 = arith.constant 0 : i32
    %dma_start3A_28 = arith.constant 0 : i32
    %dma_start3A_29 = tpu.memref_slice %arg8[%dma_start3A_27, %dma_start3A_28] : memref<10240x16xf32, #tpu.memory_space<vmem_shared>> -> memref<10240x16xf32, #tpu.memory_space<vmem_shared>>
    tpu.enqueue_indirect_dma source(%arg7 : memref<128x16xf32, #tpu.memory_space<vmem>>) target(%dma_start3A_29 : memref<10240x16xf32, #tpu.memory_space<vmem_shared>>) offsets(%dma_start3A_26 : memref<128xi32, #tpu.memory_space<vmem>>) semaphore(%arg12 : memref<!tpu.dma_semaphore, #tpu.memory_space<semaphore_mem>>) {add = true}
    %scan3A = arith.constant 0 : i32
    %scan3A_30 = arith.constant 19 : i32
    %scan3A_31 = arith.addi %scan3A, %scan3A_30 : i32
    %scan3A_32 = arith.constant 1 : i32
    scf.for %scan3A_62 = %scan3A to %scan3A_31 step %scan3A_32  : i32 {
      %mul3A_63 = arith.constant 4 : i32
      %mul3A_64 = arith.muli %scan3A_62, %mul3A_63 : i32
      %add3A_65 = arith.constant 4 : i32
      %add3A_66 = arith.addi %add3A_65, %mul3A_64 : i32
      %sub3A = arith.constant 4 : i32
      %sub3A_67 = arith.subi %add3A_66, %sub3A : i32
      %add3A_68 = arith.constant 0 : i32
      %add3A_69 = arith.addi %sub3A_67, %add3A_68 : i32
      %dma_wait3A_70 = arith.constant 0 : i32
      %dma_wait3A_71 = tpu.memref_slice %arg6[%add3A_69, %dma_wait3A_70] : memref<80x128xi32, #tpu.memory_space<vmem>> -> memref<1x128xi32, #tpu.memory_space<vmem>>
      %dma_wait3A_72 = tpu.memref_squeeze %dma_wait3A_71 : memref<1x128xi32, #tpu.memory_space<vmem>> -> memref<128xi32, #tpu.memory_space<vmem>>
      %dma_wait3A_73 = arith.constant 0 : i32
      %dma_wait3A_74 = arith.constant 0 : i32
      %dma_wait3A_75 = tpu.memref_slice %arg8[%dma_wait3A_73, %dma_wait3A_74] : memref<10240x16xf32, #tpu.memory_space<vmem_shared>> -> memref<10240x16xf32, #tpu.memory_space<vmem_shared>>
      tpu.wait_indirect_dma semaphore(%arg9 : memref<!tpu.dma_semaphore, #tpu.memory_space<semaphore_mem>>) src(%arg7 : memref<128x16xf32, #tpu.memory_space<vmem>>) dst(%dma_wait3A_75 : memref<10240x16xf32, #tpu.memory_space<vmem_shared>>)
      %add3A_76 = arith.constant 0 : i32
      %add3A_77 = arith.addi %add3A_66, %add3A_76 : i32
      %dma_start3A_78 = arith.constant 0 : i32
      %dma_start3A_79 = tpu.memref_slice %arg6[%add3A_77, %dma_start3A_78] : memref<80x128xi32, #tpu.memory_space<vmem>> -> memref<1x128xi32, #tpu.memory_space<vmem>>
      %dma_start3A_80 = tpu.memref_squeeze %dma_start3A_79 : memref<1x128xi32, #tpu.memory_space<vmem>> -> memref<128xi32, #tpu.memory_space<vmem>>
      %dma_start3A_81 = arith.constant 0 : i32
      %dma_start3A_82 = arith.constant 0 : i32
      %dma_start3A_83 = tpu.memref_slice %arg8[%dma_start3A_81, %dma_start3A_82] : memref<10240x16xf32, #tpu.memory_space<vmem_shared>> -> memref<10240x16xf32, #tpu.memory_space<vmem_shared>>
      tpu.enqueue_indirect_dma source(%arg7 : memref<128x16xf32, #tpu.memory_space<vmem>>) target(%dma_start3A_83 : memref<10240x16xf32, #tpu.memory_space<vmem_shared>>) offsets(%dma_start3A_80 : memref<128xi32, #tpu.memory_space<vmem>>) semaphore(%arg9 : memref<!tpu.dma_semaphore, #tpu.memory_space<semaphore_mem>>) {add = true}
      %sub3A_84 = arith.constant 4 : i32
      %sub3A_85 = arith.subi %add3A_66, %sub3A_84 : i32
      %add3A_86 = arith.constant 1 : i32
      %add3A_87 = arith.addi %sub3A_85, %add3A_86 : i32
      %dma_wait3A_88 = arith.constant 0 : i32
      %dma_wait3A_89 = tpu.memref_slice %arg6[%add3A_87, %dma_wait3A_88] : memref<80x128xi32, #tpu.memory_space<vmem>> -> memref<1x128xi32, #tpu.memory_space<vmem>>
      %dma_wait3A_90 = tpu.memref_squeeze %dma_wait3A_89 : memref<1x128xi32, #tpu.memory_space<vmem>> -> memref<128xi32, #tpu.memory_space<vmem>>
      %dma_wait3A_91 = arith.constant 0 : i32
      %dma_wait3A_92 = arith.constant 0 : i32
      %dma_wait3A_93 = tpu.memref_slice %arg8[%dma_wait3A_91, %dma_wait3A_92] : memref<10240x16xf32, #tpu.memory_space<vmem_shared>> -> memref<10240x16xf32, #tpu.memory_space<vmem_shared>>
      tpu.wait_indirect_dma semaphore(%arg10 : memref<!tpu.dma_semaphore, #tpu.memory_space<semaphore_mem>>) src(%arg7 : memref<128x16xf32, #tpu.memory_space<vmem>>) dst(%dma_wait3A_93 : memref<10240x16xf32, #tpu.memory_space<vmem_shared>>)
      %add3A_94 = arith.constant 1 : i32
      %add3A_95 = arith.addi %add3A_66, %add3A_94 : i32
      %dma_start3A_96 = arith.constant 0 : i32
      %dma_start3A_97 = tpu.memref_slice %arg6[%add3A_95, %dma_start3A_96] : memref<80x128xi32, #tpu.memory_space<vmem>> -> memref<1x128xi32, #tpu.memory_space<vmem>>
      %dma_start3A_98 = tpu.memref_squeeze %dma_start3A_97 : memref<1x128xi32, #tpu.memory_space<vmem>> -> memref<128xi32, #tpu.memory_space<vmem>>
      %dma_start3A_99 = arith.constant 0 : i32
      %dma_start3A_100 = arith.constant 0 : i32
      %dma_start3A_101 = tpu.memref_slice %arg8[%dma_start3A_99, %dma_start3A_100] : memref<10240x16xf32, #tpu.memory_space<vmem_shared>> -> memref<10240x16xf32, #tpu.memory_space<vmem_shared>>
      tpu.enqueue_indirect_dma source(%arg7 : memref<128x16xf32, #tpu.memory_space<vmem>>) target(%dma_start3A_101 : memref<10240x16xf32, #tpu.memory_space<vmem_shared>>) offsets(%dma_start3A_98 : memref<128xi32, #tpu.memory_space<vmem>>) semaphore(%arg10 : memref<!tpu.dma_semaphore, #tpu.memory_space<semaphore_mem>>) {add = true}
      %sub3A_102 = arith.constant 4 : i32
      %sub3A_103 = arith.subi %add3A_66, %sub3A_102 : i32
      %add3A_104 = arith.constant 2 : i32
      %add3A_105 = arith.addi %sub3A_103, %add3A_104 : i32
      %dma_wait3A_106 = arith.constant 0 : i32
      %dma_wait3A_107 = tpu.memref_slice %arg6[%add3A_105, %dma_wait3A_106] : memref<80x128xi32, #tpu.memory_space<vmem>> -> memref<1x128xi32, #tpu.memory_space<vmem>>
      %dma_wait3A_108 = tpu.memref_squeeze %dma_wait3A_107 : memref<1x128xi32, #tpu.memory_space<vmem>> -> memref<128xi32, #tpu.memory_space<vmem>>
      %dma_wait3A_109 = arith.constant 0 : i32
      %dma_wait3A_110 = arith.constant 0 : i32
      %dma_wait3A_111 = tpu.memref_slice %arg8[%dma_wait3A_109, %dma_wait3A_110] : memref<10240x16xf32, #tpu.memory_space<vmem_shared>> -> memref<10240x16xf32, #tpu.memory_space<vmem_shared>>
      tpu.wait_indirect_dma semaphore(%arg11 : memref<!tpu.dma_semaphore, #tpu.memory_space<semaphore_mem>>) src(%arg7 : memref<128x16xf32, #tpu.memory_space<vmem>>) dst(%dma_wait3A_111 : memref<10240x16xf32, #tpu.memory_space<vmem_shared>>)
      %add3A_112 = arith.constant 2 : i32
      %add3A_113 = arith.addi %add3A_66, %add3A_112 : i32
      %dma_start3A_114 = arith.constant 0 : i32
      %dma_start3A_115 = tpu.memref_slice %arg6[%add3A_113, %dma_start3A_114] : memref<80x128xi32, #tpu.memory_space<vmem>> -> memref<1x128xi32, #tpu.memory_space<vmem>>
      %dma_start3A_116 = tpu.memref_squeeze %dma_start3A_115 : memref<1x128xi32, #tpu.memory_space<vmem>> -> memref<128xi32, #tpu.memory_space<vmem>>
      %dma_start3A_117 = arith.constant 0 : i32
      %dma_start3A_118 = arith.constant 0 : i32
      %dma_start3A_119 = tpu.memref_slice %arg8[%dma_start3A_117, %dma_start3A_118] : memref<10240x16xf32, #tpu.memory_space<vmem_shared>> -> memref<10240x16xf32, #tpu.memory_space<vmem_shared>>
      tpu.enqueue_indirect_dma source(%arg7 : memref<128x16xf32, #tpu.memory_space<vmem>>) target(%dma_start3A_119 : memref<10240x16xf32, #tpu.memory_space<vmem_shared>>) offsets(%dma_start3A_116 : memref<128xi32, #tpu.memory_space<vmem>>) semaphore(%arg11 : memref<!tpu.dma_semaphore, #tpu.memory_space<semaphore_mem>>) {add = true}
      %sub3A_120 = arith.constant 4 : i32
      %sub3A_121 = arith.subi %add3A_66, %sub3A_120 : i32
      %add3A_122 = arith.constant 3 : i32
      %add3A_123 = arith.addi %sub3A_121, %add3A_122 : i32
      %dma_wait3A_124 = arith.constant 0 : i32
      %dma_wait3A_125 = tpu.memref_slice %arg6[%add3A_123, %dma_wait3A_124] : memref<80x128xi32, #tpu.memory_space<vmem>> -> memref<1x128xi32, #tpu.memory_space<vmem>>
      %dma_wait3A_126 = tpu.memref_squeeze %dma_wait3A_125 : memref<1x128xi32, #tpu.memory_space<vmem>> -> memref<128xi32, #tpu.memory_space<vmem>>
      %dma_wait3A_127 = arith.constant 0 : i32
      %dma_wait3A_128 = arith.constant 0 : i32
      %dma_wait3A_129 = tpu.memref_slice %arg8[%dma_wait3A_127, %dma_wait3A_128] : memref<10240x16xf32, #tpu.memory_space<vmem_shared>> -> memref<10240x16xf32, #tpu.memory_space<vmem_shared>>
      tpu.wait_indirect_dma semaphore(%arg12 : memref<!tpu.dma_semaphore, #tpu.memory_space<semaphore_mem>>) src(%arg7 : memref<128x16xf32, #tpu.memory_space<vmem>>) dst(%dma_wait3A_129 : memref<10240x16xf32, #tpu.memory_space<vmem_shared>>)
      %add3A_130 = arith.constant 3 : i32
      %add3A_131 = arith.addi %add3A_66, %add3A_130 : i32
      %dma_start3A_132 = arith.constant 0 : i32
      %dma_start3A_133 = tpu.memref_slice %arg6[%add3A_131, %dma_start3A_132] : memref<80x128xi32, #tpu.memory_space<vmem>> -> memref<1x128xi32, #tpu.memory_space<vmem>>
      %dma_start3A_134 = tpu.memref_squeeze %dma_start3A_133 : memref<1x128xi32, #tpu.memory_space<vmem>> -> memref<128xi32, #tpu.memory_space<vmem>>
      %dma_start3A_135 = arith.constant 0 : i32
      %dma_start3A_136 = arith.constant 0 : i32
      %dma_start3A_137 = tpu.memref_slice %arg8[%dma_start3A_135, %dma_start3A_136] : memref<10240x16xf32, #tpu.memory_space<vmem_shared>> -> memref<10240x16xf32, #tpu.memory_space<vmem_shared>>
      tpu.enqueue_indirect_dma source(%arg7 : memref<128x16xf32, #tpu.memory_space<vmem>>) target(%dma_start3A_137 : memref<10240x16xf32, #tpu.memory_space<vmem_shared>>) offsets(%dma_start3A_134 : memref<128xi32, #tpu.memory_space<vmem>>) semaphore(%arg12 : memref<!tpu.dma_semaphore, #tpu.memory_space<semaphore_mem>>) {add = true}
    }
    %scan3A_33 = arith.constant 19 : i32
    %dma_wait3A = arith.constant 76 : i32
    %dma_wait3A_34 = arith.constant 0 : i32
    %dma_wait3A_35 = tpu.memref_slice %arg6[%dma_wait3A, %dma_wait3A_34] : memref<80x128xi32, #tpu.memory_space<vmem>> -> memref<1x128xi32, #tpu.memory_space<vmem>>
    %dma_wait3A_36 = tpu.memref_squeeze %dma_wait3A_35 : memref<1x128xi32, #tpu.memory_space<vmem>> -> memref<128xi32, #tpu.memory_space<vmem>>
    %dma_wait3A_37 = arith.constant 0 : i32
    %dma_wait3A_38 = arith.constant 0 : i32
    %dma_wait3A_39 = tpu.memref_slice %arg8[%dma_wait3A_37, %dma_wait3A_38] : memref<10240x16xf32, #tpu.memory_space<vmem_shared>> -> memref<10240x16xf32, #tpu.memory_space<vmem_shared>>
    tpu.wait_indirect_dma semaphore(%arg9 : memref<!tpu.dma_semaphore, #tpu.memory_space<semaphore_mem>>) src(%arg7 : memref<128x16xf32, #tpu.memory_space<vmem>>) dst(%dma_wait3A_39 : memref<10240x16xf32, #tpu.memory_space<vmem_shared>>)
    %dma_wait3A_40 = arith.constant 77 : i32
    %dma_wait3A_41 = arith.constant 0 : i32
    %dma_wait3A_42 = tpu.memref_slice %arg6[%dma_wait3A_40, %dma_wait3A_41] : memref<80x128xi32, #tpu.memory_space<vmem>> -> memref<1x128xi32, #tpu.memory_space<vmem>>
    %dma_wait3A_43 = tpu.memref_squeeze %dma_wait3A_42 : memref<1x128xi32, #tpu.memory_space<vmem>> -> memref<128xi32, #tpu.memory_space<vmem>>
    %dma_wait3A_44 = arith.constant 0 : i32
    %dma_wait3A_45 = arith.constant 0 : i32
    %dma_wait3A_46 = tpu.memref_slice %arg8[%dma_wait3A_44, %dma_wait3A_45] : memref<10240x16xf32, #tpu.memory_space<vmem_shared>> -> memref<10240x16xf32, #tpu.memory_space<vmem_shared>>
    tpu.wait_indirect_dma semaphore(%arg10 : memref<!tpu.dma_semaphore, #tpu.memory_space<semaphore_mem>>) src(%arg7 : memref<128x16xf32, #tpu.memory_space<vmem>>) dst(%dma_wait3A_46 : memref<10240x16xf32, #tpu.memory_space<vmem_shared>>)
    %dma_wait3A_47 = arith.constant 78 : i32
    %dma_wait3A_48 = arith.constant 0 : i32
    %dma_wait3A_49 = tpu.memref_slice %arg6[%dma_wait3A_47, %dma_wait3A_48] : memref<80x128xi32, #tpu.memory_space<vmem>> -> memref<1x128xi32, #tpu.memory_space<vmem>>
    %dma_wait3A_50 = tpu.memref_squeeze %dma_wait3A_49 : memref<1x128xi32, #tpu.memory_space<vmem>> -> memref<128xi32, #tpu.memory_space<vmem>>
    %dma_wait3A_51 = arith.constant 0 : i32
    %dma_wait3A_52 = arith.constant 0 : i32
    %dma_wait3A_53 = tpu.memref_slice %arg8[%dma_wait3A_51, %dma_wait3A_52] : memref<10240x16xf32, #tpu.memory_space<vmem_shared>> -> memref<10240x16xf32, #tpu.memory_space<vmem_shared>>
    tpu.wait_indirect_dma semaphore(%arg11 : memref<!tpu.dma_semaphore, #tpu.memory_space<semaphore_mem>>) src(%arg7 : memref<128x16xf32, #tpu.memory_space<vmem>>) dst(%dma_wait3A_53 : memref<10240x16xf32, #tpu.memory_space<vmem_shared>>)
    %dma_wait3A_54 = arith.constant 79 : i32
    %dma_wait3A_55 = arith.constant 0 : i32
    %dma_wait3A_56 = tpu.memref_slice %arg6[%dma_wait3A_54, %dma_wait3A_55] : memref<80x128xi32, #tpu.memory_space<vmem>> -> memref<1x128xi32, #tpu.memory_space<vmem>>
    %dma_wait3A_57 = tpu.memref_squeeze %dma_wait3A_56 : memref<1x128xi32, #tpu.memory_space<vmem>> -> memref<128xi32, #tpu.memory_space<vmem>>
    %dma_wait3A_58 = arith.constant 0 : i32
    %dma_wait3A_59 = arith.constant 0 : i32
    %dma_wait3A_60 = tpu.memref_slice %arg8[%dma_wait3A_58, %dma_wait3A_59] : memref<10240x16xf32, #tpu.memory_space<vmem_shared>> -> memref<10240x16xf32, #tpu.memory_space<vmem_shared>>
    tpu.wait_indirect_dma semaphore(%arg12 : memref<!tpu.dma_semaphore, #tpu.memory_space<semaphore_mem>>) src(%arg7 : memref<128x16xf32, #tpu.memory_space<vmem>>) dst(%dma_wait3A_60 : memref<10240x16xf32, #tpu.memory_space<vmem_shared>>)
    %barrier3A_61 = arith.constant 0 : index
    tpu.barrier barrier_id(%barrier3A_61)
    "tpu.region"() ({
      %run_scoped3A = tpu.sem_alloc : memref<!tpu.dma_semaphore, #tpu.memory_space<semaphore_mem>>
      %dma_start3A_62 = arith.constant 0 : i32
      %dma_start3A_63 = arith.constant 0 : i32
      %dma_start3A_64 = tpu.memref_slice %arg5[%arg0, %dma_start3A_62, %dma_start3A_63] : memref<2x10240x16xf32, #tpu.memory_space<hbm>> -> memref<1x10240x16xf32, #tpu.memory_space<hbm>>
      %dma_start3A_65 = tpu.memref_squeeze %dma_start3A_64 : memref<1x10240x16xf32, #tpu.memory_space<hbm>> -> memref<10240x16xf32, #tpu.memory_space<hbm>>
      %dma_start3A_66 = arith.constant 0 : i32
      %dma_start3A_67 = tpu.memref_slice %dma_start3A_65[%mul3A_2, %dma_start3A_66] : memref<10240x16xf32, #tpu.memory_space<hbm>> -> memref<640x16xf32, #tpu.memory_space<hbm>>
      %dma_start3A_68 = arith.constant 0 : i32
      %dma_start3A_69 = tpu.memref_slice %arg8[%mul3A_2, %dma_start3A_68] : memref<10240x16xf32, #tpu.memory_space<vmem_shared>> -> memref<640x16xf32, #tpu.memory_space<vmem_shared>>
      tpu.enqueue_dma source(%dma_start3A_69 : memref<640x16xf32, #tpu.memory_space<vmem_shared>>) target(%dma_start3A_67 : memref<640x16xf32, #tpu.memory_space<hbm>>) target_semaphore(%run_scoped3A : memref<!tpu.dma_semaphore, #tpu.memory_space<semaphore_mem>>)
      %dma_wait3A_70 = arith.constant 0 : i32
      %dma_wait3A_71 = arith.constant 0 : i32
      %dma_wait3A_72 = tpu.memref_slice %arg5[%arg0, %dma_wait3A_70, %dma_wait3A_71] : memref<2x10240x16xf32, #tpu.memory_space<hbm>> -> memref<1x10240x16xf32, #tpu.memory_space<hbm>>
      %dma_wait3A_73 = tpu.memref_squeeze %dma_wait3A_72 : memref<1x10240x16xf32, #tpu.memory_space<hbm>> -> memref<10240x16xf32, #tpu.memory_space<hbm>>
      %dma_wait3A_74 = arith.constant 0 : i32
      %dma_wait3A_75 = tpu.memref_slice %dma_wait3A_73[%mul3A_2, %dma_wait3A_74] : memref<10240x16xf32, #tpu.memory_space<hbm>> -> memref<640x16xf32, #tpu.memory_space<hbm>>
      %dma_wait3A_76 = arith.constant 0 : i32
      %dma_wait3A_77 = tpu.memref_slice %arg8[%mul3A_2, %dma_wait3A_76] : memref<10240x16xf32, #tpu.memory_space<vmem_shared>> -> memref<640x16xf32, #tpu.memory_space<vmem_shared>>
      tpu.wait_dma2 semaphore(%run_scoped3A : memref<!tpu.dma_semaphore, #tpu.memory_space<semaphore_mem>>) src(%dma_wait3A_77 : memref<640x16xf32, #tpu.memory_space<vmem_shared>>) dst(%dma_wait3A_75 : memref<640x16xf32, #tpu.memory_space<hbm>>)
      tpu.yield
    }) : () -> ()
    return
  }
}

#map = affine_map<(d0, d1) -> (0, 0)>
#map1 = affine_map<(d0, d1) -> (0, 0, 0)>
module attributes {stable_mosaic.version = 14 : i64} {
  func.func @k(%arg0: i32, %arg1: i32, %arg2: memref<10240x32xf32, #tpu.memory_space<hbm>>, %arg3: memref<32x80x128xi32, #tpu.memory_space<hbm>>, %arg4: memref<32x80x128xi32, #tpu.memory_space<hbm>>, %arg5: memref<2x10240x32xf32, #tpu.memory_space<hbm>>, %arg6: memref<80x128xi32, #tpu.memory_space<vmem>>, %arg7: memref<80x128xi32, #tpu.memory_space<vmem>>, %arg8: memref<128x32xf32, #tpu.memory_space<vmem>>, %arg9: memref<128x32xf32, #tpu.memory_space<vmem>>, %arg10: memref<128x32xf32, #tpu.memory_space<vmem>>, %arg11: memref<128x32xf32, #tpu.memory_space<vmem>>, %arg12: memref<128x32xf32, #tpu.memory_space<vmem>>, %arg13: memref<128x32xf32, #tpu.memory_space<vmem>>, %arg14: memref<128x32xf32, #tpu.memory_space<vmem>>, %arg15: memref<128x32xf32, #tpu.memory_space<vmem>>, %arg16: memref<10240x32xf32, #tpu.memory_space<vmem_shared>>, %arg17: memref<10240x32xf32, #tpu.memory_space<vmem_shared>>, %arg18: memref<!tpu.dma_semaphore, #tpu.memory_space<semaphore_mem>>, %arg19: memref<!tpu.dma_semaphore, #tpu.memory_space<semaphore_mem>>, %arg20: memref<!tpu.dma_semaphore, #tpu.memory_space<semaphore_mem>>, %arg21: memref<!tpu.dma_semaphore, #tpu.memory_space<semaphore_mem>>, %arg22: memref<!tpu.dma_semaphore, #tpu.memory_space<semaphore_mem>>, %arg23: memref<!tpu.dma_semaphore, #tpu.memory_space<semaphore_mem>>, %arg24: memref<!tpu.dma_semaphore, #tpu.memory_space<semaphore_mem>>, %arg25: memref<!tpu.dma_semaphore, #tpu.memory_space<semaphore_mem>>, %arg26: memref<!tpu.dma_semaphore, #tpu.memory_space<semaphore_mem>>, %arg27: memref<!tpu.dma_semaphore, #tpu.memory_space<semaphore_mem>>, %arg28: memref<!tpu.dma_semaphore, #tpu.memory_space<semaphore_mem>>, %arg29: memref<!tpu.dma_semaphore, #tpu.memory_space<semaphore_mem>>, %arg30: memref<!tpu.dma_semaphore, #tpu.memory_space<semaphore_mem>>, %arg31: memref<!tpu.dma_semaphore, #tpu.memory_space<semaphore_mem>>, %arg32: memref<!tpu.dma_semaphore, #tpu.memory_space<semaphore_mem>>, %arg33: memref<!tpu.dma_semaphore, #tpu.memory_space<semaphore_mem>>) attributes {dimension_semantics = [#tpu.dimension_semantics<core_parallel>, #tpu.dimension_semantics<subcore_parallel>], iteration_bounds = array<i64: 2, 16>, scalar_prefetch = 0 : i64, scratch_operands = 28 : i64, tpu.core_type = #tpu.core_type<sc_vector_subcore>, window_params = [{transform_indices = #map}, {transform_indices = #map1}, {transform_indices = #map1}, {transform_indices = #map1}]} {
    %mul3A = arith.constant 16 : i32
    %mul3A_0 = arith.muli %arg0, %mul3A : i32
    %add3A = arith.addi %mul3A_0, %arg1 : i32
    %mul3A_1 = arith.constant 640 : i32
    %mul3A_2 = arith.muli %arg1, %mul3A_1 : i32
    "tpu.region"() ({
      %run_scoped3A = tpu.sem_alloc : memref<!tpu.dma_semaphore, #tpu.memory_space<semaphore_mem>>
      %dma_start3A_230 = arith.constant 0 : i32
      %dma_start3A_231 = arith.constant 0 : i32
      %dma_start3A_232 = tpu.memref_slice %arg3[%add3A, %dma_start3A_230, %dma_start3A_231] : memref<32x80x128xi32, #tpu.memory_space<hbm>> -> memref<1x80x128xi32, #tpu.memory_space<hbm>>
      %dma_start3A_233 = tpu.memref_squeeze %dma_start3A_232 : memref<1x80x128xi32, #tpu.memory_space<hbm>> -> memref<80x128xi32, #tpu.memory_space<hbm>>
      %dma_start3A_234 = arith.constant 0 : i32
      %dma_start3A_235 = arith.constant 0 : i32
      %dma_start3A_236 = tpu.memref_slice %arg3[%add3A, %dma_start3A_234, %dma_start3A_235] : memref<32x80x128xi32, #tpu.memory_space<hbm>> -> memref<1x80x128xi32, #tpu.memory_space<hbm>>
      %dma_start3A_237 = tpu.memref_squeeze %dma_start3A_236 : memref<1x80x128xi32, #tpu.memory_space<hbm>> -> memref<80x128xi32, #tpu.memory_space<hbm>>
      tpu.enqueue_dma source(%dma_start3A_237 : memref<80x128xi32, #tpu.memory_space<hbm>>) target(%arg6 : memref<80x128xi32, #tpu.memory_space<vmem>>) target_semaphore(%run_scoped3A : memref<!tpu.dma_semaphore, #tpu.memory_space<semaphore_mem>>)
      %dma_wait3A_238 = arith.constant 0 : i32
      %dma_wait3A_239 = arith.constant 0 : i32
      %dma_wait3A_240 = tpu.memref_slice %arg3[%add3A, %dma_wait3A_238, %dma_wait3A_239] : memref<32x80x128xi32, #tpu.memory_space<hbm>> -> memref<1x80x128xi32, #tpu.memory_space<hbm>>
      %dma_wait3A_241 = tpu.memref_squeeze %dma_wait3A_240 : memref<1x80x128xi32, #tpu.memory_space<hbm>> -> memref<80x128xi32, #tpu.memory_space<hbm>>
      %dma_wait3A_242 = arith.constant 0 : i32
      %dma_wait3A_243 = arith.constant 0 : i32
      %dma_wait3A_244 = tpu.memref_slice %arg3[%add3A, %dma_wait3A_242, %dma_wait3A_243] : memref<32x80x128xi32, #tpu.memory_space<hbm>> -> memref<1x80x128xi32, #tpu.memory_space<hbm>>
      %dma_wait3A_245 = tpu.memref_squeeze %dma_wait3A_244 : memref<1x80x128xi32, #tpu.memory_space<hbm>> -> memref<80x128xi32, #tpu.memory_space<hbm>>
      tpu.wait_dma2 semaphore(%run_scoped3A : memref<!tpu.dma_semaphore, #tpu.memory_space<semaphore_mem>>) src(%dma_wait3A_245 : memref<80x128xi32, #tpu.memory_space<hbm>>) dst(%arg6 : memref<80x128xi32, #tpu.memory_space<vmem>>)
      tpu.yield
    }) : () -> ()
    "tpu.region"() ({
      %run_scoped3A = tpu.sem_alloc : memref<!tpu.dma_semaphore, #tpu.memory_space<semaphore_mem>>
      %dma_start3A_230 = arith.constant 0 : i32
      %dma_start3A_231 = arith.constant 0 : i32
      %dma_start3A_232 = tpu.memref_slice %arg4[%add3A, %dma_start3A_230, %dma_start3A_231] : memref<32x80x128xi32, #tpu.memory_space<hbm>> -> memref<1x80x128xi32, #tpu.memory_space<hbm>>
      %dma_start3A_233 = tpu.memref_squeeze %dma_start3A_232 : memref<1x80x128xi32, #tpu.memory_space<hbm>> -> memref<80x128xi32, #tpu.memory_space<hbm>>
      %dma_start3A_234 = arith.constant 0 : i32
      %dma_start3A_235 = arith.constant 0 : i32
      %dma_start3A_236 = tpu.memref_slice %arg4[%add3A, %dma_start3A_234, %dma_start3A_235] : memref<32x80x128xi32, #tpu.memory_space<hbm>> -> memref<1x80x128xi32, #tpu.memory_space<hbm>>
      %dma_start3A_237 = tpu.memref_squeeze %dma_start3A_236 : memref<1x80x128xi32, #tpu.memory_space<hbm>> -> memref<80x128xi32, #tpu.memory_space<hbm>>
      tpu.enqueue_dma source(%dma_start3A_237 : memref<80x128xi32, #tpu.memory_space<hbm>>) target(%arg7 : memref<80x128xi32, #tpu.memory_space<vmem>>) target_semaphore(%run_scoped3A : memref<!tpu.dma_semaphore, #tpu.memory_space<semaphore_mem>>)
      %dma_wait3A_238 = arith.constant 0 : i32
      %dma_wait3A_239 = arith.constant 0 : i32
      %dma_wait3A_240 = tpu.memref_slice %arg4[%add3A, %dma_wait3A_238, %dma_wait3A_239] : memref<32x80x128xi32, #tpu.memory_space<hbm>> -> memref<1x80x128xi32, #tpu.memory_space<hbm>>
      %dma_wait3A_241 = tpu.memref_squeeze %dma_wait3A_240 : memref<1x80x128xi32, #tpu.memory_space<hbm>> -> memref<80x128xi32, #tpu.memory_space<hbm>>
      %dma_wait3A_242 = arith.constant 0 : i32
      %dma_wait3A_243 = arith.constant 0 : i32
      %dma_wait3A_244 = tpu.memref_slice %arg4[%add3A, %dma_wait3A_242, %dma_wait3A_243] : memref<32x80x128xi32, #tpu.memory_space<hbm>> -> memref<1x80x128xi32, #tpu.memory_space<hbm>>
      %dma_wait3A_245 = tpu.memref_squeeze %dma_wait3A_244 : memref<1x80x128xi32, #tpu.memory_space<hbm>> -> memref<80x128xi32, #tpu.memory_space<hbm>>
      tpu.wait_dma2 semaphore(%run_scoped3A : memref<!tpu.dma_semaphore, #tpu.memory_space<semaphore_mem>>) src(%dma_wait3A_245 : memref<80x128xi32, #tpu.memory_space<hbm>>) dst(%arg7 : memref<80x128xi32, #tpu.memory_space<vmem>>)
      tpu.yield
    }) : () -> ()
    "tpu.region"() ({
      %run_scoped3A = tpu.sem_alloc : memref<!tpu.dma_semaphore, #tpu.memory_space<semaphore_mem>>
      %dma_start3A_230 = arith.constant 0 : i32
      %dma_start3A_231 = tpu.memref_slice %arg17[%mul3A_2, %dma_start3A_230] : memref<10240x32xf32, #tpu.memory_space<vmem_shared>> -> memref<640x32xf32, #tpu.memory_space<vmem_shared>>
      %dma_start3A_232 = arith.constant 0 : i32
      %dma_start3A_233 = tpu.memref_slice %arg2[%mul3A_2, %dma_start3A_232] : memref<10240x32xf32, #tpu.memory_space<hbm>> -> memref<640x32xf32, #tpu.memory_space<hbm>>
      tpu.enqueue_dma source(%dma_start3A_233 : memref<640x32xf32, #tpu.memory_space<hbm>>) target(%dma_start3A_231 : memref<640x32xf32, #tpu.memory_space<vmem_shared>>) target_semaphore(%run_scoped3A : memref<!tpu.dma_semaphore, #tpu.memory_space<semaphore_mem>>)
      %dma_wait3A_234 = arith.constant 0 : i32
      %dma_wait3A_235 = tpu.memref_slice %arg17[%mul3A_2, %dma_wait3A_234] : memref<10240x32xf32, #tpu.memory_space<vmem_shared>> -> memref<640x32xf32, #tpu.memory_space<vmem_shared>>
      %dma_wait3A_236 = arith.constant 0 : i32
      %dma_wait3A_237 = tpu.memref_slice %arg2[%mul3A_2, %dma_wait3A_236] : memref<10240x32xf32, #tpu.memory_space<hbm>> -> memref<640x32xf32, #tpu.memory_space<hbm>>
      tpu.wait_dma2 semaphore(%run_scoped3A : memref<!tpu.dma_semaphore, #tpu.memory_space<semaphore_mem>>) src(%dma_wait3A_237 : memref<640x32xf32, #tpu.memory_space<hbm>>) dst(%dma_wait3A_235 : memref<640x32xf32, #tpu.memory_space<vmem_shared>>)
      tpu.yield
    }) : () -> ()
    "tpu.region"() ({
      %run_scoped3A = tpu.sem_alloc : memref<!tpu.dma_semaphore, #tpu.memory_space<semaphore_mem>>
      %dma_start3A_230 = arith.constant 0 : i32
      %dma_start3A_231 = tpu.memref_slice %arg16[%mul3A_2, %dma_start3A_230] : memref<10240x32xf32, #tpu.memory_space<vmem_shared>> -> memref<640x32xf32, #tpu.memory_space<vmem_shared>>
      %dma_start3A_232 = arith.constant 0 : i32
      %dma_start3A_233 = tpu.memref_slice %arg2[%mul3A_2, %dma_start3A_232] : memref<10240x32xf32, #tpu.memory_space<hbm>> -> memref<640x32xf32, #tpu.memory_space<hbm>>
      tpu.enqueue_dma source(%dma_start3A_233 : memref<640x32xf32, #tpu.memory_space<hbm>>) target(%dma_start3A_231 : memref<640x32xf32, #tpu.memory_space<vmem_shared>>) target_semaphore(%run_scoped3A : memref<!tpu.dma_semaphore, #tpu.memory_space<semaphore_mem>>)
      %dma_wait3A_234 = arith.constant 0 : i32
      %dma_wait3A_235 = tpu.memref_slice %arg16[%mul3A_2, %dma_wait3A_234] : memref<10240x32xf32, #tpu.memory_space<vmem_shared>> -> memref<640x32xf32, #tpu.memory_space<vmem_shared>>
      %dma_wait3A_236 = arith.constant 0 : i32
      %dma_wait3A_237 = tpu.memref_slice %arg2[%mul3A_2, %dma_wait3A_236] : memref<10240x32xf32, #tpu.memory_space<hbm>> -> memref<640x32xf32, #tpu.memory_space<hbm>>
      tpu.wait_dma2 semaphore(%run_scoped3A : memref<!tpu.dma_semaphore, #tpu.memory_space<semaphore_mem>>) src(%dma_wait3A_237 : memref<640x32xf32, #tpu.memory_space<hbm>>) dst(%dma_wait3A_235 : memref<640x32xf32, #tpu.memory_space<vmem_shared>>)
      tpu.yield
    }) : () -> ()
    %barrier3A = arith.constant 0 : index
    tpu.barrier barrier_id(%barrier3A)
    %dma_start3A = arith.constant 0 : i32
    %dma_start3A_3 = arith.constant 0 : i32
    %dma_start3A_4 = tpu.memref_slice %arg6[%dma_start3A, %dma_start3A_3] : memref<80x128xi32, #tpu.memory_space<vmem>> -> memref<1x128xi32, #tpu.memory_space<vmem>>
    %dma_start3A_5 = tpu.memref_squeeze %dma_start3A_4 : memref<1x128xi32, #tpu.memory_space<vmem>> -> memref<128xi32, #tpu.memory_space<vmem>>
    %dma_start3A_6 = arith.constant 0 : i32
    %dma_start3A_7 = arith.constant 0 : i32
    %dma_start3A_8 = tpu.memref_slice %arg16[%dma_start3A_6, %dma_start3A_7] : memref<10240x32xf32, #tpu.memory_space<vmem_shared>> -> memref<10240x32xf32, #tpu.memory_space<vmem_shared>>
    tpu.enqueue_indirect_dma source(%dma_start3A_8 : memref<10240x32xf32, #tpu.memory_space<vmem_shared>>) target(%arg8 : memref<128x32xf32, #tpu.memory_space<vmem>>) offsets(%dma_start3A_5 : memref<128xi32, #tpu.memory_space<vmem>>) semaphore(%arg18 : memref<!tpu.dma_semaphore, #tpu.memory_space<semaphore_mem>>)
    %dma_start3A_9 = arith.constant 1 : i32
    %dma_start3A_10 = arith.constant 0 : i32
    %dma_start3A_11 = tpu.memref_slice %arg6[%dma_start3A_9, %dma_start3A_10] : memref<80x128xi32, #tpu.memory_space<vmem>> -> memref<1x128xi32, #tpu.memory_space<vmem>>
    %dma_start3A_12 = tpu.memref_squeeze %dma_start3A_11 : memref<1x128xi32, #tpu.memory_space<vmem>> -> memref<128xi32, #tpu.memory_space<vmem>>
    %dma_start3A_13 = arith.constant 0 : i32
    %dma_start3A_14 = arith.constant 0 : i32
    %dma_start3A_15 = tpu.memref_slice %arg16[%dma_start3A_13, %dma_start3A_14] : memref<10240x32xf32, #tpu.memory_space<vmem_shared>> -> memref<10240x32xf32, #tpu.memory_space<vmem_shared>>
    tpu.enqueue_indirect_dma source(%dma_start3A_15 : memref<10240x32xf32, #tpu.memory_space<vmem_shared>>) target(%arg9 : memref<128x32xf32, #tpu.memory_space<vmem>>) offsets(%dma_start3A_12 : memref<128xi32, #tpu.memory_space<vmem>>) semaphore(%arg19 : memref<!tpu.dma_semaphore, #tpu.memory_space<semaphore_mem>>)
    %dma_start3A_16 = arith.constant 2 : i32
    %dma_start3A_17 = arith.constant 0 : i32
    %dma_start3A_18 = tpu.memref_slice %arg6[%dma_start3A_16, %dma_start3A_17] : memref<80x128xi32, #tpu.memory_space<vmem>> -> memref<1x128xi32, #tpu.memory_space<vmem>>
    %dma_start3A_19 = tpu.memref_squeeze %dma_start3A_18 : memref<1x128xi32, #tpu.memory_space<vmem>> -> memref<128xi32, #tpu.memory_space<vmem>>
    %dma_start3A_20 = arith.constant 0 : i32
    %dma_start3A_21 = arith.constant 0 : i32
    %dma_start3A_22 = tpu.memref_slice %arg16[%dma_start3A_20, %dma_start3A_21] : memref<10240x32xf32, #tpu.memory_space<vmem_shared>> -> memref<10240x32xf32, #tpu.memory_space<vmem_shared>>
    tpu.enqueue_indirect_dma source(%dma_start3A_22 : memref<10240x32xf32, #tpu.memory_space<vmem_shared>>) target(%arg10 : memref<128x32xf32, #tpu.memory_space<vmem>>) offsets(%dma_start3A_19 : memref<128xi32, #tpu.memory_space<vmem>>) semaphore(%arg20 : memref<!tpu.dma_semaphore, #tpu.memory_space<semaphore_mem>>)
    %dma_start3A_23 = arith.constant 3 : i32
    %dma_start3A_24 = arith.constant 0 : i32
    %dma_start3A_25 = tpu.memref_slice %arg6[%dma_start3A_23, %dma_start3A_24] : memref<80x128xi32, #tpu.memory_space<vmem>> -> memref<1x128xi32, #tpu.memory_space<vmem>>
    %dma_start3A_26 = tpu.memref_squeeze %dma_start3A_25 : memref<1x128xi32, #tpu.memory_space<vmem>> -> memref<128xi32, #tpu.memory_space<vmem>>
    %dma_start3A_27 = arith.constant 0 : i32
    %dma_start3A_28 = arith.constant 0 : i32
    %dma_start3A_29 = tpu.memref_slice %arg16[%dma_start3A_27, %dma_start3A_28] : memref<10240x32xf32, #tpu.memory_space<vmem_shared>> -> memref<10240x32xf32, #tpu.memory_space<vmem_shared>>
    tpu.enqueue_indirect_dma source(%dma_start3A_29 : memref<10240x32xf32, #tpu.memory_space<vmem_shared>>) target(%arg11 : memref<128x32xf32, #tpu.memory_space<vmem>>) offsets(%dma_start3A_26 : memref<128xi32, #tpu.memory_space<vmem>>) semaphore(%arg21 : memref<!tpu.dma_semaphore, #tpu.memory_space<semaphore_mem>>)
    %dma_start3A_30 = arith.constant 4 : i32
    %dma_start3A_31 = arith.constant 0 : i32
    %dma_start3A_32 = tpu.memref_slice %arg6[%dma_start3A_30, %dma_start3A_31] : memref<80x128xi32, #tpu.memory_space<vmem>> -> memref<1x128xi32, #tpu.memory_space<vmem>>
    %dma_start3A_33 = tpu.memref_squeeze %dma_start3A_32 : memref<1x128xi32, #tpu.memory_space<vmem>> -> memref<128xi32, #tpu.memory_space<vmem>>
    %dma_start3A_34 = arith.constant 0 : i32
    %dma_start3A_35 = arith.constant 0 : i32
    %dma_start3A_36 = tpu.memref_slice %arg16[%dma_start3A_34, %dma_start3A_35] : memref<10240x32xf32, #tpu.memory_space<vmem_shared>> -> memref<10240x32xf32, #tpu.memory_space<vmem_shared>>
    tpu.enqueue_indirect_dma source(%dma_start3A_36 : memref<10240x32xf32, #tpu.memory_space<vmem_shared>>) target(%arg12 : memref<128x32xf32, #tpu.memory_space<vmem>>) offsets(%dma_start3A_33 : memref<128xi32, #tpu.memory_space<vmem>>) semaphore(%arg22 : memref<!tpu.dma_semaphore, #tpu.memory_space<semaphore_mem>>)
    %dma_start3A_37 = arith.constant 5 : i32
    %dma_start3A_38 = arith.constant 0 : i32
    %dma_start3A_39 = tpu.memref_slice %arg6[%dma_start3A_37, %dma_start3A_38] : memref<80x128xi32, #tpu.memory_space<vmem>> -> memref<1x128xi32, #tpu.memory_space<vmem>>
    %dma_start3A_40 = tpu.memref_squeeze %dma_start3A_39 : memref<1x128xi32, #tpu.memory_space<vmem>> -> memref<128xi32, #tpu.memory_space<vmem>>
    %dma_start3A_41 = arith.constant 0 : i32
    %dma_start3A_42 = arith.constant 0 : i32
    %dma_start3A_43 = tpu.memref_slice %arg16[%dma_start3A_41, %dma_start3A_42] : memref<10240x32xf32, #tpu.memory_space<vmem_shared>> -> memref<10240x32xf32, #tpu.memory_space<vmem_shared>>
    tpu.enqueue_indirect_dma source(%dma_start3A_43 : memref<10240x32xf32, #tpu.memory_space<vmem_shared>>) target(%arg13 : memref<128x32xf32, #tpu.memory_space<vmem>>) offsets(%dma_start3A_40 : memref<128xi32, #tpu.memory_space<vmem>>) semaphore(%arg23 : memref<!tpu.dma_semaphore, #tpu.memory_space<semaphore_mem>>)
    %dma_start3A_44 = arith.constant 6 : i32
    %dma_start3A_45 = arith.constant 0 : i32
    %dma_start3A_46 = tpu.memref_slice %arg6[%dma_start3A_44, %dma_start3A_45] : memref<80x128xi32, #tpu.memory_space<vmem>> -> memref<1x128xi32, #tpu.memory_space<vmem>>
    %dma_start3A_47 = tpu.memref_squeeze %dma_start3A_46 : memref<1x128xi32, #tpu.memory_space<vmem>> -> memref<128xi32, #tpu.memory_space<vmem>>
    %dma_start3A_48 = arith.constant 0 : i32
    %dma_start3A_49 = arith.constant 0 : i32
    %dma_start3A_50 = tpu.memref_slice %arg16[%dma_start3A_48, %dma_start3A_49] : memref<10240x32xf32, #tpu.memory_space<vmem_shared>> -> memref<10240x32xf32, #tpu.memory_space<vmem_shared>>
    tpu.enqueue_indirect_dma source(%dma_start3A_50 : memref<10240x32xf32, #tpu.memory_space<vmem_shared>>) target(%arg14 : memref<128x32xf32, #tpu.memory_space<vmem>>) offsets(%dma_start3A_47 : memref<128xi32, #tpu.memory_space<vmem>>) semaphore(%arg24 : memref<!tpu.dma_semaphore, #tpu.memory_space<semaphore_mem>>)
    %dma_start3A_51 = arith.constant 7 : i32
    %dma_start3A_52 = arith.constant 0 : i32
    %dma_start3A_53 = tpu.memref_slice %arg6[%dma_start3A_51, %dma_start3A_52] : memref<80x128xi32, #tpu.memory_space<vmem>> -> memref<1x128xi32, #tpu.memory_space<vmem>>
    %dma_start3A_54 = tpu.memref_squeeze %dma_start3A_53 : memref<1x128xi32, #tpu.memory_space<vmem>> -> memref<128xi32, #tpu.memory_space<vmem>>
    %dma_start3A_55 = arith.constant 0 : i32
    %dma_start3A_56 = arith.constant 0 : i32
    %dma_start3A_57 = tpu.memref_slice %arg16[%dma_start3A_55, %dma_start3A_56] : memref<10240x32xf32, #tpu.memory_space<vmem_shared>> -> memref<10240x32xf32, #tpu.memory_space<vmem_shared>>
    tpu.enqueue_indirect_dma source(%dma_start3A_57 : memref<10240x32xf32, #tpu.memory_space<vmem_shared>>) target(%arg15 : memref<128x32xf32, #tpu.memory_space<vmem>>) offsets(%dma_start3A_54 : memref<128xi32, #tpu.memory_space<vmem>>) semaphore(%arg25 : memref<!tpu.dma_semaphore, #tpu.memory_space<semaphore_mem>>)
    %scan3A = arith.constant 0 : i32
    %scan3A_58 = arith.constant 9 : i32
    %scan3A_59 = arith.addi %scan3A, %scan3A_58 : i32
    %scan3A_60 = arith.constant 1 : i32
    scf.for %scan3A_230 = %scan3A to %scan3A_59 step %scan3A_60  : i32 {
      %mul3A_231 = arith.constant 8 : i32
      %mul3A_232 = arith.muli %scan3A_230, %mul3A_231 : i32
      %add3A_233 = arith.constant 8 : i32
      %add3A_234 = arith.addi %add3A_233, %mul3A_232 : i32
      %sub3A = arith.constant 8 : i32
      %sub3A_235 = arith.subi %add3A_234, %sub3A : i32
      %add3A_236 = arith.constant 0 : i32
      %add3A_237 = arith.addi %sub3A_235, %add3A_236 : i32
      %dma_wait3A_238 = arith.constant 0 : i32
      %dma_wait3A_239 = tpu.memref_slice %arg6[%add3A_237, %dma_wait3A_238] : memref<80x128xi32, #tpu.memory_space<vmem>> -> memref<1x128xi32, #tpu.memory_space<vmem>>
      %dma_wait3A_240 = tpu.memref_squeeze %dma_wait3A_239 : memref<1x128xi32, #tpu.memory_space<vmem>> -> memref<128xi32, #tpu.memory_space<vmem>>
      %dma_wait3A_241 = arith.constant 0 : i32
      %dma_wait3A_242 = arith.constant 0 : i32
      %dma_wait3A_243 = tpu.memref_slice %arg16[%dma_wait3A_241, %dma_wait3A_242] : memref<10240x32xf32, #tpu.memory_space<vmem_shared>> -> memref<10240x32xf32, #tpu.memory_space<vmem_shared>>
      tpu.wait_indirect_dma semaphore(%arg18 : memref<!tpu.dma_semaphore, #tpu.memory_space<semaphore_mem>>) src(%dma_wait3A_243 : memref<10240x32xf32, #tpu.memory_space<vmem_shared>>) dst(%arg8 : memref<128x32xf32, #tpu.memory_space<vmem>>)
      %sub3A_244 = arith.constant 8 : i32
      %sub3A_245 = arith.subi %add3A_234, %sub3A_244 : i32
      %add3A_246 = arith.constant 0 : i32
      %add3A_247 = arith.addi %sub3A_245, %add3A_246 : i32
      %dma_start3A_248 = arith.constant 0 : i32
      %dma_start3A_249 = tpu.memref_slice %arg7[%add3A_247, %dma_start3A_248] : memref<80x128xi32, #tpu.memory_space<vmem>> -> memref<1x128xi32, #tpu.memory_space<vmem>>
      %dma_start3A_250 = tpu.memref_squeeze %dma_start3A_249 : memref<1x128xi32, #tpu.memory_space<vmem>> -> memref<128xi32, #tpu.memory_space<vmem>>
      %dma_start3A_251 = arith.constant 0 : i32
      %dma_start3A_252 = arith.constant 0 : i32
      %dma_start3A_253 = tpu.memref_slice %arg17[%dma_start3A_251, %dma_start3A_252] : memref<10240x32xf32, #tpu.memory_space<vmem_shared>> -> memref<10240x32xf32, #tpu.memory_space<vmem_shared>>
      tpu.enqueue_indirect_dma source(%arg8 : memref<128x32xf32, #tpu.memory_space<vmem>>) target(%dma_start3A_253 : memref<10240x32xf32, #tpu.memory_space<vmem_shared>>) offsets(%dma_start3A_250 : memref<128xi32, #tpu.memory_space<vmem>>) semaphore(%arg26 : memref<!tpu.dma_semaphore, #tpu.memory_space<semaphore_mem>>) {add = true}
      %sub3A_254 = arith.constant 8 : i32
      %sub3A_255 = arith.subi %add3A_234, %sub3A_254 : i32
      %add3A_256 = arith.constant 1 : i32
      %add3A_257 = arith.addi %sub3A_255, %add3A_256 : i32
      %dma_wait3A_258 = arith.constant 0 : i32
      %dma_wait3A_259 = tpu.memref_slice %arg6[%add3A_257, %dma_wait3A_258] : memref<80x128xi32, #tpu.memory_space<vmem>> -> memref<1x128xi32, #tpu.memory_space<vmem>>
      %dma_wait3A_260 = tpu.memref_squeeze %dma_wait3A_259 : memref<1x128xi32, #tpu.memory_space<vmem>> -> memref<128xi32, #tpu.memory_space<vmem>>
      %dma_wait3A_261 = arith.constant 0 : i32
      %dma_wait3A_262 = arith.constant 0 : i32
      %dma_wait3A_263 = tpu.memref_slice %arg16[%dma_wait3A_261, %dma_wait3A_262] : memref<10240x32xf32, #tpu.memory_space<vmem_shared>> -> memref<10240x32xf32, #tpu.memory_space<vmem_shared>>
      tpu.wait_indirect_dma semaphore(%arg19 : memref<!tpu.dma_semaphore, #tpu.memory_space<semaphore_mem>>) src(%dma_wait3A_263 : memref<10240x32xf32, #tpu.memory_space<vmem_shared>>) dst(%arg9 : memref<128x32xf32, #tpu.memory_space<vmem>>)
      %sub3A_264 = arith.constant 8 : i32
      %sub3A_265 = arith.subi %add3A_234, %sub3A_264 : i32
      %add3A_266 = arith.constant 1 : i32
      %add3A_267 = arith.addi %sub3A_265, %add3A_266 : i32
      %dma_start3A_268 = arith.constant 0 : i32
      %dma_start3A_269 = tpu.memref_slice %arg7[%add3A_267, %dma_start3A_268] : memref<80x128xi32, #tpu.memory_space<vmem>> -> memref<1x128xi32, #tpu.memory_space<vmem>>
      %dma_start3A_270 = tpu.memref_squeeze %dma_start3A_269 : memref<1x128xi32, #tpu.memory_space<vmem>> -> memref<128xi32, #tpu.memory_space<vmem>>
      %dma_start3A_271 = arith.constant 0 : i32
      %dma_start3A_272 = arith.constant 0 : i32
      %dma_start3A_273 = tpu.memref_slice %arg17[%dma_start3A_271, %dma_start3A_272] : memref<10240x32xf32, #tpu.memory_space<vmem_shared>> -> memref<10240x32xf32, #tpu.memory_space<vmem_shared>>
      tpu.enqueue_indirect_dma source(%arg9 : memref<128x32xf32, #tpu.memory_space<vmem>>) target(%dma_start3A_273 : memref<10240x32xf32, #tpu.memory_space<vmem_shared>>) offsets(%dma_start3A_270 : memref<128xi32, #tpu.memory_space<vmem>>) semaphore(%arg27 : memref<!tpu.dma_semaphore, #tpu.memory_space<semaphore_mem>>) {add = true}
      %sub3A_274 = arith.constant 8 : i32
      %sub3A_275 = arith.subi %add3A_234, %sub3A_274 : i32
      %add3A_276 = arith.constant 2 : i32
      %add3A_277 = arith.addi %sub3A_275, %add3A_276 : i32
      %dma_wait3A_278 = arith.constant 0 : i32
      %dma_wait3A_279 = tpu.memref_slice %arg6[%add3A_277, %dma_wait3A_278] : memref<80x128xi32, #tpu.memory_space<vmem>> -> memref<1x128xi32, #tpu.memory_space<vmem>>
      %dma_wait3A_280 = tpu.memref_squeeze %dma_wait3A_279 : memref<1x128xi32, #tpu.memory_space<vmem>> -> memref<128xi32, #tpu.memory_space<vmem>>
      %dma_wait3A_281 = arith.constant 0 : i32
      %dma_wait3A_282 = arith.constant 0 : i32
      %dma_wait3A_283 = tpu.memref_slice %arg16[%dma_wait3A_281, %dma_wait3A_282] : memref<10240x32xf32, #tpu.memory_space<vmem_shared>> -> memref<10240x32xf32, #tpu.memory_space<vmem_shared>>
      tpu.wait_indirect_dma semaphore(%arg20 : memref<!tpu.dma_semaphore, #tpu.memory_space<semaphore_mem>>) src(%dma_wait3A_283 : memref<10240x32xf32, #tpu.memory_space<vmem_shared>>) dst(%arg10 : memref<128x32xf32, #tpu.memory_space<vmem>>)
      %sub3A_284 = arith.constant 8 : i32
      %sub3A_285 = arith.subi %add3A_234, %sub3A_284 : i32
      %add3A_286 = arith.constant 2 : i32
      %add3A_287 = arith.addi %sub3A_285, %add3A_286 : i32
      %dma_start3A_288 = arith.constant 0 : i32
      %dma_start3A_289 = tpu.memref_slice %arg7[%add3A_287, %dma_start3A_288] : memref<80x128xi32, #tpu.memory_space<vmem>> -> memref<1x128xi32, #tpu.memory_space<vmem>>
      %dma_start3A_290 = tpu.memref_squeeze %dma_start3A_289 : memref<1x128xi32, #tpu.memory_space<vmem>> -> memref<128xi32, #tpu.memory_space<vmem>>
      %dma_start3A_291 = arith.constant 0 : i32
      %dma_start3A_292 = arith.constant 0 : i32
      %dma_start3A_293 = tpu.memref_slice %arg17[%dma_start3A_291, %dma_start3A_292] : memref<10240x32xf32, #tpu.memory_space<vmem_shared>> -> memref<10240x32xf32, #tpu.memory_space<vmem_shared>>
      tpu.enqueue_indirect_dma source(%arg10 : memref<128x32xf32, #tpu.memory_space<vmem>>) target(%dma_start3A_293 : memref<10240x32xf32, #tpu.memory_space<vmem_shared>>) offsets(%dma_start3A_290 : memref<128xi32, #tpu.memory_space<vmem>>) semaphore(%arg28 : memref<!tpu.dma_semaphore, #tpu.memory_space<semaphore_mem>>) {add = true}
      %sub3A_294 = arith.constant 8 : i32
      %sub3A_295 = arith.subi %add3A_234, %sub3A_294 : i32
      %add3A_296 = arith.constant 3 : i32
      %add3A_297 = arith.addi %sub3A_295, %add3A_296 : i32
      %dma_wait3A_298 = arith.constant 0 : i32
      %dma_wait3A_299 = tpu.memref_slice %arg6[%add3A_297, %dma_wait3A_298] : memref<80x128xi32, #tpu.memory_space<vmem>> -> memref<1x128xi32, #tpu.memory_space<vmem>>
      %dma_wait3A_300 = tpu.memref_squeeze %dma_wait3A_299 : memref<1x128xi32, #tpu.memory_space<vmem>> -> memref<128xi32, #tpu.memory_space<vmem>>
      %dma_wait3A_301 = arith.constant 0 : i32
      %dma_wait3A_302 = arith.constant 0 : i32
      %dma_wait3A_303 = tpu.memref_slice %arg16[%dma_wait3A_301, %dma_wait3A_302] : memref<10240x32xf32, #tpu.memory_space<vmem_shared>> -> memref<10240x32xf32, #tpu.memory_space<vmem_shared>>
      tpu.wait_indirect_dma semaphore(%arg21 : memref<!tpu.dma_semaphore, #tpu.memory_space<semaphore_mem>>) src(%dma_wait3A_303 : memref<10240x32xf32, #tpu.memory_space<vmem_shared>>) dst(%arg11 : memref<128x32xf32, #tpu.memory_space<vmem>>)
      %sub3A_304 = arith.constant 8 : i32
      %sub3A_305 = arith.subi %add3A_234, %sub3A_304 : i32
      %add3A_306 = arith.constant 3 : i32
      %add3A_307 = arith.addi %sub3A_305, %add3A_306 : i32
      %dma_start3A_308 = arith.constant 0 : i32
      %dma_start3A_309 = tpu.memref_slice %arg7[%add3A_307, %dma_start3A_308] : memref<80x128xi32, #tpu.memory_space<vmem>> -> memref<1x128xi32, #tpu.memory_space<vmem>>
      %dma_start3A_310 = tpu.memref_squeeze %dma_start3A_309 : memref<1x128xi32, #tpu.memory_space<vmem>> -> memref<128xi32, #tpu.memory_space<vmem>>
      %dma_start3A_311 = arith.constant 0 : i32
      %dma_start3A_312 = arith.constant 0 : i32
      %dma_start3A_313 = tpu.memref_slice %arg17[%dma_start3A_311, %dma_start3A_312] : memref<10240x32xf32, #tpu.memory_space<vmem_shared>> -> memref<10240x32xf32, #tpu.memory_space<vmem_shared>>
      tpu.enqueue_indirect_dma source(%arg11 : memref<128x32xf32, #tpu.memory_space<vmem>>) target(%dma_start3A_313 : memref<10240x32xf32, #tpu.memory_space<vmem_shared>>) offsets(%dma_start3A_310 : memref<128xi32, #tpu.memory_space<vmem>>) semaphore(%arg29 : memref<!tpu.dma_semaphore, #tpu.memory_space<semaphore_mem>>) {add = true}
      %sub3A_314 = arith.constant 8 : i32
      %sub3A_315 = arith.subi %add3A_234, %sub3A_314 : i32
      %add3A_316 = arith.constant 4 : i32
      %add3A_317 = arith.addi %sub3A_315, %add3A_316 : i32
      %dma_wait3A_318 = arith.constant 0 : i32
      %dma_wait3A_319 = tpu.memref_slice %arg6[%add3A_317, %dma_wait3A_318] : memref<80x128xi32, #tpu.memory_space<vmem>> -> memref<1x128xi32, #tpu.memory_space<vmem>>
      %dma_wait3A_320 = tpu.memref_squeeze %dma_wait3A_319 : memref<1x128xi32, #tpu.memory_space<vmem>> -> memref<128xi32, #tpu.memory_space<vmem>>
      %dma_wait3A_321 = arith.constant 0 : i32
      %dma_wait3A_322 = arith.constant 0 : i32
      %dma_wait3A_323 = tpu.memref_slice %arg16[%dma_wait3A_321, %dma_wait3A_322] : memref<10240x32xf32, #tpu.memory_space<vmem_shared>> -> memref<10240x32xf32, #tpu.memory_space<vmem_shared>>
      tpu.wait_indirect_dma semaphore(%arg22 : memref<!tpu.dma_semaphore, #tpu.memory_space<semaphore_mem>>) src(%dma_wait3A_323 : memref<10240x32xf32, #tpu.memory_space<vmem_shared>>) dst(%arg12 : memref<128x32xf32, #tpu.memory_space<vmem>>)
      %sub3A_324 = arith.constant 8 : i32
      %sub3A_325 = arith.subi %add3A_234, %sub3A_324 : i32
      %add3A_326 = arith.constant 4 : i32
      %add3A_327 = arith.addi %sub3A_325, %add3A_326 : i32
      %dma_start3A_328 = arith.constant 0 : i32
      %dma_start3A_329 = tpu.memref_slice %arg7[%add3A_327, %dma_start3A_328] : memref<80x128xi32, #tpu.memory_space<vmem>> -> memref<1x128xi32, #tpu.memory_space<vmem>>
      %dma_start3A_330 = tpu.memref_squeeze %dma_start3A_329 : memref<1x128xi32, #tpu.memory_space<vmem>> -> memref<128xi32, #tpu.memory_space<vmem>>
      %dma_start3A_331 = arith.constant 0 : i32
      %dma_start3A_332 = arith.constant 0 : i32
      %dma_start3A_333 = tpu.memref_slice %arg17[%dma_start3A_331, %dma_start3A_332] : memref<10240x32xf32, #tpu.memory_space<vmem_shared>> -> memref<10240x32xf32, #tpu.memory_space<vmem_shared>>
      tpu.enqueue_indirect_dma source(%arg12 : memref<128x32xf32, #tpu.memory_space<vmem>>) target(%dma_start3A_333 : memref<10240x32xf32, #tpu.memory_space<vmem_shared>>) offsets(%dma_start3A_330 : memref<128xi32, #tpu.memory_space<vmem>>) semaphore(%arg30 : memref<!tpu.dma_semaphore, #tpu.memory_space<semaphore_mem>>) {add = true}
      %sub3A_334 = arith.constant 8 : i32
      %sub3A_335 = arith.subi %add3A_234, %sub3A_334 : i32
      %add3A_336 = arith.constant 5 : i32
      %add3A_337 = arith.addi %sub3A_335, %add3A_336 : i32
      %dma_wait3A_338 = arith.constant 0 : i32
      %dma_wait3A_339 = tpu.memref_slice %arg6[%add3A_337, %dma_wait3A_338] : memref<80x128xi32, #tpu.memory_space<vmem>> -> memref<1x128xi32, #tpu.memory_space<vmem>>
      %dma_wait3A_340 = tpu.memref_squeeze %dma_wait3A_339 : memref<1x128xi32, #tpu.memory_space<vmem>> -> memref<128xi32, #tpu.memory_space<vmem>>
      %dma_wait3A_341 = arith.constant 0 : i32
      %dma_wait3A_342 = arith.constant 0 : i32
      %dma_wait3A_343 = tpu.memref_slice %arg16[%dma_wait3A_341, %dma_wait3A_342] : memref<10240x32xf32, #tpu.memory_space<vmem_shared>> -> memref<10240x32xf32, #tpu.memory_space<vmem_shared>>
      tpu.wait_indirect_dma semaphore(%arg23 : memref<!tpu.dma_semaphore, #tpu.memory_space<semaphore_mem>>) src(%dma_wait3A_343 : memref<10240x32xf32, #tpu.memory_space<vmem_shared>>) dst(%arg13 : memref<128x32xf32, #tpu.memory_space<vmem>>)
      %sub3A_344 = arith.constant 8 : i32
      %sub3A_345 = arith.subi %add3A_234, %sub3A_344 : i32
      %add3A_346 = arith.constant 5 : i32
      %add3A_347 = arith.addi %sub3A_345, %add3A_346 : i32
      %dma_start3A_348 = arith.constant 0 : i32
      %dma_start3A_349 = tpu.memref_slice %arg7[%add3A_347, %dma_start3A_348] : memref<80x128xi32, #tpu.memory_space<vmem>> -> memref<1x128xi32, #tpu.memory_space<vmem>>
      %dma_start3A_350 = tpu.memref_squeeze %dma_start3A_349 : memref<1x128xi32, #tpu.memory_space<vmem>> -> memref<128xi32, #tpu.memory_space<vmem>>
      %dma_start3A_351 = arith.constant 0 : i32
      %dma_start3A_352 = arith.constant 0 : i32
      %dma_start3A_353 = tpu.memref_slice %arg17[%dma_start3A_351, %dma_start3A_352] : memref<10240x32xf32, #tpu.memory_space<vmem_shared>> -> memref<10240x32xf32, #tpu.memory_space<vmem_shared>>
      tpu.enqueue_indirect_dma source(%arg13 : memref<128x32xf32, #tpu.memory_space<vmem>>) target(%dma_start3A_353 : memref<10240x32xf32, #tpu.memory_space<vmem_shared>>) offsets(%dma_start3A_350 : memref<128xi32, #tpu.memory_space<vmem>>) semaphore(%arg31 : memref<!tpu.dma_semaphore, #tpu.memory_space<semaphore_mem>>) {add = true}
      %sub3A_354 = arith.constant 8 : i32
      %sub3A_355 = arith.subi %add3A_234, %sub3A_354 : i32
      %add3A_356 = arith.constant 6 : i32
      %add3A_357 = arith.addi %sub3A_355, %add3A_356 : i32
      %dma_wait3A_358 = arith.constant 0 : i32
      %dma_wait3A_359 = tpu.memref_slice %arg6[%add3A_357, %dma_wait3A_358] : memref<80x128xi32, #tpu.memory_space<vmem>> -> memref<1x128xi32, #tpu.memory_space<vmem>>
      %dma_wait3A_360 = tpu.memref_squeeze %dma_wait3A_359 : memref<1x128xi32, #tpu.memory_space<vmem>> -> memref<128xi32, #tpu.memory_space<vmem>>
      %dma_wait3A_361 = arith.constant 0 : i32
      %dma_wait3A_362 = arith.constant 0 : i32
      %dma_wait3A_363 = tpu.memref_slice %arg16[%dma_wait3A_361, %dma_wait3A_362] : memref<10240x32xf32, #tpu.memory_space<vmem_shared>> -> memref<10240x32xf32, #tpu.memory_space<vmem_shared>>
      tpu.wait_indirect_dma semaphore(%arg24 : memref<!tpu.dma_semaphore, #tpu.memory_space<semaphore_mem>>) src(%dma_wait3A_363 : memref<10240x32xf32, #tpu.memory_space<vmem_shared>>) dst(%arg14 : memref<128x32xf32, #tpu.memory_space<vmem>>)
      %sub3A_364 = arith.constant 8 : i32
      %sub3A_365 = arith.subi %add3A_234, %sub3A_364 : i32
      %add3A_366 = arith.constant 6 : i32
      %add3A_367 = arith.addi %sub3A_365, %add3A_366 : i32
      %dma_start3A_368 = arith.constant 0 : i32
      %dma_start3A_369 = tpu.memref_slice %arg7[%add3A_367, %dma_start3A_368] : memref<80x128xi32, #tpu.memory_space<vmem>> -> memref<1x128xi32, #tpu.memory_space<vmem>>
      %dma_start3A_370 = tpu.memref_squeeze %dma_start3A_369 : memref<1x128xi32, #tpu.memory_space<vmem>> -> memref<128xi32, #tpu.memory_space<vmem>>
      %dma_start3A_371 = arith.constant 0 : i32
      %dma_start3A_372 = arith.constant 0 : i32
      %dma_start3A_373 = tpu.memref_slice %arg17[%dma_start3A_371, %dma_start3A_372] : memref<10240x32xf32, #tpu.memory_space<vmem_shared>> -> memref<10240x32xf32, #tpu.memory_space<vmem_shared>>
      tpu.enqueue_indirect_dma source(%arg14 : memref<128x32xf32, #tpu.memory_space<vmem>>) target(%dma_start3A_373 : memref<10240x32xf32, #tpu.memory_space<vmem_shared>>) offsets(%dma_start3A_370 : memref<128xi32, #tpu.memory_space<vmem>>) semaphore(%arg32 : memref<!tpu.dma_semaphore, #tpu.memory_space<semaphore_mem>>) {add = true}
      %sub3A_374 = arith.constant 8 : i32
      %sub3A_375 = arith.subi %add3A_234, %sub3A_374 : i32
      %add3A_376 = arith.constant 7 : i32
      %add3A_377 = arith.addi %sub3A_375, %add3A_376 : i32
      %dma_wait3A_378 = arith.constant 0 : i32
      %dma_wait3A_379 = tpu.memref_slice %arg6[%add3A_377, %dma_wait3A_378] : memref<80x128xi32, #tpu.memory_space<vmem>> -> memref<1x128xi32, #tpu.memory_space<vmem>>
      %dma_wait3A_380 = tpu.memref_squeeze %dma_wait3A_379 : memref<1x128xi32, #tpu.memory_space<vmem>> -> memref<128xi32, #tpu.memory_space<vmem>>
      %dma_wait3A_381 = arith.constant 0 : i32
      %dma_wait3A_382 = arith.constant 0 : i32
      %dma_wait3A_383 = tpu.memref_slice %arg16[%dma_wait3A_381, %dma_wait3A_382] : memref<10240x32xf32, #tpu.memory_space<vmem_shared>> -> memref<10240x32xf32, #tpu.memory_space<vmem_shared>>
      tpu.wait_indirect_dma semaphore(%arg25 : memref<!tpu.dma_semaphore, #tpu.memory_space<semaphore_mem>>) src(%dma_wait3A_383 : memref<10240x32xf32, #tpu.memory_space<vmem_shared>>) dst(%arg15 : memref<128x32xf32, #tpu.memory_space<vmem>>)
      %sub3A_384 = arith.constant 8 : i32
      %sub3A_385 = arith.subi %add3A_234, %sub3A_384 : i32
      %add3A_386 = arith.constant 7 : i32
      %add3A_387 = arith.addi %sub3A_385, %add3A_386 : i32
      %dma_start3A_388 = arith.constant 0 : i32
      %dma_start3A_389 = tpu.memref_slice %arg7[%add3A_387, %dma_start3A_388] : memref<80x128xi32, #tpu.memory_space<vmem>> -> memref<1x128xi32, #tpu.memory_space<vmem>>
      %dma_start3A_390 = tpu.memref_squeeze %dma_start3A_389 : memref<1x128xi32, #tpu.memory_space<vmem>> -> memref<128xi32, #tpu.memory_space<vmem>>
      %dma_start3A_391 = arith.constant 0 : i32
      %dma_start3A_392 = arith.constant 0 : i32
      %dma_start3A_393 = tpu.memref_slice %arg17[%dma_start3A_391, %dma_start3A_392] : memref<10240x32xf32, #tpu.memory_space<vmem_shared>> -> memref<10240x32xf32, #tpu.memory_space<vmem_shared>>
      tpu.enqueue_indirect_dma source(%arg15 : memref<128x32xf32, #tpu.memory_space<vmem>>) target(%dma_start3A_393 : memref<10240x32xf32, #tpu.memory_space<vmem_shared>>) offsets(%dma_start3A_390 : memref<128xi32, #tpu.memory_space<vmem>>) semaphore(%arg33 : memref<!tpu.dma_semaphore, #tpu.memory_space<semaphore_mem>>) {add = true}
      %sub3A_394 = arith.constant 8 : i32
      %sub3A_395 = arith.subi %add3A_234, %sub3A_394 : i32
      %add3A_396 = arith.constant 0 : i32
      %add3A_397 = arith.addi %sub3A_395, %add3A_396 : i32
      %dma_wait3A_398 = arith.constant 0 : i32
      %dma_wait3A_399 = tpu.memref_slice %arg7[%add3A_397, %dma_wait3A_398] : memref<80x128xi32, #tpu.memory_space<vmem>> -> memref<1x128xi32, #tpu.memory_space<vmem>>
      %dma_wait3A_400 = tpu.memref_squeeze %dma_wait3A_399 : memref<1x128xi32, #tpu.memory_space<vmem>> -> memref<128xi32, #tpu.memory_space<vmem>>
      %dma_wait3A_401 = arith.constant 0 : i32
      %dma_wait3A_402 = arith.constant 0 : i32
      %dma_wait3A_403 = tpu.memref_slice %arg17[%dma_wait3A_401, %dma_wait3A_402] : memref<10240x32xf32, #tpu.memory_space<vmem_shared>> -> memref<10240x32xf32, #tpu.memory_space<vmem_shared>>
      tpu.wait_indirect_dma semaphore(%arg26 : memref<!tpu.dma_semaphore, #tpu.memory_space<semaphore_mem>>) src(%arg8 : memref<128x32xf32, #tpu.memory_space<vmem>>) dst(%dma_wait3A_403 : memref<10240x32xf32, #tpu.memory_space<vmem_shared>>)
      %add3A_404 = arith.constant 0 : i32
      %add3A_405 = arith.addi %add3A_234, %add3A_404 : i32
      %dma_start3A_406 = arith.constant 0 : i32
      %dma_start3A_407 = tpu.memref_slice %arg6[%add3A_405, %dma_start3A_406] : memref<80x128xi32, #tpu.memory_space<vmem>> -> memref<1x128xi32, #tpu.memory_space<vmem>>
      %dma_start3A_408 = tpu.memref_squeeze %dma_start3A_407 : memref<1x128xi32, #tpu.memory_space<vmem>> -> memref<128xi32, #tpu.memory_space<vmem>>
      %dma_start3A_409 = arith.constant 0 : i32
      %dma_start3A_410 = arith.constant 0 : i32
      %dma_start3A_411 = tpu.memref_slice %arg16[%dma_start3A_409, %dma_start3A_410] : memref<10240x32xf32, #tpu.memory_space<vmem_shared>> -> memref<10240x32xf32, #tpu.memory_space<vmem_shared>>
      tpu.enqueue_indirect_dma source(%dma_start3A_411 : memref<10240x32xf32, #tpu.memory_space<vmem_shared>>) target(%arg8 : memref<128x32xf32, #tpu.memory_space<vmem>>) offsets(%dma_start3A_408 : memref<128xi32, #tpu.memory_space<vmem>>) semaphore(%arg18 : memref<!tpu.dma_semaphore, #tpu.memory_space<semaphore_mem>>)
      %sub3A_412 = arith.constant 8 : i32
      %sub3A_413 = arith.subi %add3A_234, %sub3A_412 : i32
      %add3A_414 = arith.constant 1 : i32
      %add3A_415 = arith.addi %sub3A_413, %add3A_414 : i32
      %dma_wait3A_416 = arith.constant 0 : i32
      %dma_wait3A_417 = tpu.memref_slice %arg7[%add3A_415, %dma_wait3A_416] : memref<80x128xi32, #tpu.memory_space<vmem>> -> memref<1x128xi32, #tpu.memory_space<vmem>>
      %dma_wait3A_418 = tpu.memref_squeeze %dma_wait3A_417 : memref<1x128xi32, #tpu.memory_space<vmem>> -> memref<128xi32, #tpu.memory_space<vmem>>
      %dma_wait3A_419 = arith.constant 0 : i32
      %dma_wait3A_420 = arith.constant 0 : i32
      %dma_wait3A_421 = tpu.memref_slice %arg17[%dma_wait3A_419, %dma_wait3A_420] : memref<10240x32xf32, #tpu.memory_space<vmem_shared>> -> memref<10240x32xf32, #tpu.memory_space<vmem_shared>>
      tpu.wait_indirect_dma semaphore(%arg27 : memref<!tpu.dma_semaphore, #tpu.memory_space<semaphore_mem>>) src(%arg9 : memref<128x32xf32, #tpu.memory_space<vmem>>) dst(%dma_wait3A_421 : memref<10240x32xf32, #tpu.memory_space<vmem_shared>>)
      %add3A_422 = arith.constant 1 : i32
      %add3A_423 = arith.addi %add3A_234, %add3A_422 : i32
      %dma_start3A_424 = arith.constant 0 : i32
      %dma_start3A_425 = tpu.memref_slice %arg6[%add3A_423, %dma_start3A_424] : memref<80x128xi32, #tpu.memory_space<vmem>> -> memref<1x128xi32, #tpu.memory_space<vmem>>
      %dma_start3A_426 = tpu.memref_squeeze %dma_start3A_425 : memref<1x128xi32, #tpu.memory_space<vmem>> -> memref<128xi32, #tpu.memory_space<vmem>>
      %dma_start3A_427 = arith.constant 0 : i32
      %dma_start3A_428 = arith.constant 0 : i32
      %dma_start3A_429 = tpu.memref_slice %arg16[%dma_start3A_427, %dma_start3A_428] : memref<10240x32xf32, #tpu.memory_space<vmem_shared>> -> memref<10240x32xf32, #tpu.memory_space<vmem_shared>>
      tpu.enqueue_indirect_dma source(%dma_start3A_429 : memref<10240x32xf32, #tpu.memory_space<vmem_shared>>) target(%arg9 : memref<128x32xf32, #tpu.memory_space<vmem>>) offsets(%dma_start3A_426 : memref<128xi32, #tpu.memory_space<vmem>>) semaphore(%arg19 : memref<!tpu.dma_semaphore, #tpu.memory_space<semaphore_mem>>)
      %sub3A_430 = arith.constant 8 : i32
      %sub3A_431 = arith.subi %add3A_234, %sub3A_430 : i32
      %add3A_432 = arith.constant 2 : i32
      %add3A_433 = arith.addi %sub3A_431, %add3A_432 : i32
      %dma_wait3A_434 = arith.constant 0 : i32
      %dma_wait3A_435 = tpu.memref_slice %arg7[%add3A_433, %dma_wait3A_434] : memref<80x128xi32, #tpu.memory_space<vmem>> -> memref<1x128xi32, #tpu.memory_space<vmem>>
      %dma_wait3A_436 = tpu.memref_squeeze %dma_wait3A_435 : memref<1x128xi32, #tpu.memory_space<vmem>> -> memref<128xi32, #tpu.memory_space<vmem>>
      %dma_wait3A_437 = arith.constant 0 : i32
      %dma_wait3A_438 = arith.constant 0 : i32
      %dma_wait3A_439 = tpu.memref_slice %arg17[%dma_wait3A_437, %dma_wait3A_438] : memref<10240x32xf32, #tpu.memory_space<vmem_shared>> -> memref<10240x32xf32, #tpu.memory_space<vmem_shared>>
      tpu.wait_indirect_dma semaphore(%arg28 : memref<!tpu.dma_semaphore, #tpu.memory_space<semaphore_mem>>) src(%arg10 : memref<128x32xf32, #tpu.memory_space<vmem>>) dst(%dma_wait3A_439 : memref<10240x32xf32, #tpu.memory_space<vmem_shared>>)
      %add3A_440 = arith.constant 2 : i32
      %add3A_441 = arith.addi %add3A_234, %add3A_440 : i32
      %dma_start3A_442 = arith.constant 0 : i32
      %dma_start3A_443 = tpu.memref_slice %arg6[%add3A_441, %dma_start3A_442] : memref<80x128xi32, #tpu.memory_space<vmem>> -> memref<1x128xi32, #tpu.memory_space<vmem>>
      %dma_start3A_444 = tpu.memref_squeeze %dma_start3A_443 : memref<1x128xi32, #tpu.memory_space<vmem>> -> memref<128xi32, #tpu.memory_space<vmem>>
      %dma_start3A_445 = arith.constant 0 : i32
      %dma_start3A_446 = arith.constant 0 : i32
      %dma_start3A_447 = tpu.memref_slice %arg16[%dma_start3A_445, %dma_start3A_446] : memref<10240x32xf32, #tpu.memory_space<vmem_shared>> -> memref<10240x32xf32, #tpu.memory_space<vmem_shared>>
      tpu.enqueue_indirect_dma source(%dma_start3A_447 : memref<10240x32xf32, #tpu.memory_space<vmem_shared>>) target(%arg10 : memref<128x32xf32, #tpu.memory_space<vmem>>) offsets(%dma_start3A_444 : memref<128xi32, #tpu.memory_space<vmem>>) semaphore(%arg20 : memref<!tpu.dma_semaphore, #tpu.memory_space<semaphore_mem>>)
      %sub3A_448 = arith.constant 8 : i32
      %sub3A_449 = arith.subi %add3A_234, %sub3A_448 : i32
      %add3A_450 = arith.constant 3 : i32
      %add3A_451 = arith.addi %sub3A_449, %add3A_450 : i32
      %dma_wait3A_452 = arith.constant 0 : i32
      %dma_wait3A_453 = tpu.memref_slice %arg7[%add3A_451, %dma_wait3A_452] : memref<80x128xi32, #tpu.memory_space<vmem>> -> memref<1x128xi32, #tpu.memory_space<vmem>>
      %dma_wait3A_454 = tpu.memref_squeeze %dma_wait3A_453 : memref<1x128xi32, #tpu.memory_space<vmem>> -> memref<128xi32, #tpu.memory_space<vmem>>
      %dma_wait3A_455 = arith.constant 0 : i32
      %dma_wait3A_456 = arith.constant 0 : i32
      %dma_wait3A_457 = tpu.memref_slice %arg17[%dma_wait3A_455, %dma_wait3A_456] : memref<10240x32xf32, #tpu.memory_space<vmem_shared>> -> memref<10240x32xf32, #tpu.memory_space<vmem_shared>>
      tpu.wait_indirect_dma semaphore(%arg29 : memref<!tpu.dma_semaphore, #tpu.memory_space<semaphore_mem>>) src(%arg11 : memref<128x32xf32, #tpu.memory_space<vmem>>) dst(%dma_wait3A_457 : memref<10240x32xf32, #tpu.memory_space<vmem_shared>>)
      %add3A_458 = arith.constant 3 : i32
      %add3A_459 = arith.addi %add3A_234, %add3A_458 : i32
      %dma_start3A_460 = arith.constant 0 : i32
      %dma_start3A_461 = tpu.memref_slice %arg6[%add3A_459, %dma_start3A_460] : memref<80x128xi32, #tpu.memory_space<vmem>> -> memref<1x128xi32, #tpu.memory_space<vmem>>
      %dma_start3A_462 = tpu.memref_squeeze %dma_start3A_461 : memref<1x128xi32, #tpu.memory_space<vmem>> -> memref<128xi32, #tpu.memory_space<vmem>>
      %dma_start3A_463 = arith.constant 0 : i32
      %dma_start3A_464 = arith.constant 0 : i32
      %dma_start3A_465 = tpu.memref_slice %arg16[%dma_start3A_463, %dma_start3A_464] : memref<10240x32xf32, #tpu.memory_space<vmem_shared>> -> memref<10240x32xf32, #tpu.memory_space<vmem_shared>>
      tpu.enqueue_indirect_dma source(%dma_start3A_465 : memref<10240x32xf32, #tpu.memory_space<vmem_shared>>) target(%arg11 : memref<128x32xf32, #tpu.memory_space<vmem>>) offsets(%dma_start3A_462 : memref<128xi32, #tpu.memory_space<vmem>>) semaphore(%arg21 : memref<!tpu.dma_semaphore, #tpu.memory_space<semaphore_mem>>)
      %sub3A_466 = arith.constant 8 : i32
      %sub3A_467 = arith.subi %add3A_234, %sub3A_466 : i32
      %add3A_468 = arith.constant 4 : i32
      %add3A_469 = arith.addi %sub3A_467, %add3A_468 : i32
      %dma_wait3A_470 = arith.constant 0 : i32
      %dma_wait3A_471 = tpu.memref_slice %arg7[%add3A_469, %dma_wait3A_470] : memref<80x128xi32, #tpu.memory_space<vmem>> -> memref<1x128xi32, #tpu.memory_space<vmem>>
      %dma_wait3A_472 = tpu.memref_squeeze %dma_wait3A_471 : memref<1x128xi32, #tpu.memory_space<vmem>> -> memref<128xi32, #tpu.memory_space<vmem>>
      %dma_wait3A_473 = arith.constant 0 : i32
      %dma_wait3A_474 = arith.constant 0 : i32
      %dma_wait3A_475 = tpu.memref_slice %arg17[%dma_wait3A_473, %dma_wait3A_474] : memref<10240x32xf32, #tpu.memory_space<vmem_shared>> -> memref<10240x32xf32, #tpu.memory_space<vmem_shared>>
      tpu.wait_indirect_dma semaphore(%arg30 : memref<!tpu.dma_semaphore, #tpu.memory_space<semaphore_mem>>) src(%arg12 : memref<128x32xf32, #tpu.memory_space<vmem>>) dst(%dma_wait3A_475 : memref<10240x32xf32, #tpu.memory_space<vmem_shared>>)
      %add3A_476 = arith.constant 4 : i32
      %add3A_477 = arith.addi %add3A_234, %add3A_476 : i32
      %dma_start3A_478 = arith.constant 0 : i32
      %dma_start3A_479 = tpu.memref_slice %arg6[%add3A_477, %dma_start3A_478] : memref<80x128xi32, #tpu.memory_space<vmem>> -> memref<1x128xi32, #tpu.memory_space<vmem>>
      %dma_start3A_480 = tpu.memref_squeeze %dma_start3A_479 : memref<1x128xi32, #tpu.memory_space<vmem>> -> memref<128xi32, #tpu.memory_space<vmem>>
      %dma_start3A_481 = arith.constant 0 : i32
      %dma_start3A_482 = arith.constant 0 : i32
      %dma_start3A_483 = tpu.memref_slice %arg16[%dma_start3A_481, %dma_start3A_482] : memref<10240x32xf32, #tpu.memory_space<vmem_shared>> -> memref<10240x32xf32, #tpu.memory_space<vmem_shared>>
      tpu.enqueue_indirect_dma source(%dma_start3A_483 : memref<10240x32xf32, #tpu.memory_space<vmem_shared>>) target(%arg12 : memref<128x32xf32, #tpu.memory_space<vmem>>) offsets(%dma_start3A_480 : memref<128xi32, #tpu.memory_space<vmem>>) semaphore(%arg22 : memref<!tpu.dma_semaphore, #tpu.memory_space<semaphore_mem>>)
      %sub3A_484 = arith.constant 8 : i32
      %sub3A_485 = arith.subi %add3A_234, %sub3A_484 : i32
      %add3A_486 = arith.constant 5 : i32
      %add3A_487 = arith.addi %sub3A_485, %add3A_486 : i32
      %dma_wait3A_488 = arith.constant 0 : i32
      %dma_wait3A_489 = tpu.memref_slice %arg7[%add3A_487, %dma_wait3A_488] : memref<80x128xi32, #tpu.memory_space<vmem>> -> memref<1x128xi32, #tpu.memory_space<vmem>>
      %dma_wait3A_490 = tpu.memref_squeeze %dma_wait3A_489 : memref<1x128xi32, #tpu.memory_space<vmem>> -> memref<128xi32, #tpu.memory_space<vmem>>
      %dma_wait3A_491 = arith.constant 0 : i32
      %dma_wait3A_492 = arith.constant 0 : i32
      %dma_wait3A_493 = tpu.memref_slice %arg17[%dma_wait3A_491, %dma_wait3A_492] : memref<10240x32xf32, #tpu.memory_space<vmem_shared>> -> memref<10240x32xf32, #tpu.memory_space<vmem_shared>>
      tpu.wait_indirect_dma semaphore(%arg31 : memref<!tpu.dma_semaphore, #tpu.memory_space<semaphore_mem>>) src(%arg13 : memref<128x32xf32, #tpu.memory_space<vmem>>) dst(%dma_wait3A_493 : memref<10240x32xf32, #tpu.memory_space<vmem_shared>>)
      %add3A_494 = arith.constant 5 : i32
      %add3A_495 = arith.addi %add3A_234, %add3A_494 : i32
      %dma_start3A_496 = arith.constant 0 : i32
      %dma_start3A_497 = tpu.memref_slice %arg6[%add3A_495, %dma_start3A_496] : memref<80x128xi32, #tpu.memory_space<vmem>> -> memref<1x128xi32, #tpu.memory_space<vmem>>
      %dma_start3A_498 = tpu.memref_squeeze %dma_start3A_497 : memref<1x128xi32, #tpu.memory_space<vmem>> -> memref<128xi32, #tpu.memory_space<vmem>>
      %dma_start3A_499 = arith.constant 0 : i32
      %dma_start3A_500 = arith.constant 0 : i32
      %dma_start3A_501 = tpu.memref_slice %arg16[%dma_start3A_499, %dma_start3A_500] : memref<10240x32xf32, #tpu.memory_space<vmem_shared>> -> memref<10240x32xf32, #tpu.memory_space<vmem_shared>>
      tpu.enqueue_indirect_dma source(%dma_start3A_501 : memref<10240x32xf32, #tpu.memory_space<vmem_shared>>) target(%arg13 : memref<128x32xf32, #tpu.memory_space<vmem>>) offsets(%dma_start3A_498 : memref<128xi32, #tpu.memory_space<vmem>>) semaphore(%arg23 : memref<!tpu.dma_semaphore, #tpu.memory_space<semaphore_mem>>)
      %sub3A_502 = arith.constant 8 : i32
      %sub3A_503 = arith.subi %add3A_234, %sub3A_502 : i32
      %add3A_504 = arith.constant 6 : i32
      %add3A_505 = arith.addi %sub3A_503, %add3A_504 : i32
      %dma_wait3A_506 = arith.constant 0 : i32
      %dma_wait3A_507 = tpu.memref_slice %arg7[%add3A_505, %dma_wait3A_506] : memref<80x128xi32, #tpu.memory_space<vmem>> -> memref<1x128xi32, #tpu.memory_space<vmem>>
      %dma_wait3A_508 = tpu.memref_squeeze %dma_wait3A_507 : memref<1x128xi32, #tpu.memory_space<vmem>> -> memref<128xi32, #tpu.memory_space<vmem>>
      %dma_wait3A_509 = arith.constant 0 : i32
      %dma_wait3A_510 = arith.constant 0 : i32
      %dma_wait3A_511 = tpu.memref_slice %arg17[%dma_wait3A_509, %dma_wait3A_510] : memref<10240x32xf32, #tpu.memory_space<vmem_shared>> -> memref<10240x32xf32, #tpu.memory_space<vmem_shared>>
      tpu.wait_indirect_dma semaphore(%arg32 : memref<!tpu.dma_semaphore, #tpu.memory_space<semaphore_mem>>) src(%arg14 : memref<128x32xf32, #tpu.memory_space<vmem>>) dst(%dma_wait3A_511 : memref<10240x32xf32, #tpu.memory_space<vmem_shared>>)
      %add3A_512 = arith.constant 6 : i32
      %add3A_513 = arith.addi %add3A_234, %add3A_512 : i32
      %dma_start3A_514 = arith.constant 0 : i32
      %dma_start3A_515 = tpu.memref_slice %arg6[%add3A_513, %dma_start3A_514] : memref<80x128xi32, #tpu.memory_space<vmem>> -> memref<1x128xi32, #tpu.memory_space<vmem>>
      %dma_start3A_516 = tpu.memref_squeeze %dma_start3A_515 : memref<1x128xi32, #tpu.memory_space<vmem>> -> memref<128xi32, #tpu.memory_space<vmem>>
      %dma_start3A_517 = arith.constant 0 : i32
      %dma_start3A_518 = arith.constant 0 : i32
      %dma_start3A_519 = tpu.memref_slice %arg16[%dma_start3A_517, %dma_start3A_518] : memref<10240x32xf32, #tpu.memory_space<vmem_shared>> -> memref<10240x32xf32, #tpu.memory_space<vmem_shared>>
      tpu.enqueue_indirect_dma source(%dma_start3A_519 : memref<10240x32xf32, #tpu.memory_space<vmem_shared>>) target(%arg14 : memref<128x32xf32, #tpu.memory_space<vmem>>) offsets(%dma_start3A_516 : memref<128xi32, #tpu.memory_space<vmem>>) semaphore(%arg24 : memref<!tpu.dma_semaphore, #tpu.memory_space<semaphore_mem>>)
      %sub3A_520 = arith.constant 8 : i32
      %sub3A_521 = arith.subi %add3A_234, %sub3A_520 : i32
      %add3A_522 = arith.constant 7 : i32
      %add3A_523 = arith.addi %sub3A_521, %add3A_522 : i32
      %dma_wait3A_524 = arith.constant 0 : i32
      %dma_wait3A_525 = tpu.memref_slice %arg7[%add3A_523, %dma_wait3A_524] : memref<80x128xi32, #tpu.memory_space<vmem>> -> memref<1x128xi32, #tpu.memory_space<vmem>>
      %dma_wait3A_526 = tpu.memref_squeeze %dma_wait3A_525 : memref<1x128xi32, #tpu.memory_space<vmem>> -> memref<128xi32, #tpu.memory_space<vmem>>
      %dma_wait3A_527 = arith.constant 0 : i32
      %dma_wait3A_528 = arith.constant 0 : i32
      %dma_wait3A_529 = tpu.memref_slice %arg17[%dma_wait3A_527, %dma_wait3A_528] : memref<10240x32xf32, #tpu.memory_space<vmem_shared>> -> memref<10240x32xf32, #tpu.memory_space<vmem_shared>>
      tpu.wait_indirect_dma semaphore(%arg33 : memref<!tpu.dma_semaphore, #tpu.memory_space<semaphore_mem>>) src(%arg15 : memref<128x32xf32, #tpu.memory_space<vmem>>) dst(%dma_wait3A_529 : memref<10240x32xf32, #tpu.memory_space<vmem_shared>>)
      %add3A_530 = arith.constant 7 : i32
      %add3A_531 = arith.addi %add3A_234, %add3A_530 : i32
      %dma_start3A_532 = arith.constant 0 : i32
      %dma_start3A_533 = tpu.memref_slice %arg6[%add3A_531, %dma_start3A_532] : memref<80x128xi32, #tpu.memory_space<vmem>> -> memref<1x128xi32, #tpu.memory_space<vmem>>
      %dma_start3A_534 = tpu.memref_squeeze %dma_start3A_533 : memref<1x128xi32, #tpu.memory_space<vmem>> -> memref<128xi32, #tpu.memory_space<vmem>>
      %dma_start3A_535 = arith.constant 0 : i32
      %dma_start3A_536 = arith.constant 0 : i32
      %dma_start3A_537 = tpu.memref_slice %arg16[%dma_start3A_535, %dma_start3A_536] : memref<10240x32xf32, #tpu.memory_space<vmem_shared>> -> memref<10240x32xf32, #tpu.memory_space<vmem_shared>>
      tpu.enqueue_indirect_dma source(%dma_start3A_537 : memref<10240x32xf32, #tpu.memory_space<vmem_shared>>) target(%arg15 : memref<128x32xf32, #tpu.memory_space<vmem>>) offsets(%dma_start3A_534 : memref<128xi32, #tpu.memory_space<vmem>>) semaphore(%arg25 : memref<!tpu.dma_semaphore, #tpu.memory_space<semaphore_mem>>)
    }
    %scan3A_61 = arith.constant 9 : i32
    %dma_wait3A = arith.constant 72 : i32
    %dma_wait3A_62 = arith.constant 0 : i32
    %dma_wait3A_63 = tpu.memref_slice %arg6[%dma_wait3A, %dma_wait3A_62] : memref<80x128xi32, #tpu.memory_space<vmem>> -> memref<1x128xi32, #tpu.memory_space<vmem>>
    %dma_wait3A_64 = tpu.memref_squeeze %dma_wait3A_63 : memref<1x128xi32, #tpu.memory_space<vmem>> -> memref<128xi32, #tpu.memory_space<vmem>>
    %dma_wait3A_65 = arith.constant 0 : i32
    %dma_wait3A_66 = arith.constant 0 : i32
    %dma_wait3A_67 = tpu.memref_slice %arg16[%dma_wait3A_65, %dma_wait3A_66] : memref<10240x32xf32, #tpu.memory_space<vmem_shared>> -> memref<10240x32xf32, #tpu.memory_space<vmem_shared>>
    tpu.wait_indirect_dma semaphore(%arg18 : memref<!tpu.dma_semaphore, #tpu.memory_space<semaphore_mem>>) src(%dma_wait3A_67 : memref<10240x32xf32, #tpu.memory_space<vmem_shared>>) dst(%arg8 : memref<128x32xf32, #tpu.memory_space<vmem>>)
    %dma_start3A_68 = arith.constant 72 : i32
    %dma_start3A_69 = arith.constant 0 : i32
    %dma_start3A_70 = tpu.memref_slice %arg7[%dma_start3A_68, %dma_start3A_69] : memref<80x128xi32, #tpu.memory_space<vmem>> -> memref<1x128xi32, #tpu.memory_space<vmem>>
    %dma_start3A_71 = tpu.memref_squeeze %dma_start3A_70 : memref<1x128xi32, #tpu.memory_space<vmem>> -> memref<128xi32, #tpu.memory_space<vmem>>
    %dma_start3A_72 = arith.constant 0 : i32
    %dma_start3A_73 = arith.constant 0 : i32
    %dma_start3A_74 = tpu.memref_slice %arg17[%dma_start3A_72, %dma_start3A_73] : memref<10240x32xf32, #tpu.memory_space<vmem_shared>> -> memref<10240x32xf32, #tpu.memory_space<vmem_shared>>
    tpu.enqueue_indirect_dma source(%arg8 : memref<128x32xf32, #tpu.memory_space<vmem>>) target(%dma_start3A_74 : memref<10240x32xf32, #tpu.memory_space<vmem_shared>>) offsets(%dma_start3A_71 : memref<128xi32, #tpu.memory_space<vmem>>) semaphore(%arg26 : memref<!tpu.dma_semaphore, #tpu.memory_space<semaphore_mem>>) {add = true}
    %dma_wait3A_75 = arith.constant 73 : i32
    %dma_wait3A_76 = arith.constant 0 : i32
    %dma_wait3A_77 = tpu.memref_slice %arg6[%dma_wait3A_75, %dma_wait3A_76] : memref<80x128xi32, #tpu.memory_space<vmem>> -> memref<1x128xi32, #tpu.memory_space<vmem>>
    %dma_wait3A_78 = tpu.memref_squeeze %dma_wait3A_77 : memref<1x128xi32, #tpu.memory_space<vmem>> -> memref<128xi32, #tpu.memory_space<vmem>>
    %dma_wait3A_79 = arith.constant 0 : i32
    %dma_wait3A_80 = arith.constant 0 : i32
    %dma_wait3A_81 = tpu.memref_slice %arg16[%dma_wait3A_79, %dma_wait3A_80] : memref<10240x32xf32, #tpu.memory_space<vmem_shared>> -> memref<10240x32xf32, #tpu.memory_space<vmem_shared>>
    tpu.wait_indirect_dma semaphore(%arg19 : memref<!tpu.dma_semaphore, #tpu.memory_space<semaphore_mem>>) src(%dma_wait3A_81 : memref<10240x32xf32, #tpu.memory_space<vmem_shared>>) dst(%arg9 : memref<128x32xf32, #tpu.memory_space<vmem>>)
    %dma_start3A_82 = arith.constant 73 : i32
    %dma_start3A_83 = arith.constant 0 : i32
    %dma_start3A_84 = tpu.memref_slice %arg7[%dma_start3A_82, %dma_start3A_83] : memref<80x128xi32, #tpu.memory_space<vmem>> -> memref<1x128xi32, #tpu.memory_space<vmem>>
    %dma_start3A_85 = tpu.memref_squeeze %dma_start3A_84 : memref<1x128xi32, #tpu.memory_space<vmem>> -> memref<128xi32, #tpu.memory_space<vmem>>
    %dma_start3A_86 = arith.constant 0 : i32
    %dma_start3A_87 = arith.constant 0 : i32
    %dma_start3A_88 = tpu.memref_slice %arg17[%dma_start3A_86, %dma_start3A_87] : memref<10240x32xf32, #tpu.memory_space<vmem_shared>> -> memref<10240x32xf32, #tpu.memory_space<vmem_shared>>
    tpu.enqueue_indirect_dma source(%arg9 : memref<128x32xf32, #tpu.memory_space<vmem>>) target(%dma_start3A_88 : memref<10240x32xf32, #tpu.memory_space<vmem_shared>>) offsets(%dma_start3A_85 : memref<128xi32, #tpu.memory_space<vmem>>) semaphore(%arg27 : memref<!tpu.dma_semaphore, #tpu.memory_space<semaphore_mem>>) {add = true}
    %dma_wait3A_89 = arith.constant 74 : i32
    %dma_wait3A_90 = arith.constant 0 : i32
    %dma_wait3A_91 = tpu.memref_slice %arg6[%dma_wait3A_89, %dma_wait3A_90] : memref<80x128xi32, #tpu.memory_space<vmem>> -> memref<1x128xi32, #tpu.memory_space<vmem>>
    %dma_wait3A_92 = tpu.memref_squeeze %dma_wait3A_91 : memref<1x128xi32, #tpu.memory_space<vmem>> -> memref<128xi32, #tpu.memory_space<vmem>>
    %dma_wait3A_93 = arith.constant 0 : i32
    %dma_wait3A_94 = arith.constant 0 : i32
    %dma_wait3A_95 = tpu.memref_slice %arg16[%dma_wait3A_93, %dma_wait3A_94] : memref<10240x32xf32, #tpu.memory_space<vmem_shared>> -> memref<10240x32xf32, #tpu.memory_space<vmem_shared>>
    tpu.wait_indirect_dma semaphore(%arg20 : memref<!tpu.dma_semaphore, #tpu.memory_space<semaphore_mem>>) src(%dma_wait3A_95 : memref<10240x32xf32, #tpu.memory_space<vmem_shared>>) dst(%arg10 : memref<128x32xf32, #tpu.memory_space<vmem>>)
    %dma_start3A_96 = arith.constant 74 : i32
    %dma_start3A_97 = arith.constant 0 : i32
    %dma_start3A_98 = tpu.memref_slice %arg7[%dma_start3A_96, %dma_start3A_97] : memref<80x128xi32, #tpu.memory_space<vmem>> -> memref<1x128xi32, #tpu.memory_space<vmem>>
    %dma_start3A_99 = tpu.memref_squeeze %dma_start3A_98 : memref<1x128xi32, #tpu.memory_space<vmem>> -> memref<128xi32, #tpu.memory_space<vmem>>
    %dma_start3A_100 = arith.constant 0 : i32
    %dma_start3A_101 = arith.constant 0 : i32
    %dma_start3A_102 = tpu.memref_slice %arg17[%dma_start3A_100, %dma_start3A_101] : memref<10240x32xf32, #tpu.memory_space<vmem_shared>> -> memref<10240x32xf32, #tpu.memory_space<vmem_shared>>
    tpu.enqueue_indirect_dma source(%arg10 : memref<128x32xf32, #tpu.memory_space<vmem>>) target(%dma_start3A_102 : memref<10240x32xf32, #tpu.memory_space<vmem_shared>>) offsets(%dma_start3A_99 : memref<128xi32, #tpu.memory_space<vmem>>) semaphore(%arg28 : memref<!tpu.dma_semaphore, #tpu.memory_space<semaphore_mem>>) {add = true}
    %dma_wait3A_103 = arith.constant 75 : i32
    %dma_wait3A_104 = arith.constant 0 : i32
    %dma_wait3A_105 = tpu.memref_slice %arg6[%dma_wait3A_103, %dma_wait3A_104] : memref<80x128xi32, #tpu.memory_space<vmem>> -> memref<1x128xi32, #tpu.memory_space<vmem>>
    %dma_wait3A_106 = tpu.memref_squeeze %dma_wait3A_105 : memref<1x128xi32, #tpu.memory_space<vmem>> -> memref<128xi32, #tpu.memory_space<vmem>>
    %dma_wait3A_107 = arith.constant 0 : i32
    %dma_wait3A_108 = arith.constant 0 : i32
    %dma_wait3A_109 = tpu.memref_slice %arg16[%dma_wait3A_107, %dma_wait3A_108] : memref<10240x32xf32, #tpu.memory_space<vmem_shared>> -> memref<10240x32xf32, #tpu.memory_space<vmem_shared>>
    tpu.wait_indirect_dma semaphore(%arg21 : memref<!tpu.dma_semaphore, #tpu.memory_space<semaphore_mem>>) src(%dma_wait3A_109 : memref<10240x32xf32, #tpu.memory_space<vmem_shared>>) dst(%arg11 : memref<128x32xf32, #tpu.memory_space<vmem>>)
    %dma_start3A_110 = arith.constant 75 : i32
    %dma_start3A_111 = arith.constant 0 : i32
    %dma_start3A_112 = tpu.memref_slice %arg7[%dma_start3A_110, %dma_start3A_111] : memref<80x128xi32, #tpu.memory_space<vmem>> -> memref<1x128xi32, #tpu.memory_space<vmem>>
    %dma_start3A_113 = tpu.memref_squeeze %dma_start3A_112 : memref<1x128xi32, #tpu.memory_space<vmem>> -> memref<128xi32, #tpu.memory_space<vmem>>
    %dma_start3A_114 = arith.constant 0 : i32
    %dma_start3A_115 = arith.constant 0 : i32
    %dma_start3A_116 = tpu.memref_slice %arg17[%dma_start3A_114, %dma_start3A_115] : memref<10240x32xf32, #tpu.memory_space<vmem_shared>> -> memref<10240x32xf32, #tpu.memory_space<vmem_shared>>
    tpu.enqueue_indirect_dma source(%arg11 : memref<128x32xf32, #tpu.memory_space<vmem>>) target(%dma_start3A_116 : memref<10240x32xf32, #tpu.memory_space<vmem_shared>>) offsets(%dma_start3A_113 : memref<128xi32, #tpu.memory_space<vmem>>) semaphore(%arg29 : memref<!tpu.dma_semaphore, #tpu.memory_space<semaphore_mem>>) {add = true}
    %dma_wait3A_117 = arith.constant 76 : i32
    %dma_wait3A_118 = arith.constant 0 : i32
    %dma_wait3A_119 = tpu.memref_slice %arg6[%dma_wait3A_117, %dma_wait3A_118] : memref<80x128xi32, #tpu.memory_space<vmem>> -> memref<1x128xi32, #tpu.memory_space<vmem>>
    %dma_wait3A_120 = tpu.memref_squeeze %dma_wait3A_119 : memref<1x128xi32, #tpu.memory_space<vmem>> -> memref<128xi32, #tpu.memory_space<vmem>>
    %dma_wait3A_121 = arith.constant 0 : i32
    %dma_wait3A_122 = arith.constant 0 : i32
    %dma_wait3A_123 = tpu.memref_slice %arg16[%dma_wait3A_121, %dma_wait3A_122] : memref<10240x32xf32, #tpu.memory_space<vmem_shared>> -> memref<10240x32xf32, #tpu.memory_space<vmem_shared>>
    tpu.wait_indirect_dma semaphore(%arg22 : memref<!tpu.dma_semaphore, #tpu.memory_space<semaphore_mem>>) src(%dma_wait3A_123 : memref<10240x32xf32, #tpu.memory_space<vmem_shared>>) dst(%arg12 : memref<128x32xf32, #tpu.memory_space<vmem>>)
    %dma_start3A_124 = arith.constant 76 : i32
    %dma_start3A_125 = arith.constant 0 : i32
    %dma_start3A_126 = tpu.memref_slice %arg7[%dma_start3A_124, %dma_start3A_125] : memref<80x128xi32, #tpu.memory_space<vmem>> -> memref<1x128xi32, #tpu.memory_space<vmem>>
    %dma_start3A_127 = tpu.memref_squeeze %dma_start3A_126 : memref<1x128xi32, #tpu.memory_space<vmem>> -> memref<128xi32, #tpu.memory_space<vmem>>
    %dma_start3A_128 = arith.constant 0 : i32
    %dma_start3A_129 = arith.constant 0 : i32
    %dma_start3A_130 = tpu.memref_slice %arg17[%dma_start3A_128, %dma_start3A_129] : memref<10240x32xf32, #tpu.memory_space<vmem_shared>> -> memref<10240x32xf32, #tpu.memory_space<vmem_shared>>
    tpu.enqueue_indirect_dma source(%arg12 : memref<128x32xf32, #tpu.memory_space<vmem>>) target(%dma_start3A_130 : memref<10240x32xf32, #tpu.memory_space<vmem_shared>>) offsets(%dma_start3A_127 : memref<128xi32, #tpu.memory_space<vmem>>) semaphore(%arg30 : memref<!tpu.dma_semaphore, #tpu.memory_space<semaphore_mem>>) {add = true}
    %dma_wait3A_131 = arith.constant 77 : i32
    %dma_wait3A_132 = arith.constant 0 : i32
    %dma_wait3A_133 = tpu.memref_slice %arg6[%dma_wait3A_131, %dma_wait3A_132] : memref<80x128xi32, #tpu.memory_space<vmem>> -> memref<1x128xi32, #tpu.memory_space<vmem>>
    %dma_wait3A_134 = tpu.memref_squeeze %dma_wait3A_133 : memref<1x128xi32, #tpu.memory_space<vmem>> -> memref<128xi32, #tpu.memory_space<vmem>>
    %dma_wait3A_135 = arith.constant 0 : i32
    %dma_wait3A_136 = arith.constant 0 : i32
    %dma_wait3A_137 = tpu.memref_slice %arg16[%dma_wait3A_135, %dma_wait3A_136] : memref<10240x32xf32, #tpu.memory_space<vmem_shared>> -> memref<10240x32xf32, #tpu.memory_space<vmem_shared>>
    tpu.wait_indirect_dma semaphore(%arg23 : memref<!tpu.dma_semaphore, #tpu.memory_space<semaphore_mem>>) src(%dma_wait3A_137 : memref<10240x32xf32, #tpu.memory_space<vmem_shared>>) dst(%arg13 : memref<128x32xf32, #tpu.memory_space<vmem>>)
    %dma_start3A_138 = arith.constant 77 : i32
    %dma_start3A_139 = arith.constant 0 : i32
    %dma_start3A_140 = tpu.memref_slice %arg7[%dma_start3A_138, %dma_start3A_139] : memref<80x128xi32, #tpu.memory_space<vmem>> -> memref<1x128xi32, #tpu.memory_space<vmem>>
    %dma_start3A_141 = tpu.memref_squeeze %dma_start3A_140 : memref<1x128xi32, #tpu.memory_space<vmem>> -> memref<128xi32, #tpu.memory_space<vmem>>
    %dma_start3A_142 = arith.constant 0 : i32
    %dma_start3A_143 = arith.constant 0 : i32
    %dma_start3A_144 = tpu.memref_slice %arg17[%dma_start3A_142, %dma_start3A_143] : memref<10240x32xf32, #tpu.memory_space<vmem_shared>> -> memref<10240x32xf32, #tpu.memory_space<vmem_shared>>
    tpu.enqueue_indirect_dma source(%arg13 : memref<128x32xf32, #tpu.memory_space<vmem>>) target(%dma_start3A_144 : memref<10240x32xf32, #tpu.memory_space<vmem_shared>>) offsets(%dma_start3A_141 : memref<128xi32, #tpu.memory_space<vmem>>) semaphore(%arg31 : memref<!tpu.dma_semaphore, #tpu.memory_space<semaphore_mem>>) {add = true}
    %dma_wait3A_145 = arith.constant 78 : i32
    %dma_wait3A_146 = arith.constant 0 : i32
    %dma_wait3A_147 = tpu.memref_slice %arg6[%dma_wait3A_145, %dma_wait3A_146] : memref<80x128xi32, #tpu.memory_space<vmem>> -> memref<1x128xi32, #tpu.memory_space<vmem>>
    %dma_wait3A_148 = tpu.memref_squeeze %dma_wait3A_147 : memref<1x128xi32, #tpu.memory_space<vmem>> -> memref<128xi32, #tpu.memory_space<vmem>>
    %dma_wait3A_149 = arith.constant 0 : i32
    %dma_wait3A_150 = arith.constant 0 : i32
    %dma_wait3A_151 = tpu.memref_slice %arg16[%dma_wait3A_149, %dma_wait3A_150] : memref<10240x32xf32, #tpu.memory_space<vmem_shared>> -> memref<10240x32xf32, #tpu.memory_space<vmem_shared>>
    tpu.wait_indirect_dma semaphore(%arg24 : memref<!tpu.dma_semaphore, #tpu.memory_space<semaphore_mem>>) src(%dma_wait3A_151 : memref<10240x32xf32, #tpu.memory_space<vmem_shared>>) dst(%arg14 : memref<128x32xf32, #tpu.memory_space<vmem>>)
    %dma_start3A_152 = arith.constant 78 : i32
    %dma_start3A_153 = arith.constant 0 : i32
    %dma_start3A_154 = tpu.memref_slice %arg7[%dma_start3A_152, %dma_start3A_153] : memref<80x128xi32, #tpu.memory_space<vmem>> -> memref<1x128xi32, #tpu.memory_space<vmem>>
    %dma_start3A_155 = tpu.memref_squeeze %dma_start3A_154 : memref<1x128xi32, #tpu.memory_space<vmem>> -> memref<128xi32, #tpu.memory_space<vmem>>
    %dma_start3A_156 = arith.constant 0 : i32
    %dma_start3A_157 = arith.constant 0 : i32
    %dma_start3A_158 = tpu.memref_slice %arg17[%dma_start3A_156, %dma_start3A_157] : memref<10240x32xf32, #tpu.memory_space<vmem_shared>> -> memref<10240x32xf32, #tpu.memory_space<vmem_shared>>
    tpu.enqueue_indirect_dma source(%arg14 : memref<128x32xf32, #tpu.memory_space<vmem>>) target(%dma_start3A_158 : memref<10240x32xf32, #tpu.memory_space<vmem_shared>>) offsets(%dma_start3A_155 : memref<128xi32, #tpu.memory_space<vmem>>) semaphore(%arg32 : memref<!tpu.dma_semaphore, #tpu.memory_space<semaphore_mem>>) {add = true}
    %dma_wait3A_159 = arith.constant 79 : i32
    %dma_wait3A_160 = arith.constant 0 : i32
    %dma_wait3A_161 = tpu.memref_slice %arg6[%dma_wait3A_159, %dma_wait3A_160] : memref<80x128xi32, #tpu.memory_space<vmem>> -> memref<1x128xi32, #tpu.memory_space<vmem>>
    %dma_wait3A_162 = tpu.memref_squeeze %dma_wait3A_161 : memref<1x128xi32, #tpu.memory_space<vmem>> -> memref<128xi32, #tpu.memory_space<vmem>>
    %dma_wait3A_163 = arith.constant 0 : i32
    %dma_wait3A_164 = arith.constant 0 : i32
    %dma_wait3A_165 = tpu.memref_slice %arg16[%dma_wait3A_163, %dma_wait3A_164] : memref<10240x32xf32, #tpu.memory_space<vmem_shared>> -> memref<10240x32xf32, #tpu.memory_space<vmem_shared>>
    tpu.wait_indirect_dma semaphore(%arg25 : memref<!tpu.dma_semaphore, #tpu.memory_space<semaphore_mem>>) src(%dma_wait3A_165 : memref<10240x32xf32, #tpu.memory_space<vmem_shared>>) dst(%arg15 : memref<128x32xf32, #tpu.memory_space<vmem>>)
    %dma_start3A_166 = arith.constant 79 : i32
    %dma_start3A_167 = arith.constant 0 : i32
    %dma_start3A_168 = tpu.memref_slice %arg7[%dma_start3A_166, %dma_start3A_167] : memref<80x128xi32, #tpu.memory_space<vmem>> -> memref<1x128xi32, #tpu.memory_space<vmem>>
    %dma_start3A_169 = tpu.memref_squeeze %dma_start3A_168 : memref<1x128xi32, #tpu.memory_space<vmem>> -> memref<128xi32, #tpu.memory_space<vmem>>
    %dma_start3A_170 = arith.constant 0 : i32
    %dma_start3A_171 = arith.constant 0 : i32
    %dma_start3A_172 = tpu.memref_slice %arg17[%dma_start3A_170, %dma_start3A_171] : memref<10240x32xf32, #tpu.memory_space<vmem_shared>> -> memref<10240x32xf32, #tpu.memory_space<vmem_shared>>
    tpu.enqueue_indirect_dma source(%arg15 : memref<128x32xf32, #tpu.memory_space<vmem>>) target(%dma_start3A_172 : memref<10240x32xf32, #tpu.memory_space<vmem_shared>>) offsets(%dma_start3A_169 : memref<128xi32, #tpu.memory_space<vmem>>) semaphore(%arg33 : memref<!tpu.dma_semaphore, #tpu.memory_space<semaphore_mem>>) {add = true}
    %dma_wait3A_173 = arith.constant 72 : i32
    %dma_wait3A_174 = arith.constant 0 : i32
    %dma_wait3A_175 = tpu.memref_slice %arg7[%dma_wait3A_173, %dma_wait3A_174] : memref<80x128xi32, #tpu.memory_space<vmem>> -> memref<1x128xi32, #tpu.memory_space<vmem>>
    %dma_wait3A_176 = tpu.memref_squeeze %dma_wait3A_175 : memref<1x128xi32, #tpu.memory_space<vmem>> -> memref<128xi32, #tpu.memory_space<vmem>>
    %dma_wait3A_177 = arith.constant 0 : i32
    %dma_wait3A_178 = arith.constant 0 : i32
    %dma_wait3A_179 = tpu.memref_slice %arg17[%dma_wait3A_177, %dma_wait3A_178] : memref<10240x32xf32, #tpu.memory_space<vmem_shared>> -> memref<10240x32xf32, #tpu.memory_space<vmem_shared>>
    tpu.wait_indirect_dma semaphore(%arg26 : memref<!tpu.dma_semaphore, #tpu.memory_space<semaphore_mem>>) src(%arg8 : memref<128x32xf32, #tpu.memory_space<vmem>>) dst(%dma_wait3A_179 : memref<10240x32xf32, #tpu.memory_space<vmem_shared>>)
    %dma_wait3A_180 = arith.constant 73 : i32
    %dma_wait3A_181 = arith.constant 0 : i32
    %dma_wait3A_182 = tpu.memref_slice %arg7[%dma_wait3A_180, %dma_wait3A_181] : memref<80x128xi32, #tpu.memory_space<vmem>> -> memref<1x128xi32, #tpu.memory_space<vmem>>
    %dma_wait3A_183 = tpu.memref_squeeze %dma_wait3A_182 : memref<1x128xi32, #tpu.memory_space<vmem>> -> memref<128xi32, #tpu.memory_space<vmem>>
    %dma_wait3A_184 = arith.constant 0 : i32
    %dma_wait3A_185 = arith.constant 0 : i32
    %dma_wait3A_186 = tpu.memref_slice %arg17[%dma_wait3A_184, %dma_wait3A_185] : memref<10240x32xf32, #tpu.memory_space<vmem_shared>> -> memref<10240x32xf32, #tpu.memory_space<vmem_shared>>
    tpu.wait_indirect_dma semaphore(%arg27 : memref<!tpu.dma_semaphore, #tpu.memory_space<semaphore_mem>>) src(%arg9 : memref<128x32xf32, #tpu.memory_space<vmem>>) dst(%dma_wait3A_186 : memref<10240x32xf32, #tpu.memory_space<vmem_shared>>)
    %dma_wait3A_187 = arith.constant 74 : i32
    %dma_wait3A_188 = arith.constant 0 : i32
    %dma_wait3A_189 = tpu.memref_slice %arg7[%dma_wait3A_187, %dma_wait3A_188] : memref<80x128xi32, #tpu.memory_space<vmem>> -> memref<1x128xi32, #tpu.memory_space<vmem>>
    %dma_wait3A_190 = tpu.memref_squeeze %dma_wait3A_189 : memref<1x128xi32, #tpu.memory_space<vmem>> -> memref<128xi32, #tpu.memory_space<vmem>>
    %dma_wait3A_191 = arith.constant 0 : i32
    %dma_wait3A_192 = arith.constant 0 : i32
    %dma_wait3A_193 = tpu.memref_slice %arg17[%dma_wait3A_191, %dma_wait3A_192] : memref<10240x32xf32, #tpu.memory_space<vmem_shared>> -> memref<10240x32xf32, #tpu.memory_space<vmem_shared>>
    tpu.wait_indirect_dma semaphore(%arg28 : memref<!tpu.dma_semaphore, #tpu.memory_space<semaphore_mem>>) src(%arg10 : memref<128x32xf32, #tpu.memory_space<vmem>>) dst(%dma_wait3A_193 : memref<10240x32xf32, #tpu.memory_space<vmem_shared>>)
    %dma_wait3A_194 = arith.constant 75 : i32
    %dma_wait3A_195 = arith.constant 0 : i32
    %dma_wait3A_196 = tpu.memref_slice %arg7[%dma_wait3A_194, %dma_wait3A_195] : memref<80x128xi32, #tpu.memory_space<vmem>> -> memref<1x128xi32, #tpu.memory_space<vmem>>
    %dma_wait3A_197 = tpu.memref_squeeze %dma_wait3A_196 : memref<1x128xi32, #tpu.memory_space<vmem>> -> memref<128xi32, #tpu.memory_space<vmem>>
    %dma_wait3A_198 = arith.constant 0 : i32
    %dma_wait3A_199 = arith.constant 0 : i32
    %dma_wait3A_200 = tpu.memref_slice %arg17[%dma_wait3A_198, %dma_wait3A_199] : memref<10240x32xf32, #tpu.memory_space<vmem_shared>> -> memref<10240x32xf32, #tpu.memory_space<vmem_shared>>
    tpu.wait_indirect_dma semaphore(%arg29 : memref<!tpu.dma_semaphore, #tpu.memory_space<semaphore_mem>>) src(%arg11 : memref<128x32xf32, #tpu.memory_space<vmem>>) dst(%dma_wait3A_200 : memref<10240x32xf32, #tpu.memory_space<vmem_shared>>)
    %dma_wait3A_201 = arith.constant 76 : i32
    %dma_wait3A_202 = arith.constant 0 : i32
    %dma_wait3A_203 = tpu.memref_slice %arg7[%dma_wait3A_201, %dma_wait3A_202] : memref<80x128xi32, #tpu.memory_space<vmem>> -> memref<1x128xi32, #tpu.memory_space<vmem>>
    %dma_wait3A_204 = tpu.memref_squeeze %dma_wait3A_203 : memref<1x128xi32, #tpu.memory_space<vmem>> -> memref<128xi32, #tpu.memory_space<vmem>>
    %dma_wait3A_205 = arith.constant 0 : i32
    %dma_wait3A_206 = arith.constant 0 : i32
    %dma_wait3A_207 = tpu.memref_slice %arg17[%dma_wait3A_205, %dma_wait3A_206] : memref<10240x32xf32, #tpu.memory_space<vmem_shared>> -> memref<10240x32xf32, #tpu.memory_space<vmem_shared>>
    tpu.wait_indirect_dma semaphore(%arg30 : memref<!tpu.dma_semaphore, #tpu.memory_space<semaphore_mem>>) src(%arg12 : memref<128x32xf32, #tpu.memory_space<vmem>>) dst(%dma_wait3A_207 : memref<10240x32xf32, #tpu.memory_space<vmem_shared>>)
    %dma_wait3A_208 = arith.constant 77 : i32
    %dma_wait3A_209 = arith.constant 0 : i32
    %dma_wait3A_210 = tpu.memref_slice %arg7[%dma_wait3A_208, %dma_wait3A_209] : memref<80x128xi32, #tpu.memory_space<vmem>> -> memref<1x128xi32, #tpu.memory_space<vmem>>
    %dma_wait3A_211 = tpu.memref_squeeze %dma_wait3A_210 : memref<1x128xi32, #tpu.memory_space<vmem>> -> memref<128xi32, #tpu.memory_space<vmem>>
    %dma_wait3A_212 = arith.constant 0 : i32
    %dma_wait3A_213 = arith.constant 0 : i32
    %dma_wait3A_214 = tpu.memref_slice %arg17[%dma_wait3A_212, %dma_wait3A_213] : memref<10240x32xf32, #tpu.memory_space<vmem_shared>> -> memref<10240x32xf32, #tpu.memory_space<vmem_shared>>
    tpu.wait_indirect_dma semaphore(%arg31 : memref<!tpu.dma_semaphore, #tpu.memory_space<semaphore_mem>>) src(%arg13 : memref<128x32xf32, #tpu.memory_space<vmem>>) dst(%dma_wait3A_214 : memref<10240x32xf32, #tpu.memory_space<vmem_shared>>)
    %dma_wait3A_215 = arith.constant 78 : i32
    %dma_wait3A_216 = arith.constant 0 : i32
    %dma_wait3A_217 = tpu.memref_slice %arg7[%dma_wait3A_215, %dma_wait3A_216] : memref<80x128xi32, #tpu.memory_space<vmem>> -> memref<1x128xi32, #tpu.memory_space<vmem>>
    %dma_wait3A_218 = tpu.memref_squeeze %dma_wait3A_217 : memref<1x128xi32, #tpu.memory_space<vmem>> -> memref<128xi32, #tpu.memory_space<vmem>>
    %dma_wait3A_219 = arith.constant 0 : i32
    %dma_wait3A_220 = arith.constant 0 : i32
    %dma_wait3A_221 = tpu.memref_slice %arg17[%dma_wait3A_219, %dma_wait3A_220] : memref<10240x32xf32, #tpu.memory_space<vmem_shared>> -> memref<10240x32xf32, #tpu.memory_space<vmem_shared>>
    tpu.wait_indirect_dma semaphore(%arg32 : memref<!tpu.dma_semaphore, #tpu.memory_space<semaphore_mem>>) src(%arg14 : memref<128x32xf32, #tpu.memory_space<vmem>>) dst(%dma_wait3A_221 : memref<10240x32xf32, #tpu.memory_space<vmem_shared>>)
    %dma_wait3A_222 = arith.constant 79 : i32
    %dma_wait3A_223 = arith.constant 0 : i32
    %dma_wait3A_224 = tpu.memref_slice %arg7[%dma_wait3A_222, %dma_wait3A_223] : memref<80x128xi32, #tpu.memory_space<vmem>> -> memref<1x128xi32, #tpu.memory_space<vmem>>
    %dma_wait3A_225 = tpu.memref_squeeze %dma_wait3A_224 : memref<1x128xi32, #tpu.memory_space<vmem>> -> memref<128xi32, #tpu.memory_space<vmem>>
    %dma_wait3A_226 = arith.constant 0 : i32
    %dma_wait3A_227 = arith.constant 0 : i32
    %dma_wait3A_228 = tpu.memref_slice %arg17[%dma_wait3A_226, %dma_wait3A_227] : memref<10240x32xf32, #tpu.memory_space<vmem_shared>> -> memref<10240x32xf32, #tpu.memory_space<vmem_shared>>
    tpu.wait_indirect_dma semaphore(%arg33 : memref<!tpu.dma_semaphore, #tpu.memory_space<semaphore_mem>>) src(%arg15 : memref<128x32xf32, #tpu.memory_space<vmem>>) dst(%dma_wait3A_228 : memref<10240x32xf32, #tpu.memory_space<vmem_shared>>)
    %barrier3A_229 = arith.constant 0 : index
    tpu.barrier barrier_id(%barrier3A_229)
    "tpu.region"() ({
      %run_scoped3A = tpu.sem_alloc : memref<!tpu.dma_semaphore, #tpu.memory_space<semaphore_mem>>
      %dma_start3A_230 = arith.constant 0 : i32
      %dma_start3A_231 = arith.constant 0 : i32
      %dma_start3A_232 = tpu.memref_slice %arg5[%arg0, %dma_start3A_230, %dma_start3A_231] : memref<2x10240x32xf32, #tpu.memory_space<hbm>> -> memref<1x10240x32xf32, #tpu.memory_space<hbm>>
      %dma_start3A_233 = tpu.memref_squeeze %dma_start3A_232 : memref<1x10240x32xf32, #tpu.memory_space<hbm>> -> memref<10240x32xf32, #tpu.memory_space<hbm>>
      %dma_start3A_234 = arith.constant 0 : i32
      %dma_start3A_235 = tpu.memref_slice %dma_start3A_233[%mul3A_2, %dma_start3A_234] : memref<10240x32xf32, #tpu.memory_space<hbm>> -> memref<640x32xf32, #tpu.memory_space<hbm>>
      %dma_start3A_236 = arith.constant 0 : i32
      %dma_start3A_237 = tpu.memref_slice %arg17[%mul3A_2, %dma_start3A_236] : memref<10240x32xf32, #tpu.memory_space<vmem_shared>> -> memref<640x32xf32, #tpu.memory_space<vmem_shared>>
      tpu.enqueue_dma source(%dma_start3A_237 : memref<640x32xf32, #tpu.memory_space<vmem_shared>>) target(%dma_start3A_235 : memref<640x32xf32, #tpu.memory_space<hbm>>) target_semaphore(%run_scoped3A : memref<!tpu.dma_semaphore, #tpu.memory_space<semaphore_mem>>)
      %dma_wait3A_238 = arith.constant 0 : i32
      %dma_wait3A_239 = arith.constant 0 : i32
      %dma_wait3A_240 = tpu.memref_slice %arg5[%arg0, %dma_wait3A_238, %dma_wait3A_239] : memref<2x10240x32xf32, #tpu.memory_space<hbm>> -> memref<1x10240x32xf32, #tpu.memory_space<hbm>>
      %dma_wait3A_241 = tpu.memref_squeeze %dma_wait3A_240 : memref<1x10240x32xf32, #tpu.memory_space<hbm>> -> memref<10240x32xf32, #tpu.memory_space<hbm>>
      %dma_wait3A_242 = arith.constant 0 : i32
      %dma_wait3A_243 = tpu.memref_slice %dma_wait3A_241[%mul3A_2, %dma_wait3A_242] : memref<10240x32xf32, #tpu.memory_space<hbm>> -> memref<640x32xf32, #tpu.memory_space<hbm>>
      %dma_wait3A_244 = arith.constant 0 : i32
      %dma_wait3A_245 = tpu.memref_slice %arg17[%mul3A_2, %dma_wait3A_244] : memref<10240x32xf32, #tpu.memory_space<vmem_shared>> -> memref<640x32xf32, #tpu.memory_space<vmem_shared>>
      tpu.wait_dma2 semaphore(%run_scoped3A : memref<!tpu.dma_semaphore, #tpu.memory_space<semaphore_mem>>) src(%dma_wait3A_245 : memref<640x32xf32, #tpu.memory_space<vmem_shared>>) dst(%dma_wait3A_243 : memref<640x32xf32, #tpu.memory_space<hbm>>)
      tpu.yield
    }) : () -> ()
    return
  }
}

#map = affine_map<(d0, d1) -> (0, 0)>
#map1 = affine_map<(d0, d1) -> (0, 0, 0)>
module attributes {stable_mosaic.version = 14 : i64} {
  func.func @k(%arg0: i32, %arg1: i32, %arg2: memref<10240x64xf32, #tpu.memory_space<hbm>>, %arg3: memref<10240x64xf32, #tpu.memory_space<hbm>>, %arg4: memref<32x80x128xi32, #tpu.memory_space<hbm>>, %arg5: memref<32x80x128xi32, #tpu.memory_space<hbm>>, %arg6: memref<2x10240x64xf32, #tpu.memory_space<hbm>>, %arg7: memref<2x10240x64xf32, #tpu.memory_space<hbm>>, %arg8: memref<80x128xi32, #tpu.memory_space<vmem>>, %arg9: memref<80x128xi32, #tpu.memory_space<vmem>>, %arg10: memref<128x64xf32, #tpu.memory_space<vmem>>, %arg11: memref<128x64xf32, #tpu.memory_space<vmem>>, %arg12: memref<10240x64xf32, #tpu.memory_space<vmem_shared>>, %arg13: memref<10240x64xf32, #tpu.memory_space<vmem_shared>>, %arg14: memref<!tpu.dma_semaphore, #tpu.memory_space<semaphore_mem>>, %arg15: memref<!tpu.dma_semaphore, #tpu.memory_space<semaphore_mem>>, %arg16: memref<!tpu.dma_semaphore, #tpu.memory_space<semaphore_mem>>, %arg17: memref<!tpu.dma_semaphore, #tpu.memory_space<semaphore_mem>>) attributes {dimension_semantics = [#tpu.dimension_semantics<core_parallel>, #tpu.dimension_semantics<subcore_parallel>], iteration_bounds = array<i64: 2, 16>, scalar_prefetch = 0 : i64, scratch_operands = 10 : i64, tpu.core_type = #tpu.core_type<sc_vector_subcore>, window_params = [{transform_indices = #map}, {transform_indices = #map}, {transform_indices = #map1}, {transform_indices = #map1}, {transform_indices = #map1}, {transform_indices = #map1}]} {
    %mul3A = arith.constant 16 : i32
    %mul3A_0 = arith.muli %arg0, %mul3A : i32
    %add3A = arith.addi %mul3A_0, %arg1 : i32
    %mul3A_1 = arith.constant 640 : i32
    %mul3A_2 = arith.muli %arg1, %mul3A_1 : i32
    "tpu.region"() ({
      %run_scoped3A = tpu.sem_alloc : memref<!tpu.dma_semaphore, #tpu.memory_space<semaphore_mem>>
      %dma_start3A_125 = arith.constant 0 : i32
      %dma_start3A_126 = arith.constant 0 : i32
      %dma_start3A_127 = tpu.memref_slice %arg4[%add3A, %dma_start3A_125, %dma_start3A_126] : memref<32x80x128xi32, #tpu.memory_space<hbm>> -> memref<1x80x128xi32, #tpu.memory_space<hbm>>
      %dma_start3A_128 = tpu.memref_squeeze %dma_start3A_127 : memref<1x80x128xi32, #tpu.memory_space<hbm>> -> memref<80x128xi32, #tpu.memory_space<hbm>>
      %dma_start3A_129 = arith.constant 0 : i32
      %dma_start3A_130 = arith.constant 0 : i32
      %dma_start3A_131 = tpu.memref_slice %arg4[%add3A, %dma_start3A_129, %dma_start3A_130] : memref<32x80x128xi32, #tpu.memory_space<hbm>> -> memref<1x80x128xi32, #tpu.memory_space<hbm>>
      %dma_start3A_132 = tpu.memref_squeeze %dma_start3A_131 : memref<1x80x128xi32, #tpu.memory_space<hbm>> -> memref<80x128xi32, #tpu.memory_space<hbm>>
      tpu.enqueue_dma source(%dma_start3A_132 : memref<80x128xi32, #tpu.memory_space<hbm>>) target(%arg8 : memref<80x128xi32, #tpu.memory_space<vmem>>) target_semaphore(%run_scoped3A : memref<!tpu.dma_semaphore, #tpu.memory_space<semaphore_mem>>)
      %dma_wait3A_133 = arith.constant 0 : i32
      %dma_wait3A_134 = arith.constant 0 : i32
      %dma_wait3A_135 = tpu.memref_slice %arg4[%add3A, %dma_wait3A_133, %dma_wait3A_134] : memref<32x80x128xi32, #tpu.memory_space<hbm>> -> memref<1x80x128xi32, #tpu.memory_space<hbm>>
      %dma_wait3A_136 = tpu.memref_squeeze %dma_wait3A_135 : memref<1x80x128xi32, #tpu.memory_space<hbm>> -> memref<80x128xi32, #tpu.memory_space<hbm>>
      %dma_wait3A_137 = arith.constant 0 : i32
      %dma_wait3A_138 = arith.constant 0 : i32
      %dma_wait3A_139 = tpu.memref_slice %arg4[%add3A, %dma_wait3A_137, %dma_wait3A_138] : memref<32x80x128xi32, #tpu.memory_space<hbm>> -> memref<1x80x128xi32, #tpu.memory_space<hbm>>
      %dma_wait3A_140 = tpu.memref_squeeze %dma_wait3A_139 : memref<1x80x128xi32, #tpu.memory_space<hbm>> -> memref<80x128xi32, #tpu.memory_space<hbm>>
      tpu.wait_dma2 semaphore(%run_scoped3A : memref<!tpu.dma_semaphore, #tpu.memory_space<semaphore_mem>>) src(%dma_wait3A_140 : memref<80x128xi32, #tpu.memory_space<hbm>>) dst(%arg8 : memref<80x128xi32, #tpu.memory_space<vmem>>)
      tpu.yield
    }) : () -> ()
    "tpu.region"() ({
      %run_scoped3A = tpu.sem_alloc : memref<!tpu.dma_semaphore, #tpu.memory_space<semaphore_mem>>
      %dma_start3A_125 = arith.constant 0 : i32
      %dma_start3A_126 = arith.constant 0 : i32
      %dma_start3A_127 = tpu.memref_slice %arg5[%add3A, %dma_start3A_125, %dma_start3A_126] : memref<32x80x128xi32, #tpu.memory_space<hbm>> -> memref<1x80x128xi32, #tpu.memory_space<hbm>>
      %dma_start3A_128 = tpu.memref_squeeze %dma_start3A_127 : memref<1x80x128xi32, #tpu.memory_space<hbm>> -> memref<80x128xi32, #tpu.memory_space<hbm>>
      %dma_start3A_129 = arith.constant 0 : i32
      %dma_start3A_130 = arith.constant 0 : i32
      %dma_start3A_131 = tpu.memref_slice %arg5[%add3A, %dma_start3A_129, %dma_start3A_130] : memref<32x80x128xi32, #tpu.memory_space<hbm>> -> memref<1x80x128xi32, #tpu.memory_space<hbm>>
      %dma_start3A_132 = tpu.memref_squeeze %dma_start3A_131 : memref<1x80x128xi32, #tpu.memory_space<hbm>> -> memref<80x128xi32, #tpu.memory_space<hbm>>
      tpu.enqueue_dma source(%dma_start3A_132 : memref<80x128xi32, #tpu.memory_space<hbm>>) target(%arg9 : memref<80x128xi32, #tpu.memory_space<vmem>>) target_semaphore(%run_scoped3A : memref<!tpu.dma_semaphore, #tpu.memory_space<semaphore_mem>>)
      %dma_wait3A_133 = arith.constant 0 : i32
      %dma_wait3A_134 = arith.constant 0 : i32
      %dma_wait3A_135 = tpu.memref_slice %arg5[%add3A, %dma_wait3A_133, %dma_wait3A_134] : memref<32x80x128xi32, #tpu.memory_space<hbm>> -> memref<1x80x128xi32, #tpu.memory_space<hbm>>
      %dma_wait3A_136 = tpu.memref_squeeze %dma_wait3A_135 : memref<1x80x128xi32, #tpu.memory_space<hbm>> -> memref<80x128xi32, #tpu.memory_space<hbm>>
      %dma_wait3A_137 = arith.constant 0 : i32
      %dma_wait3A_138 = arith.constant 0 : i32
      %dma_wait3A_139 = tpu.memref_slice %arg5[%add3A, %dma_wait3A_137, %dma_wait3A_138] : memref<32x80x128xi32, #tpu.memory_space<hbm>> -> memref<1x80x128xi32, #tpu.memory_space<hbm>>
      %dma_wait3A_140 = tpu.memref_squeeze %dma_wait3A_139 : memref<1x80x128xi32, #tpu.memory_space<hbm>> -> memref<80x128xi32, #tpu.memory_space<hbm>>
      tpu.wait_dma2 semaphore(%run_scoped3A : memref<!tpu.dma_semaphore, #tpu.memory_space<semaphore_mem>>) src(%dma_wait3A_140 : memref<80x128xi32, #tpu.memory_space<hbm>>) dst(%arg9 : memref<80x128xi32, #tpu.memory_space<vmem>>)
      tpu.yield
    }) : () -> ()
    "tpu.region"() ({
      %run_scoped3A = tpu.sem_alloc : memref<!tpu.dma_semaphore, #tpu.memory_space<semaphore_mem>>
      %dma_start3A_125 = arith.constant 0 : i32
      %dma_start3A_126 = tpu.memref_slice %arg13[%mul3A_2, %dma_start3A_125] : memref<10240x64xf32, #tpu.memory_space<vmem_shared>> -> memref<640x64xf32, #tpu.memory_space<vmem_shared>>
      %dma_start3A_127 = arith.constant 0 : i32
      %dma_start3A_128 = tpu.memref_slice %arg2[%mul3A_2, %dma_start3A_127] : memref<10240x64xf32, #tpu.memory_space<hbm>> -> memref<640x64xf32, #tpu.memory_space<hbm>>
      tpu.enqueue_dma source(%dma_start3A_128 : memref<640x64xf32, #tpu.memory_space<hbm>>) target(%dma_start3A_126 : memref<640x64xf32, #tpu.memory_space<vmem_shared>>) target_semaphore(%run_scoped3A : memref<!tpu.dma_semaphore, #tpu.memory_space<semaphore_mem>>)
      %dma_wait3A_129 = arith.constant 0 : i32
      %dma_wait3A_130 = tpu.memref_slice %arg13[%mul3A_2, %dma_wait3A_129] : memref<10240x64xf32, #tpu.memory_space<vmem_shared>> -> memref<640x64xf32, #tpu.memory_space<vmem_shared>>
      %dma_wait3A_131 = arith.constant 0 : i32
      %dma_wait3A_132 = tpu.memref_slice %arg2[%mul3A_2, %dma_wait3A_131] : memref<10240x64xf32, #tpu.memory_space<hbm>> -> memref<640x64xf32, #tpu.memory_space<hbm>>
      tpu.wait_dma2 semaphore(%run_scoped3A : memref<!tpu.dma_semaphore, #tpu.memory_space<semaphore_mem>>) src(%dma_wait3A_132 : memref<640x64xf32, #tpu.memory_space<hbm>>) dst(%dma_wait3A_130 : memref<640x64xf32, #tpu.memory_space<vmem_shared>>)
      tpu.yield
    }) : () -> ()
    "tpu.region"() ({
      %run_scoped3A = tpu.sem_alloc : memref<!tpu.dma_semaphore, #tpu.memory_space<semaphore_mem>>
      %dma_start3A_125 = arith.constant 0 : i32
      %dma_start3A_126 = tpu.memref_slice %arg12[%mul3A_2, %dma_start3A_125] : memref<10240x64xf32, #tpu.memory_space<vmem_shared>> -> memref<640x64xf32, #tpu.memory_space<vmem_shared>>
      %dma_start3A_127 = arith.constant 0 : i32
      %dma_start3A_128 = tpu.memref_slice %arg2[%mul3A_2, %dma_start3A_127] : memref<10240x64xf32, #tpu.memory_space<hbm>> -> memref<640x64xf32, #tpu.memory_space<hbm>>
      tpu.enqueue_dma source(%dma_start3A_128 : memref<640x64xf32, #tpu.memory_space<hbm>>) target(%dma_start3A_126 : memref<640x64xf32, #tpu.memory_space<vmem_shared>>) target_semaphore(%run_scoped3A : memref<!tpu.dma_semaphore, #tpu.memory_space<semaphore_mem>>)
      %dma_wait3A_129 = arith.constant 0 : i32
      %dma_wait3A_130 = tpu.memref_slice %arg12[%mul3A_2, %dma_wait3A_129] : memref<10240x64xf32, #tpu.memory_space<vmem_shared>> -> memref<640x64xf32, #tpu.memory_space<vmem_shared>>
      %dma_wait3A_131 = arith.constant 0 : i32
      %dma_wait3A_132 = tpu.memref_slice %arg2[%mul3A_2, %dma_wait3A_131] : memref<10240x64xf32, #tpu.memory_space<hbm>> -> memref<640x64xf32, #tpu.memory_space<hbm>>
      tpu.wait_dma2 semaphore(%run_scoped3A : memref<!tpu.dma_semaphore, #tpu.memory_space<semaphore_mem>>) src(%dma_wait3A_132 : memref<640x64xf32, #tpu.memory_space<hbm>>) dst(%dma_wait3A_130 : memref<640x64xf32, #tpu.memory_space<vmem_shared>>)
      tpu.yield
    }) : () -> ()
    %barrier3A = arith.constant 0 : index
    tpu.barrier barrier_id(%barrier3A)
    %dma_start3A = arith.constant 0 : i32
    %dma_start3A_3 = arith.constant 0 : i32
    %dma_start3A_4 = tpu.memref_slice %arg8[%dma_start3A, %dma_start3A_3] : memref<80x128xi32, #tpu.memory_space<vmem>> -> memref<1x128xi32, #tpu.memory_space<vmem>>
    %dma_start3A_5 = tpu.memref_squeeze %dma_start3A_4 : memref<1x128xi32, #tpu.memory_space<vmem>> -> memref<128xi32, #tpu.memory_space<vmem>>
    %dma_start3A_6 = arith.constant 0 : i32
    %dma_start3A_7 = arith.constant 0 : i32
    %dma_start3A_8 = tpu.memref_slice %arg12[%dma_start3A_6, %dma_start3A_7] : memref<10240x64xf32, #tpu.memory_space<vmem_shared>> -> memref<10240x64xf32, #tpu.memory_space<vmem_shared>>
    tpu.enqueue_indirect_dma source(%dma_start3A_8 : memref<10240x64xf32, #tpu.memory_space<vmem_shared>>) target(%arg10 : memref<128x64xf32, #tpu.memory_space<vmem>>) offsets(%dma_start3A_5 : memref<128xi32, #tpu.memory_space<vmem>>) semaphore(%arg14 : memref<!tpu.dma_semaphore, #tpu.memory_space<semaphore_mem>>)
    %dma_start3A_9 = arith.constant 1 : i32
    %dma_start3A_10 = arith.constant 0 : i32
    %dma_start3A_11 = tpu.memref_slice %arg8[%dma_start3A_9, %dma_start3A_10] : memref<80x128xi32, #tpu.memory_space<vmem>> -> memref<1x128xi32, #tpu.memory_space<vmem>>
    %dma_start3A_12 = tpu.memref_squeeze %dma_start3A_11 : memref<1x128xi32, #tpu.memory_space<vmem>> -> memref<128xi32, #tpu.memory_space<vmem>>
    %dma_start3A_13 = arith.constant 0 : i32
    %dma_start3A_14 = arith.constant 0 : i32
    %dma_start3A_15 = tpu.memref_slice %arg12[%dma_start3A_13, %dma_start3A_14] : memref<10240x64xf32, #tpu.memory_space<vmem_shared>> -> memref<10240x64xf32, #tpu.memory_space<vmem_shared>>
    tpu.enqueue_indirect_dma source(%dma_start3A_15 : memref<10240x64xf32, #tpu.memory_space<vmem_shared>>) target(%arg11 : memref<128x64xf32, #tpu.memory_space<vmem>>) offsets(%dma_start3A_12 : memref<128xi32, #tpu.memory_space<vmem>>) semaphore(%arg15 : memref<!tpu.dma_semaphore, #tpu.memory_space<semaphore_mem>>)
    %scan3A = arith.constant 0 : i32
    %scan3A_16 = arith.constant 39 : i32
    %scan3A_17 = arith.addi %scan3A, %scan3A_16 : i32
    %scan3A_18 = arith.constant 1 : i32
    scf.for %scan3A_125 = %scan3A to %scan3A_17 step %scan3A_18  : i32 {
      %mul3A_126 = arith.constant 2 : i32
      %mul3A_127 = arith.muli %scan3A_125, %mul3A_126 : i32
      %add3A_128 = arith.constant 2 : i32
      %add3A_129 = arith.addi %add3A_128, %mul3A_127 : i32
      %sub3A = arith.constant 2 : i32
      %sub3A_130 = arith.subi %add3A_129, %sub3A : i32
      %add3A_131 = arith.constant 0 : i32
      %add3A_132 = arith.addi %sub3A_130, %add3A_131 : i32
      %dma_wait3A_133 = arith.constant 0 : i32
      %dma_wait3A_134 = tpu.memref_slice %arg8[%add3A_132, %dma_wait3A_133] : memref<80x128xi32, #tpu.memory_space<vmem>> -> memref<1x128xi32, #tpu.memory_space<vmem>>
      %dma_wait3A_135 = tpu.memref_squeeze %dma_wait3A_134 : memref<1x128xi32, #tpu.memory_space<vmem>> -> memref<128xi32, #tpu.memory_space<vmem>>
      %dma_wait3A_136 = arith.constant 0 : i32
      %dma_wait3A_137 = arith.constant 0 : i32
      %dma_wait3A_138 = tpu.memref_slice %arg12[%dma_wait3A_136, %dma_wait3A_137] : memref<10240x64xf32, #tpu.memory_space<vmem_shared>> -> memref<10240x64xf32, #tpu.memory_space<vmem_shared>>
      tpu.wait_indirect_dma semaphore(%arg14 : memref<!tpu.dma_semaphore, #tpu.memory_space<semaphore_mem>>) src(%dma_wait3A_138 : memref<10240x64xf32, #tpu.memory_space<vmem_shared>>) dst(%arg10 : memref<128x64xf32, #tpu.memory_space<vmem>>)
      %sub3A_139 = arith.constant 2 : i32
      %sub3A_140 = arith.subi %add3A_129, %sub3A_139 : i32
      %add3A_141 = arith.constant 0 : i32
      %add3A_142 = arith.addi %sub3A_140, %add3A_141 : i32
      %dma_start3A_143 = arith.constant 0 : i32
      %dma_start3A_144 = tpu.memref_slice %arg9[%add3A_142, %dma_start3A_143] : memref<80x128xi32, #tpu.memory_space<vmem>> -> memref<1x128xi32, #tpu.memory_space<vmem>>
      %dma_start3A_145 = tpu.memref_squeeze %dma_start3A_144 : memref<1x128xi32, #tpu.memory_space<vmem>> -> memref<128xi32, #tpu.memory_space<vmem>>
      %dma_start3A_146 = arith.constant 0 : i32
      %dma_start3A_147 = arith.constant 0 : i32
      %dma_start3A_148 = tpu.memref_slice %arg13[%dma_start3A_146, %dma_start3A_147] : memref<10240x64xf32, #tpu.memory_space<vmem_shared>> -> memref<10240x64xf32, #tpu.memory_space<vmem_shared>>
      tpu.enqueue_indirect_dma source(%arg10 : memref<128x64xf32, #tpu.memory_space<vmem>>) target(%dma_start3A_148 : memref<10240x64xf32, #tpu.memory_space<vmem_shared>>) offsets(%dma_start3A_145 : memref<128xi32, #tpu.memory_space<vmem>>) semaphore(%arg16 : memref<!tpu.dma_semaphore, #tpu.memory_space<semaphore_mem>>) {add = true}
      %sub3A_149 = arith.constant 2 : i32
      %sub3A_150 = arith.subi %add3A_129, %sub3A_149 : i32
      %add3A_151 = arith.constant 1 : i32
      %add3A_152 = arith.addi %sub3A_150, %add3A_151 : i32
      %dma_wait3A_153 = arith.constant 0 : i32
      %dma_wait3A_154 = tpu.memref_slice %arg8[%add3A_152, %dma_wait3A_153] : memref<80x128xi32, #tpu.memory_space<vmem>> -> memref<1x128xi32, #tpu.memory_space<vmem>>
      %dma_wait3A_155 = tpu.memref_squeeze %dma_wait3A_154 : memref<1x128xi32, #tpu.memory_space<vmem>> -> memref<128xi32, #tpu.memory_space<vmem>>
      %dma_wait3A_156 = arith.constant 0 : i32
      %dma_wait3A_157 = arith.constant 0 : i32
      %dma_wait3A_158 = tpu.memref_slice %arg12[%dma_wait3A_156, %dma_wait3A_157] : memref<10240x64xf32, #tpu.memory_space<vmem_shared>> -> memref<10240x64xf32, #tpu.memory_space<vmem_shared>>
      tpu.wait_indirect_dma semaphore(%arg15 : memref<!tpu.dma_semaphore, #tpu.memory_space<semaphore_mem>>) src(%dma_wait3A_158 : memref<10240x64xf32, #tpu.memory_space<vmem_shared>>) dst(%arg11 : memref<128x64xf32, #tpu.memory_space<vmem>>)
      %sub3A_159 = arith.constant 2 : i32
      %sub3A_160 = arith.subi %add3A_129, %sub3A_159 : i32
      %add3A_161 = arith.constant 1 : i32
      %add3A_162 = arith.addi %sub3A_160, %add3A_161 : i32
      %dma_start3A_163 = arith.constant 0 : i32
      %dma_start3A_164 = tpu.memref_slice %arg9[%add3A_162, %dma_start3A_163] : memref<80x128xi32, #tpu.memory_space<vmem>> -> memref<1x128xi32, #tpu.memory_space<vmem>>
      %dma_start3A_165 = tpu.memref_squeeze %dma_start3A_164 : memref<1x128xi32, #tpu.memory_space<vmem>> -> memref<128xi32, #tpu.memory_space<vmem>>
      %dma_start3A_166 = arith.constant 0 : i32
      %dma_start3A_167 = arith.constant 0 : i32
      %dma_start3A_168 = tpu.memref_slice %arg13[%dma_start3A_166, %dma_start3A_167] : memref<10240x64xf32, #tpu.memory_space<vmem_shared>> -> memref<10240x64xf32, #tpu.memory_space<vmem_shared>>
      tpu.enqueue_indirect_dma source(%arg11 : memref<128x64xf32, #tpu.memory_space<vmem>>) target(%dma_start3A_168 : memref<10240x64xf32, #tpu.memory_space<vmem_shared>>) offsets(%dma_start3A_165 : memref<128xi32, #tpu.memory_space<vmem>>) semaphore(%arg17 : memref<!tpu.dma_semaphore, #tpu.memory_space<semaphore_mem>>) {add = true}
      %sub3A_169 = arith.constant 2 : i32
      %sub3A_170 = arith.subi %add3A_129, %sub3A_169 : i32
      %add3A_171 = arith.constant 0 : i32
      %add3A_172 = arith.addi %sub3A_170, %add3A_171 : i32
      %dma_wait3A_173 = arith.constant 0 : i32
      %dma_wait3A_174 = tpu.memref_slice %arg9[%add3A_172, %dma_wait3A_173] : memref<80x128xi32, #tpu.memory_space<vmem>> -> memref<1x128xi32, #tpu.memory_space<vmem>>
      %dma_wait3A_175 = tpu.memref_squeeze %dma_wait3A_174 : memref<1x128xi32, #tpu.memory_space<vmem>> -> memref<128xi32, #tpu.memory_space<vmem>>
      %dma_wait3A_176 = arith.constant 0 : i32
      %dma_wait3A_177 = arith.constant 0 : i32
      %dma_wait3A_178 = tpu.memref_slice %arg13[%dma_wait3A_176, %dma_wait3A_177] : memref<10240x64xf32, #tpu.memory_space<vmem_shared>> -> memref<10240x64xf32, #tpu.memory_space<vmem_shared>>
      tpu.wait_indirect_dma semaphore(%arg16 : memref<!tpu.dma_semaphore, #tpu.memory_space<semaphore_mem>>) src(%arg10 : memref<128x64xf32, #tpu.memory_space<vmem>>) dst(%dma_wait3A_178 : memref<10240x64xf32, #tpu.memory_space<vmem_shared>>)
      %add3A_179 = arith.constant 0 : i32
      %add3A_180 = arith.addi %add3A_129, %add3A_179 : i32
      %dma_start3A_181 = arith.constant 0 : i32
      %dma_start3A_182 = tpu.memref_slice %arg8[%add3A_180, %dma_start3A_181] : memref<80x128xi32, #tpu.memory_space<vmem>> -> memref<1x128xi32, #tpu.memory_space<vmem>>
      %dma_start3A_183 = tpu.memref_squeeze %dma_start3A_182 : memref<1x128xi32, #tpu.memory_space<vmem>> -> memref<128xi32, #tpu.memory_space<vmem>>
      %dma_start3A_184 = arith.constant 0 : i32
      %dma_start3A_185 = arith.constant 0 : i32
      %dma_start3A_186 = tpu.memref_slice %arg12[%dma_start3A_184, %dma_start3A_185] : memref<10240x64xf32, #tpu.memory_space<vmem_shared>> -> memref<10240x64xf32, #tpu.memory_space<vmem_shared>>
      tpu.enqueue_indirect_dma source(%dma_start3A_186 : memref<10240x64xf32, #tpu.memory_space<vmem_shared>>) target(%arg10 : memref<128x64xf32, #tpu.memory_space<vmem>>) offsets(%dma_start3A_183 : memref<128xi32, #tpu.memory_space<vmem>>) semaphore(%arg14 : memref<!tpu.dma_semaphore, #tpu.memory_space<semaphore_mem>>)
      %sub3A_187 = arith.constant 2 : i32
      %sub3A_188 = arith.subi %add3A_129, %sub3A_187 : i32
      %add3A_189 = arith.constant 1 : i32
      %add3A_190 = arith.addi %sub3A_188, %add3A_189 : i32
      %dma_wait3A_191 = arith.constant 0 : i32
      %dma_wait3A_192 = tpu.memref_slice %arg9[%add3A_190, %dma_wait3A_191] : memref<80x128xi32, #tpu.memory_space<vmem>> -> memref<1x128xi32, #tpu.memory_space<vmem>>
      %dma_wait3A_193 = tpu.memref_squeeze %dma_wait3A_192 : memref<1x128xi32, #tpu.memory_space<vmem>> -> memref<128xi32, #tpu.memory_space<vmem>>
      %dma_wait3A_194 = arith.constant 0 : i32
      %dma_wait3A_195 = arith.constant 0 : i32
      %dma_wait3A_196 = tpu.memref_slice %arg13[%dma_wait3A_194, %dma_wait3A_195] : memref<10240x64xf32, #tpu.memory_space<vmem_shared>> -> memref<10240x64xf32, #tpu.memory_space<vmem_shared>>
      tpu.wait_indirect_dma semaphore(%arg17 : memref<!tpu.dma_semaphore, #tpu.memory_space<semaphore_mem>>) src(%arg11 : memref<128x64xf32, #tpu.memory_space<vmem>>) dst(%dma_wait3A_196 : memref<10240x64xf32, #tpu.memory_space<vmem_shared>>)
      %add3A_197 = arith.constant 1 : i32
      %add3A_198 = arith.addi %add3A_129, %add3A_197 : i32
      %dma_start3A_199 = arith.constant 0 : i32
      %dma_start3A_200 = tpu.memref_slice %arg8[%add3A_198, %dma_start3A_199] : memref<80x128xi32, #tpu.memory_space<vmem>> -> memref<1x128xi32, #tpu.memory_space<vmem>>
      %dma_start3A_201 = tpu.memref_squeeze %dma_start3A_200 : memref<1x128xi32, #tpu.memory_space<vmem>> -> memref<128xi32, #tpu.memory_space<vmem>>
      %dma_start3A_202 = arith.constant 0 : i32
      %dma_start3A_203 = arith.constant 0 : i32
      %dma_start3A_204 = tpu.memref_slice %arg12[%dma_start3A_202, %dma_start3A_203] : memref<10240x64xf32, #tpu.memory_space<vmem_shared>> -> memref<10240x64xf32, #tpu.memory_space<vmem_shared>>
      tpu.enqueue_indirect_dma source(%dma_start3A_204 : memref<10240x64xf32, #tpu.memory_space<vmem_shared>>) target(%arg11 : memref<128x64xf32, #tpu.memory_space<vmem>>) offsets(%dma_start3A_201 : memref<128xi32, #tpu.memory_space<vmem>>) semaphore(%arg15 : memref<!tpu.dma_semaphore, #tpu.memory_space<semaphore_mem>>)
    }
    %scan3A_19 = arith.constant 39 : i32
    %dma_wait3A = arith.constant 78 : i32
    %dma_wait3A_20 = arith.constant 0 : i32
    %dma_wait3A_21 = tpu.memref_slice %arg8[%dma_wait3A, %dma_wait3A_20] : memref<80x128xi32, #tpu.memory_space<vmem>> -> memref<1x128xi32, #tpu.memory_space<vmem>>
    %dma_wait3A_22 = tpu.memref_squeeze %dma_wait3A_21 : memref<1x128xi32, #tpu.memory_space<vmem>> -> memref<128xi32, #tpu.memory_space<vmem>>
    %dma_wait3A_23 = arith.constant 0 : i32
    %dma_wait3A_24 = arith.constant 0 : i32
    %dma_wait3A_25 = tpu.memref_slice %arg12[%dma_wait3A_23, %dma_wait3A_24] : memref<10240x64xf32, #tpu.memory_space<vmem_shared>> -> memref<10240x64xf32, #tpu.memory_space<vmem_shared>>
    tpu.wait_indirect_dma semaphore(%arg14 : memref<!tpu.dma_semaphore, #tpu.memory_space<semaphore_mem>>) src(%dma_wait3A_25 : memref<10240x64xf32, #tpu.memory_space<vmem_shared>>) dst(%arg10 : memref<128x64xf32, #tpu.memory_space<vmem>>)
    %dma_start3A_26 = arith.constant 78 : i32
    %dma_start3A_27 = arith.constant 0 : i32
    %dma_start3A_28 = tpu.memref_slice %arg9[%dma_start3A_26, %dma_start3A_27] : memref<80x128xi32, #tpu.memory_space<vmem>> -> memref<1x128xi32, #tpu.memory_space<vmem>>
    %dma_start3A_29 = tpu.memref_squeeze %dma_start3A_28 : memref<1x128xi32, #tpu.memory_space<vmem>> -> memref<128xi32, #tpu.memory_space<vmem>>
    %dma_start3A_30 = arith.constant 0 : i32
    %dma_start3A_31 = arith.constant 0 : i32
    %dma_start3A_32 = tpu.memref_slice %arg13[%dma_start3A_30, %dma_start3A_31] : memref<10240x64xf32, #tpu.memory_space<vmem_shared>> -> memref<10240x64xf32, #tpu.memory_space<vmem_shared>>
    tpu.enqueue_indirect_dma source(%arg10 : memref<128x64xf32, #tpu.memory_space<vmem>>) target(%dma_start3A_32 : memref<10240x64xf32, #tpu.memory_space<vmem_shared>>) offsets(%dma_start3A_29 : memref<128xi32, #tpu.memory_space<vmem>>) semaphore(%arg16 : memref<!tpu.dma_semaphore, #tpu.memory_space<semaphore_mem>>) {add = true}
    %dma_wait3A_33 = arith.constant 79 : i32
    %dma_wait3A_34 = arith.constant 0 : i32
    %dma_wait3A_35 = tpu.memref_slice %arg8[%dma_wait3A_33, %dma_wait3A_34] : memref<80x128xi32, #tpu.memory_space<vmem>> -> memref<1x128xi32, #tpu.memory_space<vmem>>
    %dma_wait3A_36 = tpu.memref_squeeze %dma_wait3A_35 : memref<1x128xi32, #tpu.memory_space<vmem>> -> memref<128xi32, #tpu.memory_space<vmem>>
    %dma_wait3A_37 = arith.constant 0 : i32
    %dma_wait3A_38 = arith.constant 0 : i32
    %dma_wait3A_39 = tpu.memref_slice %arg12[%dma_wait3A_37, %dma_wait3A_38] : memref<10240x64xf32, #tpu.memory_space<vmem_shared>> -> memref<10240x64xf32, #tpu.memory_space<vmem_shared>>
    tpu.wait_indirect_dma semaphore(%arg15 : memref<!tpu.dma_semaphore, #tpu.memory_space<semaphore_mem>>) src(%dma_wait3A_39 : memref<10240x64xf32, #tpu.memory_space<vmem_shared>>) dst(%arg11 : memref<128x64xf32, #tpu.memory_space<vmem>>)
    %dma_start3A_40 = arith.constant 79 : i32
    %dma_start3A_41 = arith.constant 0 : i32
    %dma_start3A_42 = tpu.memref_slice %arg9[%dma_start3A_40, %dma_start3A_41] : memref<80x128xi32, #tpu.memory_space<vmem>> -> memref<1x128xi32, #tpu.memory_space<vmem>>
    %dma_start3A_43 = tpu.memref_squeeze %dma_start3A_42 : memref<1x128xi32, #tpu.memory_space<vmem>> -> memref<128xi32, #tpu.memory_space<vmem>>
    %dma_start3A_44 = arith.constant 0 : i32
    %dma_start3A_45 = arith.constant 0 : i32
    %dma_start3A_46 = tpu.memref_slice %arg13[%dma_start3A_44, %dma_start3A_45] : memref<10240x64xf32, #tpu.memory_space<vmem_shared>> -> memref<10240x64xf32, #tpu.memory_space<vmem_shared>>
    tpu.enqueue_indirect_dma source(%arg11 : memref<128x64xf32, #tpu.memory_space<vmem>>) target(%dma_start3A_46 : memref<10240x64xf32, #tpu.memory_space<vmem_shared>>) offsets(%dma_start3A_43 : memref<128xi32, #tpu.memory_space<vmem>>) semaphore(%arg17 : memref<!tpu.dma_semaphore, #tpu.memory_space<semaphore_mem>>) {add = true}
    %dma_wait3A_47 = arith.constant 78 : i32
    %dma_wait3A_48 = arith.constant 0 : i32
    %dma_wait3A_49 = tpu.memref_slice %arg9[%dma_wait3A_47, %dma_wait3A_48] : memref<80x128xi32, #tpu.memory_space<vmem>> -> memref<1x128xi32, #tpu.memory_space<vmem>>
    %dma_wait3A_50 = tpu.memref_squeeze %dma_wait3A_49 : memref<1x128xi32, #tpu.memory_space<vmem>> -> memref<128xi32, #tpu.memory_space<vmem>>
    %dma_wait3A_51 = arith.constant 0 : i32
    %dma_wait3A_52 = arith.constant 0 : i32
    %dma_wait3A_53 = tpu.memref_slice %arg13[%dma_wait3A_51, %dma_wait3A_52] : memref<10240x64xf32, #tpu.memory_space<vmem_shared>> -> memref<10240x64xf32, #tpu.memory_space<vmem_shared>>
    tpu.wait_indirect_dma semaphore(%arg16 : memref<!tpu.dma_semaphore, #tpu.memory_space<semaphore_mem>>) src(%arg10 : memref<128x64xf32, #tpu.memory_space<vmem>>) dst(%dma_wait3A_53 : memref<10240x64xf32, #tpu.memory_space<vmem_shared>>)
    %dma_wait3A_54 = arith.constant 79 : i32
    %dma_wait3A_55 = arith.constant 0 : i32
    %dma_wait3A_56 = tpu.memref_slice %arg9[%dma_wait3A_54, %dma_wait3A_55] : memref<80x128xi32, #tpu.memory_space<vmem>> -> memref<1x128xi32, #tpu.memory_space<vmem>>
    %dma_wait3A_57 = tpu.memref_squeeze %dma_wait3A_56 : memref<1x128xi32, #tpu.memory_space<vmem>> -> memref<128xi32, #tpu.memory_space<vmem>>
    %dma_wait3A_58 = arith.constant 0 : i32
    %dma_wait3A_59 = arith.constant 0 : i32
    %dma_wait3A_60 = tpu.memref_slice %arg13[%dma_wait3A_58, %dma_wait3A_59] : memref<10240x64xf32, #tpu.memory_space<vmem_shared>> -> memref<10240x64xf32, #tpu.memory_space<vmem_shared>>
    tpu.wait_indirect_dma semaphore(%arg17 : memref<!tpu.dma_semaphore, #tpu.memory_space<semaphore_mem>>) src(%arg11 : memref<128x64xf32, #tpu.memory_space<vmem>>) dst(%dma_wait3A_60 : memref<10240x64xf32, #tpu.memory_space<vmem_shared>>)
    %barrier3A_61 = arith.constant 0 : index
    tpu.barrier barrier_id(%barrier3A_61)
    "tpu.region"() ({
      %run_scoped3A = tpu.sem_alloc : memref<!tpu.dma_semaphore, #tpu.memory_space<semaphore_mem>>
      %dma_start3A_125 = arith.constant 0 : i32
      %dma_start3A_126 = arith.constant 0 : i32
      %dma_start3A_127 = tpu.memref_slice %arg6[%arg0, %dma_start3A_125, %dma_start3A_126] : memref<2x10240x64xf32, #tpu.memory_space<hbm>> -> memref<1x10240x64xf32, #tpu.memory_space<hbm>>
      %dma_start3A_128 = tpu.memref_squeeze %dma_start3A_127 : memref<1x10240x64xf32, #tpu.memory_space<hbm>> -> memref<10240x64xf32, #tpu.memory_space<hbm>>
      %dma_start3A_129 = arith.constant 0 : i32
      %dma_start3A_130 = tpu.memref_slice %dma_start3A_128[%mul3A_2, %dma_start3A_129] : memref<10240x64xf32, #tpu.memory_space<hbm>> -> memref<640x64xf32, #tpu.memory_space<hbm>>
      %dma_start3A_131 = arith.constant 0 : i32
      %dma_start3A_132 = tpu.memref_slice %arg13[%mul3A_2, %dma_start3A_131] : memref<10240x64xf32, #tpu.memory_space<vmem_shared>> -> memref<640x64xf32, #tpu.memory_space<vmem_shared>>
      tpu.enqueue_dma source(%dma_start3A_132 : memref<640x64xf32, #tpu.memory_space<vmem_shared>>) target(%dma_start3A_130 : memref<640x64xf32, #tpu.memory_space<hbm>>) target_semaphore(%run_scoped3A : memref<!tpu.dma_semaphore, #tpu.memory_space<semaphore_mem>>)
      %dma_wait3A_133 = arith.constant 0 : i32
      %dma_wait3A_134 = arith.constant 0 : i32
      %dma_wait3A_135 = tpu.memref_slice %arg6[%arg0, %dma_wait3A_133, %dma_wait3A_134] : memref<2x10240x64xf32, #tpu.memory_space<hbm>> -> memref<1x10240x64xf32, #tpu.memory_space<hbm>>
      %dma_wait3A_136 = tpu.memref_squeeze %dma_wait3A_135 : memref<1x10240x64xf32, #tpu.memory_space<hbm>> -> memref<10240x64xf32, #tpu.memory_space<hbm>>
      %dma_wait3A_137 = arith.constant 0 : i32
      %dma_wait3A_138 = tpu.memref_slice %dma_wait3A_136[%mul3A_2, %dma_wait3A_137] : memref<10240x64xf32, #tpu.memory_space<hbm>> -> memref<640x64xf32, #tpu.memory_space<hbm>>
      %dma_wait3A_139 = arith.constant 0 : i32
      %dma_wait3A_140 = tpu.memref_slice %arg13[%mul3A_2, %dma_wait3A_139] : memref<10240x64xf32, #tpu.memory_space<vmem_shared>> -> memref<640x64xf32, #tpu.memory_space<vmem_shared>>
      tpu.wait_dma2 semaphore(%run_scoped3A : memref<!tpu.dma_semaphore, #tpu.memory_space<semaphore_mem>>) src(%dma_wait3A_140 : memref<640x64xf32, #tpu.memory_space<vmem_shared>>) dst(%dma_wait3A_138 : memref<640x64xf32, #tpu.memory_space<hbm>>)
      tpu.yield
    }) : () -> ()
    "tpu.region"() ({
      %run_scoped3A = tpu.sem_alloc : memref<!tpu.dma_semaphore, #tpu.memory_space<semaphore_mem>>
      %dma_start3A_125 = arith.constant 0 : i32
      %dma_start3A_126 = tpu.memref_slice %arg13[%mul3A_2, %dma_start3A_125] : memref<10240x64xf32, #tpu.memory_space<vmem_shared>> -> memref<640x64xf32, #tpu.memory_space<vmem_shared>>
      %dma_start3A_127 = arith.constant 0 : i32
      %dma_start3A_128 = tpu.memref_slice %arg3[%mul3A_2, %dma_start3A_127] : memref<10240x64xf32, #tpu.memory_space<hbm>> -> memref<640x64xf32, #tpu.memory_space<hbm>>
      tpu.enqueue_dma source(%dma_start3A_128 : memref<640x64xf32, #tpu.memory_space<hbm>>) target(%dma_start3A_126 : memref<640x64xf32, #tpu.memory_space<vmem_shared>>) target_semaphore(%run_scoped3A : memref<!tpu.dma_semaphore, #tpu.memory_space<semaphore_mem>>)
      %dma_wait3A_129 = arith.constant 0 : i32
      %dma_wait3A_130 = tpu.memref_slice %arg13[%mul3A_2, %dma_wait3A_129] : memref<10240x64xf32, #tpu.memory_space<vmem_shared>> -> memref<640x64xf32, #tpu.memory_space<vmem_shared>>
      %dma_wait3A_131 = arith.constant 0 : i32
      %dma_wait3A_132 = tpu.memref_slice %arg3[%mul3A_2, %dma_wait3A_131] : memref<10240x64xf32, #tpu.memory_space<hbm>> -> memref<640x64xf32, #tpu.memory_space<hbm>>
      tpu.wait_dma2 semaphore(%run_scoped3A : memref<!tpu.dma_semaphore, #tpu.memory_space<semaphore_mem>>) src(%dma_wait3A_132 : memref<640x64xf32, #tpu.memory_space<hbm>>) dst(%dma_wait3A_130 : memref<640x64xf32, #tpu.memory_space<vmem_shared>>)
      tpu.yield
    }) : () -> ()
    "tpu.region"() ({
      %run_scoped3A = tpu.sem_alloc : memref<!tpu.dma_semaphore, #tpu.memory_space<semaphore_mem>>
      %dma_start3A_125 = arith.constant 0 : i32
      %dma_start3A_126 = tpu.memref_slice %arg12[%mul3A_2, %dma_start3A_125] : memref<10240x64xf32, #tpu.memory_space<vmem_shared>> -> memref<640x64xf32, #tpu.memory_space<vmem_shared>>
      %dma_start3A_127 = arith.constant 0 : i32
      %dma_start3A_128 = tpu.memref_slice %arg3[%mul3A_2, %dma_start3A_127] : memref<10240x64xf32, #tpu.memory_space<hbm>> -> memref<640x64xf32, #tpu.memory_space<hbm>>
      tpu.enqueue_dma source(%dma_start3A_128 : memref<640x64xf32, #tpu.memory_space<hbm>>) target(%dma_start3A_126 : memref<640x64xf32, #tpu.memory_space<vmem_shared>>) target_semaphore(%run_scoped3A : memref<!tpu.dma_semaphore, #tpu.memory_space<semaphore_mem>>)
      %dma_wait3A_129 = arith.constant 0 : i32
      %dma_wait3A_130 = tpu.memref_slice %arg12[%mul3A_2, %dma_wait3A_129] : memref<10240x64xf32, #tpu.memory_space<vmem_shared>> -> memref<640x64xf32, #tpu.memory_space<vmem_shared>>
      %dma_wait3A_131 = arith.constant 0 : i32
      %dma_wait3A_132 = tpu.memref_slice %arg3[%mul3A_2, %dma_wait3A_131] : memref<10240x64xf32, #tpu.memory_space<hbm>> -> memref<640x64xf32, #tpu.memory_space<hbm>>
      tpu.wait_dma2 semaphore(%run_scoped3A : memref<!tpu.dma_semaphore, #tpu.memory_space<semaphore_mem>>) src(%dma_wait3A_132 : memref<640x64xf32, #tpu.memory_space<hbm>>) dst(%dma_wait3A_130 : memref<640x64xf32, #tpu.memory_space<vmem_shared>>)
      tpu.yield
    }) : () -> ()
    %barrier3A_62 = arith.constant 0 : index
    tpu.barrier barrier_id(%barrier3A_62)
    %dma_start3A_63 = arith.constant 0 : i32
    %dma_start3A_64 = arith.constant 0 : i32
    %dma_start3A_65 = tpu.memref_slice %arg8[%dma_start3A_63, %dma_start3A_64] : memref<80x128xi32, #tpu.memory_space<vmem>> -> memref<1x128xi32, #tpu.memory_space<vmem>>
    %dma_start3A_66 = tpu.memref_squeeze %dma_start3A_65 : memref<1x128xi32, #tpu.memory_space<vmem>> -> memref<128xi32, #tpu.memory_space<vmem>>
    %dma_start3A_67 = arith.constant 0 : i32
    %dma_start3A_68 = arith.constant 0 : i32
    %dma_start3A_69 = tpu.memref_slice %arg12[%dma_start3A_67, %dma_start3A_68] : memref<10240x64xf32, #tpu.memory_space<vmem_shared>> -> memref<10240x64xf32, #tpu.memory_space<vmem_shared>>
    tpu.enqueue_indirect_dma source(%dma_start3A_69 : memref<10240x64xf32, #tpu.memory_space<vmem_shared>>) target(%arg10 : memref<128x64xf32, #tpu.memory_space<vmem>>) offsets(%dma_start3A_66 : memref<128xi32, #tpu.memory_space<vmem>>) semaphore(%arg14 : memref<!tpu.dma_semaphore, #tpu.memory_space<semaphore_mem>>)
    %dma_start3A_70 = arith.constant 1 : i32
    %dma_start3A_71 = arith.constant 0 : i32
    %dma_start3A_72 = tpu.memref_slice %arg8[%dma_start3A_70, %dma_start3A_71] : memref<80x128xi32, #tpu.memory_space<vmem>> -> memref<1x128xi32, #tpu.memory_space<vmem>>
    %dma_start3A_73 = tpu.memref_squeeze %dma_start3A_72 : memref<1x128xi32, #tpu.memory_space<vmem>> -> memref<128xi32, #tpu.memory_space<vmem>>
    %dma_start3A_74 = arith.constant 0 : i32
    %dma_start3A_75 = arith.constant 0 : i32
    %dma_start3A_76 = tpu.memref_slice %arg12[%dma_start3A_74, %dma_start3A_75] : memref<10240x64xf32, #tpu.memory_space<vmem_shared>> -> memref<10240x64xf32, #tpu.memory_space<vmem_shared>>
    tpu.enqueue_indirect_dma source(%dma_start3A_76 : memref<10240x64xf32, #tpu.memory_space<vmem_shared>>) target(%arg11 : memref<128x64xf32, #tpu.memory_space<vmem>>) offsets(%dma_start3A_73 : memref<128xi32, #tpu.memory_space<vmem>>) semaphore(%arg15 : memref<!tpu.dma_semaphore, #tpu.memory_space<semaphore_mem>>)
    %scan3A_77 = arith.constant 0 : i32
    %scan3A_78 = arith.constant 39 : i32
    %scan3A_79 = arith.addi %scan3A_77, %scan3A_78 : i32
    %scan3A_80 = arith.constant 1 : i32
    scf.for %scan3A_125 = %scan3A_77 to %scan3A_79 step %scan3A_80  : i32 {
      %mul3A_126 = arith.constant 2 : i32
      %mul3A_127 = arith.muli %scan3A_125, %mul3A_126 : i32
      %add3A_128 = arith.constant 2 : i32
      %add3A_129 = arith.addi %add3A_128, %mul3A_127 : i32
      %sub3A = arith.constant 2 : i32
      %sub3A_130 = arith.subi %add3A_129, %sub3A : i32
      %add3A_131 = arith.constant 0 : i32
      %add3A_132 = arith.addi %sub3A_130, %add3A_131 : i32
      %dma_wait3A_133 = arith.constant 0 : i32
      %dma_wait3A_134 = tpu.memref_slice %arg8[%add3A_132, %dma_wait3A_133] : memref<80x128xi32, #tpu.memory_space<vmem>> -> memref<1x128xi32, #tpu.memory_space<vmem>>
      %dma_wait3A_135 = tpu.memref_squeeze %dma_wait3A_134 : memref<1x128xi32, #tpu.memory_space<vmem>> -> memref<128xi32, #tpu.memory_space<vmem>>
      %dma_wait3A_136 = arith.constant 0 : i32
      %dma_wait3A_137 = arith.constant 0 : i32
      %dma_wait3A_138 = tpu.memref_slice %arg12[%dma_wait3A_136, %dma_wait3A_137] : memref<10240x64xf32, #tpu.memory_space<vmem_shared>> -> memref<10240x64xf32, #tpu.memory_space<vmem_shared>>
      tpu.wait_indirect_dma semaphore(%arg14 : memref<!tpu.dma_semaphore, #tpu.memory_space<semaphore_mem>>) src(%dma_wait3A_138 : memref<10240x64xf32, #tpu.memory_space<vmem_shared>>) dst(%arg10 : memref<128x64xf32, #tpu.memory_space<vmem>>)
      %sub3A_139 = arith.constant 2 : i32
      %sub3A_140 = arith.subi %add3A_129, %sub3A_139 : i32
      %add3A_141 = arith.constant 0 : i32
      %add3A_142 = arith.addi %sub3A_140, %add3A_141 : i32
      %dma_start3A_143 = arith.constant 0 : i32
      %dma_start3A_144 = tpu.memref_slice %arg9[%add3A_142, %dma_start3A_143] : memref<80x128xi32, #tpu.memory_space<vmem>> -> memref<1x128xi32, #tpu.memory_space<vmem>>
      %dma_start3A_145 = tpu.memref_squeeze %dma_start3A_144 : memref<1x128xi32, #tpu.memory_space<vmem>> -> memref<128xi32, #tpu.memory_space<vmem>>
      %dma_start3A_146 = arith.constant 0 : i32
      %dma_start3A_147 = arith.constant 0 : i32
      %dma_start3A_148 = tpu.memref_slice %arg13[%dma_start3A_146, %dma_start3A_147] : memref<10240x64xf32, #tpu.memory_space<vmem_shared>> -> memref<10240x64xf32, #tpu.memory_space<vmem_shared>>
      tpu.enqueue_indirect_dma source(%arg10 : memref<128x64xf32, #tpu.memory_space<vmem>>) target(%dma_start3A_148 : memref<10240x64xf32, #tpu.memory_space<vmem_shared>>) offsets(%dma_start3A_145 : memref<128xi32, #tpu.memory_space<vmem>>) semaphore(%arg16 : memref<!tpu.dma_semaphore, #tpu.memory_space<semaphore_mem>>) {add = true}
      %sub3A_149 = arith.constant 2 : i32
      %sub3A_150 = arith.subi %add3A_129, %sub3A_149 : i32
      %add3A_151 = arith.constant 1 : i32
      %add3A_152 = arith.addi %sub3A_150, %add3A_151 : i32
      %dma_wait3A_153 = arith.constant 0 : i32
      %dma_wait3A_154 = tpu.memref_slice %arg8[%add3A_152, %dma_wait3A_153] : memref<80x128xi32, #tpu.memory_space<vmem>> -> memref<1x128xi32, #tpu.memory_space<vmem>>
      %dma_wait3A_155 = tpu.memref_squeeze %dma_wait3A_154 : memref<1x128xi32, #tpu.memory_space<vmem>> -> memref<128xi32, #tpu.memory_space<vmem>>
      %dma_wait3A_156 = arith.constant 0 : i32
      %dma_wait3A_157 = arith.constant 0 : i32
      %dma_wait3A_158 = tpu.memref_slice %arg12[%dma_wait3A_156, %dma_wait3A_157] : memref<10240x64xf32, #tpu.memory_space<vmem_shared>> -> memref<10240x64xf32, #tpu.memory_space<vmem_shared>>
      tpu.wait_indirect_dma semaphore(%arg15 : memref<!tpu.dma_semaphore, #tpu.memory_space<semaphore_mem>>) src(%dma_wait3A_158 : memref<10240x64xf32, #tpu.memory_space<vmem_shared>>) dst(%arg11 : memref<128x64xf32, #tpu.memory_space<vmem>>)
      %sub3A_159 = arith.constant 2 : i32
      %sub3A_160 = arith.subi %add3A_129, %sub3A_159 : i32
      %add3A_161 = arith.constant 1 : i32
      %add3A_162 = arith.addi %sub3A_160, %add3A_161 : i32
      %dma_start3A_163 = arith.constant 0 : i32
      %dma_start3A_164 = tpu.memref_slice %arg9[%add3A_162, %dma_start3A_163] : memref<80x128xi32, #tpu.memory_space<vmem>> -> memref<1x128xi32, #tpu.memory_space<vmem>>
      %dma_start3A_165 = tpu.memref_squeeze %dma_start3A_164 : memref<1x128xi32, #tpu.memory_space<vmem>> -> memref<128xi32, #tpu.memory_space<vmem>>
      %dma_start3A_166 = arith.constant 0 : i32
      %dma_start3A_167 = arith.constant 0 : i32
      %dma_start3A_168 = tpu.memref_slice %arg13[%dma_start3A_166, %dma_start3A_167] : memref<10240x64xf32, #tpu.memory_space<vmem_shared>> -> memref<10240x64xf32, #tpu.memory_space<vmem_shared>>
      tpu.enqueue_indirect_dma source(%arg11 : memref<128x64xf32, #tpu.memory_space<vmem>>) target(%dma_start3A_168 : memref<10240x64xf32, #tpu.memory_space<vmem_shared>>) offsets(%dma_start3A_165 : memref<128xi32, #tpu.memory_space<vmem>>) semaphore(%arg17 : memref<!tpu.dma_semaphore, #tpu.memory_space<semaphore_mem>>) {add = true}
      %sub3A_169 = arith.constant 2 : i32
      %sub3A_170 = arith.subi %add3A_129, %sub3A_169 : i32
      %add3A_171 = arith.constant 0 : i32
      %add3A_172 = arith.addi %sub3A_170, %add3A_171 : i32
      %dma_wait3A_173 = arith.constant 0 : i32
      %dma_wait3A_174 = tpu.memref_slice %arg9[%add3A_172, %dma_wait3A_173] : memref<80x128xi32, #tpu.memory_space<vmem>> -> memref<1x128xi32, #tpu.memory_space<vmem>>
      %dma_wait3A_175 = tpu.memref_squeeze %dma_wait3A_174 : memref<1x128xi32, #tpu.memory_space<vmem>> -> memref<128xi32, #tpu.memory_space<vmem>>
      %dma_wait3A_176 = arith.constant 0 : i32
      %dma_wait3A_177 = arith.constant 0 : i32
      %dma_wait3A_178 = tpu.memref_slice %arg13[%dma_wait3A_176, %dma_wait3A_177] : memref<10240x64xf32, #tpu.memory_space<vmem_shared>> -> memref<10240x64xf32, #tpu.memory_space<vmem_shared>>
      tpu.wait_indirect_dma semaphore(%arg16 : memref<!tpu.dma_semaphore, #tpu.memory_space<semaphore_mem>>) src(%arg10 : memref<128x64xf32, #tpu.memory_space<vmem>>) dst(%dma_wait3A_178 : memref<10240x64xf32, #tpu.memory_space<vmem_shared>>)
      %add3A_179 = arith.constant 0 : i32
      %add3A_180 = arith.addi %add3A_129, %add3A_179 : i32
      %dma_start3A_181 = arith.constant 0 : i32
      %dma_start3A_182 = tpu.memref_slice %arg8[%add3A_180, %dma_start3A_181] : memref<80x128xi32, #tpu.memory_space<vmem>> -> memref<1x128xi32, #tpu.memory_space<vmem>>
      %dma_start3A_183 = tpu.memref_squeeze %dma_start3A_182 : memref<1x128xi32, #tpu.memory_space<vmem>> -> memref<128xi32, #tpu.memory_space<vmem>>
      %dma_start3A_184 = arith.constant 0 : i32
      %dma_start3A_185 = arith.constant 0 : i32
      %dma_start3A_186 = tpu.memref_slice %arg12[%dma_start3A_184, %dma_start3A_185] : memref<10240x64xf32, #tpu.memory_space<vmem_shared>> -> memref<10240x64xf32, #tpu.memory_space<vmem_shared>>
      tpu.enqueue_indirect_dma source(%dma_start3A_186 : memref<10240x64xf32, #tpu.memory_space<vmem_shared>>) target(%arg10 : memref<128x64xf32, #tpu.memory_space<vmem>>) offsets(%dma_start3A_183 : memref<128xi32, #tpu.memory_space<vmem>>) semaphore(%arg14 : memref<!tpu.dma_semaphore, #tpu.memory_space<semaphore_mem>>)
      %sub3A_187 = arith.constant 2 : i32
      %sub3A_188 = arith.subi %add3A_129, %sub3A_187 : i32
      %add3A_189 = arith.constant 1 : i32
      %add3A_190 = arith.addi %sub3A_188, %add3A_189 : i32
      %dma_wait3A_191 = arith.constant 0 : i32
      %dma_wait3A_192 = tpu.memref_slice %arg9[%add3A_190, %dma_wait3A_191] : memref<80x128xi32, #tpu.memory_space<vmem>> -> memref<1x128xi32, #tpu.memory_space<vmem>>
      %dma_wait3A_193 = tpu.memref_squeeze %dma_wait3A_192 : memref<1x128xi32, #tpu.memory_space<vmem>> -> memref<128xi32, #tpu.memory_space<vmem>>
      %dma_wait3A_194 = arith.constant 0 : i32
      %dma_wait3A_195 = arith.constant 0 : i32
      %dma_wait3A_196 = tpu.memref_slice %arg13[%dma_wait3A_194, %dma_wait3A_195] : memref<10240x64xf32, #tpu.memory_space<vmem_shared>> -> memref<10240x64xf32, #tpu.memory_space<vmem_shared>>
      tpu.wait_indirect_dma semaphore(%arg17 : memref<!tpu.dma_semaphore, #tpu.memory_space<semaphore_mem>>) src(%arg11 : memref<128x64xf32, #tpu.memory_space<vmem>>) dst(%dma_wait3A_196 : memref<10240x64xf32, #tpu.memory_space<vmem_shared>>)
      %add3A_197 = arith.constant 1 : i32
      %add3A_198 = arith.addi %add3A_129, %add3A_197 : i32
      %dma_start3A_199 = arith.constant 0 : i32
      %dma_start3A_200 = tpu.memref_slice %arg8[%add3A_198, %dma_start3A_199] : memref<80x128xi32, #tpu.memory_space<vmem>> -> memref<1x128xi32, #tpu.memory_space<vmem>>
      %dma_start3A_201 = tpu.memref_squeeze %dma_start3A_200 : memref<1x128xi32, #tpu.memory_space<vmem>> -> memref<128xi32, #tpu.memory_space<vmem>>
      %dma_start3A_202 = arith.constant 0 : i32
      %dma_start3A_203 = arith.constant 0 : i32
      %dma_start3A_204 = tpu.memref_slice %arg12[%dma_start3A_202, %dma_start3A_203] : memref<10240x64xf32, #tpu.memory_space<vmem_shared>> -> memref<10240x64xf32, #tpu.memory_space<vmem_shared>>
      tpu.enqueue_indirect_dma source(%dma_start3A_204 : memref<10240x64xf32, #tpu.memory_space<vmem_shared>>) target(%arg11 : memref<128x64xf32, #tpu.memory_space<vmem>>) offsets(%dma_start3A_201 : memref<128xi32, #tpu.memory_space<vmem>>) semaphore(%arg15 : memref<!tpu.dma_semaphore, #tpu.memory_space<semaphore_mem>>)
    }
    %scan3A_81 = arith.constant 39 : i32
    %dma_wait3A_82 = arith.constant 78 : i32
    %dma_wait3A_83 = arith.constant 0 : i32
    %dma_wait3A_84 = tpu.memref_slice %arg8[%dma_wait3A_82, %dma_wait3A_83] : memref<80x128xi32, #tpu.memory_space<vmem>> -> memref<1x128xi32, #tpu.memory_space<vmem>>
    %dma_wait3A_85 = tpu.memref_squeeze %dma_wait3A_84 : memref<1x128xi32, #tpu.memory_space<vmem>> -> memref<128xi32, #tpu.memory_space<vmem>>
    %dma_wait3A_86 = arith.constant 0 : i32
    %dma_wait3A_87 = arith.constant 0 : i32
    %dma_wait3A_88 = tpu.memref_slice %arg12[%dma_wait3A_86, %dma_wait3A_87] : memref<10240x64xf32, #tpu.memory_space<vmem_shared>> -> memref<10240x64xf32, #tpu.memory_space<vmem_shared>>
    tpu.wait_indirect_dma semaphore(%arg14 : memref<!tpu.dma_semaphore, #tpu.memory_space<semaphore_mem>>) src(%dma_wait3A_88 : memref<10240x64xf32, #tpu.memory_space<vmem_shared>>) dst(%arg10 : memref<128x64xf32, #tpu.memory_space<vmem>>)
    %dma_start3A_89 = arith.constant 78 : i32
    %dma_start3A_90 = arith.constant 0 : i32
    %dma_start3A_91 = tpu.memref_slice %arg9[%dma_start3A_89, %dma_start3A_90] : memref<80x128xi32, #tpu.memory_space<vmem>> -> memref<1x128xi32, #tpu.memory_space<vmem>>
    %dma_start3A_92 = tpu.memref_squeeze %dma_start3A_91 : memref<1x128xi32, #tpu.memory_space<vmem>> -> memref<128xi32, #tpu.memory_space<vmem>>
    %dma_start3A_93 = arith.constant 0 : i32
    %dma_start3A_94 = arith.constant 0 : i32
    %dma_start3A_95 = tpu.memref_slice %arg13[%dma_start3A_93, %dma_start3A_94] : memref<10240x64xf32, #tpu.memory_space<vmem_shared>> -> memref<10240x64xf32, #tpu.memory_space<vmem_shared>>
    tpu.enqueue_indirect_dma source(%arg10 : memref<128x64xf32, #tpu.memory_space<vmem>>) target(%dma_start3A_95 : memref<10240x64xf32, #tpu.memory_space<vmem_shared>>) offsets(%dma_start3A_92 : memref<128xi32, #tpu.memory_space<vmem>>) semaphore(%arg16 : memref<!tpu.dma_semaphore, #tpu.memory_space<semaphore_mem>>) {add = true}
    %dma_wait3A_96 = arith.constant 79 : i32
    %dma_wait3A_97 = arith.constant 0 : i32
    %dma_wait3A_98 = tpu.memref_slice %arg8[%dma_wait3A_96, %dma_wait3A_97] : memref<80x128xi32, #tpu.memory_space<vmem>> -> memref<1x128xi32, #tpu.memory_space<vmem>>
    %dma_wait3A_99 = tpu.memref_squeeze %dma_wait3A_98 : memref<1x128xi32, #tpu.memory_space<vmem>> -> memref<128xi32, #tpu.memory_space<vmem>>
    %dma_wait3A_100 = arith.constant 0 : i32
    %dma_wait3A_101 = arith.constant 0 : i32
    %dma_wait3A_102 = tpu.memref_slice %arg12[%dma_wait3A_100, %dma_wait3A_101] : memref<10240x64xf32, #tpu.memory_space<vmem_shared>> -> memref<10240x64xf32, #tpu.memory_space<vmem_shared>>
    tpu.wait_indirect_dma semaphore(%arg15 : memref<!tpu.dma_semaphore, #tpu.memory_space<semaphore_mem>>) src(%dma_wait3A_102 : memref<10240x64xf32, #tpu.memory_space<vmem_shared>>) dst(%arg11 : memref<128x64xf32, #tpu.memory_space<vmem>>)
    %dma_start3A_103 = arith.constant 79 : i32
    %dma_start3A_104 = arith.constant 0 : i32
    %dma_start3A_105 = tpu.memref_slice %arg9[%dma_start3A_103, %dma_start3A_104] : memref<80x128xi32, #tpu.memory_space<vmem>> -> memref<1x128xi32, #tpu.memory_space<vmem>>
    %dma_start3A_106 = tpu.memref_squeeze %dma_start3A_105 : memref<1x128xi32, #tpu.memory_space<vmem>> -> memref<128xi32, #tpu.memory_space<vmem>>
    %dma_start3A_107 = arith.constant 0 : i32
    %dma_start3A_108 = arith.constant 0 : i32
    %dma_start3A_109 = tpu.memref_slice %arg13[%dma_start3A_107, %dma_start3A_108] : memref<10240x64xf32, #tpu.memory_space<vmem_shared>> -> memref<10240x64xf32, #tpu.memory_space<vmem_shared>>
    tpu.enqueue_indirect_dma source(%arg11 : memref<128x64xf32, #tpu.memory_space<vmem>>) target(%dma_start3A_109 : memref<10240x64xf32, #tpu.memory_space<vmem_shared>>) offsets(%dma_start3A_106 : memref<128xi32, #tpu.memory_space<vmem>>) semaphore(%arg17 : memref<!tpu.dma_semaphore, #tpu.memory_space<semaphore_mem>>) {add = true}
    %dma_wait3A_110 = arith.constant 78 : i32
    %dma_wait3A_111 = arith.constant 0 : i32
    %dma_wait3A_112 = tpu.memref_slice %arg9[%dma_wait3A_110, %dma_wait3A_111] : memref<80x128xi32, #tpu.memory_space<vmem>> -> memref<1x128xi32, #tpu.memory_space<vmem>>
    %dma_wait3A_113 = tpu.memref_squeeze %dma_wait3A_112 : memref<1x128xi32, #tpu.memory_space<vmem>> -> memref<128xi32, #tpu.memory_space<vmem>>
    %dma_wait3A_114 = arith.constant 0 : i32
    %dma_wait3A_115 = arith.constant 0 : i32
    %dma_wait3A_116 = tpu.memref_slice %arg13[%dma_wait3A_114, %dma_wait3A_115] : memref<10240x64xf32, #tpu.memory_space<vmem_shared>> -> memref<10240x64xf32, #tpu.memory_space<vmem_shared>>
    tpu.wait_indirect_dma semaphore(%arg16 : memref<!tpu.dma_semaphore, #tpu.memory_space<semaphore_mem>>) src(%arg10 : memref<128x64xf32, #tpu.memory_space<vmem>>) dst(%dma_wait3A_116 : memref<10240x64xf32, #tpu.memory_space<vmem_shared>>)
    %dma_wait3A_117 = arith.constant 79 : i32
    %dma_wait3A_118 = arith.constant 0 : i32
    %dma_wait3A_119 = tpu.memref_slice %arg9[%dma_wait3A_117, %dma_wait3A_118] : memref<80x128xi32, #tpu.memory_space<vmem>> -> memref<1x128xi32, #tpu.memory_space<vmem>>
    %dma_wait3A_120 = tpu.memref_squeeze %dma_wait3A_119 : memref<1x128xi32, #tpu.memory_space<vmem>> -> memref<128xi32, #tpu.memory_space<vmem>>
    %dma_wait3A_121 = arith.constant 0 : i32
    %dma_wait3A_122 = arith.constant 0 : i32
    %dma_wait3A_123 = tpu.memref_slice %arg13[%dma_wait3A_121, %dma_wait3A_122] : memref<10240x64xf32, #tpu.memory_space<vmem_shared>> -> memref<10240x64xf32, #tpu.memory_space<vmem_shared>>
    tpu.wait_indirect_dma semaphore(%arg17 : memref<!tpu.dma_semaphore, #tpu.memory_space<semaphore_mem>>) src(%arg11 : memref<128x64xf32, #tpu.memory_space<vmem>>) dst(%dma_wait3A_123 : memref<10240x64xf32, #tpu.memory_space<vmem_shared>>)
    %barrier3A_124 = arith.constant 0 : index
    tpu.barrier barrier_id(%barrier3A_124)
    "tpu.region"() ({
      %run_scoped3A = tpu.sem_alloc : memref<!tpu.dma_semaphore, #tpu.memory_space<semaphore_mem>>
      %dma_start3A_125 = arith.constant 0 : i32
      %dma_start3A_126 = arith.constant 0 : i32
      %dma_start3A_127 = tpu.memref_slice %arg7[%arg0, %dma_start3A_125, %dma_start3A_126] : memref<2x10240x64xf32, #tpu.memory_space<hbm>> -> memref<1x10240x64xf32, #tpu.memory_space<hbm>>
      %dma_start3A_128 = tpu.memref_squeeze %dma_start3A_127 : memref<1x10240x64xf32, #tpu.memory_space<hbm>> -> memref<10240x64xf32, #tpu.memory_space<hbm>>
      %dma_start3A_129 = arith.constant 0 : i32
      %dma_start3A_130 = tpu.memref_slice %dma_start3A_128[%mul3A_2, %dma_start3A_129] : memref<10240x64xf32, #tpu.memory_space<hbm>> -> memref<640x64xf32, #tpu.memory_space<hbm>>
      %dma_start3A_131 = arith.constant 0 : i32
      %dma_start3A_132 = tpu.memref_slice %arg13[%mul3A_2, %dma_start3A_131] : memref<10240x64xf32, #tpu.memory_space<vmem_shared>> -> memref<640x64xf32, #tpu.memory_space<vmem_shared>>
      tpu.enqueue_dma source(%dma_start3A_132 : memref<640x64xf32, #tpu.memory_space<vmem_shared>>) target(%dma_start3A_130 : memref<640x64xf32, #tpu.memory_space<hbm>>) target_semaphore(%run_scoped3A : memref<!tpu.dma_semaphore, #tpu.memory_space<semaphore_mem>>)
      %dma_wait3A_133 = arith.constant 0 : i32
      %dma_wait3A_134 = arith.constant 0 : i32
      %dma_wait3A_135 = tpu.memref_slice %arg7[%arg0, %dma_wait3A_133, %dma_wait3A_134] : memref<2x10240x64xf32, #tpu.memory_space<hbm>> -> memref<1x10240x64xf32, #tpu.memory_space<hbm>>
      %dma_wait3A_136 = tpu.memref_squeeze %dma_wait3A_135 : memref<1x10240x64xf32, #tpu.memory_space<hbm>> -> memref<10240x64xf32, #tpu.memory_space<hbm>>
      %dma_wait3A_137 = arith.constant 0 : i32
      %dma_wait3A_138 = tpu.memref_slice %dma_wait3A_136[%mul3A_2, %dma_wait3A_137] : memref<10240x64xf32, #tpu.memory_space<hbm>> -> memref<640x64xf32, #tpu.memory_space<hbm>>
      %dma_wait3A_139 = arith.constant 0 : i32
      %dma_wait3A_140 = tpu.memref_slice %arg13[%mul3A_2, %dma_wait3A_139] : memref<10240x64xf32, #tpu.memory_space<vmem_shared>> -> memref<640x64xf32, #tpu.memory_space<vmem_shared>>
      tpu.wait_dma2 semaphore(%run_scoped3A : memref<!tpu.dma_semaphore, #tpu.memory_space<semaphore_mem>>) src(%dma_wait3A_140 : memref<640x64xf32, #tpu.memory_space<vmem_shared>>) dst(%dma_wait3A_138 : memref<640x64xf32, #tpu.memory_space<hbm>>)
      tpu.yield
    }) : () -> ()
    return
  }
}

#map = affine_map<(d0, d1) -> (0, 0)>
#map1 = affine_map<(d0, d1) -> (0, 0, 0)>
module attributes {stable_mosaic.version = 14 : i64} {
  func.func @k(%arg0: i32, %arg1: i32, %arg2: memref<10240x16xf32, #tpu.memory_space<hbm>>, %arg3: memref<32x80x128xi32, #tpu.memory_space<hbm>>, %arg4: memref<32x80x128xi32, #tpu.memory_space<hbm>>, %arg5: memref<2x10240x16xf32, #tpu.memory_space<hbm>>, %arg6: memref<80x128xi32, #tpu.memory_space<vmem>>, %arg7: memref<80x128xi32, #tpu.memory_space<vmem>>, %arg8: memref<128x16xf32, #tpu.memory_space<vmem>>, %arg9: memref<128x16xf32, #tpu.memory_space<vmem>>, %arg10: memref<128x16xf32, #tpu.memory_space<vmem>>, %arg11: memref<128x16xf32, #tpu.memory_space<vmem>>, %arg12: memref<128x16xf32, #tpu.memory_space<vmem>>, %arg13: memref<128x16xf32, #tpu.memory_space<vmem>>, %arg14: memref<128x16xf32, #tpu.memory_space<vmem>>, %arg15: memref<128x16xf32, #tpu.memory_space<vmem>>, %arg16: memref<10240x16xf32, #tpu.memory_space<vmem_shared>>, %arg17: memref<10240x16xf32, #tpu.memory_space<vmem_shared>>, %arg18: memref<!tpu.dma_semaphore, #tpu.memory_space<semaphore_mem>>, %arg19: memref<!tpu.dma_semaphore, #tpu.memory_space<semaphore_mem>>, %arg20: memref<!tpu.dma_semaphore, #tpu.memory_space<semaphore_mem>>, %arg21: memref<!tpu.dma_semaphore, #tpu.memory_space<semaphore_mem>>, %arg22: memref<!tpu.dma_semaphore, #tpu.memory_space<semaphore_mem>>, %arg23: memref<!tpu.dma_semaphore, #tpu.memory_space<semaphore_mem>>, %arg24: memref<!tpu.dma_semaphore, #tpu.memory_space<semaphore_mem>>, %arg25: memref<!tpu.dma_semaphore, #tpu.memory_space<semaphore_mem>>, %arg26: memref<!tpu.dma_semaphore, #tpu.memory_space<semaphore_mem>>, %arg27: memref<!tpu.dma_semaphore, #tpu.memory_space<semaphore_mem>>, %arg28: memref<!tpu.dma_semaphore, #tpu.memory_space<semaphore_mem>>, %arg29: memref<!tpu.dma_semaphore, #tpu.memory_space<semaphore_mem>>, %arg30: memref<!tpu.dma_semaphore, #tpu.memory_space<semaphore_mem>>, %arg31: memref<!tpu.dma_semaphore, #tpu.memory_space<semaphore_mem>>, %arg32: memref<!tpu.dma_semaphore, #tpu.memory_space<semaphore_mem>>, %arg33: memref<!tpu.dma_semaphore, #tpu.memory_space<semaphore_mem>>) attributes {dimension_semantics = [#tpu.dimension_semantics<core_parallel>, #tpu.dimension_semantics<subcore_parallel>], iteration_bounds = array<i64: 2, 16>, scalar_prefetch = 0 : i64, scratch_operands = 28 : i64, tpu.core_type = #tpu.core_type<sc_vector_subcore>, window_params = [{transform_indices = #map}, {transform_indices = #map1}, {transform_indices = #map1}, {transform_indices = #map1}]} {
    %mul3A = arith.constant 16 : i32
    %mul3A_0 = arith.muli %arg0, %mul3A : i32
    %add3A = arith.addi %mul3A_0, %arg1 : i32
    %mul3A_1 = arith.constant 640 : i32
    %mul3A_2 = arith.muli %arg1, %mul3A_1 : i32
    "tpu.region"() ({
      %run_scoped3A = tpu.sem_alloc : memref<!tpu.dma_semaphore, #tpu.memory_space<semaphore_mem>>
      %dma_start3A_230 = arith.constant 0 : i32
      %dma_start3A_231 = arith.constant 0 : i32
      %dma_start3A_232 = tpu.memref_slice %arg3[%add3A, %dma_start3A_230, %dma_start3A_231] : memref<32x80x128xi32, #tpu.memory_space<hbm>> -> memref<1x80x128xi32, #tpu.memory_space<hbm>>
      %dma_start3A_233 = tpu.memref_squeeze %dma_start3A_232 : memref<1x80x128xi32, #tpu.memory_space<hbm>> -> memref<80x128xi32, #tpu.memory_space<hbm>>
      %dma_start3A_234 = arith.constant 0 : i32
      %dma_start3A_235 = arith.constant 0 : i32
      %dma_start3A_236 = tpu.memref_slice %arg3[%add3A, %dma_start3A_234, %dma_start3A_235] : memref<32x80x128xi32, #tpu.memory_space<hbm>> -> memref<1x80x128xi32, #tpu.memory_space<hbm>>
      %dma_start3A_237 = tpu.memref_squeeze %dma_start3A_236 : memref<1x80x128xi32, #tpu.memory_space<hbm>> -> memref<80x128xi32, #tpu.memory_space<hbm>>
      tpu.enqueue_dma source(%dma_start3A_237 : memref<80x128xi32, #tpu.memory_space<hbm>>) target(%arg6 : memref<80x128xi32, #tpu.memory_space<vmem>>) target_semaphore(%run_scoped3A : memref<!tpu.dma_semaphore, #tpu.memory_space<semaphore_mem>>)
      %dma_wait3A_238 = arith.constant 0 : i32
      %dma_wait3A_239 = arith.constant 0 : i32
      %dma_wait3A_240 = tpu.memref_slice %arg3[%add3A, %dma_wait3A_238, %dma_wait3A_239] : memref<32x80x128xi32, #tpu.memory_space<hbm>> -> memref<1x80x128xi32, #tpu.memory_space<hbm>>
      %dma_wait3A_241 = tpu.memref_squeeze %dma_wait3A_240 : memref<1x80x128xi32, #tpu.memory_space<hbm>> -> memref<80x128xi32, #tpu.memory_space<hbm>>
      %dma_wait3A_242 = arith.constant 0 : i32
      %dma_wait3A_243 = arith.constant 0 : i32
      %dma_wait3A_244 = tpu.memref_slice %arg3[%add3A, %dma_wait3A_242, %dma_wait3A_243] : memref<32x80x128xi32, #tpu.memory_space<hbm>> -> memref<1x80x128xi32, #tpu.memory_space<hbm>>
      %dma_wait3A_245 = tpu.memref_squeeze %dma_wait3A_244 : memref<1x80x128xi32, #tpu.memory_space<hbm>> -> memref<80x128xi32, #tpu.memory_space<hbm>>
      tpu.wait_dma2 semaphore(%run_scoped3A : memref<!tpu.dma_semaphore, #tpu.memory_space<semaphore_mem>>) src(%dma_wait3A_245 : memref<80x128xi32, #tpu.memory_space<hbm>>) dst(%arg6 : memref<80x128xi32, #tpu.memory_space<vmem>>)
      tpu.yield
    }) : () -> ()
    "tpu.region"() ({
      %run_scoped3A = tpu.sem_alloc : memref<!tpu.dma_semaphore, #tpu.memory_space<semaphore_mem>>
      %dma_start3A_230 = arith.constant 0 : i32
      %dma_start3A_231 = arith.constant 0 : i32
      %dma_start3A_232 = tpu.memref_slice %arg4[%add3A, %dma_start3A_230, %dma_start3A_231] : memref<32x80x128xi32, #tpu.memory_space<hbm>> -> memref<1x80x128xi32, #tpu.memory_space<hbm>>
      %dma_start3A_233 = tpu.memref_squeeze %dma_start3A_232 : memref<1x80x128xi32, #tpu.memory_space<hbm>> -> memref<80x128xi32, #tpu.memory_space<hbm>>
      %dma_start3A_234 = arith.constant 0 : i32
      %dma_start3A_235 = arith.constant 0 : i32
      %dma_start3A_236 = tpu.memref_slice %arg4[%add3A, %dma_start3A_234, %dma_start3A_235] : memref<32x80x128xi32, #tpu.memory_space<hbm>> -> memref<1x80x128xi32, #tpu.memory_space<hbm>>
      %dma_start3A_237 = tpu.memref_squeeze %dma_start3A_236 : memref<1x80x128xi32, #tpu.memory_space<hbm>> -> memref<80x128xi32, #tpu.memory_space<hbm>>
      tpu.enqueue_dma source(%dma_start3A_237 : memref<80x128xi32, #tpu.memory_space<hbm>>) target(%arg7 : memref<80x128xi32, #tpu.memory_space<vmem>>) target_semaphore(%run_scoped3A : memref<!tpu.dma_semaphore, #tpu.memory_space<semaphore_mem>>)
      %dma_wait3A_238 = arith.constant 0 : i32
      %dma_wait3A_239 = arith.constant 0 : i32
      %dma_wait3A_240 = tpu.memref_slice %arg4[%add3A, %dma_wait3A_238, %dma_wait3A_239] : memref<32x80x128xi32, #tpu.memory_space<hbm>> -> memref<1x80x128xi32, #tpu.memory_space<hbm>>
      %dma_wait3A_241 = tpu.memref_squeeze %dma_wait3A_240 : memref<1x80x128xi32, #tpu.memory_space<hbm>> -> memref<80x128xi32, #tpu.memory_space<hbm>>
      %dma_wait3A_242 = arith.constant 0 : i32
      %dma_wait3A_243 = arith.constant 0 : i32
      %dma_wait3A_244 = tpu.memref_slice %arg4[%add3A, %dma_wait3A_242, %dma_wait3A_243] : memref<32x80x128xi32, #tpu.memory_space<hbm>> -> memref<1x80x128xi32, #tpu.memory_space<hbm>>
      %dma_wait3A_245 = tpu.memref_squeeze %dma_wait3A_244 : memref<1x80x128xi32, #tpu.memory_space<hbm>> -> memref<80x128xi32, #tpu.memory_space<hbm>>
      tpu.wait_dma2 semaphore(%run_scoped3A : memref<!tpu.dma_semaphore, #tpu.memory_space<semaphore_mem>>) src(%dma_wait3A_245 : memref<80x128xi32, #tpu.memory_space<hbm>>) dst(%arg7 : memref<80x128xi32, #tpu.memory_space<vmem>>)
      tpu.yield
    }) : () -> ()
    "tpu.region"() ({
      %run_scoped3A = tpu.sem_alloc : memref<!tpu.dma_semaphore, #tpu.memory_space<semaphore_mem>>
      %dma_start3A_230 = arith.constant 0 : i32
      %dma_start3A_231 = tpu.memref_slice %arg17[%mul3A_2, %dma_start3A_230] : memref<10240x16xf32, #tpu.memory_space<vmem_shared>> -> memref<640x16xf32, #tpu.memory_space<vmem_shared>>
      %dma_start3A_232 = arith.constant 0 : i32
      %dma_start3A_233 = tpu.memref_slice %arg2[%mul3A_2, %dma_start3A_232] : memref<10240x16xf32, #tpu.memory_space<hbm>> -> memref<640x16xf32, #tpu.memory_space<hbm>>
      tpu.enqueue_dma source(%dma_start3A_233 : memref<640x16xf32, #tpu.memory_space<hbm>>) target(%dma_start3A_231 : memref<640x16xf32, #tpu.memory_space<vmem_shared>>) target_semaphore(%run_scoped3A : memref<!tpu.dma_semaphore, #tpu.memory_space<semaphore_mem>>)
      %dma_wait3A_234 = arith.constant 0 : i32
      %dma_wait3A_235 = tpu.memref_slice %arg17[%mul3A_2, %dma_wait3A_234] : memref<10240x16xf32, #tpu.memory_space<vmem_shared>> -> memref<640x16xf32, #tpu.memory_space<vmem_shared>>
      %dma_wait3A_236 = arith.constant 0 : i32
      %dma_wait3A_237 = tpu.memref_slice %arg2[%mul3A_2, %dma_wait3A_236] : memref<10240x16xf32, #tpu.memory_space<hbm>> -> memref<640x16xf32, #tpu.memory_space<hbm>>
      tpu.wait_dma2 semaphore(%run_scoped3A : memref<!tpu.dma_semaphore, #tpu.memory_space<semaphore_mem>>) src(%dma_wait3A_237 : memref<640x16xf32, #tpu.memory_space<hbm>>) dst(%dma_wait3A_235 : memref<640x16xf32, #tpu.memory_space<vmem_shared>>)
      tpu.yield
    }) : () -> ()
    "tpu.region"() ({
      %run_scoped3A = tpu.sem_alloc : memref<!tpu.dma_semaphore, #tpu.memory_space<semaphore_mem>>
      %dma_start3A_230 = arith.constant 0 : i32
      %dma_start3A_231 = tpu.memref_slice %arg16[%mul3A_2, %dma_start3A_230] : memref<10240x16xf32, #tpu.memory_space<vmem_shared>> -> memref<640x16xf32, #tpu.memory_space<vmem_shared>>
      %dma_start3A_232 = arith.constant 0 : i32
      %dma_start3A_233 = tpu.memref_slice %arg2[%mul3A_2, %dma_start3A_232] : memref<10240x16xf32, #tpu.memory_space<hbm>> -> memref<640x16xf32, #tpu.memory_space<hbm>>
      tpu.enqueue_dma source(%dma_start3A_233 : memref<640x16xf32, #tpu.memory_space<hbm>>) target(%dma_start3A_231 : memref<640x16xf32, #tpu.memory_space<vmem_shared>>) target_semaphore(%run_scoped3A : memref<!tpu.dma_semaphore, #tpu.memory_space<semaphore_mem>>)
      %dma_wait3A_234 = arith.constant 0 : i32
      %dma_wait3A_235 = tpu.memref_slice %arg16[%mul3A_2, %dma_wait3A_234] : memref<10240x16xf32, #tpu.memory_space<vmem_shared>> -> memref<640x16xf32, #tpu.memory_space<vmem_shared>>
      %dma_wait3A_236 = arith.constant 0 : i32
      %dma_wait3A_237 = tpu.memref_slice %arg2[%mul3A_2, %dma_wait3A_236] : memref<10240x16xf32, #tpu.memory_space<hbm>> -> memref<640x16xf32, #tpu.memory_space<hbm>>
      tpu.wait_dma2 semaphore(%run_scoped3A : memref<!tpu.dma_semaphore, #tpu.memory_space<semaphore_mem>>) src(%dma_wait3A_237 : memref<640x16xf32, #tpu.memory_space<hbm>>) dst(%dma_wait3A_235 : memref<640x16xf32, #tpu.memory_space<vmem_shared>>)
      tpu.yield
    }) : () -> ()
    %barrier3A = arith.constant 0 : index
    tpu.barrier barrier_id(%barrier3A)
    %dma_start3A = arith.constant 0 : i32
    %dma_start3A_3 = arith.constant 0 : i32
    %dma_start3A_4 = tpu.memref_slice %arg6[%dma_start3A, %dma_start3A_3] : memref<80x128xi32, #tpu.memory_space<vmem>> -> memref<1x128xi32, #tpu.memory_space<vmem>>
    %dma_start3A_5 = tpu.memref_squeeze %dma_start3A_4 : memref<1x128xi32, #tpu.memory_space<vmem>> -> memref<128xi32, #tpu.memory_space<vmem>>
    %dma_start3A_6 = arith.constant 0 : i32
    %dma_start3A_7 = arith.constant 0 : i32
    %dma_start3A_8 = tpu.memref_slice %arg16[%dma_start3A_6, %dma_start3A_7] : memref<10240x16xf32, #tpu.memory_space<vmem_shared>> -> memref<10240x16xf32, #tpu.memory_space<vmem_shared>>
    tpu.enqueue_indirect_dma source(%dma_start3A_8 : memref<10240x16xf32, #tpu.memory_space<vmem_shared>>) target(%arg8 : memref<128x16xf32, #tpu.memory_space<vmem>>) offsets(%dma_start3A_5 : memref<128xi32, #tpu.memory_space<vmem>>) semaphore(%arg18 : memref<!tpu.dma_semaphore, #tpu.memory_space<semaphore_mem>>)
    %dma_start3A_9 = arith.constant 1 : i32
    %dma_start3A_10 = arith.constant 0 : i32
    %dma_start3A_11 = tpu.memref_slice %arg6[%dma_start3A_9, %dma_start3A_10] : memref<80x128xi32, #tpu.memory_space<vmem>> -> memref<1x128xi32, #tpu.memory_space<vmem>>
    %dma_start3A_12 = tpu.memref_squeeze %dma_start3A_11 : memref<1x128xi32, #tpu.memory_space<vmem>> -> memref<128xi32, #tpu.memory_space<vmem>>
    %dma_start3A_13 = arith.constant 0 : i32
    %dma_start3A_14 = arith.constant 0 : i32
    %dma_start3A_15 = tpu.memref_slice %arg16[%dma_start3A_13, %dma_start3A_14] : memref<10240x16xf32, #tpu.memory_space<vmem_shared>> -> memref<10240x16xf32, #tpu.memory_space<vmem_shared>>
    tpu.enqueue_indirect_dma source(%dma_start3A_15 : memref<10240x16xf32, #tpu.memory_space<vmem_shared>>) target(%arg9 : memref<128x16xf32, #tpu.memory_space<vmem>>) offsets(%dma_start3A_12 : memref<128xi32, #tpu.memory_space<vmem>>) semaphore(%arg19 : memref<!tpu.dma_semaphore, #tpu.memory_space<semaphore_mem>>)
    %dma_start3A_16 = arith.constant 2 : i32
    %dma_start3A_17 = arith.constant 0 : i32
    %dma_start3A_18 = tpu.memref_slice %arg6[%dma_start3A_16, %dma_start3A_17] : memref<80x128xi32, #tpu.memory_space<vmem>> -> memref<1x128xi32, #tpu.memory_space<vmem>>
    %dma_start3A_19 = tpu.memref_squeeze %dma_start3A_18 : memref<1x128xi32, #tpu.memory_space<vmem>> -> memref<128xi32, #tpu.memory_space<vmem>>
    %dma_start3A_20 = arith.constant 0 : i32
    %dma_start3A_21 = arith.constant 0 : i32
    %dma_start3A_22 = tpu.memref_slice %arg16[%dma_start3A_20, %dma_start3A_21] : memref<10240x16xf32, #tpu.memory_space<vmem_shared>> -> memref<10240x16xf32, #tpu.memory_space<vmem_shared>>
    tpu.enqueue_indirect_dma source(%dma_start3A_22 : memref<10240x16xf32, #tpu.memory_space<vmem_shared>>) target(%arg10 : memref<128x16xf32, #tpu.memory_space<vmem>>) offsets(%dma_start3A_19 : memref<128xi32, #tpu.memory_space<vmem>>) semaphore(%arg20 : memref<!tpu.dma_semaphore, #tpu.memory_space<semaphore_mem>>)
    %dma_start3A_23 = arith.constant 3 : i32
    %dma_start3A_24 = arith.constant 0 : i32
    %dma_start3A_25 = tpu.memref_slice %arg6[%dma_start3A_23, %dma_start3A_24] : memref<80x128xi32, #tpu.memory_space<vmem>> -> memref<1x128xi32, #tpu.memory_space<vmem>>
    %dma_start3A_26 = tpu.memref_squeeze %dma_start3A_25 : memref<1x128xi32, #tpu.memory_space<vmem>> -> memref<128xi32, #tpu.memory_space<vmem>>
    %dma_start3A_27 = arith.constant 0 : i32
    %dma_start3A_28 = arith.constant 0 : i32
    %dma_start3A_29 = tpu.memref_slice %arg16[%dma_start3A_27, %dma_start3A_28] : memref<10240x16xf32, #tpu.memory_space<vmem_shared>> -> memref<10240x16xf32, #tpu.memory_space<vmem_shared>>
    tpu.enqueue_indirect_dma source(%dma_start3A_29 : memref<10240x16xf32, #tpu.memory_space<vmem_shared>>) target(%arg11 : memref<128x16xf32, #tpu.memory_space<vmem>>) offsets(%dma_start3A_26 : memref<128xi32, #tpu.memory_space<vmem>>) semaphore(%arg21 : memref<!tpu.dma_semaphore, #tpu.memory_space<semaphore_mem>>)
    %dma_start3A_30 = arith.constant 4 : i32
    %dma_start3A_31 = arith.constant 0 : i32
    %dma_start3A_32 = tpu.memref_slice %arg6[%dma_start3A_30, %dma_start3A_31] : memref<80x128xi32, #tpu.memory_space<vmem>> -> memref<1x128xi32, #tpu.memory_space<vmem>>
    %dma_start3A_33 = tpu.memref_squeeze %dma_start3A_32 : memref<1x128xi32, #tpu.memory_space<vmem>> -> memref<128xi32, #tpu.memory_space<vmem>>
    %dma_start3A_34 = arith.constant 0 : i32
    %dma_start3A_35 = arith.constant 0 : i32
    %dma_start3A_36 = tpu.memref_slice %arg16[%dma_start3A_34, %dma_start3A_35] : memref<10240x16xf32, #tpu.memory_space<vmem_shared>> -> memref<10240x16xf32, #tpu.memory_space<vmem_shared>>
    tpu.enqueue_indirect_dma source(%dma_start3A_36 : memref<10240x16xf32, #tpu.memory_space<vmem_shared>>) target(%arg12 : memref<128x16xf32, #tpu.memory_space<vmem>>) offsets(%dma_start3A_33 : memref<128xi32, #tpu.memory_space<vmem>>) semaphore(%arg22 : memref<!tpu.dma_semaphore, #tpu.memory_space<semaphore_mem>>)
    %dma_start3A_37 = arith.constant 5 : i32
    %dma_start3A_38 = arith.constant 0 : i32
    %dma_start3A_39 = tpu.memref_slice %arg6[%dma_start3A_37, %dma_start3A_38] : memref<80x128xi32, #tpu.memory_space<vmem>> -> memref<1x128xi32, #tpu.memory_space<vmem>>
    %dma_start3A_40 = tpu.memref_squeeze %dma_start3A_39 : memref<1x128xi32, #tpu.memory_space<vmem>> -> memref<128xi32, #tpu.memory_space<vmem>>
    %dma_start3A_41 = arith.constant 0 : i32
    %dma_start3A_42 = arith.constant 0 : i32
    %dma_start3A_43 = tpu.memref_slice %arg16[%dma_start3A_41, %dma_start3A_42] : memref<10240x16xf32, #tpu.memory_space<vmem_shared>> -> memref<10240x16xf32, #tpu.memory_space<vmem_shared>>
    tpu.enqueue_indirect_dma source(%dma_start3A_43 : memref<10240x16xf32, #tpu.memory_space<vmem_shared>>) target(%arg13 : memref<128x16xf32, #tpu.memory_space<vmem>>) offsets(%dma_start3A_40 : memref<128xi32, #tpu.memory_space<vmem>>) semaphore(%arg23 : memref<!tpu.dma_semaphore, #tpu.memory_space<semaphore_mem>>)
    %dma_start3A_44 = arith.constant 6 : i32
    %dma_start3A_45 = arith.constant 0 : i32
    %dma_start3A_46 = tpu.memref_slice %arg6[%dma_start3A_44, %dma_start3A_45] : memref<80x128xi32, #tpu.memory_space<vmem>> -> memref<1x128xi32, #tpu.memory_space<vmem>>
    %dma_start3A_47 = tpu.memref_squeeze %dma_start3A_46 : memref<1x128xi32, #tpu.memory_space<vmem>> -> memref<128xi32, #tpu.memory_space<vmem>>
    %dma_start3A_48 = arith.constant 0 : i32
    %dma_start3A_49 = arith.constant 0 : i32
    %dma_start3A_50 = tpu.memref_slice %arg16[%dma_start3A_48, %dma_start3A_49] : memref<10240x16xf32, #tpu.memory_space<vmem_shared>> -> memref<10240x16xf32, #tpu.memory_space<vmem_shared>>
    tpu.enqueue_indirect_dma source(%dma_start3A_50 : memref<10240x16xf32, #tpu.memory_space<vmem_shared>>) target(%arg14 : memref<128x16xf32, #tpu.memory_space<vmem>>) offsets(%dma_start3A_47 : memref<128xi32, #tpu.memory_space<vmem>>) semaphore(%arg24 : memref<!tpu.dma_semaphore, #tpu.memory_space<semaphore_mem>>)
    %dma_start3A_51 = arith.constant 7 : i32
    %dma_start3A_52 = arith.constant 0 : i32
    %dma_start3A_53 = tpu.memref_slice %arg6[%dma_start3A_51, %dma_start3A_52] : memref<80x128xi32, #tpu.memory_space<vmem>> -> memref<1x128xi32, #tpu.memory_space<vmem>>
    %dma_start3A_54 = tpu.memref_squeeze %dma_start3A_53 : memref<1x128xi32, #tpu.memory_space<vmem>> -> memref<128xi32, #tpu.memory_space<vmem>>
    %dma_start3A_55 = arith.constant 0 : i32
    %dma_start3A_56 = arith.constant 0 : i32
    %dma_start3A_57 = tpu.memref_slice %arg16[%dma_start3A_55, %dma_start3A_56] : memref<10240x16xf32, #tpu.memory_space<vmem_shared>> -> memref<10240x16xf32, #tpu.memory_space<vmem_shared>>
    tpu.enqueue_indirect_dma source(%dma_start3A_57 : memref<10240x16xf32, #tpu.memory_space<vmem_shared>>) target(%arg15 : memref<128x16xf32, #tpu.memory_space<vmem>>) offsets(%dma_start3A_54 : memref<128xi32, #tpu.memory_space<vmem>>) semaphore(%arg25 : memref<!tpu.dma_semaphore, #tpu.memory_space<semaphore_mem>>)
    %scan3A = arith.constant 0 : i32
    %scan3A_58 = arith.constant 9 : i32
    %scan3A_59 = arith.addi %scan3A, %scan3A_58 : i32
    %scan3A_60 = arith.constant 1 : i32
    scf.for %scan3A_230 = %scan3A to %scan3A_59 step %scan3A_60  : i32 {
      %mul3A_231 = arith.constant 8 : i32
      %mul3A_232 = arith.muli %scan3A_230, %mul3A_231 : i32
      %add3A_233 = arith.constant 8 : i32
      %add3A_234 = arith.addi %add3A_233, %mul3A_232 : i32
      %sub3A = arith.constant 8 : i32
      %sub3A_235 = arith.subi %add3A_234, %sub3A : i32
      %add3A_236 = arith.constant 0 : i32
      %add3A_237 = arith.addi %sub3A_235, %add3A_236 : i32
      %dma_wait3A_238 = arith.constant 0 : i32
      %dma_wait3A_239 = tpu.memref_slice %arg6[%add3A_237, %dma_wait3A_238] : memref<80x128xi32, #tpu.memory_space<vmem>> -> memref<1x128xi32, #tpu.memory_space<vmem>>
      %dma_wait3A_240 = tpu.memref_squeeze %dma_wait3A_239 : memref<1x128xi32, #tpu.memory_space<vmem>> -> memref<128xi32, #tpu.memory_space<vmem>>
      %dma_wait3A_241 = arith.constant 0 : i32
      %dma_wait3A_242 = arith.constant 0 : i32
      %dma_wait3A_243 = tpu.memref_slice %arg16[%dma_wait3A_241, %dma_wait3A_242] : memref<10240x16xf32, #tpu.memory_space<vmem_shared>> -> memref<10240x16xf32, #tpu.memory_space<vmem_shared>>
      tpu.wait_indirect_dma semaphore(%arg18 : memref<!tpu.dma_semaphore, #tpu.memory_space<semaphore_mem>>) src(%dma_wait3A_243 : memref<10240x16xf32, #tpu.memory_space<vmem_shared>>) dst(%arg8 : memref<128x16xf32, #tpu.memory_space<vmem>>)
      %sub3A_244 = arith.constant 8 : i32
      %sub3A_245 = arith.subi %add3A_234, %sub3A_244 : i32
      %add3A_246 = arith.constant 0 : i32
      %add3A_247 = arith.addi %sub3A_245, %add3A_246 : i32
      %dma_start3A_248 = arith.constant 0 : i32
      %dma_start3A_249 = tpu.memref_slice %arg7[%add3A_247, %dma_start3A_248] : memref<80x128xi32, #tpu.memory_space<vmem>> -> memref<1x128xi32, #tpu.memory_space<vmem>>
      %dma_start3A_250 = tpu.memref_squeeze %dma_start3A_249 : memref<1x128xi32, #tpu.memory_space<vmem>> -> memref<128xi32, #tpu.memory_space<vmem>>
      %dma_start3A_251 = arith.constant 0 : i32
      %dma_start3A_252 = arith.constant 0 : i32
      %dma_start3A_253 = tpu.memref_slice %arg17[%dma_start3A_251, %dma_start3A_252] : memref<10240x16xf32, #tpu.memory_space<vmem_shared>> -> memref<10240x16xf32, #tpu.memory_space<vmem_shared>>
      tpu.enqueue_indirect_dma source(%arg8 : memref<128x16xf32, #tpu.memory_space<vmem>>) target(%dma_start3A_253 : memref<10240x16xf32, #tpu.memory_space<vmem_shared>>) offsets(%dma_start3A_250 : memref<128xi32, #tpu.memory_space<vmem>>) semaphore(%arg26 : memref<!tpu.dma_semaphore, #tpu.memory_space<semaphore_mem>>) {add = true}
      %sub3A_254 = arith.constant 8 : i32
      %sub3A_255 = arith.subi %add3A_234, %sub3A_254 : i32
      %add3A_256 = arith.constant 1 : i32
      %add3A_257 = arith.addi %sub3A_255, %add3A_256 : i32
      %dma_wait3A_258 = arith.constant 0 : i32
      %dma_wait3A_259 = tpu.memref_slice %arg6[%add3A_257, %dma_wait3A_258] : memref<80x128xi32, #tpu.memory_space<vmem>> -> memref<1x128xi32, #tpu.memory_space<vmem>>
      %dma_wait3A_260 = tpu.memref_squeeze %dma_wait3A_259 : memref<1x128xi32, #tpu.memory_space<vmem>> -> memref<128xi32, #tpu.memory_space<vmem>>
      %dma_wait3A_261 = arith.constant 0 : i32
      %dma_wait3A_262 = arith.constant 0 : i32
      %dma_wait3A_263 = tpu.memref_slice %arg16[%dma_wait3A_261, %dma_wait3A_262] : memref<10240x16xf32, #tpu.memory_space<vmem_shared>> -> memref<10240x16xf32, #tpu.memory_space<vmem_shared>>
      tpu.wait_indirect_dma semaphore(%arg19 : memref<!tpu.dma_semaphore, #tpu.memory_space<semaphore_mem>>) src(%dma_wait3A_263 : memref<10240x16xf32, #tpu.memory_space<vmem_shared>>) dst(%arg9 : memref<128x16xf32, #tpu.memory_space<vmem>>)
      %sub3A_264 = arith.constant 8 : i32
      %sub3A_265 = arith.subi %add3A_234, %sub3A_264 : i32
      %add3A_266 = arith.constant 1 : i32
      %add3A_267 = arith.addi %sub3A_265, %add3A_266 : i32
      %dma_start3A_268 = arith.constant 0 : i32
      %dma_start3A_269 = tpu.memref_slice %arg7[%add3A_267, %dma_start3A_268] : memref<80x128xi32, #tpu.memory_space<vmem>> -> memref<1x128xi32, #tpu.memory_space<vmem>>
      %dma_start3A_270 = tpu.memref_squeeze %dma_start3A_269 : memref<1x128xi32, #tpu.memory_space<vmem>> -> memref<128xi32, #tpu.memory_space<vmem>>
      %dma_start3A_271 = arith.constant 0 : i32
      %dma_start3A_272 = arith.constant 0 : i32
      %dma_start3A_273 = tpu.memref_slice %arg17[%dma_start3A_271, %dma_start3A_272] : memref<10240x16xf32, #tpu.memory_space<vmem_shared>> -> memref<10240x16xf32, #tpu.memory_space<vmem_shared>>
      tpu.enqueue_indirect_dma source(%arg9 : memref<128x16xf32, #tpu.memory_space<vmem>>) target(%dma_start3A_273 : memref<10240x16xf32, #tpu.memory_space<vmem_shared>>) offsets(%dma_start3A_270 : memref<128xi32, #tpu.memory_space<vmem>>) semaphore(%arg27 : memref<!tpu.dma_semaphore, #tpu.memory_space<semaphore_mem>>) {add = true}
      %sub3A_274 = arith.constant 8 : i32
      %sub3A_275 = arith.subi %add3A_234, %sub3A_274 : i32
      %add3A_276 = arith.constant 2 : i32
      %add3A_277 = arith.addi %sub3A_275, %add3A_276 : i32
      %dma_wait3A_278 = arith.constant 0 : i32
      %dma_wait3A_279 = tpu.memref_slice %arg6[%add3A_277, %dma_wait3A_278] : memref<80x128xi32, #tpu.memory_space<vmem>> -> memref<1x128xi32, #tpu.memory_space<vmem>>
      %dma_wait3A_280 = tpu.memref_squeeze %dma_wait3A_279 : memref<1x128xi32, #tpu.memory_space<vmem>> -> memref<128xi32, #tpu.memory_space<vmem>>
      %dma_wait3A_281 = arith.constant 0 : i32
      %dma_wait3A_282 = arith.constant 0 : i32
      %dma_wait3A_283 = tpu.memref_slice %arg16[%dma_wait3A_281, %dma_wait3A_282] : memref<10240x16xf32, #tpu.memory_space<vmem_shared>> -> memref<10240x16xf32, #tpu.memory_space<vmem_shared>>
      tpu.wait_indirect_dma semaphore(%arg20 : memref<!tpu.dma_semaphore, #tpu.memory_space<semaphore_mem>>) src(%dma_wait3A_283 : memref<10240x16xf32, #tpu.memory_space<vmem_shared>>) dst(%arg10 : memref<128x16xf32, #tpu.memory_space<vmem>>)
      %sub3A_284 = arith.constant 8 : i32
      %sub3A_285 = arith.subi %add3A_234, %sub3A_284 : i32
      %add3A_286 = arith.constant 2 : i32
      %add3A_287 = arith.addi %sub3A_285, %add3A_286 : i32
      %dma_start3A_288 = arith.constant 0 : i32
      %dma_start3A_289 = tpu.memref_slice %arg7[%add3A_287, %dma_start3A_288] : memref<80x128xi32, #tpu.memory_space<vmem>> -> memref<1x128xi32, #tpu.memory_space<vmem>>
      %dma_start3A_290 = tpu.memref_squeeze %dma_start3A_289 : memref<1x128xi32, #tpu.memory_space<vmem>> -> memref<128xi32, #tpu.memory_space<vmem>>
      %dma_start3A_291 = arith.constant 0 : i32
      %dma_start3A_292 = arith.constant 0 : i32
      %dma_start3A_293 = tpu.memref_slice %arg17[%dma_start3A_291, %dma_start3A_292] : memref<10240x16xf32, #tpu.memory_space<vmem_shared>> -> memref<10240x16xf32, #tpu.memory_space<vmem_shared>>
      tpu.enqueue_indirect_dma source(%arg10 : memref<128x16xf32, #tpu.memory_space<vmem>>) target(%dma_start3A_293 : memref<10240x16xf32, #tpu.memory_space<vmem_shared>>) offsets(%dma_start3A_290 : memref<128xi32, #tpu.memory_space<vmem>>) semaphore(%arg28 : memref<!tpu.dma_semaphore, #tpu.memory_space<semaphore_mem>>) {add = true}
      %sub3A_294 = arith.constant 8 : i32
      %sub3A_295 = arith.subi %add3A_234, %sub3A_294 : i32
      %add3A_296 = arith.constant 3 : i32
      %add3A_297 = arith.addi %sub3A_295, %add3A_296 : i32
      %dma_wait3A_298 = arith.constant 0 : i32
      %dma_wait3A_299 = tpu.memref_slice %arg6[%add3A_297, %dma_wait3A_298] : memref<80x128xi32, #tpu.memory_space<vmem>> -> memref<1x128xi32, #tpu.memory_space<vmem>>
      %dma_wait3A_300 = tpu.memref_squeeze %dma_wait3A_299 : memref<1x128xi32, #tpu.memory_space<vmem>> -> memref<128xi32, #tpu.memory_space<vmem>>
      %dma_wait3A_301 = arith.constant 0 : i32
      %dma_wait3A_302 = arith.constant 0 : i32
      %dma_wait3A_303 = tpu.memref_slice %arg16[%dma_wait3A_301, %dma_wait3A_302] : memref<10240x16xf32, #tpu.memory_space<vmem_shared>> -> memref<10240x16xf32, #tpu.memory_space<vmem_shared>>
      tpu.wait_indirect_dma semaphore(%arg21 : memref<!tpu.dma_semaphore, #tpu.memory_space<semaphore_mem>>) src(%dma_wait3A_303 : memref<10240x16xf32, #tpu.memory_space<vmem_shared>>) dst(%arg11 : memref<128x16xf32, #tpu.memory_space<vmem>>)
      %sub3A_304 = arith.constant 8 : i32
      %sub3A_305 = arith.subi %add3A_234, %sub3A_304 : i32
      %add3A_306 = arith.constant 3 : i32
      %add3A_307 = arith.addi %sub3A_305, %add3A_306 : i32
      %dma_start3A_308 = arith.constant 0 : i32
      %dma_start3A_309 = tpu.memref_slice %arg7[%add3A_307, %dma_start3A_308] : memref<80x128xi32, #tpu.memory_space<vmem>> -> memref<1x128xi32, #tpu.memory_space<vmem>>
      %dma_start3A_310 = tpu.memref_squeeze %dma_start3A_309 : memref<1x128xi32, #tpu.memory_space<vmem>> -> memref<128xi32, #tpu.memory_space<vmem>>
      %dma_start3A_311 = arith.constant 0 : i32
      %dma_start3A_312 = arith.constant 0 : i32
      %dma_start3A_313 = tpu.memref_slice %arg17[%dma_start3A_311, %dma_start3A_312] : memref<10240x16xf32, #tpu.memory_space<vmem_shared>> -> memref<10240x16xf32, #tpu.memory_space<vmem_shared>>
      tpu.enqueue_indirect_dma source(%arg11 : memref<128x16xf32, #tpu.memory_space<vmem>>) target(%dma_start3A_313 : memref<10240x16xf32, #tpu.memory_space<vmem_shared>>) offsets(%dma_start3A_310 : memref<128xi32, #tpu.memory_space<vmem>>) semaphore(%arg29 : memref<!tpu.dma_semaphore, #tpu.memory_space<semaphore_mem>>) {add = true}
      %sub3A_314 = arith.constant 8 : i32
      %sub3A_315 = arith.subi %add3A_234, %sub3A_314 : i32
      %add3A_316 = arith.constant 4 : i32
      %add3A_317 = arith.addi %sub3A_315, %add3A_316 : i32
      %dma_wait3A_318 = arith.constant 0 : i32
      %dma_wait3A_319 = tpu.memref_slice %arg6[%add3A_317, %dma_wait3A_318] : memref<80x128xi32, #tpu.memory_space<vmem>> -> memref<1x128xi32, #tpu.memory_space<vmem>>
      %dma_wait3A_320 = tpu.memref_squeeze %dma_wait3A_319 : memref<1x128xi32, #tpu.memory_space<vmem>> -> memref<128xi32, #tpu.memory_space<vmem>>
      %dma_wait3A_321 = arith.constant 0 : i32
      %dma_wait3A_322 = arith.constant 0 : i32
      %dma_wait3A_323 = tpu.memref_slice %arg16[%dma_wait3A_321, %dma_wait3A_322] : memref<10240x16xf32, #tpu.memory_space<vmem_shared>> -> memref<10240x16xf32, #tpu.memory_space<vmem_shared>>
      tpu.wait_indirect_dma semaphore(%arg22 : memref<!tpu.dma_semaphore, #tpu.memory_space<semaphore_mem>>) src(%dma_wait3A_323 : memref<10240x16xf32, #tpu.memory_space<vmem_shared>>) dst(%arg12 : memref<128x16xf32, #tpu.memory_space<vmem>>)
      %sub3A_324 = arith.constant 8 : i32
      %sub3A_325 = arith.subi %add3A_234, %sub3A_324 : i32
      %add3A_326 = arith.constant 4 : i32
      %add3A_327 = arith.addi %sub3A_325, %add3A_326 : i32
      %dma_start3A_328 = arith.constant 0 : i32
      %dma_start3A_329 = tpu.memref_slice %arg7[%add3A_327, %dma_start3A_328] : memref<80x128xi32, #tpu.memory_space<vmem>> -> memref<1x128xi32, #tpu.memory_space<vmem>>
      %dma_start3A_330 = tpu.memref_squeeze %dma_start3A_329 : memref<1x128xi32, #tpu.memory_space<vmem>> -> memref<128xi32, #tpu.memory_space<vmem>>
      %dma_start3A_331 = arith.constant 0 : i32
      %dma_start3A_332 = arith.constant 0 : i32
      %dma_start3A_333 = tpu.memref_slice %arg17[%dma_start3A_331, %dma_start3A_332] : memref<10240x16xf32, #tpu.memory_space<vmem_shared>> -> memref<10240x16xf32, #tpu.memory_space<vmem_shared>>
      tpu.enqueue_indirect_dma source(%arg12 : memref<128x16xf32, #tpu.memory_space<vmem>>) target(%dma_start3A_333 : memref<10240x16xf32, #tpu.memory_space<vmem_shared>>) offsets(%dma_start3A_330 : memref<128xi32, #tpu.memory_space<vmem>>) semaphore(%arg30 : memref<!tpu.dma_semaphore, #tpu.memory_space<semaphore_mem>>) {add = true}
      %sub3A_334 = arith.constant 8 : i32
      %sub3A_335 = arith.subi %add3A_234, %sub3A_334 : i32
      %add3A_336 = arith.constant 5 : i32
      %add3A_337 = arith.addi %sub3A_335, %add3A_336 : i32
      %dma_wait3A_338 = arith.constant 0 : i32
      %dma_wait3A_339 = tpu.memref_slice %arg6[%add3A_337, %dma_wait3A_338] : memref<80x128xi32, #tpu.memory_space<vmem>> -> memref<1x128xi32, #tpu.memory_space<vmem>>
      %dma_wait3A_340 = tpu.memref_squeeze %dma_wait3A_339 : memref<1x128xi32, #tpu.memory_space<vmem>> -> memref<128xi32, #tpu.memory_space<vmem>>
      %dma_wait3A_341 = arith.constant 0 : i32
      %dma_wait3A_342 = arith.constant 0 : i32
      %dma_wait3A_343 = tpu.memref_slice %arg16[%dma_wait3A_341, %dma_wait3A_342] : memref<10240x16xf32, #tpu.memory_space<vmem_shared>> -> memref<10240x16xf32, #tpu.memory_space<vmem_shared>>
      tpu.wait_indirect_dma semaphore(%arg23 : memref<!tpu.dma_semaphore, #tpu.memory_space<semaphore_mem>>) src(%dma_wait3A_343 : memref<10240x16xf32, #tpu.memory_space<vmem_shared>>) dst(%arg13 : memref<128x16xf32, #tpu.memory_space<vmem>>)
      %sub3A_344 = arith.constant 8 : i32
      %sub3A_345 = arith.subi %add3A_234, %sub3A_344 : i32
      %add3A_346 = arith.constant 5 : i32
      %add3A_347 = arith.addi %sub3A_345, %add3A_346 : i32
      %dma_start3A_348 = arith.constant 0 : i32
      %dma_start3A_349 = tpu.memref_slice %arg7[%add3A_347, %dma_start3A_348] : memref<80x128xi32, #tpu.memory_space<vmem>> -> memref<1x128xi32, #tpu.memory_space<vmem>>
      %dma_start3A_350 = tpu.memref_squeeze %dma_start3A_349 : memref<1x128xi32, #tpu.memory_space<vmem>> -> memref<128xi32, #tpu.memory_space<vmem>>
      %dma_start3A_351 = arith.constant 0 : i32
      %dma_start3A_352 = arith.constant 0 : i32
      %dma_start3A_353 = tpu.memref_slice %arg17[%dma_start3A_351, %dma_start3A_352] : memref<10240x16xf32, #tpu.memory_space<vmem_shared>> -> memref<10240x16xf32, #tpu.memory_space<vmem_shared>>
      tpu.enqueue_indirect_dma source(%arg13 : memref<128x16xf32, #tpu.memory_space<vmem>>) target(%dma_start3A_353 : memref<10240x16xf32, #tpu.memory_space<vmem_shared>>) offsets(%dma_start3A_350 : memref<128xi32, #tpu.memory_space<vmem>>) semaphore(%arg31 : memref<!tpu.dma_semaphore, #tpu.memory_space<semaphore_mem>>) {add = true}
      %sub3A_354 = arith.constant 8 : i32
      %sub3A_355 = arith.subi %add3A_234, %sub3A_354 : i32
      %add3A_356 = arith.constant 6 : i32
      %add3A_357 = arith.addi %sub3A_355, %add3A_356 : i32
      %dma_wait3A_358 = arith.constant 0 : i32
      %dma_wait3A_359 = tpu.memref_slice %arg6[%add3A_357, %dma_wait3A_358] : memref<80x128xi32, #tpu.memory_space<vmem>> -> memref<1x128xi32, #tpu.memory_space<vmem>>
      %dma_wait3A_360 = tpu.memref_squeeze %dma_wait3A_359 : memref<1x128xi32, #tpu.memory_space<vmem>> -> memref<128xi32, #tpu.memory_space<vmem>>
      %dma_wait3A_361 = arith.constant 0 : i32
      %dma_wait3A_362 = arith.constant 0 : i32
      %dma_wait3A_363 = tpu.memref_slice %arg16[%dma_wait3A_361, %dma_wait3A_362] : memref<10240x16xf32, #tpu.memory_space<vmem_shared>> -> memref<10240x16xf32, #tpu.memory_space<vmem_shared>>
      tpu.wait_indirect_dma semaphore(%arg24 : memref<!tpu.dma_semaphore, #tpu.memory_space<semaphore_mem>>) src(%dma_wait3A_363 : memref<10240x16xf32, #tpu.memory_space<vmem_shared>>) dst(%arg14 : memref<128x16xf32, #tpu.memory_space<vmem>>)
      %sub3A_364 = arith.constant 8 : i32
      %sub3A_365 = arith.subi %add3A_234, %sub3A_364 : i32
      %add3A_366 = arith.constant 6 : i32
      %add3A_367 = arith.addi %sub3A_365, %add3A_366 : i32
      %dma_start3A_368 = arith.constant 0 : i32
      %dma_start3A_369 = tpu.memref_slice %arg7[%add3A_367, %dma_start3A_368] : memref<80x128xi32, #tpu.memory_space<vmem>> -> memref<1x128xi32, #tpu.memory_space<vmem>>
      %dma_start3A_370 = tpu.memref_squeeze %dma_start3A_369 : memref<1x128xi32, #tpu.memory_space<vmem>> -> memref<128xi32, #tpu.memory_space<vmem>>
      %dma_start3A_371 = arith.constant 0 : i32
      %dma_start3A_372 = arith.constant 0 : i32
      %dma_start3A_373 = tpu.memref_slice %arg17[%dma_start3A_371, %dma_start3A_372] : memref<10240x16xf32, #tpu.memory_space<vmem_shared>> -> memref<10240x16xf32, #tpu.memory_space<vmem_shared>>
      tpu.enqueue_indirect_dma source(%arg14 : memref<128x16xf32, #tpu.memory_space<vmem>>) target(%dma_start3A_373 : memref<10240x16xf32, #tpu.memory_space<vmem_shared>>) offsets(%dma_start3A_370 : memref<128xi32, #tpu.memory_space<vmem>>) semaphore(%arg32 : memref<!tpu.dma_semaphore, #tpu.memory_space<semaphore_mem>>) {add = true}
      %sub3A_374 = arith.constant 8 : i32
      %sub3A_375 = arith.subi %add3A_234, %sub3A_374 : i32
      %add3A_376 = arith.constant 7 : i32
      %add3A_377 = arith.addi %sub3A_375, %add3A_376 : i32
      %dma_wait3A_378 = arith.constant 0 : i32
      %dma_wait3A_379 = tpu.memref_slice %arg6[%add3A_377, %dma_wait3A_378] : memref<80x128xi32, #tpu.memory_space<vmem>> -> memref<1x128xi32, #tpu.memory_space<vmem>>
      %dma_wait3A_380 = tpu.memref_squeeze %dma_wait3A_379 : memref<1x128xi32, #tpu.memory_space<vmem>> -> memref<128xi32, #tpu.memory_space<vmem>>
      %dma_wait3A_381 = arith.constant 0 : i32
      %dma_wait3A_382 = arith.constant 0 : i32
      %dma_wait3A_383 = tpu.memref_slice %arg16[%dma_wait3A_381, %dma_wait3A_382] : memref<10240x16xf32, #tpu.memory_space<vmem_shared>> -> memref<10240x16xf32, #tpu.memory_space<vmem_shared>>
      tpu.wait_indirect_dma semaphore(%arg25 : memref<!tpu.dma_semaphore, #tpu.memory_space<semaphore_mem>>) src(%dma_wait3A_383 : memref<10240x16xf32, #tpu.memory_space<vmem_shared>>) dst(%arg15 : memref<128x16xf32, #tpu.memory_space<vmem>>)
      %sub3A_384 = arith.constant 8 : i32
      %sub3A_385 = arith.subi %add3A_234, %sub3A_384 : i32
      %add3A_386 = arith.constant 7 : i32
      %add3A_387 = arith.addi %sub3A_385, %add3A_386 : i32
      %dma_start3A_388 = arith.constant 0 : i32
      %dma_start3A_389 = tpu.memref_slice %arg7[%add3A_387, %dma_start3A_388] : memref<80x128xi32, #tpu.memory_space<vmem>> -> memref<1x128xi32, #tpu.memory_space<vmem>>
      %dma_start3A_390 = tpu.memref_squeeze %dma_start3A_389 : memref<1x128xi32, #tpu.memory_space<vmem>> -> memref<128xi32, #tpu.memory_space<vmem>>
      %dma_start3A_391 = arith.constant 0 : i32
      %dma_start3A_392 = arith.constant 0 : i32
      %dma_start3A_393 = tpu.memref_slice %arg17[%dma_start3A_391, %dma_start3A_392] : memref<10240x16xf32, #tpu.memory_space<vmem_shared>> -> memref<10240x16xf32, #tpu.memory_space<vmem_shared>>
      tpu.enqueue_indirect_dma source(%arg15 : memref<128x16xf32, #tpu.memory_space<vmem>>) target(%dma_start3A_393 : memref<10240x16xf32, #tpu.memory_space<vmem_shared>>) offsets(%dma_start3A_390 : memref<128xi32, #tpu.memory_space<vmem>>) semaphore(%arg33 : memref<!tpu.dma_semaphore, #tpu.memory_space<semaphore_mem>>) {add = true}
      %sub3A_394 = arith.constant 8 : i32
      %sub3A_395 = arith.subi %add3A_234, %sub3A_394 : i32
      %add3A_396 = arith.constant 0 : i32
      %add3A_397 = arith.addi %sub3A_395, %add3A_396 : i32
      %dma_wait3A_398 = arith.constant 0 : i32
      %dma_wait3A_399 = tpu.memref_slice %arg7[%add3A_397, %dma_wait3A_398] : memref<80x128xi32, #tpu.memory_space<vmem>> -> memref<1x128xi32, #tpu.memory_space<vmem>>
      %dma_wait3A_400 = tpu.memref_squeeze %dma_wait3A_399 : memref<1x128xi32, #tpu.memory_space<vmem>> -> memref<128xi32, #tpu.memory_space<vmem>>
      %dma_wait3A_401 = arith.constant 0 : i32
      %dma_wait3A_402 = arith.constant 0 : i32
      %dma_wait3A_403 = tpu.memref_slice %arg17[%dma_wait3A_401, %dma_wait3A_402] : memref<10240x16xf32, #tpu.memory_space<vmem_shared>> -> memref<10240x16xf32, #tpu.memory_space<vmem_shared>>
      tpu.wait_indirect_dma semaphore(%arg26 : memref<!tpu.dma_semaphore, #tpu.memory_space<semaphore_mem>>) src(%arg8 : memref<128x16xf32, #tpu.memory_space<vmem>>) dst(%dma_wait3A_403 : memref<10240x16xf32, #tpu.memory_space<vmem_shared>>)
      %add3A_404 = arith.constant 0 : i32
      %add3A_405 = arith.addi %add3A_234, %add3A_404 : i32
      %dma_start3A_406 = arith.constant 0 : i32
      %dma_start3A_407 = tpu.memref_slice %arg6[%add3A_405, %dma_start3A_406] : memref<80x128xi32, #tpu.memory_space<vmem>> -> memref<1x128xi32, #tpu.memory_space<vmem>>
      %dma_start3A_408 = tpu.memref_squeeze %dma_start3A_407 : memref<1x128xi32, #tpu.memory_space<vmem>> -> memref<128xi32, #tpu.memory_space<vmem>>
      %dma_start3A_409 = arith.constant 0 : i32
      %dma_start3A_410 = arith.constant 0 : i32
      %dma_start3A_411 = tpu.memref_slice %arg16[%dma_start3A_409, %dma_start3A_410] : memref<10240x16xf32, #tpu.memory_space<vmem_shared>> -> memref<10240x16xf32, #tpu.memory_space<vmem_shared>>
      tpu.enqueue_indirect_dma source(%dma_start3A_411 : memref<10240x16xf32, #tpu.memory_space<vmem_shared>>) target(%arg8 : memref<128x16xf32, #tpu.memory_space<vmem>>) offsets(%dma_start3A_408 : memref<128xi32, #tpu.memory_space<vmem>>) semaphore(%arg18 : memref<!tpu.dma_semaphore, #tpu.memory_space<semaphore_mem>>)
      %sub3A_412 = arith.constant 8 : i32
      %sub3A_413 = arith.subi %add3A_234, %sub3A_412 : i32
      %add3A_414 = arith.constant 1 : i32
      %add3A_415 = arith.addi %sub3A_413, %add3A_414 : i32
      %dma_wait3A_416 = arith.constant 0 : i32
      %dma_wait3A_417 = tpu.memref_slice %arg7[%add3A_415, %dma_wait3A_416] : memref<80x128xi32, #tpu.memory_space<vmem>> -> memref<1x128xi32, #tpu.memory_space<vmem>>
      %dma_wait3A_418 = tpu.memref_squeeze %dma_wait3A_417 : memref<1x128xi32, #tpu.memory_space<vmem>> -> memref<128xi32, #tpu.memory_space<vmem>>
      %dma_wait3A_419 = arith.constant 0 : i32
      %dma_wait3A_420 = arith.constant 0 : i32
      %dma_wait3A_421 = tpu.memref_slice %arg17[%dma_wait3A_419, %dma_wait3A_420] : memref<10240x16xf32, #tpu.memory_space<vmem_shared>> -> memref<10240x16xf32, #tpu.memory_space<vmem_shared>>
      tpu.wait_indirect_dma semaphore(%arg27 : memref<!tpu.dma_semaphore, #tpu.memory_space<semaphore_mem>>) src(%arg9 : memref<128x16xf32, #tpu.memory_space<vmem>>) dst(%dma_wait3A_421 : memref<10240x16xf32, #tpu.memory_space<vmem_shared>>)
      %add3A_422 = arith.constant 1 : i32
      %add3A_423 = arith.addi %add3A_234, %add3A_422 : i32
      %dma_start3A_424 = arith.constant 0 : i32
      %dma_start3A_425 = tpu.memref_slice %arg6[%add3A_423, %dma_start3A_424] : memref<80x128xi32, #tpu.memory_space<vmem>> -> memref<1x128xi32, #tpu.memory_space<vmem>>
      %dma_start3A_426 = tpu.memref_squeeze %dma_start3A_425 : memref<1x128xi32, #tpu.memory_space<vmem>> -> memref<128xi32, #tpu.memory_space<vmem>>
      %dma_start3A_427 = arith.constant 0 : i32
      %dma_start3A_428 = arith.constant 0 : i32
      %dma_start3A_429 = tpu.memref_slice %arg16[%dma_start3A_427, %dma_start3A_428] : memref<10240x16xf32, #tpu.memory_space<vmem_shared>> -> memref<10240x16xf32, #tpu.memory_space<vmem_shared>>
      tpu.enqueue_indirect_dma source(%dma_start3A_429 : memref<10240x16xf32, #tpu.memory_space<vmem_shared>>) target(%arg9 : memref<128x16xf32, #tpu.memory_space<vmem>>) offsets(%dma_start3A_426 : memref<128xi32, #tpu.memory_space<vmem>>) semaphore(%arg19 : memref<!tpu.dma_semaphore, #tpu.memory_space<semaphore_mem>>)
      %sub3A_430 = arith.constant 8 : i32
      %sub3A_431 = arith.subi %add3A_234, %sub3A_430 : i32
      %add3A_432 = arith.constant 2 : i32
      %add3A_433 = arith.addi %sub3A_431, %add3A_432 : i32
      %dma_wait3A_434 = arith.constant 0 : i32
      %dma_wait3A_435 = tpu.memref_slice %arg7[%add3A_433, %dma_wait3A_434] : memref<80x128xi32, #tpu.memory_space<vmem>> -> memref<1x128xi32, #tpu.memory_space<vmem>>
      %dma_wait3A_436 = tpu.memref_squeeze %dma_wait3A_435 : memref<1x128xi32, #tpu.memory_space<vmem>> -> memref<128xi32, #tpu.memory_space<vmem>>
      %dma_wait3A_437 = arith.constant 0 : i32
      %dma_wait3A_438 = arith.constant 0 : i32
      %dma_wait3A_439 = tpu.memref_slice %arg17[%dma_wait3A_437, %dma_wait3A_438] : memref<10240x16xf32, #tpu.memory_space<vmem_shared>> -> memref<10240x16xf32, #tpu.memory_space<vmem_shared>>
      tpu.wait_indirect_dma semaphore(%arg28 : memref<!tpu.dma_semaphore, #tpu.memory_space<semaphore_mem>>) src(%arg10 : memref<128x16xf32, #tpu.memory_space<vmem>>) dst(%dma_wait3A_439 : memref<10240x16xf32, #tpu.memory_space<vmem_shared>>)
      %add3A_440 = arith.constant 2 : i32
      %add3A_441 = arith.addi %add3A_234, %add3A_440 : i32
      %dma_start3A_442 = arith.constant 0 : i32
      %dma_start3A_443 = tpu.memref_slice %arg6[%add3A_441, %dma_start3A_442] : memref<80x128xi32, #tpu.memory_space<vmem>> -> memref<1x128xi32, #tpu.memory_space<vmem>>
      %dma_start3A_444 = tpu.memref_squeeze %dma_start3A_443 : memref<1x128xi32, #tpu.memory_space<vmem>> -> memref<128xi32, #tpu.memory_space<vmem>>
      %dma_start3A_445 = arith.constant 0 : i32
      %dma_start3A_446 = arith.constant 0 : i32
      %dma_start3A_447 = tpu.memref_slice %arg16[%dma_start3A_445, %dma_start3A_446] : memref<10240x16xf32, #tpu.memory_space<vmem_shared>> -> memref<10240x16xf32, #tpu.memory_space<vmem_shared>>
      tpu.enqueue_indirect_dma source(%dma_start3A_447 : memref<10240x16xf32, #tpu.memory_space<vmem_shared>>) target(%arg10 : memref<128x16xf32, #tpu.memory_space<vmem>>) offsets(%dma_start3A_444 : memref<128xi32, #tpu.memory_space<vmem>>) semaphore(%arg20 : memref<!tpu.dma_semaphore, #tpu.memory_space<semaphore_mem>>)
      %sub3A_448 = arith.constant 8 : i32
      %sub3A_449 = arith.subi %add3A_234, %sub3A_448 : i32
      %add3A_450 = arith.constant 3 : i32
      %add3A_451 = arith.addi %sub3A_449, %add3A_450 : i32
      %dma_wait3A_452 = arith.constant 0 : i32
      %dma_wait3A_453 = tpu.memref_slice %arg7[%add3A_451, %dma_wait3A_452] : memref<80x128xi32, #tpu.memory_space<vmem>> -> memref<1x128xi32, #tpu.memory_space<vmem>>
      %dma_wait3A_454 = tpu.memref_squeeze %dma_wait3A_453 : memref<1x128xi32, #tpu.memory_space<vmem>> -> memref<128xi32, #tpu.memory_space<vmem>>
      %dma_wait3A_455 = arith.constant 0 : i32
      %dma_wait3A_456 = arith.constant 0 : i32
      %dma_wait3A_457 = tpu.memref_slice %arg17[%dma_wait3A_455, %dma_wait3A_456] : memref<10240x16xf32, #tpu.memory_space<vmem_shared>> -> memref<10240x16xf32, #tpu.memory_space<vmem_shared>>
      tpu.wait_indirect_dma semaphore(%arg29 : memref<!tpu.dma_semaphore, #tpu.memory_space<semaphore_mem>>) src(%arg11 : memref<128x16xf32, #tpu.memory_space<vmem>>) dst(%dma_wait3A_457 : memref<10240x16xf32, #tpu.memory_space<vmem_shared>>)
      %add3A_458 = arith.constant 3 : i32
      %add3A_459 = arith.addi %add3A_234, %add3A_458 : i32
      %dma_start3A_460 = arith.constant 0 : i32
      %dma_start3A_461 = tpu.memref_slice %arg6[%add3A_459, %dma_start3A_460] : memref<80x128xi32, #tpu.memory_space<vmem>> -> memref<1x128xi32, #tpu.memory_space<vmem>>
      %dma_start3A_462 = tpu.memref_squeeze %dma_start3A_461 : memref<1x128xi32, #tpu.memory_space<vmem>> -> memref<128xi32, #tpu.memory_space<vmem>>
      %dma_start3A_463 = arith.constant 0 : i32
      %dma_start3A_464 = arith.constant 0 : i32
      %dma_start3A_465 = tpu.memref_slice %arg16[%dma_start3A_463, %dma_start3A_464] : memref<10240x16xf32, #tpu.memory_space<vmem_shared>> -> memref<10240x16xf32, #tpu.memory_space<vmem_shared>>
      tpu.enqueue_indirect_dma source(%dma_start3A_465 : memref<10240x16xf32, #tpu.memory_space<vmem_shared>>) target(%arg11 : memref<128x16xf32, #tpu.memory_space<vmem>>) offsets(%dma_start3A_462 : memref<128xi32, #tpu.memory_space<vmem>>) semaphore(%arg21 : memref<!tpu.dma_semaphore, #tpu.memory_space<semaphore_mem>>)
      %sub3A_466 = arith.constant 8 : i32
      %sub3A_467 = arith.subi %add3A_234, %sub3A_466 : i32
      %add3A_468 = arith.constant 4 : i32
      %add3A_469 = arith.addi %sub3A_467, %add3A_468 : i32
      %dma_wait3A_470 = arith.constant 0 : i32
      %dma_wait3A_471 = tpu.memref_slice %arg7[%add3A_469, %dma_wait3A_470] : memref<80x128xi32, #tpu.memory_space<vmem>> -> memref<1x128xi32, #tpu.memory_space<vmem>>
      %dma_wait3A_472 = tpu.memref_squeeze %dma_wait3A_471 : memref<1x128xi32, #tpu.memory_space<vmem>> -> memref<128xi32, #tpu.memory_space<vmem>>
      %dma_wait3A_473 = arith.constant 0 : i32
      %dma_wait3A_474 = arith.constant 0 : i32
      %dma_wait3A_475 = tpu.memref_slice %arg17[%dma_wait3A_473, %dma_wait3A_474] : memref<10240x16xf32, #tpu.memory_space<vmem_shared>> -> memref<10240x16xf32, #tpu.memory_space<vmem_shared>>
      tpu.wait_indirect_dma semaphore(%arg30 : memref<!tpu.dma_semaphore, #tpu.memory_space<semaphore_mem>>) src(%arg12 : memref<128x16xf32, #tpu.memory_space<vmem>>) dst(%dma_wait3A_475 : memref<10240x16xf32, #tpu.memory_space<vmem_shared>>)
      %add3A_476 = arith.constant 4 : i32
      %add3A_477 = arith.addi %add3A_234, %add3A_476 : i32
      %dma_start3A_478 = arith.constant 0 : i32
      %dma_start3A_479 = tpu.memref_slice %arg6[%add3A_477, %dma_start3A_478] : memref<80x128xi32, #tpu.memory_space<vmem>> -> memref<1x128xi32, #tpu.memory_space<vmem>>
      %dma_start3A_480 = tpu.memref_squeeze %dma_start3A_479 : memref<1x128xi32, #tpu.memory_space<vmem>> -> memref<128xi32, #tpu.memory_space<vmem>>
      %dma_start3A_481 = arith.constant 0 : i32
      %dma_start3A_482 = arith.constant 0 : i32
      %dma_start3A_483 = tpu.memref_slice %arg16[%dma_start3A_481, %dma_start3A_482] : memref<10240x16xf32, #tpu.memory_space<vmem_shared>> -> memref<10240x16xf32, #tpu.memory_space<vmem_shared>>
      tpu.enqueue_indirect_dma source(%dma_start3A_483 : memref<10240x16xf32, #tpu.memory_space<vmem_shared>>) target(%arg12 : memref<128x16xf32, #tpu.memory_space<vmem>>) offsets(%dma_start3A_480 : memref<128xi32, #tpu.memory_space<vmem>>) semaphore(%arg22 : memref<!tpu.dma_semaphore, #tpu.memory_space<semaphore_mem>>)
      %sub3A_484 = arith.constant 8 : i32
      %sub3A_485 = arith.subi %add3A_234, %sub3A_484 : i32
      %add3A_486 = arith.constant 5 : i32
      %add3A_487 = arith.addi %sub3A_485, %add3A_486 : i32
      %dma_wait3A_488 = arith.constant 0 : i32
      %dma_wait3A_489 = tpu.memref_slice %arg7[%add3A_487, %dma_wait3A_488] : memref<80x128xi32, #tpu.memory_space<vmem>> -> memref<1x128xi32, #tpu.memory_space<vmem>>
      %dma_wait3A_490 = tpu.memref_squeeze %dma_wait3A_489 : memref<1x128xi32, #tpu.memory_space<vmem>> -> memref<128xi32, #tpu.memory_space<vmem>>
      %dma_wait3A_491 = arith.constant 0 : i32
      %dma_wait3A_492 = arith.constant 0 : i32
      %dma_wait3A_493 = tpu.memref_slice %arg17[%dma_wait3A_491, %dma_wait3A_492] : memref<10240x16xf32, #tpu.memory_space<vmem_shared>> -> memref<10240x16xf32, #tpu.memory_space<vmem_shared>>
      tpu.wait_indirect_dma semaphore(%arg31 : memref<!tpu.dma_semaphore, #tpu.memory_space<semaphore_mem>>) src(%arg13 : memref<128x16xf32, #tpu.memory_space<vmem>>) dst(%dma_wait3A_493 : memref<10240x16xf32, #tpu.memory_space<vmem_shared>>)
      %add3A_494 = arith.constant 5 : i32
      %add3A_495 = arith.addi %add3A_234, %add3A_494 : i32
      %dma_start3A_496 = arith.constant 0 : i32
      %dma_start3A_497 = tpu.memref_slice %arg6[%add3A_495, %dma_start3A_496] : memref<80x128xi32, #tpu.memory_space<vmem>> -> memref<1x128xi32, #tpu.memory_space<vmem>>
      %dma_start3A_498 = tpu.memref_squeeze %dma_start3A_497 : memref<1x128xi32, #tpu.memory_space<vmem>> -> memref<128xi32, #tpu.memory_space<vmem>>
      %dma_start3A_499 = arith.constant 0 : i32
      %dma_start3A_500 = arith.constant 0 : i32
      %dma_start3A_501 = tpu.memref_slice %arg16[%dma_start3A_499, %dma_start3A_500] : memref<10240x16xf32, #tpu.memory_space<vmem_shared>> -> memref<10240x16xf32, #tpu.memory_space<vmem_shared>>
      tpu.enqueue_indirect_dma source(%dma_start3A_501 : memref<10240x16xf32, #tpu.memory_space<vmem_shared>>) target(%arg13 : memref<128x16xf32, #tpu.memory_space<vmem>>) offsets(%dma_start3A_498 : memref<128xi32, #tpu.memory_space<vmem>>) semaphore(%arg23 : memref<!tpu.dma_semaphore, #tpu.memory_space<semaphore_mem>>)
      %sub3A_502 = arith.constant 8 : i32
      %sub3A_503 = arith.subi %add3A_234, %sub3A_502 : i32
      %add3A_504 = arith.constant 6 : i32
      %add3A_505 = arith.addi %sub3A_503, %add3A_504 : i32
      %dma_wait3A_506 = arith.constant 0 : i32
      %dma_wait3A_507 = tpu.memref_slice %arg7[%add3A_505, %dma_wait3A_506] : memref<80x128xi32, #tpu.memory_space<vmem>> -> memref<1x128xi32, #tpu.memory_space<vmem>>
      %dma_wait3A_508 = tpu.memref_squeeze %dma_wait3A_507 : memref<1x128xi32, #tpu.memory_space<vmem>> -> memref<128xi32, #tpu.memory_space<vmem>>
      %dma_wait3A_509 = arith.constant 0 : i32
      %dma_wait3A_510 = arith.constant 0 : i32
      %dma_wait3A_511 = tpu.memref_slice %arg17[%dma_wait3A_509, %dma_wait3A_510] : memref<10240x16xf32, #tpu.memory_space<vmem_shared>> -> memref<10240x16xf32, #tpu.memory_space<vmem_shared>>
      tpu.wait_indirect_dma semaphore(%arg32 : memref<!tpu.dma_semaphore, #tpu.memory_space<semaphore_mem>>) src(%arg14 : memref<128x16xf32, #tpu.memory_space<vmem>>) dst(%dma_wait3A_511 : memref<10240x16xf32, #tpu.memory_space<vmem_shared>>)
      %add3A_512 = arith.constant 6 : i32
      %add3A_513 = arith.addi %add3A_234, %add3A_512 : i32
      %dma_start3A_514 = arith.constant 0 : i32
      %dma_start3A_515 = tpu.memref_slice %arg6[%add3A_513, %dma_start3A_514] : memref<80x128xi32, #tpu.memory_space<vmem>> -> memref<1x128xi32, #tpu.memory_space<vmem>>
      %dma_start3A_516 = tpu.memref_squeeze %dma_start3A_515 : memref<1x128xi32, #tpu.memory_space<vmem>> -> memref<128xi32, #tpu.memory_space<vmem>>
      %dma_start3A_517 = arith.constant 0 : i32
      %dma_start3A_518 = arith.constant 0 : i32
      %dma_start3A_519 = tpu.memref_slice %arg16[%dma_start3A_517, %dma_start3A_518] : memref<10240x16xf32, #tpu.memory_space<vmem_shared>> -> memref<10240x16xf32, #tpu.memory_space<vmem_shared>>
      tpu.enqueue_indirect_dma source(%dma_start3A_519 : memref<10240x16xf32, #tpu.memory_space<vmem_shared>>) target(%arg14 : memref<128x16xf32, #tpu.memory_space<vmem>>) offsets(%dma_start3A_516 : memref<128xi32, #tpu.memory_space<vmem>>) semaphore(%arg24 : memref<!tpu.dma_semaphore, #tpu.memory_space<semaphore_mem>>)
      %sub3A_520 = arith.constant 8 : i32
      %sub3A_521 = arith.subi %add3A_234, %sub3A_520 : i32
      %add3A_522 = arith.constant 7 : i32
      %add3A_523 = arith.addi %sub3A_521, %add3A_522 : i32
      %dma_wait3A_524 = arith.constant 0 : i32
      %dma_wait3A_525 = tpu.memref_slice %arg7[%add3A_523, %dma_wait3A_524] : memref<80x128xi32, #tpu.memory_space<vmem>> -> memref<1x128xi32, #tpu.memory_space<vmem>>
      %dma_wait3A_526 = tpu.memref_squeeze %dma_wait3A_525 : memref<1x128xi32, #tpu.memory_space<vmem>> -> memref<128xi32, #tpu.memory_space<vmem>>
      %dma_wait3A_527 = arith.constant 0 : i32
      %dma_wait3A_528 = arith.constant 0 : i32
      %dma_wait3A_529 = tpu.memref_slice %arg17[%dma_wait3A_527, %dma_wait3A_528] : memref<10240x16xf32, #tpu.memory_space<vmem_shared>> -> memref<10240x16xf32, #tpu.memory_space<vmem_shared>>
      tpu.wait_indirect_dma semaphore(%arg33 : memref<!tpu.dma_semaphore, #tpu.memory_space<semaphore_mem>>) src(%arg15 : memref<128x16xf32, #tpu.memory_space<vmem>>) dst(%dma_wait3A_529 : memref<10240x16xf32, #tpu.memory_space<vmem_shared>>)
      %add3A_530 = arith.constant 7 : i32
      %add3A_531 = arith.addi %add3A_234, %add3A_530 : i32
      %dma_start3A_532 = arith.constant 0 : i32
      %dma_start3A_533 = tpu.memref_slice %arg6[%add3A_531, %dma_start3A_532] : memref<80x128xi32, #tpu.memory_space<vmem>> -> memref<1x128xi32, #tpu.memory_space<vmem>>
      %dma_start3A_534 = tpu.memref_squeeze %dma_start3A_533 : memref<1x128xi32, #tpu.memory_space<vmem>> -> memref<128xi32, #tpu.memory_space<vmem>>
      %dma_start3A_535 = arith.constant 0 : i32
      %dma_start3A_536 = arith.constant 0 : i32
      %dma_start3A_537 = tpu.memref_slice %arg16[%dma_start3A_535, %dma_start3A_536] : memref<10240x16xf32, #tpu.memory_space<vmem_shared>> -> memref<10240x16xf32, #tpu.memory_space<vmem_shared>>
      tpu.enqueue_indirect_dma source(%dma_start3A_537 : memref<10240x16xf32, #tpu.memory_space<vmem_shared>>) target(%arg15 : memref<128x16xf32, #tpu.memory_space<vmem>>) offsets(%dma_start3A_534 : memref<128xi32, #tpu.memory_space<vmem>>) semaphore(%arg25 : memref<!tpu.dma_semaphore, #tpu.memory_space<semaphore_mem>>)
    }
    %scan3A_61 = arith.constant 9 : i32
    %dma_wait3A = arith.constant 72 : i32
    %dma_wait3A_62 = arith.constant 0 : i32
    %dma_wait3A_63 = tpu.memref_slice %arg6[%dma_wait3A, %dma_wait3A_62] : memref<80x128xi32, #tpu.memory_space<vmem>> -> memref<1x128xi32, #tpu.memory_space<vmem>>
    %dma_wait3A_64 = tpu.memref_squeeze %dma_wait3A_63 : memref<1x128xi32, #tpu.memory_space<vmem>> -> memref<128xi32, #tpu.memory_space<vmem>>
    %dma_wait3A_65 = arith.constant 0 : i32
    %dma_wait3A_66 = arith.constant 0 : i32
    %dma_wait3A_67 = tpu.memref_slice %arg16[%dma_wait3A_65, %dma_wait3A_66] : memref<10240x16xf32, #tpu.memory_space<vmem_shared>> -> memref<10240x16xf32, #tpu.memory_space<vmem_shared>>
    tpu.wait_indirect_dma semaphore(%arg18 : memref<!tpu.dma_semaphore, #tpu.memory_space<semaphore_mem>>) src(%dma_wait3A_67 : memref<10240x16xf32, #tpu.memory_space<vmem_shared>>) dst(%arg8 : memref<128x16xf32, #tpu.memory_space<vmem>>)
    %dma_start3A_68 = arith.constant 72 : i32
    %dma_start3A_69 = arith.constant 0 : i32
    %dma_start3A_70 = tpu.memref_slice %arg7[%dma_start3A_68, %dma_start3A_69] : memref<80x128xi32, #tpu.memory_space<vmem>> -> memref<1x128xi32, #tpu.memory_space<vmem>>
    %dma_start3A_71 = tpu.memref_squeeze %dma_start3A_70 : memref<1x128xi32, #tpu.memory_space<vmem>> -> memref<128xi32, #tpu.memory_space<vmem>>
    %dma_start3A_72 = arith.constant 0 : i32
    %dma_start3A_73 = arith.constant 0 : i32
    %dma_start3A_74 = tpu.memref_slice %arg17[%dma_start3A_72, %dma_start3A_73] : memref<10240x16xf32, #tpu.memory_space<vmem_shared>> -> memref<10240x16xf32, #tpu.memory_space<vmem_shared>>
    tpu.enqueue_indirect_dma source(%arg8 : memref<128x16xf32, #tpu.memory_space<vmem>>) target(%dma_start3A_74 : memref<10240x16xf32, #tpu.memory_space<vmem_shared>>) offsets(%dma_start3A_71 : memref<128xi32, #tpu.memory_space<vmem>>) semaphore(%arg26 : memref<!tpu.dma_semaphore, #tpu.memory_space<semaphore_mem>>) {add = true}
    %dma_wait3A_75 = arith.constant 73 : i32
    %dma_wait3A_76 = arith.constant 0 : i32
    %dma_wait3A_77 = tpu.memref_slice %arg6[%dma_wait3A_75, %dma_wait3A_76] : memref<80x128xi32, #tpu.memory_space<vmem>> -> memref<1x128xi32, #tpu.memory_space<vmem>>
    %dma_wait3A_78 = tpu.memref_squeeze %dma_wait3A_77 : memref<1x128xi32, #tpu.memory_space<vmem>> -> memref<128xi32, #tpu.memory_space<vmem>>
    %dma_wait3A_79 = arith.constant 0 : i32
    %dma_wait3A_80 = arith.constant 0 : i32
    %dma_wait3A_81 = tpu.memref_slice %arg16[%dma_wait3A_79, %dma_wait3A_80] : memref<10240x16xf32, #tpu.memory_space<vmem_shared>> -> memref<10240x16xf32, #tpu.memory_space<vmem_shared>>
    tpu.wait_indirect_dma semaphore(%arg19 : memref<!tpu.dma_semaphore, #tpu.memory_space<semaphore_mem>>) src(%dma_wait3A_81 : memref<10240x16xf32, #tpu.memory_space<vmem_shared>>) dst(%arg9 : memref<128x16xf32, #tpu.memory_space<vmem>>)
    %dma_start3A_82 = arith.constant 73 : i32
    %dma_start3A_83 = arith.constant 0 : i32
    %dma_start3A_84 = tpu.memref_slice %arg7[%dma_start3A_82, %dma_start3A_83] : memref<80x128xi32, #tpu.memory_space<vmem>> -> memref<1x128xi32, #tpu.memory_space<vmem>>
    %dma_start3A_85 = tpu.memref_squeeze %dma_start3A_84 : memref<1x128xi32, #tpu.memory_space<vmem>> -> memref<128xi32, #tpu.memory_space<vmem>>
    %dma_start3A_86 = arith.constant 0 : i32
    %dma_start3A_87 = arith.constant 0 : i32
    %dma_start3A_88 = tpu.memref_slice %arg17[%dma_start3A_86, %dma_start3A_87] : memref<10240x16xf32, #tpu.memory_space<vmem_shared>> -> memref<10240x16xf32, #tpu.memory_space<vmem_shared>>
    tpu.enqueue_indirect_dma source(%arg9 : memref<128x16xf32, #tpu.memory_space<vmem>>) target(%dma_start3A_88 : memref<10240x16xf32, #tpu.memory_space<vmem_shared>>) offsets(%dma_start3A_85 : memref<128xi32, #tpu.memory_space<vmem>>) semaphore(%arg27 : memref<!tpu.dma_semaphore, #tpu.memory_space<semaphore_mem>>) {add = true}
    %dma_wait3A_89 = arith.constant 74 : i32
    %dma_wait3A_90 = arith.constant 0 : i32
    %dma_wait3A_91 = tpu.memref_slice %arg6[%dma_wait3A_89, %dma_wait3A_90] : memref<80x128xi32, #tpu.memory_space<vmem>> -> memref<1x128xi32, #tpu.memory_space<vmem>>
    %dma_wait3A_92 = tpu.memref_squeeze %dma_wait3A_91 : memref<1x128xi32, #tpu.memory_space<vmem>> -> memref<128xi32, #tpu.memory_space<vmem>>
    %dma_wait3A_93 = arith.constant 0 : i32
    %dma_wait3A_94 = arith.constant 0 : i32
    %dma_wait3A_95 = tpu.memref_slice %arg16[%dma_wait3A_93, %dma_wait3A_94] : memref<10240x16xf32, #tpu.memory_space<vmem_shared>> -> memref<10240x16xf32, #tpu.memory_space<vmem_shared>>
    tpu.wait_indirect_dma semaphore(%arg20 : memref<!tpu.dma_semaphore, #tpu.memory_space<semaphore_mem>>) src(%dma_wait3A_95 : memref<10240x16xf32, #tpu.memory_space<vmem_shared>>) dst(%arg10 : memref<128x16xf32, #tpu.memory_space<vmem>>)
    %dma_start3A_96 = arith.constant 74 : i32
    %dma_start3A_97 = arith.constant 0 : i32
    %dma_start3A_98 = tpu.memref_slice %arg7[%dma_start3A_96, %dma_start3A_97] : memref<80x128xi32, #tpu.memory_space<vmem>> -> memref<1x128xi32, #tpu.memory_space<vmem>>
    %dma_start3A_99 = tpu.memref_squeeze %dma_start3A_98 : memref<1x128xi32, #tpu.memory_space<vmem>> -> memref<128xi32, #tpu.memory_space<vmem>>
    %dma_start3A_100 = arith.constant 0 : i32
    %dma_start3A_101 = arith.constant 0 : i32
    %dma_start3A_102 = tpu.memref_slice %arg17[%dma_start3A_100, %dma_start3A_101] : memref<10240x16xf32, #tpu.memory_space<vmem_shared>> -> memref<10240x16xf32, #tpu.memory_space<vmem_shared>>
    tpu.enqueue_indirect_dma source(%arg10 : memref<128x16xf32, #tpu.memory_space<vmem>>) target(%dma_start3A_102 : memref<10240x16xf32, #tpu.memory_space<vmem_shared>>) offsets(%dma_start3A_99 : memref<128xi32, #tpu.memory_space<vmem>>) semaphore(%arg28 : memref<!tpu.dma_semaphore, #tpu.memory_space<semaphore_mem>>) {add = true}
    %dma_wait3A_103 = arith.constant 75 : i32
    %dma_wait3A_104 = arith.constant 0 : i32
    %dma_wait3A_105 = tpu.memref_slice %arg6[%dma_wait3A_103, %dma_wait3A_104] : memref<80x128xi32, #tpu.memory_space<vmem>> -> memref<1x128xi32, #tpu.memory_space<vmem>>
    %dma_wait3A_106 = tpu.memref_squeeze %dma_wait3A_105 : memref<1x128xi32, #tpu.memory_space<vmem>> -> memref<128xi32, #tpu.memory_space<vmem>>
    %dma_wait3A_107 = arith.constant 0 : i32
    %dma_wait3A_108 = arith.constant 0 : i32
    %dma_wait3A_109 = tpu.memref_slice %arg16[%dma_wait3A_107, %dma_wait3A_108] : memref<10240x16xf32, #tpu.memory_space<vmem_shared>> -> memref<10240x16xf32, #tpu.memory_space<vmem_shared>>
    tpu.wait_indirect_dma semaphore(%arg21 : memref<!tpu.dma_semaphore, #tpu.memory_space<semaphore_mem>>) src(%dma_wait3A_109 : memref<10240x16xf32, #tpu.memory_space<vmem_shared>>) dst(%arg11 : memref<128x16xf32, #tpu.memory_space<vmem>>)
    %dma_start3A_110 = arith.constant 75 : i32
    %dma_start3A_111 = arith.constant 0 : i32
    %dma_start3A_112 = tpu.memref_slice %arg7[%dma_start3A_110, %dma_start3A_111] : memref<80x128xi32, #tpu.memory_space<vmem>> -> memref<1x128xi32, #tpu.memory_space<vmem>>
    %dma_start3A_113 = tpu.memref_squeeze %dma_start3A_112 : memref<1x128xi32, #tpu.memory_space<vmem>> -> memref<128xi32, #tpu.memory_space<vmem>>
    %dma_start3A_114 = arith.constant 0 : i32
    %dma_start3A_115 = arith.constant 0 : i32
    %dma_start3A_116 = tpu.memref_slice %arg17[%dma_start3A_114, %dma_start3A_115] : memref<10240x16xf32, #tpu.memory_space<vmem_shared>> -> memref<10240x16xf32, #tpu.memory_space<vmem_shared>>
    tpu.enqueue_indirect_dma source(%arg11 : memref<128x16xf32, #tpu.memory_space<vmem>>) target(%dma_start3A_116 : memref<10240x16xf32, #tpu.memory_space<vmem_shared>>) offsets(%dma_start3A_113 : memref<128xi32, #tpu.memory_space<vmem>>) semaphore(%arg29 : memref<!tpu.dma_semaphore, #tpu.memory_space<semaphore_mem>>) {add = true}
    %dma_wait3A_117 = arith.constant 76 : i32
    %dma_wait3A_118 = arith.constant 0 : i32
    %dma_wait3A_119 = tpu.memref_slice %arg6[%dma_wait3A_117, %dma_wait3A_118] : memref<80x128xi32, #tpu.memory_space<vmem>> -> memref<1x128xi32, #tpu.memory_space<vmem>>
    %dma_wait3A_120 = tpu.memref_squeeze %dma_wait3A_119 : memref<1x128xi32, #tpu.memory_space<vmem>> -> memref<128xi32, #tpu.memory_space<vmem>>
    %dma_wait3A_121 = arith.constant 0 : i32
    %dma_wait3A_122 = arith.constant 0 : i32
    %dma_wait3A_123 = tpu.memref_slice %arg16[%dma_wait3A_121, %dma_wait3A_122] : memref<10240x16xf32, #tpu.memory_space<vmem_shared>> -> memref<10240x16xf32, #tpu.memory_space<vmem_shared>>
    tpu.wait_indirect_dma semaphore(%arg22 : memref<!tpu.dma_semaphore, #tpu.memory_space<semaphore_mem>>) src(%dma_wait3A_123 : memref<10240x16xf32, #tpu.memory_space<vmem_shared>>) dst(%arg12 : memref<128x16xf32, #tpu.memory_space<vmem>>)
    %dma_start3A_124 = arith.constant 76 : i32
    %dma_start3A_125 = arith.constant 0 : i32
    %dma_start3A_126 = tpu.memref_slice %arg7[%dma_start3A_124, %dma_start3A_125] : memref<80x128xi32, #tpu.memory_space<vmem>> -> memref<1x128xi32, #tpu.memory_space<vmem>>
    %dma_start3A_127 = tpu.memref_squeeze %dma_start3A_126 : memref<1x128xi32, #tpu.memory_space<vmem>> -> memref<128xi32, #tpu.memory_space<vmem>>
    %dma_start3A_128 = arith.constant 0 : i32
    %dma_start3A_129 = arith.constant 0 : i32
    %dma_start3A_130 = tpu.memref_slice %arg17[%dma_start3A_128, %dma_start3A_129] : memref<10240x16xf32, #tpu.memory_space<vmem_shared>> -> memref<10240x16xf32, #tpu.memory_space<vmem_shared>>
    tpu.enqueue_indirect_dma source(%arg12 : memref<128x16xf32, #tpu.memory_space<vmem>>) target(%dma_start3A_130 : memref<10240x16xf32, #tpu.memory_space<vmem_shared>>) offsets(%dma_start3A_127 : memref<128xi32, #tpu.memory_space<vmem>>) semaphore(%arg30 : memref<!tpu.dma_semaphore, #tpu.memory_space<semaphore_mem>>) {add = true}
    %dma_wait3A_131 = arith.constant 77 : i32
    %dma_wait3A_132 = arith.constant 0 : i32
    %dma_wait3A_133 = tpu.memref_slice %arg6[%dma_wait3A_131, %dma_wait3A_132] : memref<80x128xi32, #tpu.memory_space<vmem>> -> memref<1x128xi32, #tpu.memory_space<vmem>>
    %dma_wait3A_134 = tpu.memref_squeeze %dma_wait3A_133 : memref<1x128xi32, #tpu.memory_space<vmem>> -> memref<128xi32, #tpu.memory_space<vmem>>
    %dma_wait3A_135 = arith.constant 0 : i32
    %dma_wait3A_136 = arith.constant 0 : i32
    %dma_wait3A_137 = tpu.memref_slice %arg16[%dma_wait3A_135, %dma_wait3A_136] : memref<10240x16xf32, #tpu.memory_space<vmem_shared>> -> memref<10240x16xf32, #tpu.memory_space<vmem_shared>>
    tpu.wait_indirect_dma semaphore(%arg23 : memref<!tpu.dma_semaphore, #tpu.memory_space<semaphore_mem>>) src(%dma_wait3A_137 : memref<10240x16xf32, #tpu.memory_space<vmem_shared>>) dst(%arg13 : memref<128x16xf32, #tpu.memory_space<vmem>>)
    %dma_start3A_138 = arith.constant 77 : i32
    %dma_start3A_139 = arith.constant 0 : i32
    %dma_start3A_140 = tpu.memref_slice %arg7[%dma_start3A_138, %dma_start3A_139] : memref<80x128xi32, #tpu.memory_space<vmem>> -> memref<1x128xi32, #tpu.memory_space<vmem>>
    %dma_start3A_141 = tpu.memref_squeeze %dma_start3A_140 : memref<1x128xi32, #tpu.memory_space<vmem>> -> memref<128xi32, #tpu.memory_space<vmem>>
    %dma_start3A_142 = arith.constant 0 : i32
    %dma_start3A_143 = arith.constant 0 : i32
    %dma_start3A_144 = tpu.memref_slice %arg17[%dma_start3A_142, %dma_start3A_143] : memref<10240x16xf32, #tpu.memory_space<vmem_shared>> -> memref<10240x16xf32, #tpu.memory_space<vmem_shared>>
    tpu.enqueue_indirect_dma source(%arg13 : memref<128x16xf32, #tpu.memory_space<vmem>>) target(%dma_start3A_144 : memref<10240x16xf32, #tpu.memory_space<vmem_shared>>) offsets(%dma_start3A_141 : memref<128xi32, #tpu.memory_space<vmem>>) semaphore(%arg31 : memref<!tpu.dma_semaphore, #tpu.memory_space<semaphore_mem>>) {add = true}
    %dma_wait3A_145 = arith.constant 78 : i32
    %dma_wait3A_146 = arith.constant 0 : i32
    %dma_wait3A_147 = tpu.memref_slice %arg6[%dma_wait3A_145, %dma_wait3A_146] : memref<80x128xi32, #tpu.memory_space<vmem>> -> memref<1x128xi32, #tpu.memory_space<vmem>>
    %dma_wait3A_148 = tpu.memref_squeeze %dma_wait3A_147 : memref<1x128xi32, #tpu.memory_space<vmem>> -> memref<128xi32, #tpu.memory_space<vmem>>
    %dma_wait3A_149 = arith.constant 0 : i32
    %dma_wait3A_150 = arith.constant 0 : i32
    %dma_wait3A_151 = tpu.memref_slice %arg16[%dma_wait3A_149, %dma_wait3A_150] : memref<10240x16xf32, #tpu.memory_space<vmem_shared>> -> memref<10240x16xf32, #tpu.memory_space<vmem_shared>>
    tpu.wait_indirect_dma semaphore(%arg24 : memref<!tpu.dma_semaphore, #tpu.memory_space<semaphore_mem>>) src(%dma_wait3A_151 : memref<10240x16xf32, #tpu.memory_space<vmem_shared>>) dst(%arg14 : memref<128x16xf32, #tpu.memory_space<vmem>>)
    %dma_start3A_152 = arith.constant 78 : i32
    %dma_start3A_153 = arith.constant 0 : i32
    %dma_start3A_154 = tpu.memref_slice %arg7[%dma_start3A_152, %dma_start3A_153] : memref<80x128xi32, #tpu.memory_space<vmem>> -> memref<1x128xi32, #tpu.memory_space<vmem>>
    %dma_start3A_155 = tpu.memref_squeeze %dma_start3A_154 : memref<1x128xi32, #tpu.memory_space<vmem>> -> memref<128xi32, #tpu.memory_space<vmem>>
    %dma_start3A_156 = arith.constant 0 : i32
    %dma_start3A_157 = arith.constant 0 : i32
    %dma_start3A_158 = tpu.memref_slice %arg17[%dma_start3A_156, %dma_start3A_157] : memref<10240x16xf32, #tpu.memory_space<vmem_shared>> -> memref<10240x16xf32, #tpu.memory_space<vmem_shared>>
    tpu.enqueue_indirect_dma source(%arg14 : memref<128x16xf32, #tpu.memory_space<vmem>>) target(%dma_start3A_158 : memref<10240x16xf32, #tpu.memory_space<vmem_shared>>) offsets(%dma_start3A_155 : memref<128xi32, #tpu.memory_space<vmem>>) semaphore(%arg32 : memref<!tpu.dma_semaphore, #tpu.memory_space<semaphore_mem>>) {add = true}
    %dma_wait3A_159 = arith.constant 79 : i32
    %dma_wait3A_160 = arith.constant 0 : i32
    %dma_wait3A_161 = tpu.memref_slice %arg6[%dma_wait3A_159, %dma_wait3A_160] : memref<80x128xi32, #tpu.memory_space<vmem>> -> memref<1x128xi32, #tpu.memory_space<vmem>>
    %dma_wait3A_162 = tpu.memref_squeeze %dma_wait3A_161 : memref<1x128xi32, #tpu.memory_space<vmem>> -> memref<128xi32, #tpu.memory_space<vmem>>
    %dma_wait3A_163 = arith.constant 0 : i32
    %dma_wait3A_164 = arith.constant 0 : i32
    %dma_wait3A_165 = tpu.memref_slice %arg16[%dma_wait3A_163, %dma_wait3A_164] : memref<10240x16xf32, #tpu.memory_space<vmem_shared>> -> memref<10240x16xf32, #tpu.memory_space<vmem_shared>>
    tpu.wait_indirect_dma semaphore(%arg25 : memref<!tpu.dma_semaphore, #tpu.memory_space<semaphore_mem>>) src(%dma_wait3A_165 : memref<10240x16xf32, #tpu.memory_space<vmem_shared>>) dst(%arg15 : memref<128x16xf32, #tpu.memory_space<vmem>>)
    %dma_start3A_166 = arith.constant 79 : i32
    %dma_start3A_167 = arith.constant 0 : i32
    %dma_start3A_168 = tpu.memref_slice %arg7[%dma_start3A_166, %dma_start3A_167] : memref<80x128xi32, #tpu.memory_space<vmem>> -> memref<1x128xi32, #tpu.memory_space<vmem>>
    %dma_start3A_169 = tpu.memref_squeeze %dma_start3A_168 : memref<1x128xi32, #tpu.memory_space<vmem>> -> memref<128xi32, #tpu.memory_space<vmem>>
    %dma_start3A_170 = arith.constant 0 : i32
    %dma_start3A_171 = arith.constant 0 : i32
    %dma_start3A_172 = tpu.memref_slice %arg17[%dma_start3A_170, %dma_start3A_171] : memref<10240x16xf32, #tpu.memory_space<vmem_shared>> -> memref<10240x16xf32, #tpu.memory_space<vmem_shared>>
    tpu.enqueue_indirect_dma source(%arg15 : memref<128x16xf32, #tpu.memory_space<vmem>>) target(%dma_start3A_172 : memref<10240x16xf32, #tpu.memory_space<vmem_shared>>) offsets(%dma_start3A_169 : memref<128xi32, #tpu.memory_space<vmem>>) semaphore(%arg33 : memref<!tpu.dma_semaphore, #tpu.memory_space<semaphore_mem>>) {add = true}
    %dma_wait3A_173 = arith.constant 72 : i32
    %dma_wait3A_174 = arith.constant 0 : i32
    %dma_wait3A_175 = tpu.memref_slice %arg7[%dma_wait3A_173, %dma_wait3A_174] : memref<80x128xi32, #tpu.memory_space<vmem>> -> memref<1x128xi32, #tpu.memory_space<vmem>>
    %dma_wait3A_176 = tpu.memref_squeeze %dma_wait3A_175 : memref<1x128xi32, #tpu.memory_space<vmem>> -> memref<128xi32, #tpu.memory_space<vmem>>
    %dma_wait3A_177 = arith.constant 0 : i32
    %dma_wait3A_178 = arith.constant 0 : i32
    %dma_wait3A_179 = tpu.memref_slice %arg17[%dma_wait3A_177, %dma_wait3A_178] : memref<10240x16xf32, #tpu.memory_space<vmem_shared>> -> memref<10240x16xf32, #tpu.memory_space<vmem_shared>>
    tpu.wait_indirect_dma semaphore(%arg26 : memref<!tpu.dma_semaphore, #tpu.memory_space<semaphore_mem>>) src(%arg8 : memref<128x16xf32, #tpu.memory_space<vmem>>) dst(%dma_wait3A_179 : memref<10240x16xf32, #tpu.memory_space<vmem_shared>>)
    %dma_wait3A_180 = arith.constant 73 : i32
    %dma_wait3A_181 = arith.constant 0 : i32
    %dma_wait3A_182 = tpu.memref_slice %arg7[%dma_wait3A_180, %dma_wait3A_181] : memref<80x128xi32, #tpu.memory_space<vmem>> -> memref<1x128xi32, #tpu.memory_space<vmem>>
    %dma_wait3A_183 = tpu.memref_squeeze %dma_wait3A_182 : memref<1x128xi32, #tpu.memory_space<vmem>> -> memref<128xi32, #tpu.memory_space<vmem>>
    %dma_wait3A_184 = arith.constant 0 : i32
    %dma_wait3A_185 = arith.constant 0 : i32
    %dma_wait3A_186 = tpu.memref_slice %arg17[%dma_wait3A_184, %dma_wait3A_185] : memref<10240x16xf32, #tpu.memory_space<vmem_shared>> -> memref<10240x16xf32, #tpu.memory_space<vmem_shared>>
    tpu.wait_indirect_dma semaphore(%arg27 : memref<!tpu.dma_semaphore, #tpu.memory_space<semaphore_mem>>) src(%arg9 : memref<128x16xf32, #tpu.memory_space<vmem>>) dst(%dma_wait3A_186 : memref<10240x16xf32, #tpu.memory_space<vmem_shared>>)
    %dma_wait3A_187 = arith.constant 74 : i32
    %dma_wait3A_188 = arith.constant 0 : i32
    %dma_wait3A_189 = tpu.memref_slice %arg7[%dma_wait3A_187, %dma_wait3A_188] : memref<80x128xi32, #tpu.memory_space<vmem>> -> memref<1x128xi32, #tpu.memory_space<vmem>>
    %dma_wait3A_190 = tpu.memref_squeeze %dma_wait3A_189 : memref<1x128xi32, #tpu.memory_space<vmem>> -> memref<128xi32, #tpu.memory_space<vmem>>
    %dma_wait3A_191 = arith.constant 0 : i32
    %dma_wait3A_192 = arith.constant 0 : i32
    %dma_wait3A_193 = tpu.memref_slice %arg17[%dma_wait3A_191, %dma_wait3A_192] : memref<10240x16xf32, #tpu.memory_space<vmem_shared>> -> memref<10240x16xf32, #tpu.memory_space<vmem_shared>>
    tpu.wait_indirect_dma semaphore(%arg28 : memref<!tpu.dma_semaphore, #tpu.memory_space<semaphore_mem>>) src(%arg10 : memref<128x16xf32, #tpu.memory_space<vmem>>) dst(%dma_wait3A_193 : memref<10240x16xf32, #tpu.memory_space<vmem_shared>>)
    %dma_wait3A_194 = arith.constant 75 : i32
    %dma_wait3A_195 = arith.constant 0 : i32
    %dma_wait3A_196 = tpu.memref_slice %arg7[%dma_wait3A_194, %dma_wait3A_195] : memref<80x128xi32, #tpu.memory_space<vmem>> -> memref<1x128xi32, #tpu.memory_space<vmem>>
    %dma_wait3A_197 = tpu.memref_squeeze %dma_wait3A_196 : memref<1x128xi32, #tpu.memory_space<vmem>> -> memref<128xi32, #tpu.memory_space<vmem>>
    %dma_wait3A_198 = arith.constant 0 : i32
    %dma_wait3A_199 = arith.constant 0 : i32
    %dma_wait3A_200 = tpu.memref_slice %arg17[%dma_wait3A_198, %dma_wait3A_199] : memref<10240x16xf32, #tpu.memory_space<vmem_shared>> -> memref<10240x16xf32, #tpu.memory_space<vmem_shared>>
    tpu.wait_indirect_dma semaphore(%arg29 : memref<!tpu.dma_semaphore, #tpu.memory_space<semaphore_mem>>) src(%arg11 : memref<128x16xf32, #tpu.memory_space<vmem>>) dst(%dma_wait3A_200 : memref<10240x16xf32, #tpu.memory_space<vmem_shared>>)
    %dma_wait3A_201 = arith.constant 76 : i32
    %dma_wait3A_202 = arith.constant 0 : i32
    %dma_wait3A_203 = tpu.memref_slice %arg7[%dma_wait3A_201, %dma_wait3A_202] : memref<80x128xi32, #tpu.memory_space<vmem>> -> memref<1x128xi32, #tpu.memory_space<vmem>>
    %dma_wait3A_204 = tpu.memref_squeeze %dma_wait3A_203 : memref<1x128xi32, #tpu.memory_space<vmem>> -> memref<128xi32, #tpu.memory_space<vmem>>
    %dma_wait3A_205 = arith.constant 0 : i32
    %dma_wait3A_206 = arith.constant 0 : i32
    %dma_wait3A_207 = tpu.memref_slice %arg17[%dma_wait3A_205, %dma_wait3A_206] : memref<10240x16xf32, #tpu.memory_space<vmem_shared>> -> memref<10240x16xf32, #tpu.memory_space<vmem_shared>>
    tpu.wait_indirect_dma semaphore(%arg30 : memref<!tpu.dma_semaphore, #tpu.memory_space<semaphore_mem>>) src(%arg12 : memref<128x16xf32, #tpu.memory_space<vmem>>) dst(%dma_wait3A_207 : memref<10240x16xf32, #tpu.memory_space<vmem_shared>>)
    %dma_wait3A_208 = arith.constant 77 : i32
    %dma_wait3A_209 = arith.constant 0 : i32
    %dma_wait3A_210 = tpu.memref_slice %arg7[%dma_wait3A_208, %dma_wait3A_209] : memref<80x128xi32, #tpu.memory_space<vmem>> -> memref<1x128xi32, #tpu.memory_space<vmem>>
    %dma_wait3A_211 = tpu.memref_squeeze %dma_wait3A_210 : memref<1x128xi32, #tpu.memory_space<vmem>> -> memref<128xi32, #tpu.memory_space<vmem>>
    %dma_wait3A_212 = arith.constant 0 : i32
    %dma_wait3A_213 = arith.constant 0 : i32
    %dma_wait3A_214 = tpu.memref_slice %arg17[%dma_wait3A_212, %dma_wait3A_213] : memref<10240x16xf32, #tpu.memory_space<vmem_shared>> -> memref<10240x16xf32, #tpu.memory_space<vmem_shared>>
    tpu.wait_indirect_dma semaphore(%arg31 : memref<!tpu.dma_semaphore, #tpu.memory_space<semaphore_mem>>) src(%arg13 : memref<128x16xf32, #tpu.memory_space<vmem>>) dst(%dma_wait3A_214 : memref<10240x16xf32, #tpu.memory_space<vmem_shared>>)
    %dma_wait3A_215 = arith.constant 78 : i32
    %dma_wait3A_216 = arith.constant 0 : i32
    %dma_wait3A_217 = tpu.memref_slice %arg7[%dma_wait3A_215, %dma_wait3A_216] : memref<80x128xi32, #tpu.memory_space<vmem>> -> memref<1x128xi32, #tpu.memory_space<vmem>>
    %dma_wait3A_218 = tpu.memref_squeeze %dma_wait3A_217 : memref<1x128xi32, #tpu.memory_space<vmem>> -> memref<128xi32, #tpu.memory_space<vmem>>
    %dma_wait3A_219 = arith.constant 0 : i32
    %dma_wait3A_220 = arith.constant 0 : i32
    %dma_wait3A_221 = tpu.memref_slice %arg17[%dma_wait3A_219, %dma_wait3A_220] : memref<10240x16xf32, #tpu.memory_space<vmem_shared>> -> memref<10240x16xf32, #tpu.memory_space<vmem_shared>>
    tpu.wait_indirect_dma semaphore(%arg32 : memref<!tpu.dma_semaphore, #tpu.memory_space<semaphore_mem>>) src(%arg14 : memref<128x16xf32, #tpu.memory_space<vmem>>) dst(%dma_wait3A_221 : memref<10240x16xf32, #tpu.memory_space<vmem_shared>>)
    %dma_wait3A_222 = arith.constant 79 : i32
    %dma_wait3A_223 = arith.constant 0 : i32
    %dma_wait3A_224 = tpu.memref_slice %arg7[%dma_wait3A_222, %dma_wait3A_223] : memref<80x128xi32, #tpu.memory_space<vmem>> -> memref<1x128xi32, #tpu.memory_space<vmem>>
    %dma_wait3A_225 = tpu.memref_squeeze %dma_wait3A_224 : memref<1x128xi32, #tpu.memory_space<vmem>> -> memref<128xi32, #tpu.memory_space<vmem>>
    %dma_wait3A_226 = arith.constant 0 : i32
    %dma_wait3A_227 = arith.constant 0 : i32
    %dma_wait3A_228 = tpu.memref_slice %arg17[%dma_wait3A_226, %dma_wait3A_227] : memref<10240x16xf32, #tpu.memory_space<vmem_shared>> -> memref<10240x16xf32, #tpu.memory_space<vmem_shared>>
    tpu.wait_indirect_dma semaphore(%arg33 : memref<!tpu.dma_semaphore, #tpu.memory_space<semaphore_mem>>) src(%arg15 : memref<128x16xf32, #tpu.memory_space<vmem>>) dst(%dma_wait3A_228 : memref<10240x16xf32, #tpu.memory_space<vmem_shared>>)
    %barrier3A_229 = arith.constant 0 : index
    tpu.barrier barrier_id(%barrier3A_229)
    "tpu.region"() ({
      %run_scoped3A = tpu.sem_alloc : memref<!tpu.dma_semaphore, #tpu.memory_space<semaphore_mem>>
      %dma_start3A_230 = arith.constant 0 : i32
      %dma_start3A_231 = arith.constant 0 : i32
      %dma_start3A_232 = tpu.memref_slice %arg5[%arg0, %dma_start3A_230, %dma_start3A_231] : memref<2x10240x16xf32, #tpu.memory_space<hbm>> -> memref<1x10240x16xf32, #tpu.memory_space<hbm>>
      %dma_start3A_233 = tpu.memref_squeeze %dma_start3A_232 : memref<1x10240x16xf32, #tpu.memory_space<hbm>> -> memref<10240x16xf32, #tpu.memory_space<hbm>>
      %dma_start3A_234 = arith.constant 0 : i32
      %dma_start3A_235 = tpu.memref_slice %dma_start3A_233[%mul3A_2, %dma_start3A_234] : memref<10240x16xf32, #tpu.memory_space<hbm>> -> memref<640x16xf32, #tpu.memory_space<hbm>>
      %dma_start3A_236 = arith.constant 0 : i32
      %dma_start3A_237 = tpu.memref_slice %arg17[%mul3A_2, %dma_start3A_236] : memref<10240x16xf32, #tpu.memory_space<vmem_shared>> -> memref<640x16xf32, #tpu.memory_space<vmem_shared>>
      tpu.enqueue_dma source(%dma_start3A_237 : memref<640x16xf32, #tpu.memory_space<vmem_shared>>) target(%dma_start3A_235 : memref<640x16xf32, #tpu.memory_space<hbm>>) target_semaphore(%run_scoped3A : memref<!tpu.dma_semaphore, #tpu.memory_space<semaphore_mem>>)
      %dma_wait3A_238 = arith.constant 0 : i32
      %dma_wait3A_239 = arith.constant 0 : i32
      %dma_wait3A_240 = tpu.memref_slice %arg5[%arg0, %dma_wait3A_238, %dma_wait3A_239] : memref<2x10240x16xf32, #tpu.memory_space<hbm>> -> memref<1x10240x16xf32, #tpu.memory_space<hbm>>
      %dma_wait3A_241 = tpu.memref_squeeze %dma_wait3A_240 : memref<1x10240x16xf32, #tpu.memory_space<hbm>> -> memref<10240x16xf32, #tpu.memory_space<hbm>>
      %dma_wait3A_242 = arith.constant 0 : i32
      %dma_wait3A_243 = tpu.memref_slice %dma_wait3A_241[%mul3A_2, %dma_wait3A_242] : memref<10240x16xf32, #tpu.memory_space<hbm>> -> memref<640x16xf32, #tpu.memory_space<hbm>>
      %dma_wait3A_244 = arith.constant 0 : i32
      %dma_wait3A_245 = tpu.memref_slice %arg17[%mul3A_2, %dma_wait3A_244] : memref<10240x16xf32, #tpu.memory_space<vmem_shared>> -> memref<640x16xf32, #tpu.memory_space<vmem_shared>>
      tpu.wait_dma2 semaphore(%run_scoped3A : memref<!tpu.dma_semaphore, #tpu.memory_space<semaphore_mem>>) src(%dma_wait3A_245 : memref<640x16xf32, #tpu.memory_space<vmem_shared>>) dst(%dma_wait3A_243 : memref<640x16xf32, #tpu.memory_space<hbm>>)
      tpu.yield
    }) : () -> ()
    return
  }
}

module attributes {stable_mosaic.version = 14 : i64} {
  func.func @body(%arg0: i32, %arg1: memref<2048x128xf32, #tpu.memory_space<vmem>>, %arg2: memref<128x128xf32, #tpu.memory_space<vmem>>, %arg3: memref<2048x128xf32, #tpu.memory_space<vmem>>) attributes {dimension_semantics = [#tpu.dimension_semantics<arbitrary>], iteration_bounds = array<i64: 5>, scalar_prefetch = 0 : i64, scratch_operands = 0 : i64, tpu.core_type = #tpu.core_type<tc>, window_params = [{transform_indices = @transform_0, window_bounds = array<i64: 2048, 128>}, {pipeline_mode = #tpu.pipeline_mode<synchronous>, transform_indices = @transform_1, window_bounds = array<i64: 128, 128>}, {transform_indices = @transform_2, window_bounds = array<i64: 2048, 128>}]} {
    %get3A = arith.constant 0 : index
    %get3A_0 = arith.constant 0 : index
    %get3A_1 = vector.load %arg1[%get3A, %get3A_0] : memref<2048x128xf32, #tpu.memory_space<vmem>>, vector<2048x128xf32>
    %get3A_2 = arith.constant 0 : index
    %get3A_3 = arith.constant 0 : index
    %get3A_4 = vector.load %arg2[%get3A_2, %get3A_3] : memref<128x128xf32, #tpu.memory_space<vmem>>, vector<128x128xf32>
    %dot_general3A = arith.constant dense<0.000000e+00> : vector<2048x128xf32>
    %dot_general3A_5 = tpu.matmul %get3A_1, %get3A_4, %dot_general3A {dimension_numbers = #tpu.dot_dimension_numbers<[1], [0], [0], [1], [0, 0, 1, 1], [], []>, precision = #tpu.contract_precision<fp32>, transpose_lhs_hint = false} : vector<2048x128xf32>, vector<128x128xf32>, vector<2048x128xf32> -> vector<2048x128xf32>
    %swap3A = arith.constant 0 : index
    %swap3A_6 = arith.constant 0 : index
    %swap3A_7 = vector.load %arg3[%swap3A, %swap3A_6] : memref<2048x128xf32, #tpu.memory_space<vmem>>, vector<2048x128xf32>
    tpu.vector_store %arg3[%swap3A, %swap3A_6], %dot_general3A_5 {strides = array<i32>} : memref<2048x128xf32, #tpu.memory_space<vmem>>, vector<2048x128xf32>,
    return
  }
  func.func @transform_0(%arg0: i32) -> (i32, i32) {
    %c0_i32 = arith.constant 0 : i32
    %c0_i32_0 = arith.constant 0 : i32
    return %arg0, %c0_i32 : i32, i32
  }
  func.func @transform_1(%arg0: i32) -> (i32, i32) {
    %c0_i32 = arith.constant 0 : i32
    %c0_i32_0 = arith.constant 0 : i32
    %c0_i32_1 = arith.constant 0 : i32
    return %c0_i32, %c0_i32_0 : i32, i32
  }
  func.func @transform_2(%arg0: i32) -> (i32, i32) {
    %c0_i32 = arith.constant 0 : i32
    %c0_i32_0 = arith.constant 0 : i32
    return %arg0, %c0_i32 : i32, i32
  }
}

module attributes {stable_mosaic.version = 14 : i64} {
  func.func @body(%arg0: i32, %arg1: memref<2048x128xf32, #tpu.memory_space<vmem>>, %arg2: memref<2x2048x16xf32, #tpu.memory_space<vmem>>, %arg3: memref<2048x64xf32, #tpu.memory_space<vmem>>, %arg4: memref<2048x64xf32, #tpu.memory_space<vmem>>, %arg5: memref<2048x1xf32, #tpu.memory_space<vmem>>) attributes {dimension_semantics = [#tpu.dimension_semantics<arbitrary>], iteration_bounds = array<i64: 5>, scalar_prefetch = 0 : i64, scratch_operands = 0 : i64, tpu.core_type = #tpu.core_type<tc>, window_params = [{transform_indices = @transform_0, window_bounds = array<i64: 2048, 128>}, {transform_indices = @transform_1, window_bounds = array<i64: 2, 2048, 16>}, {transform_indices = @transform_2, window_bounds = array<i64: 2048, 64>}, {transform_indices = @transform_3, window_bounds = array<i64: 2048, 64>}, {transform_indices = @transform_4, window_bounds = array<i64: 2048, 1>}]} {
    %iota3A = tpu.iota {dimensions = array<i32: 0>} : vector<2048x1xi32>
    %mul3A = arith.constant 2048 : i32
    %mul3A_0 = arith.muli %arg0, %mul3A : i32
    %add3A = vector.broadcast %mul3A_0 : i32 to vector<2048x1xi32>
    %add3A_1 = arith.addi %iota3A, %add3A : vector<2048x1xi32>
    %lt3A = arith.constant 10000 : i32
    %lt3A_2 = vector.broadcast %lt3A : i32 to vector<2048x1xi32>
    %lt3A_3 = arith.cmpi slt, %add3A_1, %lt3A_2 : vector<2048x1xi32>
    %get3A = arith.constant 0 : index
    %get3A_4 = arith.constant 0 : index
    %get3A_5 = arith.constant 0 : index
    %get3A_6 = vector.load %arg2[%get3A, %get3A_4, %get3A_5] : memref<2x2048x16xf32, #tpu.memory_space<vmem>>, vector<1x2048x1xf32>
    %get3A_7 = vector.shape_cast %get3A_6 : vector<1x2048x1xf32> to vector<2048x1xf32>
    %get3A_8 = arith.constant 1 : index
    %get3A_9 = arith.constant 0 : index
    %get3A_10 = arith.constant 0 : index
    %get3A_11 = vector.load %arg2[%get3A_8, %get3A_9, %get3A_10] : memref<2x2048x16xf32, #tpu.memory_space<vmem>>, vector<1x2048x1xf32>
    %get3A_12 = vector.shape_cast %get3A_11 : vector<1x2048x1xf32> to vector<2048x1xf32>
    %add3A_13 = arith.addf %get3A_7, %get3A_12 : vector<2048x1xf32>
    %add3A_14 = arith.constant 1.000000e+00 : f32
    %add3A_15 = vector.broadcast %add3A_14 : f32 to vector<2048x1xf32>
    %add3A_16 = arith.addf %add3A_13, %add3A_15 : vector<2048x1xf32>
    %jit3A = arith.constant 1.000000e+00 : f32
    %broadcast_in_dim3A = vector.broadcast %jit3A : f32 to vector<2048x1xf32>
    %select_n3A = arith.select %lt3A_3, %add3A_16, %broadcast_in_dim3A : vector<2048x1xi1>, vector<2048x1xf32>
    %max3A = arith.constant 9.99999996E-13 : f32
    %max3A_17 = vector.broadcast %max3A : f32 to vector<2048x1xf32>
    %max3A_18 = arith.maximumf %select_n3A, %max3A_17 : vector<2048x1xf32>
    %rsqrt3A = math.rsqrt %max3A_18 : vector<2048x1xf32>
    %swap3A = arith.constant 0 : index
    %swap3A_19 = arith.constant 0 : index
    %swap3A_20 = vector.load %arg5[%swap3A, %swap3A_19] : memref<2048x1xf32, #tpu.memory_space<vmem>>, vector<2048x1xf32>
    tpu.vector_store %arg5[%swap3A, %swap3A_19], %rsqrt3A {strides = array<i32>} : memref<2048x1xf32, #tpu.memory_space<vmem>>, vector<2048x1xf32>,
    %get3A_21 = arith.constant 0 : index
    %get3A_22 = arith.constant 0 : index
    %get3A_23 = vector.load %arg1[%get3A_21, %get3A_22] : memref<2048x128xf32, #tpu.memory_space<vmem>>, vector<2048x128xf32>
    %mul3A_24 = vector.broadcast %rsqrt3A : vector<2048x1xf32> to vector<2048x128xf32>
    %mul3A_25 = arith.mulf %get3A_23, %mul3A_24 : vector<2048x128xf32>
    %slice3A = vector.extract_strided_slice %mul3A_25 {offsets = [0, 0], sizes = [2048, 64], strides = [1, 1]} : vector<2048x128xf32> to vector<2048x64xf32>
    %jit3A_26 = arith.constant 0.000000e+00 : f32
    %broadcast_in_dim3A_27 = vector.shape_cast %lt3A_3 : vector<2048x1xi1> to vector<2048x1xi1>
    %broadcast_in_dim3A_28 = vector.broadcast %broadcast_in_dim3A_27 : vector<2048x1xi1> to vector<2048x64xi1>
    %broadcast_in_dim3A_29 = vector.broadcast %jit3A_26 : f32 to vector<2048x64xf32>
    %select_n3A_30 = arith.select %broadcast_in_dim3A_28, %slice3A, %broadcast_in_dim3A_29 : vector<2048x64xi1>, vector<2048x64xf32>
    %swap3A_31 = arith.constant 0 : index
    %swap3A_32 = arith.constant 0 : index
    %swap3A_33 = vector.load %arg3[%swap3A_31, %swap3A_32] : memref<2048x64xf32, #tpu.memory_space<vmem>>, vector<2048x64xf32>
    tpu.vector_store %arg3[%swap3A_31, %swap3A_32], %select_n3A_30 {strides = array<i32>} : memref<2048x64xf32, #tpu.memory_space<vmem>>, vector<2048x64xf32>,
    %slice3A_34 = vector.extract_strided_slice %mul3A_25 {offsets = [0, 64], sizes = [2048, 64], strides = [1, 1]} : vector<2048x128xf32> to vector<2048x64xf32>
    %jit3A_35 = arith.constant 0.000000e+00 : f32
    %broadcast_in_dim3A_36 = vector.shape_cast %lt3A_3 : vector<2048x1xi1> to vector<2048x1xi1>
    %broadcast_in_dim3A_37 = vector.broadcast %broadcast_in_dim3A_36 : vector<2048x1xi1> to vector<2048x64xi1>
    %broadcast_in_dim3A_38 = vector.broadcast %jit3A_35 : f32 to vector<2048x64xf32>
    %select_n3A_39 = arith.select %broadcast_in_dim3A_37, %slice3A_34, %broadcast_in_dim3A_38 : vector<2048x64xi1>, vector<2048x64xf32>
    %swap3A_40 = arith.constant 0 : index
    %swap3A_41 = arith.constant 0 : index
    %swap3A_42 = vector.load %arg4[%swap3A_40, %swap3A_41] : memref<2048x64xf32, #tpu.memory_space<vmem>>, vector<2048x64xf32>
    tpu.vector_store %arg4[%swap3A_40, %swap3A_41], %select_n3A_39 {strides = array<i32>} : memref<2048x64xf32, #tpu.memory_space<vmem>>, vector<2048x64xf32>,
    return
  }
  func.func @transform_0(%arg0: i32) -> (i32, i32) {
    %c0_i32 = arith.constant 0 : i32
    %c0_i32_0 = arith.constant 0 : i32
    return %arg0, %c0_i32 : i32, i32
  }
  func.func @transform_1(%arg0: i32) -> (i32, i32, i32) {
    %c0_i32 = arith.constant 0 : i32
    %c0_i32_0 = arith.constant 0 : i32
    %c0_i32_1 = arith.constant 0 : i32
    return %c0_i32, %arg0, %c0_i32_0 : i32, i32, i32
  }
  func.func @transform_2(%arg0: i32) -> (i32, i32) {
    %c0_i32 = arith.constant 0 : i32
    %c0_i32_0 = arith.constant 0 : i32
    return %arg0, %c0_i32 : i32, i32
  }
  func.func @transform_3(%arg0: i32) -> (i32, i32) {
    %c0_i32 = arith.constant 0 : i32
    %c0_i32_0 = arith.constant 0 : i32
    return %arg0, %c0_i32 : i32, i32
  }
  func.func @transform_4(%arg0: i32) -> (i32, i32) {
    %c0_i32 = arith.constant 0 : i32
    %c0_i32_0 = arith.constant 0 : i32
    return %arg0, %c0_i32 : i32, i32
  }
}

module attributes {stable_mosaic.version = 14 : i64} {
  func.func @body(%arg0: i32, %arg1: memref<2x2048x64xf32, #tpu.memory_space<vmem>>, %arg2: memref<2048x64xf32, #tpu.memory_space<vmem>>, %arg3: memref<2x2048x64xf32, #tpu.memory_space<vmem>>, %arg4: memref<2048x64xf32, #tpu.memory_space<vmem>>, %arg5: memref<2048x1xf32, #tpu.memory_space<vmem>>, %arg6: memref<1x128xf32, #tpu.memory_space<vmem>>, %arg7: memref<128x128xf32, #tpu.memory_space<vmem>>, %arg8: memref<2048x64xf32, #tpu.memory_space<vmem>>, %arg9: memref<2048x64xf32, #tpu.memory_space<vmem>>) attributes {dimension_semantics = [#tpu.dimension_semantics<arbitrary>], iteration_bounds = array<i64: 5>, scalar_prefetch = 0 : i64, scratch_operands = 0 : i64, tpu.core_type = #tpu.core_type<tc>, window_params = [{transform_indices = @transform_0, window_bounds = array<i64: 2, 2048, 64>}, {transform_indices = @transform_1, window_bounds = array<i64: 2048, 64>}, {transform_indices = @transform_2, window_bounds = array<i64: 2, 2048, 64>}, {transform_indices = @transform_3, window_bounds = array<i64: 2048, 64>}, {transform_indices = @transform_4, window_bounds = array<i64: 2048, 1>}, {pipeline_mode = #tpu.pipeline_mode<synchronous>, transform_indices = @transform_5, window_bounds = array<i64: 1, 128>}, {pipeline_mode = #tpu.pipeline_mode<synchronous>, transform_indices = @transform_6, window_bounds = array<i64: 128, 128>}, {transform_indices = @transform_7, window_bounds = array<i64: 2048, 64>}, {transform_indices = @transform_8, window_bounds = array<i64: 2048, 64>}]} {
    %iota3A = tpu.iota {dimensions = array<i32: 0>} : vector<2048x1xi32>
    %mul3A = arith.constant 2048 : i32
    %mul3A_0 = arith.muli %arg0, %mul3A : i32
    %add3A = vector.broadcast %mul3A_0 : i32 to vector<2048x1xi32>
    %add3A_1 = arith.addi %iota3A, %add3A : vector<2048x1xi32>
    %lt3A = arith.constant 10000 : i32
    %lt3A_2 = vector.broadcast %lt3A : i32 to vector<2048x1xi32>
    %lt3A_3 = arith.cmpi slt, %add3A_1, %lt3A_2 : vector<2048x1xi32>
    %get3A = arith.constant 0 : index
    %get3A_4 = arith.constant 0 : index
    %get3A_5 = arith.constant 0 : index
    %get3A_6 = vector.load %arg1[%get3A, %get3A_4, %get3A_5] : memref<2x2048x64xf32, #tpu.memory_space<vmem>>, vector<1x2048x64xf32>
    %get3A_7 = vector.shape_cast %get3A_6 : vector<1x2048x64xf32> to vector<2048x64xf32>
    %get3A_8 = arith.constant 1 : index
    %get3A_9 = arith.constant 0 : index
    %get3A_10 = arith.constant 0 : index
    %get3A_11 = vector.load %arg1[%get3A_8, %get3A_9, %get3A_10] : memref<2x2048x64xf32, #tpu.memory_space<vmem>>, vector<1x2048x64xf32>
    %get3A_12 = vector.shape_cast %get3A_11 : vector<1x2048x64xf32> to vector<2048x64xf32>
    %add3A_13 = arith.addf %get3A_7, %get3A_12 : vector<2048x64xf32>
    %get3A_14 = arith.constant 0 : index
    %get3A_15 = arith.constant 0 : index
    %get3A_16 = vector.load %arg2[%get3A_14, %get3A_15] : memref<2048x64xf32, #tpu.memory_space<vmem>>, vector<2048x64xf32>
    %sub3A = arith.subf %add3A_13, %get3A_16 : vector<2048x64xf32>
    %get3A_17 = arith.constant 0 : index
    %get3A_18 = arith.constant 0 : index
    %get3A_19 = arith.constant 0 : index
    %get3A_20 = vector.load %arg3[%get3A_17, %get3A_18, %get3A_19] : memref<2x2048x64xf32, #tpu.memory_space<vmem>>, vector<1x2048x64xf32>
    %get3A_21 = vector.shape_cast %get3A_20 : vector<1x2048x64xf32> to vector<2048x64xf32>
    %get3A_22 = arith.constant 1 : index
    %get3A_23 = arith.constant 0 : index
    %get3A_24 = arith.constant 0 : index
    %get3A_25 = vector.load %arg3[%get3A_22, %get3A_23, %get3A_24] : memref<2x2048x64xf32, #tpu.memory_space<vmem>>, vector<1x2048x64xf32>
    %get3A_26 = vector.shape_cast %get3A_25 : vector<1x2048x64xf32> to vector<2048x64xf32>
    %add3A_27 = arith.addf %get3A_21, %get3A_26 : vector<2048x64xf32>
    %get3A_28 = arith.constant 0 : index
    %get3A_29 = arith.constant 0 : index
    %get3A_30 = vector.load %arg4[%get3A_28, %get3A_29] : memref<2048x64xf32, #tpu.memory_space<vmem>>, vector<2048x64xf32>
    %sub3A_31 = arith.subf %add3A_27, %get3A_30 : vector<2048x64xf32>
    %concatenate3A = tpu.concatenate %sub3A, %sub3A_31 in 1 : vector<2048x64xf32>, vector<2048x64xf32> -> vector<2048x128xf32>
    %get3A_32 = arith.constant 0 : index
    %get3A_33 = arith.constant 0 : index
    %get3A_34 = vector.load %arg5[%get3A_32, %get3A_33] : memref<2048x1xf32, #tpu.memory_space<vmem>>, vector<2048x1xf32>
    %mul3A_35 = vector.broadcast %get3A_34 : vector<2048x1xf32> to vector<2048x128xf32>
    %mul3A_36 = arith.mulf %concatenate3A, %mul3A_35 : vector<2048x128xf32>
    %get3A_37 = arith.constant 0 : index
    %get3A_38 = arith.constant 0 : index
    %get3A_39 = vector.load %arg6[%get3A_37, %get3A_38] : memref<1x128xf32, #tpu.memory_space<vmem>>, vector<1x128xf32>
    %add3A_40 = vector.broadcast %get3A_39 : vector<1x128xf32> to vector<2048x128xf32>
    %add3A_41 = arith.addf %mul3A_36, %add3A_40 : vector<2048x128xf32>
    %ge3A = arith.constant 0.000000e+00 : f32
    %ge3A_42 = vector.broadcast %ge3A : f32 to vector<2048x128xf32>
    %ge3A_43 = arith.cmpf oge, %add3A_41, %ge3A_42 : vector<2048x128xf32>
    %mul3A_44 = arith.constant 1.000000e-01 : f32
    %mul3A_45 = vector.broadcast %mul3A_44 : f32 to vector<2048x128xf32>
    %mul3A_46 = arith.mulf %mul3A_45, %add3A_41 : vector<2048x128xf32>
    %select_n3A = arith.select %ge3A_43, %add3A_41, %mul3A_46 : vector<2048x128xi1>, vector<2048x128xf32>
    %get3A_47 = arith.constant 0 : index
    %get3A_48 = arith.constant 0 : index
    %get3A_49 = vector.load %arg7[%get3A_47, %get3A_48] : memref<128x128xf32, #tpu.memory_space<vmem>>, vector<128x128xf32>
    %dot_general3A = arith.constant dense<0.000000e+00> : vector<2048x128xf32>
    %dot_general3A_50 = tpu.matmul %select_n3A, %get3A_49, %dot_general3A {dimension_numbers = #tpu.dot_dimension_numbers<[1], [0], [0], [1], [0, 0, 1, 1], [], []>, precision = #tpu.contract_precision<fp32>, transpose_lhs_hint = false} : vector<2048x128xf32>, vector<128x128xf32>, vector<2048x128xf32> -> vector<2048x128xf32>
    %get3A_51 = arith.constant 0 : index
    %get3A_52 = arith.constant 0 : index
    %get3A_53 = vector.load %arg5[%get3A_51, %get3A_52] : memref<2048x1xf32, #tpu.memory_space<vmem>>, vector<2048x1xf32>
    %mul3A_54 = vector.broadcast %get3A_53 : vector<2048x1xf32> to vector<2048x128xf32>
    %mul3A_55 = arith.mulf %dot_general3A_50, %mul3A_54 : vector<2048x128xf32>
    %slice3A = vector.extract_strided_slice %mul3A_55 {offsets = [0, 0], sizes = [2048, 64], strides = [1, 1]} : vector<2048x128xf32> to vector<2048x64xf32>
    %jit3A = arith.constant 0.000000e+00 : f32
    %broadcast_in_dim3A = vector.shape_cast %lt3A_3 : vector<2048x1xi1> to vector<2048x1xi1>
    %broadcast_in_dim3A_56 = vector.broadcast %broadcast_in_dim3A : vector<2048x1xi1> to vector<2048x64xi1>
    %broadcast_in_dim3A_57 = vector.broadcast %jit3A : f32 to vector<2048x64xf32>
    %select_n3A_58 = arith.select %broadcast_in_dim3A_56, %slice3A, %broadcast_in_dim3A_57 : vector<2048x64xi1>, vector<2048x64xf32>
    %swap3A = arith.constant 0 : index
    %swap3A_59 = arith.constant 0 : index
    %swap3A_60 = vector.load %arg8[%swap3A, %swap3A_59] : memref<2048x64xf32, #tpu.memory_space<vmem>>, vector<2048x64xf32>
    tpu.vector_store %arg8[%swap3A, %swap3A_59], %select_n3A_58 {strides = array<i32>} : memref<2048x64xf32, #tpu.memory_space<vmem>>, vector<2048x64xf32>,
    %slice3A_61 = vector.extract_strided_slice %mul3A_55 {offsets = [0, 64], sizes = [2048, 64], strides = [1, 1]} : vector<2048x128xf32> to vector<2048x64xf32>
    %jit3A_62 = arith.constant 0.000000e+00 : f32
    %broadcast_in_dim3A_63 = vector.shape_cast %lt3A_3 : vector<2048x1xi1> to vector<2048x1xi1>
    %broadcast_in_dim3A_64 = vector.broadcast %broadcast_in_dim3A_63 : vector<2048x1xi1> to vector<2048x64xi1>
    %broadcast_in_dim3A_65 = vector.broadcast %jit3A_62 : f32 to vector<2048x64xf32>
    %select_n3A_66 = arith.select %broadcast_in_dim3A_64, %slice3A_61, %broadcast_in_dim3A_65 : vector<2048x64xi1>, vector<2048x64xf32>
    %swap3A_67 = arith.constant 0 : index
    %swap3A_68 = arith.constant 0 : index
    %swap3A_69 = vector.load %arg9[%swap3A_67, %swap3A_68] : memref<2048x64xf32, #tpu.memory_space<vmem>>, vector<2048x64xf32>
    tpu.vector_store %arg9[%swap3A_67, %swap3A_68], %select_n3A_66 {strides = array<i32>} : memref<2048x64xf32, #tpu.memory_space<vmem>>, vector<2048x64xf32>,
    return
  }
  func.func @transform_0(%arg0: i32) -> (i32, i32, i32) {
    %c0_i32 = arith.constant 0 : i32
    %c0_i32_0 = arith.constant 0 : i32
    %c0_i32_1 = arith.constant 0 : i32
    return %c0_i32, %arg0, %c0_i32_0 : i32, i32, i32
  }
  func.func @transform_1(%arg0: i32) -> (i32, i32) {
    %c0_i32 = arith.constant 0 : i32
    %c0_i32_0 = arith.constant 0 : i32
    return %arg0, %c0_i32 : i32, i32
  }
  func.func @transform_2(%arg0: i32) -> (i32, i32, i32) {
    %c0_i32 = arith.constant 0 : i32
    %c0_i32_0 = arith.constant 0 : i32
    %c0_i32_1 = arith.constant 0 : i32
    return %c0_i32, %arg0, %c0_i32_0 : i32, i32, i32
  }
  func.func @transform_3(%arg0: i32) -> (i32, i32) {
    %c0_i32 = arith.constant 0 : i32
    %c0_i32_0 = arith.constant 0 : i32
    return %arg0, %c0_i32 : i32, i32
  }
  func.func @transform_4(%arg0: i32) -> (i32, i32) {
    %c0_i32 = arith.constant 0 : i32
    %c0_i32_0 = arith.constant 0 : i32
    return %arg0, %c0_i32 : i32, i32
  }
  func.func @transform_5(%arg0: i32) -> (i32, i32) {
    %c0_i32 = arith.constant 0 : i32
    %c0_i32_0 = arith.constant 0 : i32
    %c0_i32_1 = arith.constant 0 : i32
    return %c0_i32, %c0_i32_0 : i32, i32
  }
  func.func @transform_6(%arg0: i32) -> (i32, i32) {
    %c0_i32 = arith.constant 0 : i32
    %c0_i32_0 = arith.constant 0 : i32
    %c0_i32_1 = arith.constant 0 : i32
    return %c0_i32, %c0_i32_0 : i32, i32
  }
  func.func @transform_7(%arg0: i32) -> (i32, i32) {
    %c0_i32 = arith.constant 0 : i32
    %c0_i32_0 = arith.constant 0 : i32
    return %arg0, %c0_i32 : i32, i32
  }
  func.func @transform_8(%arg0: i32) -> (i32, i32) {
    %c0_i32 = arith.constant 0 : i32
    %c0_i32_0 = arith.constant 0 : i32
    return %arg0, %c0_i32 : i32, i32
  }
}

module attributes {stable_mosaic.version = 14 : i64} {
  func.func @body(%arg0: i32, %arg1: memref<2x2048x64xf32, #tpu.memory_space<vmem>>, %arg2: memref<2048x64xf32, #tpu.memory_space<vmem>>, %arg3: memref<2x2048x64xf32, #tpu.memory_space<vmem>>, %arg4: memref<2048x64xf32, #tpu.memory_space<vmem>>, %arg5: memref<2048x1xf32, #tpu.memory_space<vmem>>, %arg6: memref<1x128xf32, #tpu.memory_space<vmem>>, %arg7: memref<128x32xf32, #tpu.memory_space<vmem>>, %arg8: memref<2048x32xf32, #tpu.memory_space<vmem>>) attributes {dimension_semantics = [#tpu.dimension_semantics<arbitrary>], iteration_bounds = array<i64: 5>, scalar_prefetch = 0 : i64, scratch_operands = 0 : i64, tpu.core_type = #tpu.core_type<tc>, window_params = [{transform_indices = @transform_0, window_bounds = array<i64: 2, 2048, 64>}, {transform_indices = @transform_1, window_bounds = array<i64: 2048, 64>}, {transform_indices = @transform_2, window_bounds = array<i64: 2, 2048, 64>}, {transform_indices = @transform_3, window_bounds = array<i64: 2048, 64>}, {transform_indices = @transform_4, window_bounds = array<i64: 2048, 1>}, {pipeline_mode = #tpu.pipeline_mode<synchronous>, transform_indices = @transform_5, window_bounds = array<i64: 1, 128>}, {pipeline_mode = #tpu.pipeline_mode<synchronous>, transform_indices = @transform_6, window_bounds = array<i64: 128, 32>}, {transform_indices = @transform_7, window_bounds = array<i64: 2048, 32>}]} {
    %iota3A = tpu.iota {dimensions = array<i32: 0>} : vector<2048x1xi32>
    %mul3A = arith.constant 2048 : i32
    %mul3A_0 = arith.muli %arg0, %mul3A : i32
    %add3A = vector.broadcast %mul3A_0 : i32 to vector<2048x1xi32>
    %add3A_1 = arith.addi %iota3A, %add3A : vector<2048x1xi32>
    %lt3A = arith.constant 10000 : i32
    %lt3A_2 = vector.broadcast %lt3A : i32 to vector<2048x1xi32>
    %lt3A_3 = arith.cmpi slt, %add3A_1, %lt3A_2 : vector<2048x1xi32>
    %get3A = arith.constant 0 : index
    %get3A_4 = arith.constant 0 : index
    %get3A_5 = arith.constant 0 : index
    %get3A_6 = vector.load %arg1[%get3A, %get3A_4, %get3A_5] : memref<2x2048x64xf32, #tpu.memory_space<vmem>>, vector<1x2048x64xf32>
    %get3A_7 = vector.shape_cast %get3A_6 : vector<1x2048x64xf32> to vector<2048x64xf32>
    %get3A_8 = arith.constant 1 : index
    %get3A_9 = arith.constant 0 : index
    %get3A_10 = arith.constant 0 : index
    %get3A_11 = vector.load %arg1[%get3A_8, %get3A_9, %get3A_10] : memref<2x2048x64xf32, #tpu.memory_space<vmem>>, vector<1x2048x64xf32>
    %get3A_12 = vector.shape_cast %get3A_11 : vector<1x2048x64xf32> to vector<2048x64xf32>
    %add3A_13 = arith.addf %get3A_7, %get3A_12 : vector<2048x64xf32>
    %get3A_14 = arith.constant 0 : index
    %get3A_15 = arith.constant 0 : index
    %get3A_16 = vector.load %arg2[%get3A_14, %get3A_15] : memref<2048x64xf32, #tpu.memory_space<vmem>>, vector<2048x64xf32>
    %sub3A = arith.subf %add3A_13, %get3A_16 : vector<2048x64xf32>
    %get3A_17 = arith.constant 0 : index
    %get3A_18 = arith.constant 0 : index
    %get3A_19 = arith.constant 0 : index
    %get3A_20 = vector.load %arg3[%get3A_17, %get3A_18, %get3A_19] : memref<2x2048x64xf32, #tpu.memory_space<vmem>>, vector<1x2048x64xf32>
    %get3A_21 = vector.shape_cast %get3A_20 : vector<1x2048x64xf32> to vector<2048x64xf32>
    %get3A_22 = arith.constant 1 : index
    %get3A_23 = arith.constant 0 : index
    %get3A_24 = arith.constant 0 : index
    %get3A_25 = vector.load %arg3[%get3A_22, %get3A_23, %get3A_24] : memref<2x2048x64xf32, #tpu.memory_space<vmem>>, vector<1x2048x64xf32>
    %get3A_26 = vector.shape_cast %get3A_25 : vector<1x2048x64xf32> to vector<2048x64xf32>
    %add3A_27 = arith.addf %get3A_21, %get3A_26 : vector<2048x64xf32>
    %get3A_28 = arith.constant 0 : index
    %get3A_29 = arith.constant 0 : index
    %get3A_30 = vector.load %arg4[%get3A_28, %get3A_29] : memref<2048x64xf32, #tpu.memory_space<vmem>>, vector<2048x64xf32>
    %sub3A_31 = arith.subf %add3A_27, %get3A_30 : vector<2048x64xf32>
    %concatenate3A = tpu.concatenate %sub3A, %sub3A_31 in 1 : vector<2048x64xf32>, vector<2048x64xf32> -> vector<2048x128xf32>
    %get3A_32 = arith.constant 0 : index
    %get3A_33 = arith.constant 0 : index
    %get3A_34 = vector.load %arg5[%get3A_32, %get3A_33] : memref<2048x1xf32, #tpu.memory_space<vmem>>, vector<2048x1xf32>
    %mul3A_35 = vector.broadcast %get3A_34 : vector<2048x1xf32> to vector<2048x128xf32>
    %mul3A_36 = arith.mulf %concatenate3A, %mul3A_35 : vector<2048x128xf32>
    %get3A_37 = arith.constant 0 : index
    %get3A_38 = arith.constant 0 : index
    %get3A_39 = vector.load %arg6[%get3A_37, %get3A_38] : memref<1x128xf32, #tpu.memory_space<vmem>>, vector<1x128xf32>
    %add3A_40 = vector.broadcast %get3A_39 : vector<1x128xf32> to vector<2048x128xf32>
    %add3A_41 = arith.addf %mul3A_36, %add3A_40 : vector<2048x128xf32>
    %ge3A = arith.constant 0.000000e+00 : f32
    %ge3A_42 = vector.broadcast %ge3A : f32 to vector<2048x128xf32>
    %ge3A_43 = arith.cmpf oge, %add3A_41, %ge3A_42 : vector<2048x128xf32>
    %mul3A_44 = arith.constant 1.000000e-01 : f32
    %mul3A_45 = vector.broadcast %mul3A_44 : f32 to vector<2048x128xf32>
    %mul3A_46 = arith.mulf %mul3A_45, %add3A_41 : vector<2048x128xf32>
    %select_n3A = arith.select %ge3A_43, %add3A_41, %mul3A_46 : vector<2048x128xi1>, vector<2048x128xf32>
    %get3A_47 = arith.constant 0 : index
    %get3A_48 = arith.constant 0 : index
    %get3A_49 = vector.load %arg7[%get3A_47, %get3A_48] : memref<128x32xf32, #tpu.memory_space<vmem>>, vector<128x32xf32>
    %dot_general3A = arith.constant dense<0.000000e+00> : vector<2048x32xf32>
    %dot_general3A_50 = tpu.matmul %select_n3A, %get3A_49, %dot_general3A {dimension_numbers = #tpu.dot_dimension_numbers<[1], [0], [0], [1], [0, 0, 1, 1], [], []>, precision = #tpu.contract_precision<fp32>, transpose_lhs_hint = false} : vector<2048x128xf32>, vector<128x32xf32>, vector<2048x32xf32> -> vector<2048x32xf32>
    %get3A_51 = arith.constant 0 : index
    %get3A_52 = arith.constant 0 : index
    %get3A_53 = vector.load %arg5[%get3A_51, %get3A_52] : memref<2048x1xf32, #tpu.memory_space<vmem>>, vector<2048x1xf32>
    %mul3A_54 = vector.broadcast %get3A_53 : vector<2048x1xf32> to vector<2048x32xf32>
    %mul3A_55 = arith.mulf %dot_general3A_50, %mul3A_54 : vector<2048x32xf32>
    %jit3A = arith.constant 0.000000e+00 : f32
    %broadcast_in_dim3A = vector.shape_cast %lt3A_3 : vector<2048x1xi1> to vector<2048x1xi1>
    %broadcast_in_dim3A_56 = vector.broadcast %broadcast_in_dim3A : vector<2048x1xi1> to vector<2048x32xi1>
    %broadcast_in_dim3A_57 = vector.broadcast %jit3A : f32 to vector<2048x32xf32>
    %select_n3A_58 = arith.select %broadcast_in_dim3A_56, %mul3A_55, %broadcast_in_dim3A_57 : vector<2048x32xi1>, vector<2048x32xf32>
    %swap3A = arith.constant 0 : index
    %swap3A_59 = arith.constant 0 : index
    %swap3A_60 = vector.load %arg8[%swap3A, %swap3A_59] : memref<2048x32xf32, #tpu.memory_space<vmem>>, vector<2048x32xf32>
    tpu.vector_store %arg8[%swap3A, %swap3A_59], %select_n3A_58 {strides = array<i32>} : memref<2048x32xf32, #tpu.memory_space<vmem>>, vector<2048x32xf32>,
    return
  }
  func.func @transform_0(%arg0: i32) -> (i32, i32, i32) {
    %c0_i32 = arith.constant 0 : i32
    %c0_i32_0 = arith.constant 0 : i32
    %c0_i32_1 = arith.constant 0 : i32
    return %c0_i32, %arg0, %c0_i32_0 : i32, i32, i32
  }
  func.func @transform_1(%arg0: i32) -> (i32, i32) {
    %c0_i32 = arith.constant 0 : i32
    %c0_i32_0 = arith.constant 0 : i32
    return %arg0, %c0_i32 : i32, i32
  }
  func.func @transform_2(%arg0: i32) -> (i32, i32, i32) {
    %c0_i32 = arith.constant 0 : i32
    %c0_i32_0 = arith.constant 0 : i32
    %c0_i32_1 = arith.constant 0 : i32
    return %c0_i32, %arg0, %c0_i32_0 : i32, i32, i32
  }
  func.func @transform_3(%arg0: i32) -> (i32, i32) {
    %c0_i32 = arith.constant 0 : i32
    %c0_i32_0 = arith.constant 0 : i32
    return %arg0, %c0_i32 : i32, i32
  }
  func.func @transform_4(%arg0: i32) -> (i32, i32) {
    %c0_i32 = arith.constant 0 : i32
    %c0_i32_0 = arith.constant 0 : i32
    return %arg0, %c0_i32 : i32, i32
  }
  func.func @transform_5(%arg0: i32) -> (i32, i32) {
    %c0_i32 = arith.constant 0 : i32
    %c0_i32_0 = arith.constant 0 : i32
    %c0_i32_1 = arith.constant 0 : i32
    return %c0_i32, %c0_i32_0 : i32, i32
  }
  func.func @transform_6(%arg0: i32) -> (i32, i32) {
    %c0_i32 = arith.constant 0 : i32
    %c0_i32_0 = arith.constant 0 : i32
    %c0_i32_1 = arith.constant 0 : i32
    return %c0_i32, %c0_i32_0 : i32, i32
  }
  func.func @transform_7(%arg0: i32) -> (i32, i32) {
    %c0_i32 = arith.constant 0 : i32
    %c0_i32_0 = arith.constant 0 : i32
    return %arg0, %c0_i32 : i32, i32
  }
}

module attributes {stable_mosaic.version = 14 : i64} {
  func.func @body(%arg0: i32, %arg1: memref<2x2048x32xf32, #tpu.memory_space<vmem>>, %arg2: memref<2048x32xf32, #tpu.memory_space<vmem>>, %arg3: memref<2048x1xf32, #tpu.memory_space<vmem>>, %arg4: memref<1x32xf32, #tpu.memory_space<vmem>>, %arg5: memref<32x16xf32, #tpu.memory_space<vmem>>, %arg6: memref<2048x16xf32, #tpu.memory_space<vmem>>) attributes {dimension_semantics = [#tpu.dimension_semantics<arbitrary>], iteration_bounds = array<i64: 5>, scalar_prefetch = 0 : i64, scratch_operands = 0 : i64, tpu.core_type = #tpu.core_type<tc>, window_params = [{transform_indices = @transform_0, window_bounds = array<i64: 2, 2048, 32>}, {transform_indices = @transform_1, window_bounds = array<i64: 2048, 32>}, {transform_indices = @transform_2, window_bounds = array<i64: 2048, 1>}, {pipeline_mode = #tpu.pipeline_mode<synchronous>, transform_indices = @transform_3, window_bounds = array<i64: 1, 32>}, {pipeline_mode = #tpu.pipeline_mode<synchronous>, transform_indices = @transform_4, window_bounds = array<i64: 32, 16>}, {transform_indices = @transform_5, window_bounds = array<i64: 2048, 16>}]} {
    %iota3A = tpu.iota {dimensions = array<i32: 0>} : vector<2048x1xi32>
    %mul3A = arith.constant 2048 : i32
    %mul3A_0 = arith.muli %arg0, %mul3A : i32
    %add3A = vector.broadcast %mul3A_0 : i32 to vector<2048x1xi32>
    %add3A_1 = arith.addi %iota3A, %add3A : vector<2048x1xi32>
    %lt3A = arith.constant 10000 : i32
    %lt3A_2 = vector.broadcast %lt3A : i32 to vector<2048x1xi32>
    %lt3A_3 = arith.cmpi slt, %add3A_1, %lt3A_2 : vector<2048x1xi32>
    %get3A = arith.constant 0 : index
    %get3A_4 = arith.constant 0 : index
    %get3A_5 = arith.constant 0 : index
    %get3A_6 = vector.load %arg1[%get3A, %get3A_4, %get3A_5] : memref<2x2048x32xf32, #tpu.memory_space<vmem>>, vector<1x2048x32xf32>
    %get3A_7 = vector.shape_cast %get3A_6 : vector<1x2048x32xf32> to vector<2048x32xf32>
    %get3A_8 = arith.constant 1 : index
    %get3A_9 = arith.constant 0 : index
    %get3A_10 = arith.constant 0 : index
    %get3A_11 = vector.load %arg1[%get3A_8, %get3A_9, %get3A_10] : memref<2x2048x32xf32, #tpu.memory_space<vmem>>, vector<1x2048x32xf32>
    %get3A_12 = vector.shape_cast %get3A_11 : vector<1x2048x32xf32> to vector<2048x32xf32>
    %add3A_13 = arith.addf %get3A_7, %get3A_12 : vector<2048x32xf32>
    %get3A_14 = arith.constant 0 : index
    %get3A_15 = arith.constant 0 : index
    %get3A_16 = vector.load %arg2[%get3A_14, %get3A_15] : memref<2048x32xf32, #tpu.memory_space<vmem>>, vector<2048x32xf32>
    %sub3A = arith.subf %add3A_13, %get3A_16 : vector<2048x32xf32>
    %get3A_17 = arith.constant 0 : index
    %get3A_18 = arith.constant 0 : index
    %get3A_19 = vector.load %arg3[%get3A_17, %get3A_18] : memref<2048x1xf32, #tpu.memory_space<vmem>>, vector<2048x1xf32>
    %mul3A_20 = vector.broadcast %get3A_19 : vector<2048x1xf32> to vector<2048x32xf32>
    %mul3A_21 = arith.mulf %sub3A, %mul3A_20 : vector<2048x32xf32>
    %get3A_22 = arith.constant 0 : index
    %get3A_23 = arith.constant 0 : index
    %get3A_24 = vector.load %arg4[%get3A_22, %get3A_23] : memref<1x32xf32, #tpu.memory_space<vmem>>, vector<1x32xf32>
    %add3A_25 = vector.broadcast %get3A_24 : vector<1x32xf32> to vector<2048x32xf32>
    %add3A_26 = arith.addf %mul3A_21, %add3A_25 : vector<2048x32xf32>
    %ge3A = arith.constant 0.000000e+00 : f32
    %ge3A_27 = vector.broadcast %ge3A : f32 to vector<2048x32xf32>
    %ge3A_28 = arith.cmpf oge, %add3A_26, %ge3A_27 : vector<2048x32xf32>
    %mul3A_29 = arith.constant 1.000000e-01 : f32
    %mul3A_30 = vector.broadcast %mul3A_29 : f32 to vector<2048x32xf32>
    %mul3A_31 = arith.mulf %mul3A_30, %add3A_26 : vector<2048x32xf32>
    %select_n3A = arith.select %ge3A_28, %add3A_26, %mul3A_31 : vector<2048x32xi1>, vector<2048x32xf32>
    %get3A_32 = arith.constant 0 : index
    %get3A_33 = arith.constant 0 : index
    %get3A_34 = vector.load %arg5[%get3A_32, %get3A_33] : memref<32x16xf32, #tpu.memory_space<vmem>>, vector<32x16xf32>
    %dot_general3A = arith.constant dense<0.000000e+00> : vector<2048x16xf32>
    %dot_general3A_35 = tpu.matmul %select_n3A, %get3A_34, %dot_general3A {dimension_numbers = #tpu.dot_dimension_numbers<[1], [0], [0], [1], [0, 0, 1, 1], [], []>, precision = #tpu.contract_precision<fp32>, transpose_lhs_hint = false} : vector<2048x32xf32>, vector<32x16xf32>, vector<2048x16xf32> -> vector<2048x16xf32>
    %get3A_36 = arith.constant 0 : index
    %get3A_37 = arith.constant 0 : index
    %get3A_38 = vector.load %arg3[%get3A_36, %get3A_37] : memref<2048x1xf32, #tpu.memory_space<vmem>>, vector<2048x1xf32>
    %mul3A_39 = vector.broadcast %get3A_38 : vector<2048x1xf32> to vector<2048x16xf32>
    %mul3A_40 = arith.mulf %dot_general3A_35, %mul3A_39 : vector<2048x16xf32>
    %jit3A = arith.constant 0.000000e+00 : f32
    %broadcast_in_dim3A = vector.shape_cast %lt3A_3 : vector<2048x1xi1> to vector<2048x1xi1>
    %broadcast_in_dim3A_41 = vector.broadcast %broadcast_in_dim3A : vector<2048x1xi1> to vector<2048x16xi1>
    %broadcast_in_dim3A_42 = vector.broadcast %jit3A : f32 to vector<2048x16xf32>
    %select_n3A_43 = arith.select %broadcast_in_dim3A_41, %mul3A_40, %broadcast_in_dim3A_42 : vector<2048x16xi1>, vector<2048x16xf32>
    %swap3A = arith.constant 0 : index
    %swap3A_44 = arith.constant 0 : index
    %swap3A_45 = vector.load %arg6[%swap3A, %swap3A_44] : memref<2048x16xf32, #tpu.memory_space<vmem>>, vector<2048x16xf32>
    tpu.vector_store %arg6[%swap3A, %swap3A_44], %select_n3A_43 {strides = array<i32>} : memref<2048x16xf32, #tpu.memory_space<vmem>>, vector<2048x16xf32>,
    return
  }
  func.func @transform_0(%arg0: i32) -> (i32, i32, i32) {
    %c0_i32 = arith.constant 0 : i32
    %c0_i32_0 = arith.constant 0 : i32
    %c0_i32_1 = arith.constant 0 : i32
    return %c0_i32, %arg0, %c0_i32_0 : i32, i32, i32
  }
  func.func @transform_1(%arg0: i32) -> (i32, i32) {
    %c0_i32 = arith.constant 0 : i32
    %c0_i32_0 = arith.constant 0 : i32
    return %arg0, %c0_i32 : i32, i32
  }
  func.func @transform_2(%arg0: i32) -> (i32, i32) {
    %c0_i32 = arith.constant 0 : i32
    %c0_i32_0 = arith.constant 0 : i32
    return %arg0, %c0_i32 : i32, i32
  }
  func.func @transform_3(%arg0: i32) -> (i32, i32) {
    %c0_i32 = arith.constant 0 : i32
    %c0_i32_0 = arith.constant 0 : i32
    %c0_i32_1 = arith.constant 0 : i32
    return %c0_i32, %c0_i32_0 : i32, i32
  }
  func.func @transform_4(%arg0: i32) -> (i32, i32) {
    %c0_i32 = arith.constant 0 : i32
    %c0_i32_0 = arith.constant 0 : i32
    %c0_i32_1 = arith.constant 0 : i32
    return %c0_i32, %c0_i32_0 : i32, i32
  }
  func.func @transform_5(%arg0: i32) -> (i32, i32) {
    %c0_i32 = arith.constant 0 : i32
    %c0_i32_0 = arith.constant 0 : i32
    return %arg0, %c0_i32 : i32, i32
  }
}

module attributes {stable_mosaic.version = 14 : i64} {
  func.func @body(%arg0: i32, %arg1: memref<2x2000x16xf32, #tpu.memory_space<vmem>>, %arg2: memref<2000x16xf32, #tpu.memory_space<vmem>>, %arg3: memref<2000x1xf32, #tpu.memory_space<vmem>>, %arg4: memref<1x2xf32, #tpu.memory_space<vmem>>, %arg5: memref<2000x2xf32, #tpu.memory_space<vmem>>) attributes {dimension_semantics = [#tpu.dimension_semantics<arbitrary>], iteration_bounds = array<i64: 5>, scalar_prefetch = 0 : i64, scratch_operands = 0 : i64, tpu.core_type = #tpu.core_type<tc>, window_params = [{transform_indices = @transform_0, window_bounds = array<i64: 2, 2000, 16>}, {transform_indices = @transform_1, window_bounds = array<i64: 2000, 16>}, {transform_indices = @transform_2, window_bounds = array<i64: 2000, 1>}, {pipeline_mode = #tpu.pipeline_mode<synchronous>, transform_indices = @transform_3, window_bounds = array<i64: 1, 2>}, {transform_indices = @transform_4, window_bounds = array<i64: 2000, 2>}]} {
    %get3A = arith.constant 0 : index
    %get3A_0 = arith.constant 0 : index
    %get3A_1 = arith.constant 0 : index
    %get3A_2 = vector.load %arg1[%get3A, %get3A_0, %get3A_1] : memref<2x2000x16xf32, #tpu.memory_space<vmem>>, vector<1x2000x16xf32>
    %get3A_3 = vector.shape_cast %get3A_2 : vector<1x2000x16xf32> to vector<2000x16xf32>
    %get3A_4 = arith.constant 1 : index
    %get3A_5 = arith.constant 0 : index
    %get3A_6 = arith.constant 0 : index
    %get3A_7 = vector.load %arg1[%get3A_4, %get3A_5, %get3A_6] : memref<2x2000x16xf32, #tpu.memory_space<vmem>>, vector<1x2000x16xf32>
    %get3A_8 = vector.shape_cast %get3A_7 : vector<1x2000x16xf32> to vector<2000x16xf32>
    %add3A = arith.addf %get3A_3, %get3A_8 : vector<2000x16xf32>
    %get3A_9 = arith.constant 0 : index
    %get3A_10 = arith.constant 0 : index
    %get3A_11 = vector.load %arg2[%get3A_9, %get3A_10] : memref<2000x16xf32, #tpu.memory_space<vmem>>, vector<2000x16xf32>
    %sub3A = arith.subf %add3A, %get3A_11 : vector<2000x16xf32>
    %slice3A = vector.extract_strided_slice %sub3A {offsets = [0, 0], sizes = [2000, 2], strides = [1, 1]} : vector<2000x16xf32> to vector<2000x2xf32>
    %get3A_12 = arith.constant 0 : index
    %get3A_13 = arith.constant 0 : index
    %get3A_14 = vector.load %arg3[%get3A_12, %get3A_13] : memref<2000x1xf32, #tpu.memory_space<vmem>>, vector<2000x1xf32>
    %mul3A = vector.broadcast %get3A_14 : vector<2000x1xf32> to vector<2000x2xf32>
    %mul3A_15 = arith.mulf %slice3A, %mul3A : vector<2000x2xf32>
    %get3A_16 = arith.constant 0 : index
    %get3A_17 = arith.constant 0 : index
    %get3A_18 = vector.load %arg4[%get3A_16, %get3A_17] : memref<1x2xf32, #tpu.memory_space<vmem>>, vector<1x2xf32>
    %add3A_19 = vector.broadcast %get3A_18 : vector<1x2xf32> to vector<2000x2xf32>
    %add3A_20 = arith.addf %mul3A_15, %add3A_19 : vector<2000x2xf32>
    %reduce_max3A = arith.constant dense<0xFF800000> : vector<2000xf32>
    %reduce_max3A_21 = vector.multi_reduction <maximumf>, %add3A_20, %reduce_max3A [1] : vector<2000x2xf32> to vector<2000xf32>
    %broadcast_in_dim3A = vector.shape_cast %reduce_max3A_21 : vector<2000xf32> to vector<2000x1xf32>
    %sub3A_22 = vector.broadcast %broadcast_in_dim3A : vector<2000x1xf32> to vector<2000x2xf32>
    %sub3A_23 = arith.subf %add3A_20, %sub3A_22 : vector<2000x2xf32>
    %exp3A = math.exp %sub3A_23 : vector<2000x2xf32>
    %reduce_sum3A = arith.constant dense<0.000000e+00> : vector<2000xf32>
    %reduce_sum3A_24 = vector.multi_reduction <add>, %exp3A, %reduce_sum3A [1] : vector<2000x2xf32> to vector<2000xf32>
    %broadcast_in_dim3A_25 = vector.shape_cast %reduce_sum3A_24 : vector<2000xf32> to vector<2000x1xf32>
    %div3A = vector.broadcast %broadcast_in_dim3A_25 : vector<2000x1xf32> to vector<2000x2xf32>
    %div3A_26 = arith.divf %exp3A, %div3A : vector<2000x2xf32>
    %swap3A = arith.constant 0 : index
    %swap3A_27 = arith.constant 0 : index
    %swap3A_28 = vector.load %arg5[%swap3A, %swap3A_27] : memref<2000x2xf32, #tpu.memory_space<vmem>>, vector<2000x2xf32>
    tpu.vector_store %arg5[%swap3A, %swap3A_27], %div3A_26 {strides = array<i32>} : memref<2000x2xf32, #tpu.memory_space<vmem>>, vector<2000x2xf32>,
    return
  }
  func.func @transform_0(%arg0: i32) -> (i32, i32, i32) {
    %c0_i32 = arith.constant 0 : i32
    %c0_i32_0 = arith.constant 0 : i32
    %c0_i32_1 = arith.constant 0 : i32
    return %c0_i32, %arg0, %c0_i32_0 : i32, i32, i32
  }
  func.func @transform_1(%arg0: i32) -> (i32, i32) {
    %c0_i32 = arith.constant 0 : i32
    %c0_i32_0 = arith.constant 0 : i32
    return %arg0, %c0_i32 : i32, i32
  }
  func.func @transform_2(%arg0: i32) -> (i32, i32) {
    %c0_i32 = arith.constant 0 : i32
    %c0_i32_0 = arith.constant 0 : i32
    return %arg0, %c0_i32 : i32, i32
  }
  func.func @transform_3(%arg0: i32) -> (i32, i32) {
    %c0_i32 = arith.constant 0 : i32
    %c0_i32_0 = arith.constant 0 : i32
    %c0_i32_1 = arith.constant 0 : i32
    return %c0_i32, %c0_i32_0 : i32, i32
  }
  func.func @transform_4(%arg0: i32) -> (i32, i32) {
    %c0_i32 = arith.constant 0 : i32
    %c0_i32_0 = arith.constant 0 : i32
    return %arg0, %c0_i32 : i32, i32
  }
}

</mosaic_0001>

<sc_bundles>
// kernel: kernel.13.cloned.1.call-start
scs
__scs_entry_jumppad:
0x0: {  	(pc) =	sbr.rel $0x88, $3  }
0x1: {  	(tag) =	ssettag $0x0;
	lr =	simm.s32 $0x1  }
0x2: {  	[smem:$0x3F97] =	sst lr;
	_ =	strace $0xD0000000  }
0x3: {  	_ = 	snop  }
0x4: {  	_ = 	snop  }
0x5: {  	_ = 	snop  }
0x6: {  	_ = 	snop  }
0x7: {  	_ = 	snop  }
__scs_overlays_trampoline_lowered:
0x8: {  	[smem:$0x3FA6] =	sst s0  }
0x9: {  	[smem:$0x3FA7] =	sst s1  }
0xa: {  	[smem:$0x3FA8] =	sst s2  }
0xb: {  	[smem:$0x3FA9] =	sst s3  }
0xc: {  	[smem:$0x3FAA] =	sst s4  }
0xd: {  	[smem:$0x3FAB] =	sst s5  }
0xe: {  	[smem:$0x3FAC] =	sst s6  }
0xf: {  	[smem:$0x3FAD] =	sst s7  }
0x10: {  	[smem:$0x3FAE] =	sst s8  }
0x11: {  	[smem:$0x3FAF] =	sst s9;
	s0 =	simm.s32 @!p0 $0x0  }
0x12: {  	s1 =	sld [smem:$0x3F95];
	s0 =	simm.s32 @p0 $0x1  }
0x13: {  	[smem:$0x3FB0] =	sst s0;
	s0 =	simm.s32 @!p1 $0x0  }
0x14: {  	s2 =	sld [smem:$0x3F94];
	s0 =	simm.s32 @p1 $0x1  }
0x15: {  	[smem:$0x3FB1] =	sst s0;
	s0 =	simm.s32 @!p2 $0x0  }
0x16: {  	s3 =	sld [smem:$0x3FDB];
	s0 =	simm.s32 @p2 $0x1  }
0x17: {  	s4 =	simm.s32 $0x1BF5;
	[smem:$0x3FB3] =	sst s0  }
0x18: {  	s0 =	sld [smem:$0x3F96];
	_ =	swait.ge [sflag:s4], $0x0  }
0x19: {  	s7 =	sld [smem:$0x3F97]  }
0x1a: {  	s8 =	sadd.s32 $0xFFFFE003, lr  }
0x1b: {  	s9 =	sadd.s32 $0xFFFFFEF7, lr;
	s5 =	simm.s32 $0xFFFFFFFF;
	p2 =	slt.u32 s8, $0xFFFFF086  }
0x1c: {  	p1 =	slt.u32 s9, $0xF7A;
	s5 =	simm.s32 @!p2 $0x0  }
0x1d: {  	s5 =	simm.s32 @p1 $0x1;
	p0 =	seq.s32 s7, s2  }
0x1e: {  	s7 =	smul.u32 @!p0 $0xF7A, s2;
	p2 =	seq.s32 @!p0 s5, $0x0  }
0x1f: {  	s9 =	smul.u32 $0xF7A, s1;
	s8 =	simm.s32 @!p0 $0x1BF5;
	p2 =	por !p2, p0  }
0x20: {  	[sflag:s8] =	ssyncset.s32 @!p0 $0xFFFFF086;
	s6 =	sadd.s32 @!p0 s3, s7;
	s7 =	simm.s32 @!p0 $0x108  }
0x21: {  	s3 =	sadd.s32 s3, s9;
	s6 =	sadd.s32 @!p0 $0x88, s6;
	s7 =	simm.s32 @p2 $0x1082  }
0x22: {  	[simem:s7], [sflag:s8] =	dma.local @!p0 [hbm:s6], $0xF7A  }
0x23: {  	s9 =	sor.u32 $0xD0000000, s2;
	s6 =	simm.s32 $0x108;
	_ =	swait.ge @!p0 [sflag:s8], $0x0  }
0x24: {  	s3 =	sadd.s32 $0x88, s3;
	s6 =	simm.s32 @!p1 $0x1082;
	[sflag:s4] =	ssyncset.s32 $0xFFFFF086  }
0x25: {  	[simem:s6], [sflag:s4] =	dma.local [hbm:s3], $0xF7A  }
0x26: {  	[smem:$0x3F97] =	sst s1;
	(tag) =	ssettag s2;
	_ =	strace s9  }
0x27: {  	s1 =	sld [smem:$0x3FA7]  }
0x28: {  	s2 =	sld [smem:$0x3FA8]  }
0x29: {  	s4 =	sld [smem:$0x3FAA]  }
0x2a: {  	p0 =	seq.s32 s5, $0x0;
	s5 =	sld [smem:$0x3FAB]  }
0x2b: {  	s6 =	sld [smem:$0x3FAC]  }
0x2c: {  	s7 =	sld [smem:$0x3FAD]  }
0x2d: {  	s3 =	simm.s32 $0x108;
	s8 =	sld [smem:$0x3FAE]  }
0x2e: {  	s3 =	simm.s32 @!p0 $0x1082;
	s9 =	sld [smem:$0x3FAF]  }
0x2f: {  	lr =	sadd.s32 s0, s3;
	s0 =	sld [smem:$0x3FA6]  }
0x30: {  	s3 =	sld [smem:$0x3FA9]  }
0x31: {  	[smem:$0x3FB2] =	sst s10  }
0x32: {  	s10 =	sld [smem:$0x3FB0];
	_ =	sdelay $0x3  }
0x33: {  	p0 =	seq.s32 s10, $0x1;
	s10 =	sld [smem:$0x3FB2];
	_ =	sdelay $0x3  }
0x34: {  	[smem:$0x3FB2] =	sst s10  }
0x35: {  	s10 =	sld [smem:$0x3FB1];
	_ =	sdelay $0x3  }
0x36: {  	p1 =	seq.s32 s10, $0x1;
	s10 =	sld [smem:$0x3FB2];
	_ =	sdelay $0x3  }
0x37: {  	[smem:$0x3FB2] =	sst s10  }
0x38: {  	s10 =	sld [smem:$0x3FB3]  }
0x39: {  	_ = 	snop;
	(pc) =	sbr.ind lr, $3  }
0x3a: {  	_ = 	snop  }
0x3b: {  	_ = 	snop  }
0x3c: {  	p2 =	seq.s32 s10, $0x1;
	s10 =	sld [smem:$0x3FB2]  }
0x3d: {  	_ =	shalt  }
0x3e: {  	_ =	shalt  }
0x3f: {  	_ =	shalt  }
0x40: {  	_ =	shalt  }
0x41: {  	_ =	shalt  }
0x42: {  	_ =	shalt  }
0x43: {  	_ =	shalt  }
0x44: {  	_ =	shalt  }
0x45: {  	_ =	shalt  }
0x46: {  	_ =	shalt  }
0x47: {  	_ =	shalt  }
0x48: {  	_ =	shalt  }
0x49: {  	_ =	shalt  }
0x4a: {  	_ =	shalt  }
0x4b: {  	_ =	shalt  }
0x4c: {  	_ =	shalt  }
0x4d: {  	_ =	shalt  }
0x4e: {  	_ =	shalt  }
0x4f: {  	_ =	shalt  }
0x50: {  	_ =	shalt  }
0x51: {  	_ =	shalt  }
0x52: {  	_ =	shalt  }
0x53: {  	_ =	shalt  }
0x54: {  	_ =	shalt  }
0x55: {  	_ =	shalt  }
0x56: {  	_ =	shalt  }
0x57: {  	_ =	shalt  }
0x58: {  	_ =	shalt  }
0x59: {  	_ =	shalt  }
0x5a: {  	_ =	shalt  }
0x5b: {  	_ =	shalt  }
0x5c: {  	_ =	shalt  }
0x5d: {  	_ =	shalt  }
0x5e: {  	_ =	shalt  }
0x5f: {  	_ =	shalt  }
0x60: {  	_ =	shalt  }
0x61: {  	_ =	shalt  }
0x62: {  	_ =	shalt  }
0x63: {  	_ =	shalt  }
0x64: {  	_ =	shalt  }
0x65: {  	_ =	shalt  }
0x66: {  	_ =	shalt  }
0x67: {  	_ =	shalt  }
0x68: {  	_ =	shalt  }
0x69: {  	_ =	shalt  }
0x6a: {  	_ =	shalt  }
0x6b: {  	_ =	shalt  }
0x6c: {  	_ =	shalt  }
0x6d: {  	_ =	shalt  }
0x6e: {  	_ =	shalt  }
0x6f: {  	_ =	shalt  }
0x70: {  	_ =	shalt  }
0x71: {  	_ =	shalt  }
0x72: {  	_ =	shalt  }
0x73: {  	_ =	shalt  }
0x74: {  	_ =	shalt  }
0x75: {  	_ =	shalt  }
0x76: {  	_ =	shalt  }
0x77: {  	_ =	shalt  }
0x78: {  	_ =	shalt  }
0x79: {  	_ =	shalt  }
0x7a: {  	_ =	shalt  }
0x7b: {  	_ =	shalt  }
0x7c: {  	_ =	shalt  }
0x7d: {  	_ =	shalt  }
0x7e: {  	_ =	shalt  }
0x7f: {  	_ =	shalt  }
0x80: {  	_ =	shalt  }
0x81: {  	_ =	shalt  }
0x82: {  	_ =	shalt  }
0x83: {  	_ =	shalt  }
0x84: {  	_ =	shalt  }
0x85: {  	_ =	shalt  }
0x86: {  	_ =	shalt  }
0x87: {  	_ =	shalt  }
.Lfunc_end0:
.L_simem_size_0:
called_computation_lowered:
.L_overlay_start_0:
0x88: {  	s2 =	sld [smem:$0x3FD9]  }
0x89: {  	s3 =	sld [smem:$0x3FFE];
	_ =	sdelay $0x1  }
0x8a: {  	s1 =	srdreg.scid  }
0x8b: {  	s0 =	sand.u32 $0x1, s1  }
0x8c: {  	s17 =	sshll.u32 s0, $0xA;
	s2 =	sadd.s32 s3, s2  }
0x8d: {  	s2 =	sadd.s32 s2, s17  }
0x8e: {  	[smem:$0x3FBE] =	sst s2  }
0x8f: {  	_ = 	snop  }
0x90: {  	s2 =	sld [smem:$0x3FD0];
	(tm) =	ssettm $0x1  }
0x91: {  	s18 =	sld [smem:$0x3FFB];
	_ =	sdelay $0x3  }
0x92: {  	_ =	strace s18  }
0x93: {  	s3 =	sld [smem:$0x3FFC];
	_ =	sdelay $0x3  }
0x94: {  	_ =	strace s3  }
0x95: {  	s3 =	sld [smem:$0x3FFD];
	_ =	sdelay $0x3  }
0x96: {  	_ =	strace s3  }
0x97: {  	_ =	strace $0x8FFFFFFF  }
0x98: {  	s19 =	sld [smem:$0x3FDB];
	_ =	sdelay $0x1  }
0x99: {  	s4 =	simm.s32 $_scs_section_size  }
0x9a: {  	s5 =	simm.s32 $_size__tile_overlayer_lowered;
	s6 =	simm.s32 $_tile_overlayer_lowered  }
0x9b: {  	s22 =	simm.s32 $0x1BFF;
	s21 =	sshll.u32 s6, $0x1;
	s3 =	sadd.s32 s4, s19  }
0x9c: {  	s7 =	simm.s32 $0x0;
	s20 =	sshll.u32 s5, $0x1;
	s5 =	sadd.s32 s21, s3  }
0x9d: {  	[timem:s7], [sflag:s22] =	dma.local [hbm:s5], s20  }
0x9e: {  	_ =	swait.ge [sflag:s22], s20  }
0x9f: {  	s4 =	ssub.s32 $0x0, s20;
	[sflag:s22] =	ssyncset.done $0x0  }
0xa0: {  	[sflag:s22] =	ssyncadd.s32 s4;
	_ =	sdelay $0x1  }
0xa1: {  	s23 =	simm.s32 $0x1B8B  }
0xa2: {  	_ =	swait.ge [sflag:s23], $0x1  }
0xa3: {  	[sflag:s23] =	ssyncset.done $0x0  }
0xa4: {  	s25 =	simm.s32 $0x1B8E;
	s24 =	sld [smem:$0x3FFE];
	[sflag:s23] =	ssyncadd.s32 $0xFFFFFFFF  }
0xa5: {  	s26 =	simm.s32 $execute0_lowered;
	[smem:$0x3FD2] =	sst s25  }
0xa6: {  	s5 =	sshll.u32 s26, $0x1;
	_ =	strace $0x80000046;
	[dreg:$0x1] =	wrdreg $0xFFFFFFFF  }
0xa7: {  	s28 =	simm.s32 $_size_execute0_lowered;
	s3 =	sadd.s32 s3, s5;
	[dreg:$0x0] =	wrdreg $0x0  }
0xa8: {  	s5 =	sshll.u32 s28, $0x1;
	[dreg:$0x2] =	wrdreg s3  }
0xa9: {  	[dreg:$0x3] =	wrdreg s5  }
0xaa: {  	[dreg:$0x4] =	wrdreg $0xC0  }
0xab: {  	_ =	task [dreg:s7], $0x5FFFF  }
0xac: {  	[dreg:$0x1] =	wrdreg $0xFFFFFFFF  }
0xad: {  	[dreg:$0x0] =	wrdreg $0x60  }
0xae: {  	[dreg:$0x2] =	wrdreg s24  }
0xaf: {  	[dreg:$0x3] =	wrdreg s2  }
0xb0: {  	[dreg:$0x4] =	wrdreg $0x30000  }
0xb1: {  	[dreg:$0x5] =	wrdreg $0x9  }
0xb2: {  	_ =	task.clear_ibuf [dreg:s7], $0x6FFFF;
	_ =	strace $0x90000046  }
0xb3: {  	s29 =	simm.s32 $0x9;
	_ =	strace $0x80000048  }
0xb4: {  	_ =	swait.ge [sflag:s29], $0x1  }
0xb5: {  	[sflag:s29] =	ssyncadd.s32 $0xFFFFFFFF  }
0xb6: {  	_ =	strace $0x90000048  }
0xb7: {  	_ =	sfence  }
0xb8: {  	s30 =	sld [smem:$0x0];
	_ =	sdelay $0x2  }
0xb9: {  	s31 =	sshll.u32 s1, $0xD;
	s1 =	sshrl.u32 s1, $0x2  }
0xba: {  	s3 =	sand.u32 $0x4000, s31;
	s1 =	sadd.s32 s1, s30  }
0xbb: {  	s0 =	sor.u32 s3, s0;
	s1 =	sshll.u32 s1, $0x11  }
0xbc: {  	s0 =	sor.u32 s1, s0  }
0xbd: {  	s0 =	sadd.s32 $0x8F2B, s0  }
0xbe: {  	[sflag:s0] =	ssyncadd.remote.s32 $0x1  }
0xbf: {  	_ =	sfence.sel $0xFFFF  }
0xc0: {  	[dreg:$0x0] =	wrdreg $0xFFFFFFFF;
	(pc) =	sbr.abs _section_cstart, $3  }
0xc1: {  	[dreg:$0x1] =	wrdreg $0xFFFFFFFF  }
0xc2: {  	_ =	task.clear_ibuf [dreg:s7], $0x2FFFF;
	_ =	strace $0x9FFFFFFF  }
0xc3: {  	(tm) =	ssettm $0x7FFFFFFF  }
tec
execute0_lowered:
.L_overlay_start_1:
0x0: {  	(tag) =	ssettag $0x1  }
0x1: {  	s5 =	rddreg [dreg:$0x0]  }
0x2: {  	s1 =	rddreg [dreg:$0x1]  }
0x3: {  	s2 =	rddreg [dreg:$0x2]  }
0x4: {  	s3 =	srdreg.scid;
	s0 =	rddreg [dreg:$0x3]  }
0x5: {  	s4 =	simm.s32 $0x0;
	s13 =	simm.s32 $0x100;
	s14 =	simm.s32 $0x180  }
0x6: {  	s15 =	simm.s32 $0x1;
	s16 =	simm.s32 $0x2;
	s17 =	simm.s32 $0x3  }
0x7: {  	s18 =	simm.s32 $0x4;
	s6 =	sand.u32 $0x1, s3;
	s3 =	stileid.u32  }
0x8: {  	[smem:$0x7FF] =	sst s4;
	s7 =	sshll.u32 s6, $0x4;
	s8 =	smul.u32 $0x2800, s3  }
0x9: {  	_ =	strace $0x80000047;
	s9 =	smul.u32 $0x5000, s6;
	s6 =	ssub.s32 $0x2, s6  }
0xa: {  	s31 =	sshll.u32 s3, $0x6;
	s7 =	sor.u32 s3, s7;
	s11 =	sshrl.u32 s6, $0x1  }
0xb: {  	s7 =	smul.u32 $0x500, s7;
	s19 =	sshrl.u32 s8, $0x3;
	s9 =	sadd.s32 s9, s5  }
0xc: {  	s11 =	ssub.s32 s6, s11;
	s12 =	sadd.s32 s8, s2;
	s8 =	simm.s32 $0x5  }
0xd: {  	s10 =	sadd.s32 s19, s5;
	s20 =	sadd.s32 $0x12E00, s9;
	s9 =	sor.u32 $0x1C05, s31  }
0xe: {  	s7 =	sadd.s32 s7, s5;
	s6 =	sadd.s32 $0xDE00, s10;
	s10 =	sshrl.u32 s12, $0x3  }
0xf: {  	s12 =	simm.s32 $0x80;
	s19 =	sadd.s32 s19, s20;
	s20 =	simm.s32 $0x0  }
0x10: {  	s5 =	sadd.s32 $0x3E00, s7;
	s7 =	smax.u32 s11, $0x1;
	s11 =	simm.s32 $0x2800  }
.LBB2_1:
0x11: {  	[tilespmem:s4], [sflag:$0x5] =	stream.linear.gather [hbm4b:s5+s4], $0x2800, $0x38;
	[tilespmem:$0x5800] =	vst v63  }
0x12: {  	_ =	swait.ge [sflag:s8], $0x2800  }
0x13: {  	[sflag:s8] =	ssyncset.done $0x0  }
0x14: {  	[sflag:s8] =	ssyncadd.s32 $0xFFFFD800  }
0x15: {  	[spmem:s10], [sflag:s9] =	dma.local [hbm:s6], $0x500  }
0x16: {  	_ =	swait.ge [sflag:s8], $0x500  }
0x17: {  	[sflag:s8] =	ssyncset.done $0x0  }
0x18: {  	[sflag:s8] =	ssyncadd.s32 $0xFFFFFB00  }
0x19: {  	[tilespmem:s11], [sflag:$0x5] =	stream.linear.gather [hbm4b:s1+s4], $0x800, $0x38;
	[tilespmem:$0x5800] =	vst v63  }
0x1a: {  	_ =	swait.ge [sflag:s8], $0x800  }
0x1b: {  	[sflag:s8] =	ssyncset.done $0x0  }
0x1c: {  	[sflag:s8] =	ssyncadd.s32 $0xFFFFF800  }
0x1d: {  	[bflag:$0x0] =	sbarrier.arrive $0xFFFF  }
0x1e: {  	[spmem:s2] =	stream.indirect.scatter.add.f32 [tilespmem:s11], [sflag:$0x1], $0x10, s4, s12, $0xb8;
	[tilespmem:$0x5800] =	vst v63  }
0x1f: {  	_ = 	snop  }
0x20: {  	[spmem:s2] =	stream.indirect.scatter.add.f32 [tilespmem:s11], [sflag:$0x2], $0x10, s12, s12, $0xb8;
	[tilespmem:$0x5800] =	vst v63  }
0x21: {  	_ = 	snop  }
0x22: {  	[spmem:s2] =	stream.indirect.scatter.add.f32 [tilespmem:s11], [sflag:$0x3], $0x10, s13, s12, $0xb8;
	[tilespmem:$0x5800] =	vst v63  }
0x23: {  	_ = 	snop  }
0x24: {  	[spmem:s2] =	stream.indirect.scatter.add.f32 [tilespmem:s11], [sflag:$0x4], $0x10, s14, s12, $0xb8;
	[tilespmem:$0x5800] =	vst v63  }
0x25: {  	_ =	swait.ge [sflag:s15], $0x800  }
0x26: {  	[sflag:s15] =	ssyncset.done $0x0  }
0x27: {  	s21 =	simm.s32 $0x200;
	[sflag:s15] =	ssyncadd.s32 $0xFFFFF800  }
0x28: {  	[spmem:s2] =	stream.indirect.scatter.add.f32 [tilespmem:s11], [sflag:$0x1], $0x10, s21, s12, $0xb8;
	[tilespmem:$0x5800] =	vst v63  }
0x29: {  	_ =	swait.ge [sflag:s16], $0x800  }
0x2a: {  	[sflag:s16] =	ssyncset.done $0x0  }
0x2b: {  	s30 =	simm.s32 $0x280;
	[sflag:s16] =	ssyncadd.s32 $0xFFFFF800  }
0x2c: {  	[spmem:s2] =	stream.indirect.scatter.add.f32 [tilespmem:s11], [sflag:$0x2], $0x10, s30, s12, $0xb8;
	[tilespmem:$0x5800] =	vst v63  }
0x2d: {  	_ =	swait.ge [sflag:s17], $0x800  }
0x2e: {  	[sflag:s17] =	ssyncset.done $0x0  }
0x2f: {  	s31 =	simm.s32 $0x300;
	[sflag:s17] =	ssyncadd.s32 $0xFFFFF800  }
0x30: {  	[spmem:s2] =	stream.indirect.scatter.add.f32 [tilespmem:s11], [sflag:$0x3], $0x10, s31, s12, $0xb8;
	[tilespmem:$0x5800] =	vst v63  }
0x31: {  	_ =	swait.ge [sflag:s18], $0x800  }
0x32: {  	[sflag:s18] =	ssyncset.done $0x0  }
0x33: {  	s22 =	simm.s32 $0x380;
	s21 =	simm.s32 $0xFFFF7000;
	[sflag:s18] =	ssyncadd.s32 $0xFFFFF800  }
.LBB2_2:
0x34: {  	[spmem:s2] =	stream.indirect.scatter.add.f32 [tilespmem:s11], [sflag:$0x4], $0x10, s22, s12, $0xb8;
	[tilespmem:$0x5800] =	vst v63  }
0x35: {  	s22 =	smov.u32 s21  }
0x36: {  	p0 =	sne.s32 s21, $0xFFFFF800;
	s21 =	sadd.s32 $0x800, s21;
	_ =	swait.ge [sflag:s15], $0x800  }
0x37: {  	s22 =	sshra.s32 s22, $0x2;
	[sflag:s15] =	ssyncset.done $0x0  }
0x38: {  	s23 =	sadd.s32 $0x2800, s22;
	[sflag:s15] =	ssyncadd.s32 $0xFFFFF800  }
0x39: {  	[spmem:s2] =	stream.indirect.scatter.add.f32 [tilespmem:s11], [sflag:$0x1], $0x10, s23, s12, $0xb8;
	[tilespmem:$0x5800] =	vst v63  }
0x3a: {  	_ =	swait.ge [sflag:s16], $0x800  }
0x3b: {  	[sflag:s16] =	ssyncset.done $0x0  }
0x3c: {  	s23 =	sadd.s32 $0x2880, s22;
	[sflag:s16] =	ssyncadd.s32 $0xFFFFF800  }
0x3d: {  	[spmem:s2] =	stream.indirect.scatter.add.f32 [tilespmem:s11], [sflag:$0x2], $0x10, s23, s12, $0xb8;
	[tilespmem:$0x5800] =	vst v63  }
0x3e: {  	_ =	swait.ge [sflag:s17], $0x800  }
0x3f: {  	[sflag:s17] =	ssyncset.done $0x0  }
.Ltmp0:
0x40: {  	s23 =	sadd.s32 $0x2900, s22;
	[sflag:s17] =	ssyncadd.s32 $0xFFFFF800;
	(pc) =	sbr.rel @p0 .LBB2_2-.Ltmp0, $4  }
0x41: {  	[spmem:s2] =	stream.indirect.scatter.add.f32 [tilespmem:s11], [sflag:$0x3], $0x10, s23, s12, $0xb8;
	[tilespmem:$0x5800] =	vst v63  }
0x42: {  	_ =	swait.ge [sflag:s18], $0x800  }
0x43: {  	[sflag:s18] =	ssyncset.done $0x0  }
0x44: {  	s22 =	sadd.s32 $0x2980, s22;
	[sflag:s18] =	ssyncadd.s32 $0xFFFFF800  }
0x45: {  	[spmem:s2] =	stream.indirect.scatter.add.f32 [tilespmem:s11], [sflag:$0x4], $0x10, s22, s12, $0xb8;
	[tilespmem:$0x5800] =	vst v63  }
0x46: {  	_ =	swait.ge [sflag:s15], $0x800  }
0x47: {  	[sflag:s15] =	ssyncset.done $0x0  }
0x48: {  	[sflag:s15] =	ssyncadd.s32 $0xFFFFF800  }
0x49: {  	_ =	swait.ge [sflag:s16], $0x800  }
0x4a: {  	[sflag:s16] =	ssyncset.done $0x0  }
0x4b: {  	[sflag:s16] =	ssyncadd.s32 $0xFFFFF800  }
0x4c: {  	_ =	swait.ge [sflag:s17], $0x800  }
0x4d: {  	[sflag:s17] =	ssyncset.done $0x0  }
0x4e: {  	[sflag:s17] =	ssyncadd.s32 $0xFFFFF800  }
0x4f: {  	_ =	swait.ge [sflag:s18], $0x800  }
0x50: {  	s20 =	sadd.s32 $0x1, s20;
	[sflag:s18] =	ssyncset.done $0x0  }
0x51: {  	p0 =	sne.s32 s20, s7;
	[sflag:s18] =	ssyncadd.s32 $0xFFFFF800  }
.Ltmp1:
0x52: {  	[bflag:$0x0] =	sbarrier.arrive $0xFFFF;
	(pc) =	sbr.rel @p0 .LBB2_1-.Ltmp1, $4  }
0x53: {  	[hbm:s19], [sflag:s9] =	dma.local [spmem:s10], $0x500  }
0x54: {  	_ =	swait.ge [sflag:s8], $0x500  }
0x55: {  	[sflag:s8] =	ssyncset.done $0x0  }
0x56: {  	[sflag:s8] =	ssyncadd.s32 $0xFFFFFB00  }
0x57: {  	_ =	sfence.sel $0x180000  }
0x58: {  	[bflag:$0x0] =	sbarrier.arrive $0xFFFF  }
0x59: {  	p0 =	sne.s32 s3, $0x0;
	_ =	strace $0x90000047  }
0x5a: {  	s0 =	sadd.s32 @!p0 $0x100000, s0;
	[bflag:$0x2] =	sbarrier.arrive $0xFFFF  }
0x5b: {  	[sflag:s0] =	ssyncadd.tile.s32 @!p0 $0x1;
	_ =	shalt  }
.Lfunc_end2:
_tile_overlayer_lowered:
.L_overlay_start_2:
0x5c: {  	(tag) =	ssettag $0x2  }
0x5d: {  	s0 =	rddreg [dreg:$0x0];
	s2 =	stileid.u32  }
0x5e: {  	s1 =	rddreg [dreg:$0x1];
	p0 =	sne.s32 s2, $0x0  }
0x5f: {  	s3 =	rddreg [dreg:$0x2];
	[bflag:$0x3] =	sbarrier.arrive $0xFFFF;
	s2 =	simm.s32 @!p0 $0x1C05  }
0x60: {  	[timem:s3], [sflag:s2] =	dma.local @!p0 [hbm:s0], s1  }
0x61: {  	s0 =	simm.s32 @!p0 $0x5  }
0x62: {  	_ =	swait.ge @!p0 [sflag:s0], s1  }
0x63: {  	s1 =	ssub.s32 @!p0 $0x0, s1;
	[sflag:s0] =	ssyncset.done @!p0 $0x0  }
0x64: {  	[sflag:s0] =	ssyncadd.s32 @!p0 s1  }
0x65: {  	[bflag:$0x3] =	sbarrier.arrive $0xFFFF  }
0x66: {  	_ =	shalt  }

// kernel: kernel.16.cloned.1.call-start
scs
__scs_entry_jumppad:
0x0: {  	(pc) =	sbr.rel $0x88, $3  }
0x1: {  	(tag) =	ssettag $0x0;
	lr =	simm.s32 $0x1  }
0x2: {  	[smem:$0x3F97] =	sst lr;
	_ =	strace $0xD0000000  }
0x3: {  	_ = 	snop  }
0x4: {  	_ = 	snop  }
0x5: {  	_ = 	snop  }
0x6: {  	_ = 	snop  }
0x7: {  	_ = 	snop  }
__scs_overlays_trampoline_lowered:
0x8: {  	[smem:$0x3FA6] =	sst s0  }
0x9: {  	[smem:$0x3FA7] =	sst s1  }
0xa: {  	[smem:$0x3FA8] =	sst s2  }
0xb: {  	[smem:$0x3FA9] =	sst s3  }
0xc: {  	[smem:$0x3FAA] =	sst s4  }
0xd: {  	[smem:$0x3FAB] =	sst s5  }
0xe: {  	[smem:$0x3FAC] =	sst s6  }
0xf: {  	[smem:$0x3FAD] =	sst s7  }
0x10: {  	[smem:$0x3FAE] =	sst s8  }
0x11: {  	[smem:$0x3FAF] =	sst s9;
	s0 =	simm.s32 @!p0 $0x0  }
0x12: {  	s1 =	sld [smem:$0x3F95];
	s0 =	simm.s32 @p0 $0x1  }
0x13: {  	[smem:$0x3FB0] =	sst s0;
	s0 =	simm.s32 @!p1 $0x0  }
0x14: {  	s2 =	sld [smem:$0x3F94];
	s0 =	simm.s32 @p1 $0x1  }
0x15: {  	[smem:$0x3FB1] =	sst s0;
	s0 =	simm.s32 @!p2 $0x0  }
0x16: {  	s3 =	sld [smem:$0x3FDB];
	s0 =	simm.s32 @p2 $0x1  }
0x17: {  	s4 =	simm.s32 $0x1BF5;
	[smem:$0x3FB3] =	sst s0  }
0x18: {  	s0 =	sld [smem:$0x3F96];
	_ =	swait.ge [sflag:s4], $0x0  }
0x19: {  	s7 =	sld [smem:$0x3F97]  }
0x1a: {  	s8 =	sadd.s32 $0xFFFFE003, lr  }
0x1b: {  	s9 =	sadd.s32 $0xFFFFFEF7, lr;
	s5 =	simm.s32 $0xFFFFFFFF;
	p2 =	slt.u32 s8, $0xFFFFF086  }
0x1c: {  	p1 =	slt.u32 s9, $0xF7A;
	s5 =	simm.s32 @!p2 $0x0  }
0x1d: {  	s5 =	simm.s32 @p1 $0x1;
	p0 =	seq.s32 s7, s2  }
0x1e: {  	s7 =	smul.u32 @!p0 $0xF7A, s2;
	p2 =	seq.s32 @!p0 s5, $0x0  }
0x1f: {  	s9 =	smul.u32 $0xF7A, s1;
	s8 =	simm.s32 @!p0 $0x1BF5;
	p2 =	por !p2, p0  }
0x20: {  	[sflag:s8] =	ssyncset.s32 @!p0 $0xFFFFF086;
	s6 =	sadd.s32 @!p0 s3, s7;
	s7 =	simm.s32 @!p0 $0x108  }
0x21: {  	s3 =	sadd.s32 s3, s9;
	s6 =	sadd.s32 @!p0 $0x88, s6;
	s7 =	simm.s32 @p2 $0x1082  }
0x22: {  	[simem:s7], [sflag:s8] =	dma.local @!p0 [hbm:s6], $0xF7A  }
0x23: {  	s9 =	sor.u32 $0xD0000000, s2;
	s6 =	simm.s32 $0x108;
	_ =	swait.ge @!p0 [sflag:s8], $0x0  }
0x24: {  	s3 =	sadd.s32 $0x88, s3;
	s6 =	simm.s32 @!p1 $0x1082;
	[sflag:s4] =	ssyncset.s32 $0xFFFFF086  }
0x25: {  	[simem:s6], [sflag:s4] =	dma.local [hbm:s3], $0xF7A  }
0x26: {  	[smem:$0x3F97] =	sst s1;
	(tag) =	ssettag s2;
	_ =	strace s9  }
0x27: {  	s1 =	sld [smem:$0x3FA7]  }
0x28: {  	s2 =	sld [smem:$0x3FA8]  }
0x29: {  	s4 =	sld [smem:$0x3FAA]  }
0x2a: {  	p0 =	seq.s32 s5, $0x0;
	s5 =	sld [smem:$0x3FAB]  }
0x2b: {  	s6 =	sld [smem:$0x3FAC]  }
0x2c: {  	s7 =	sld [smem:$0x3FAD]  }
0x2d: {  	s3 =	simm.s32 $0x108;
	s8 =	sld [smem:$0x3FAE]  }
0x2e: {  	s3 =	simm.s32 @!p0 $0x1082;
	s9 =	sld [smem:$0x3FAF]  }
0x2f: {  	lr =	sadd.s32 s0, s3;
	s0 =	sld [smem:$0x3FA6]  }
0x30: {  	s3 =	sld [smem:$0x3FA9]  }
0x31: {  	[smem:$0x3FB2] =	sst s10  }
0x32: {  	s10 =	sld [smem:$0x3FB0];
	_ =	sdelay $0x3  }
0x33: {  	p0 =	seq.s32 s10, $0x1;
	s10 =	sld [smem:$0x3FB2];
	_ =	sdelay $0x3  }
0x34: {  	[smem:$0x3FB2] =	sst s10  }
0x35: {  	s10 =	sld [smem:$0x3FB1];
	_ =	sdelay $0x3  }
0x36: {  	p1 =	seq.s32 s10, $0x1;
	s10 =	sld [smem:$0x3FB2];
	_ =	sdelay $0x3  }
0x37: {  	[smem:$0x3FB2] =	sst s10  }
0x38: {  	s10 =	sld [smem:$0x3FB3]  }
0x39: {  	_ = 	snop;
	(pc) =	sbr.ind lr, $3  }
0x3a: {  	_ = 	snop  }
0x3b: {  	_ = 	snop  }
0x3c: {  	p2 =	seq.s32 s10, $0x1;
	s10 =	sld [smem:$0x3FB2]  }
0x3d: {  	_ =	shalt  }
0x3e: {  	_ =	shalt  }
0x3f: {  	_ =	shalt  }
0x40: {  	_ =	shalt  }
0x41: {  	_ =	shalt  }
0x42: {  	_ =	shalt  }
0x43: {  	_ =	shalt  }
0x44: {  	_ =	shalt  }
0x45: {  	_ =	shalt  }
0x46: {  	_ =	shalt  }
0x47: {  	_ =	shalt  }
0x48: {  	_ =	shalt  }
0x49: {  	_ =	shalt  }
0x4a: {  	_ =	shalt  }
0x4b: {  	_ =	shalt  }
0x4c: {  	_ =	shalt  }
0x4d: {  	_ =	shalt  }
0x4e: {  	_ =	shalt  }
0x4f: {  	_ =	shalt  }
0x50: {  	_ =	shalt  }
0x51: {  	_ =	shalt  }
0x52: {  	_ =	shalt  }
0x53: {  	_ =	shalt  }
0x54: {  	_ =	shalt  }
0x55: {  	_ =	shalt  }
0x56: {  	_ =	shalt  }
0x57: {  	_ =	shalt  }
0x58: {  	_ =	shalt  }
0x59: {  	_ =	shalt  }
0x5a: {  	_ =	shalt  }
0x5b: {  	_ =	shalt  }
0x5c: {  	_ =	shalt  }
0x5d: {  	_ =	shalt  }
0x5e: {  	_ =	shalt  }
0x5f: {  	_ =	shalt  }
0x60: {  	_ =	shalt  }
0x61: {  	_ =	shalt  }
0x62: {  	_ =	shalt  }
0x63: {  	_ =	shalt  }
0x64: {  	_ =	shalt  }
0x65: {  	_ =	shalt  }
0x66: {  	_ =	shalt  }
0x67: {  	_ =	shalt  }
0x68: {  	_ =	shalt  }
0x69: {  	_ =	shalt  }
0x6a: {  	_ =	shalt  }
0x6b: {  	_ =	shalt  }
0x6c: {  	_ =	shalt  }
0x6d: {  	_ =	shalt  }
0x6e: {  	_ =	shalt  }
0x6f: {  	_ =	shalt  }
0x70: {  	_ =	shalt  }
0x71: {  	_ =	shalt  }
0x72: {  	_ =	shalt  }
0x73: {  	_ =	shalt  }
0x74: {  	_ =	shalt  }
0x75: {  	_ =	shalt  }
0x76: {  	_ =	shalt  }
0x77: {  	_ =	shalt  }
0x78: {  	_ =	shalt  }
0x79: {  	_ =	shalt  }
0x7a: {  	_ =	shalt  }
0x7b: {  	_ =	shalt  }
0x7c: {  	_ =	shalt  }
0x7d: {  	_ =	shalt  }
0x7e: {  	_ =	shalt  }
0x7f: {  	_ =	shalt  }
0x80: {  	_ =	shalt  }
0x81: {  	_ =	shalt  }
0x82: {  	_ =	shalt  }
0x83: {  	_ =	shalt  }
0x84: {  	_ =	shalt  }
0x85: {  	_ =	shalt  }
0x86: {  	_ =	shalt  }
0x87: {  	_ =	shalt  }
.Lfunc_end0:
.L_simem_size_0:
called_computation.1_lowered:
.L_overlay_start_0:
0x88: {  	s2 =	sld [smem:$0x3FD9]  }
0x89: {  	s3 =	sld [smem:$0x3FFE];
	_ =	sdelay $0x1  }
0x8a: {  	s1 =	srdreg.scid  }
0x8b: {  	s0 =	sand.u32 $0x1, s1  }
0x8c: {  	s16 =	sshll.u32 s0, $0xA;
	s2 =	sadd.s32 s3, s2  }
0x8d: {  	s2 =	sadd.s32 s2, s16  }
0x8e: {  	[smem:$0x3FBE] =	sst s2  }
0x8f: {  	_ = 	snop  }
0x90: {  	(tm) =	ssettm $0x1  }
0x91: {  	s17 =	sld [smem:$0x3FFB];
	_ =	sdelay $0x3  }
0x92: {  	_ =	strace s17  }
0x93: {  	s2 =	sld [smem:$0x3FFC];
	_ =	sdelay $0x3  }
0x94: {  	_ =	strace s2  }
0x95: {  	s2 =	sld [smem:$0x3FFD];
	_ =	sdelay $0x3  }
0x96: {  	_ =	strace s2  }
0x97: {  	_ =	strace $0x8FFFFFFF  }
0x98: {  	s18 =	sld [smem:$0x3FDB];
	_ =	sdelay $0x1  }
0x99: {  	s19 =	simm.s32 $_scs_section_size  }
0x9a: {  	s4 =	simm.s32 $_size__tile_overlayer_lowered;
	s5 =	simm.s32 $_tile_overlayer_lowered  }
0x9b: {  	s22 =	simm.s32 $0x1BFF;
	s21 =	sshll.u32 s5, $0x1;
	s2 =	sadd.s32 s19, s18  }
0x9c: {  	s6 =	simm.s32 $0x0;
	s20 =	sshll.u32 s4, $0x1;
	s4 =	sadd.s32 s21, s2  }
0x9d: {  	[timem:s6], [sflag:s22] =	dma.local [hbm:s4], s20  }
0x9e: {  	_ =	swait.ge [sflag:s22], s20  }
0x9f: {  	s3 =	ssub.s32 $0x0, s20;
	[sflag:s22] =	ssyncset.done $0x0  }
0xa0: {  	[sflag:s22] =	ssyncadd.s32 s3;
	_ =	sdelay $0x1  }
0xa1: {  	s23 =	simm.s32 $0x1B8B  }
0xa2: {  	_ =	swait.ge [sflag:s23], $0x1  }
0xa3: {  	[sflag:s23] =	ssyncset.done $0x0  }
0xa4: {  	s25 =	simm.s32 $0x1B8E;
	s24 =	sld [smem:$0x3FFE];
	[sflag:s23] =	ssyncadd.s32 $0xFFFFFFFF  }
0xa5: {  	s26 =	simm.s32 $execute0_lowered;
	[smem:$0x3FD2] =	sst s25  }
0xa6: {  	s4 =	sshll.u32 s26, $0x1;
	_ =	strace $0x80000049;
	[dreg:$0x1] =	wrdreg $0xFFFFFFFF  }
0xa7: {  	s28 =	simm.s32 $_size_execute0_lowered;
	s2 =	sadd.s32 s2, s4;
	[dreg:$0x0] =	wrdreg $0x0  }
0xa8: {  	s4 =	sshll.u32 s28, $0x1;
	[dreg:$0x2] =	wrdreg s2  }
0xa9: {  	[dreg:$0x3] =	wrdreg s4  }
0xaa: {  	[dreg:$0x4] =	wrdreg $0xC0  }
0xab: {  	_ =	task [dreg:s6], $0x5FFFF  }
0xac: {  	[dreg:$0x1] =	wrdreg $0xFFFFFFFF  }
0xad: {  	[dreg:$0x0] =	wrdreg $0x60  }
0xae: {  	[dreg:$0x2] =	wrdreg s24  }
0xaf: {  	[dreg:$0x3] =	wrdreg $0x130000  }
0xb0: {  	[dreg:$0x4] =	wrdreg $0x90000  }
0xb1: {  	[dreg:$0x5] =	wrdreg $0x9  }
0xb2: {  	_ =	task.clear_ibuf [dreg:s6], $0x6FFFF;
	_ =	strace $0x90000049  }
0xb3: {  	s29 =	simm.s32 $0x9;
	_ =	strace $0x8000004B  }
0xb4: {  	_ =	swait.ge [sflag:s29], $0x1  }
0xb5: {  	[sflag:s29] =	ssyncadd.s32 $0xFFFFFFFF  }
0xb6: {  	_ =	strace $0x9000004B  }
0xb7: {  	_ =	sfence  }
0xb8: {  	s30 =	sld [smem:$0x0];
	_ =	sdelay $0x2  }
0xb9: {  	s31 =	sshll.u32 s1, $0xD;
	s1 =	sshrl.u32 s1, $0x2  }
0xba: {  	s3 =	sand.u32 $0x4000, s31;
	s1 =	sadd.s32 s1, s30  }
0xbb: {  	s0 =	sor.u32 s3, s0;
	s1 =	sshll.u32 s1, $0x11  }
0xbc: {  	s0 =	sor.u32 s1, s0  }
0xbd: {  	s0 =	sadd.s32 $0x8F2B, s0  }
0xbe: {  	[sflag:s0] =	ssyncadd.remote.s32 $0x1  }
0xbf: {  	_ =	sfence.sel $0xFFFF  }
0xc0: {  	[dreg:$0x0] =	wrdreg $0xFFFFFFFF;
	(pc) =	sbr.abs _section_cstart, $3  }
0xc1: {  	[dreg:$0x1] =	wrdreg $0xFFFFFFFF  }
0xc2: {  	_ =	task.clear_ibuf [dreg:s6], $0x2FFFF;
	_ =	strace $0x9FFFFFFF  }
0xc3: {  	(tm) =	ssettm $0x7FFFFFFF  }
tec
execute0_lowered:
.L_overlay_start_1:
0x0: {  	(tag) =	ssettag $0x1  }
0x1: {  	s5 =	rddreg [dreg:$0x0]  }
0x2: {  	s1 =	rddreg [dreg:$0x1]  }
0x3: {  	s0 =	srdreg.scid;
	s3 =	rddreg [dreg:$0x2]  }
0x4: {  	s2 =	stileid.u32;
	s4 =	simm.s32 $0x0;
	s15 =	simm.s32 $0x80  }
0x5: {  	s16 =	simm.s32 $0x5000;
	s17 =	simm.s32 $0x7000;
	s18 =	simm.s32 $0x1  }
0x6: {  	s19 =	simm.s32 $0x2;
	s20 =	simm.s32 $0x3;
	s21 =	simm.s32 $0x4  }
0x7: {  	s22 =	simm.s32 $0x4F00;
	s6 =	sand.u32 $0x1, s0;
	s0 =	rddreg [dreg:$0x3]  }
0x8: {  	s26 =	simm.s32 $0x0;
	s8 =	smul.u32 $0xA000, s2;
	[smem:$0x7FF] =	sst s4  }
0x9: {  	s12 =	sshll.u32 s2, $0x6;
	s7 =	sshll.u32 s6, $0x4;
	s9 =	smul.u32 $0x14000, s6  }
0xa: {  	s6 =	ssub.s32 $0x2, s6;
	_ =	strace $0x8000004A;
	s12 =	sor.u32 $0x1C05, s12  }
0xb: {  	s7 =	sor.u32 s2, s7;
	s24 =	sshrl.u32 s8, $0x3;
	s11 =	sshrl.u32 s6, $0x1  }
0xc: {  	s13 =	sadd.s32 s8, s1;
	s14 =	sadd.s32 s8, s3;
	s7 =	smul.u32 $0x500, s7  }
0xd: {  	s10 =	sadd.s32 s24, s5;
	s9 =	sadd.s32 s9, s5;
	s11 =	ssub.s32 s6, s11  }
0xe: {  	s13 =	sshrl.u32 s13, $0x3;
	s14 =	sshrl.u32 s14, $0x3;
	s23 =	sadd.s32 $0x9EE00, s9  }
0xf: {  	s8 =	sadd.s32 $0x4EE00, s10;
	s25 =	sadd.s32 $0x76E00, s9;
	s9 =	smax.u32 s11, $0x1  }
0x10: {  	s11 =	simm.s32 $0x2800;
	s7 =	sadd.s32 s7, s5;
	s23 =	sadd.s32 s24, s23  }
0x11: {  	s24 =	sadd.s32 s24, s25;
	s25 =	simm.s32 $0x4F80;
	s5 =	sadd.s32 $0x1CE00, s7  }
0x12: {  	s6 =	sadd.s32 $0x3E00, s7;
	s7 =	sadd.s32 $0x62E00, s10;
	s10 =	simm.s32 $0x5  }
.LBB2_1:
0x13: {  	[tilespmem:s4], [sflag:$0x5] =	stream.linear.gather [hbm4b:s5+s4], $0x2800, $0x38;
	[tilespmem:$0x1D000] =	vst v63  }
0x14: {  	_ =	swait.ge [sflag:s10], $0x2800  }
0x15: {  	[sflag:s10] =	ssyncset.done $0x0  }
0x16: {  	[sflag:s10] =	ssyncadd.s32 $0xFFFFD800  }
0x17: {  	[tilespmem:s11], [sflag:$0x5] =	stream.linear.gather [hbm4b:s6+s4], $0x2800, $0x38;
	[tilespmem:$0x1D000] =	vst v63  }
0x18: {  	_ =	swait.ge [sflag:s10], $0x2800  }
0x19: {  	[sflag:s10] =	ssyncset.done $0x0  }
0x1a: {  	[sflag:s10] =	ssyncadd.s32 $0xFFFFD800  }
0x1b: {  	[spmem:s13], [sflag:s12] =	dma.local [hbm:s7], $0x1400  }
0x1c: {  	_ =	swait.ge [sflag:s10], $0x1400  }
0x1d: {  	[sflag:s10] =	ssyncset.done $0x0  }
0x1e: {  	[sflag:s10] =	ssyncadd.s32 $0xFFFFEC00  }
0x1f: {  	[spmem:s14], [sflag:s12] =	dma.local [hbm:s7], $0x1400  }
0x20: {  	_ =	swait.ge [sflag:s10], $0x1400  }
0x21: {  	[sflag:s10] =	ssyncset.done $0x0  }
0x22: {  	[sflag:s10] =	ssyncadd.s32 $0xFFFFEC00  }
0x23: {  	[bflag:$0x0] =	sbarrier.arrive $0xFFFF  }
0x24: {  	[tilespmem:s16], [sflag:$0x1] =	stream.indirect.gather [spmem:s3], $0x40, s4, s15, $0xb8;
	[tilespmem:$0x1D000] =	vst v63  }
0x25: {  	_ = 	snop  }
0x26: {  	[tilespmem:s17], [sflag:$0x2] =	stream.indirect.gather [spmem:s3], $0x40, s15, s15, $0xb8;
	[tilespmem:$0x1D000] =	vst v63  }
0x27: {  	_ =	swait.ge [sflag:s18], $0x2000  }
0x28: {  	[sflag:s18] =	ssyncset.done $0x0  }
0x29: {  	s28 =	simm.s32 $0x2800;
	[sflag:s18] =	ssyncadd.s32 $0xFFFFE000  }
0x2a: {  	[spmem:s1] =	stream.indirect.scatter.add.f32 [tilespmem:s16], [sflag:$0x3], $0x40, s28, s15, $0xb8;
	[tilespmem:$0x1D000] =	vst v63  }
0x2b: {  	_ =	swait.ge [sflag:s19], $0x2000  }
0x2c: {  	[sflag:s19] =	ssyncset.done $0x0  }
0x2d: {  	s28 =	simm.s32 $0x2880;
	[sflag:s19] =	ssyncadd.s32 $0xFFFFE000  }
0x2e: {  	[spmem:s1] =	stream.indirect.scatter.add.f32 [tilespmem:s17], [sflag:$0x4], $0x40, s28, s15, $0xb8;
	[tilespmem:$0x1D000] =	vst v63  }
0x2f: {  	_ =	swait.ge [sflag:s20], $0x2000  }
0x30: {  	[sflag:s20] =	ssyncset.done $0x0  }
0x31: {  	s28 =	simm.s32 $0x100;
	[sflag:s20] =	ssyncadd.s32 $0xFFFFE000  }
0x32: {  	[tilespmem:s16], [sflag:$0x1] =	stream.indirect.gather [spmem:s3], $0x40, s28, s15, $0xb8;
	[tilespmem:$0x1D000] =	vst v63  }
0x33: {  	_ =	swait.ge [sflag:s21], $0x2000  }
0x34: {  	[sflag:s21] =	ssyncset.done $0x0  }
0x35: {  	s29 =	simm.s32 $0x180;
	s28 =	simm.s32 $0x400;
	[sflag:s21] =	ssyncadd.s32 $0xFFFFE000  }
.LBB2_2:
0x36: {  	[tilespmem:s17], [sflag:$0x2] =	stream.indirect.gather [spmem:s3], $0x40, s29, s15, $0xb8;
	[tilespmem:$0x1D000] =	vst v63  }
0x37: {  	s29 =	smov.u32 s28  }
0x38: {  	p0 =	sne.s32 s28, $0x9800;
	s28 =	sadd.s32 $0x400, s28;
	_ =	swait.ge [sflag:s18], $0x2000  }
0x39: {  	s29 =	sshra.s32 s29, $0x2;
	[sflag:s18] =	ssyncset.done $0x0  }
0x3a: {  	s30 =	sadd.s32 $0x2800, s29;
	[sflag:s18] =	ssyncadd.s32 $0xFFFFE000  }
0x3b: {  	[spmem:s1] =	stream.indirect.scatter.add.f32 [tilespmem:s16], [sflag:$0x3], $0x40, s30, s15, $0xb8;
	[tilespmem:$0x1D000] =	vst v63  }
0x3c: {  	_ =	swait.ge [sflag:s19], $0x2000  }
0x3d: {  	[sflag:s19] =	ssyncset.done $0x0  }
0x3e: {  	s30 =	sadd.s32 $0x2880, s29;
	[sflag:s19] =	ssyncadd.s32 $0xFFFFE000  }
0x3f: {  	[spmem:s1] =	stream.indirect.scatter.add.f32 [tilespmem:s17], [sflag:$0x4], $0x40, s30, s15, $0xb8;
	[tilespmem:$0x1D000] =	vst v63  }
0x40: {  	_ =	swait.ge [sflag:s20], $0x2000  }
0x41: {  	[sflag:s20] =	ssyncset.done $0x0  }
.Ltmp0:
0x42: {  	s30 =	sadd.s32 $0x100, s29;
	[sflag:s20] =	ssyncadd.s32 $0xFFFFE000;
	(pc) =	sbr.rel @p0 .LBB2_2-.Ltmp0, $4  }
0x43: {  	[tilespmem:s16], [sflag:$0x1] =	stream.indirect.gather [spmem:s3], $0x40, s30, s15, $0xb8;
	[tilespmem:$0x1D000] =	vst v63  }
0x44: {  	_ =	swait.ge [sflag:s21], $0x2000  }
0x45: {  	[sflag:s21] =	ssyncset.done $0x0  }
0x46: {  	s29 =	sadd.s32 $0x180, s29;
	[sflag:s21] =	ssyncadd.s32 $0xFFFFE000  }
0x47: {  	[tilespmem:s17], [sflag:$0x2] =	stream.indirect.gather [spmem:s3], $0x40, s29, s15, $0xb8;
	[tilespmem:$0x1D000] =	vst v63  }
0x48: {  	_ =	swait.ge [sflag:s18], $0x2000  }
0x49: {  	[sflag:s18] =	ssyncset.done $0x0  }
0x4a: {  	[sflag:s18] =	ssyncadd.s32 $0xFFFFE000  }
0x4b: {  	[spmem:s1] =	stream.indirect.scatter.add.f32 [tilespmem:s16], [sflag:$0x3], $0x40, s22, s15, $0xb8;
	[tilespmem:$0x1D000] =	vst v63  }
0x4c: {  	_ =	swait.ge [sflag:s19], $0x2000  }
0x4d: {  	[sflag:s19] =	ssyncset.done $0x0  }
0x4e: {  	[sflag:s19] =	ssyncadd.s32 $0xFFFFE000  }
0x4f: {  	[spmem:s1] =	stream.indirect.scatter.add.f32 [tilespmem:s17], [sflag:$0x4], $0x40, s25, s15, $0xb8;
	[tilespmem:$0x1D000] =	vst v63  }
0x50: {  	_ =	swait.ge [sflag:s20], $0x2000  }
0x51: {  	[sflag:s20] =	ssyncset.done $0x0  }
0x52: {  	[sflag:s20] =	ssyncadd.s32 $0xFFFFE000  }
0x53: {  	_ =	swait.ge [sflag:s21], $0x2000  }
0x54: {  	[sflag:s21] =	ssyncset.done $0x0  }
0x55: {  	[sflag:s21] =	ssyncadd.s32 $0xFFFFE000  }
0x56: {  	[bflag:$0x0] =	sbarrier.arrive $0xFFFF  }
0x57: {  	[hbm:s23], [sflag:s12] =	dma.local [spmem:s13], $0x1400  }
0x58: {  	_ =	swait.ge [sflag:s10], $0x1400  }
0x59: {  	[sflag:s10] =	ssyncset.done $0x0  }
0x5a: {  	[sflag:s10] =	ssyncadd.s32 $0xFFFFEC00  }
0x5b: {  	[spmem:s13], [sflag:s12] =	dma.local [hbm:s8], $0x1400  }
0x5c: {  	_ =	swait.ge [sflag:s10], $0x1400  }
0x5d: {  	[sflag:s10] =	ssyncset.done $0x0  }
0x5e: {  	[sflag:s10] =	ssyncadd.s32 $0xFFFFEC00  }
0x5f: {  	[spmem:s14], [sflag:s12] =	dma.local [hbm:s8], $0x1400  }
0x60: {  	_ =	swait.ge [sflag:s10], $0x1400  }
0x61: {  	[sflag:s10] =	ssyncset.done $0x0  }
0x62: {  	[sflag:s10] =	ssyncadd.s32 $0xFFFFEC00  }
0x63: {  	s28 =	simm.s32 $0x0;
	[bflag:$0x0] =	sbarrier.arrive $0xFFFF  }
0x64: {  	[tilespmem:s16], [sflag:$0x1] =	stream.indirect.gather [spmem:s3], $0x40, s28, s15, $0xb8;
	[tilespmem:$0x1D000] =	vst v63  }
0x65: {  	_ = 	snop  }
0x66: {  	[tilespmem:s17], [sflag:$0x2] =	stream.indirect.gather [spmem:s3], $0x40, s15, s15, $0xb8;
	[tilespmem:$0x1D000] =	vst v63  }
0x67: {  	_ =	swait.ge [sflag:s18], $0x2000  }
0x68: {  	[sflag:s18] =	ssyncset.done $0x0  }
0x69: {  	s28 =	simm.s32 $0x2800;
	[sflag:s18] =	ssyncadd.s32 $0xFFFFE000  }
0x6a: {  	[spmem:s1] =	stream.indirect.scatter.add.f32 [tilespmem:s16], [sflag:$0x3], $0x40, s28, s15, $0xb8;
	[tilespmem:$0x1D000] =	vst v63  }
0x6b: {  	_ =	swait.ge [sflag:s19], $0x2000  }
0x6c: {  	[sflag:s19] =	ssyncset.done $0x0  }
0x6d: {  	s28 =	simm.s32 $0x2880;
	[sflag:s19] =	ssyncadd.s32 $0xFFFFE000  }
0x6e: {  	[spmem:s1] =	stream.indirect.scatter.add.f32 [tilespmem:s17], [sflag:$0x4], $0x40, s28, s15, $0xb8;
	[tilespmem:$0x1D000] =	vst v63  }
0x6f: {  	_ =	swait.ge [sflag:s20], $0x2000  }
0x70: {  	[sflag:s20] =	ssyncset.done $0x0  }
0x71: {  	s28 =	simm.s32 $0x100;
	[sflag:s20] =	ssyncadd.s32 $0xFFFFE000  }
0x72: {  	[tilespmem:s16], [sflag:$0x1] =	stream.indirect.gather [spmem:s3], $0x40, s28, s15, $0xb8;
	[tilespmem:$0x1D000] =	vst v63  }
0x73: {  	_ =	swait.ge [sflag:s21], $0x2000  }
0x74: {  	[sflag:s21] =	ssyncset.done $0x0  }
0x75: {  	s29 =	simm.s32 $0x180;
	s28 =	simm.s32 $0x400;
	[sflag:s21] =	ssyncadd.s32 $0xFFFFE000  }
.LBB2_4:
0x76: {  	[tilespmem:s17], [sflag:$0x2] =	stream.indirect.gather [spmem:s3], $0x40, s29, s15, $0xb8;
	[tilespmem:$0x1D000] =	vst v63  }
0x77: {  	s29 =	smov.u32 s28  }
0x78: {  	p0 =	sne.s32 s28, $0x9800;
	s28 =	sadd.s32 $0x400, s28;
	_ =	swait.ge [sflag:s18], $0x2000  }
0x79: {  	s29 =	sshra.s32 s29, $0x2;
	[sflag:s18] =	ssyncset.done $0x0  }
0x7a: {  	s30 =	sadd.s32 $0x2800, s29;
	[sflag:s18] =	ssyncadd.s32 $0xFFFFE000  }
0x7b: {  	[spmem:s1] =	stream.indirect.scatter.add.f32 [tilespmem:s16], [sflag:$0x3], $0x40, s30, s15, $0xb8;
	[tilespmem:$0x1D000] =	vst v63  }
0x7c: {  	_ =	swait.ge [sflag:s19], $0x2000  }
0x7d: {  	[sflag:s19] =	ssyncset.done $0x0  }
0x7e: {  	s30 =	sadd.s32 $0x2880, s29;
	[sflag:s19] =	ssyncadd.s32 $0xFFFFE000  }
0x7f: {  	[spmem:s1] =	stream.indirect.scatter.add.f32 [tilespmem:s17], [sflag:$0x4], $0x40, s30, s15, $0xb8;
	[tilespmem:$0x1D000] =	vst v63  }
0x80: {  	_ =	swait.ge [sflag:s20], $0x2000  }
0x81: {  	[sflag:s20] =	ssyncset.done $0x0  }
.Ltmp1:
0x82: {  	s30 =	sadd.s32 $0x100, s29;
	[sflag:s20] =	ssyncadd.s32 $0xFFFFE000;
	(pc) =	sbr.rel @p0 .LBB2_4-.Ltmp1, $4  }
0x83: {  	[tilespmem:s16], [sflag:$0x1] =	stream.indirect.gather [spmem:s3], $0x40, s30, s15, $0xb8;
	[tilespmem:$0x1D000] =	vst v63  }
0x84: {  	_ =	swait.ge [sflag:s21], $0x2000  }
0x85: {  	[sflag:s21] =	ssyncset.done $0x0  }
0x86: {  	s29 =	sadd.s32 $0x180, s29;
	[sflag:s21] =	ssyncadd.s32 $0xFFFFE000  }
0x87: {  	[tilespmem:s17], [sflag:$0x2] =	stream.indirect.gather [spmem:s3], $0x40, s29, s15, $0xb8;
	[tilespmem:$0x1D000] =	vst v63  }
0x88: {  	_ =	swait.ge [sflag:s18], $0x2000  }
0x89: {  	[sflag:s18] =	ssyncset.done $0x0  }
0x8a: {  	[sflag:s18] =	ssyncadd.s32 $0xFFFFE000  }
0x8b: {  	[spmem:s1] =	stream.indirect.scatter.add.f32 [tilespmem:s16], [sflag:$0x3], $0x40, s22, s15, $0xb8;
	[tilespmem:$0x1D000] =	vst v63  }
0x8c: {  	_ =	swait.ge [sflag:s19], $0x2000  }
0x8d: {  	[sflag:s19] =	ssyncset.done $0x0  }
0x8e: {  	[sflag:s19] =	ssyncadd.s32 $0xFFFFE000  }
0x8f: {  	[spmem:s1] =	stream.indirect.scatter.add.f32 [tilespmem:s17], [sflag:$0x4], $0x40, s25, s15, $0xb8;
	[tilespmem:$0x1D000] =	vst v63  }
0x90: {  	_ =	swait.ge [sflag:s20], $0x2000  }
0x91: {  	[sflag:s20] =	ssyncset.done $0x0  }
0x92: {  	[sflag:s20] =	ssyncadd.s32 $0xFFFFE000  }
0x93: {  	_ =	swait.ge [sflag:s21], $0x2000  }
0x94: {  	s26 =	sadd.s32 $0x1, s26;
	[sflag:s21] =	ssyncset.done $0x0  }
0x95: {  	p0 =	sne.s32 s26, s9;
	[sflag:s21] =	ssyncadd.s32 $0xFFFFE000  }
.Ltmp2:
0x96: {  	[bflag:$0x0] =	sbarrier.arrive $0xFFFF;
	(pc) =	sbr.rel @p0 .LBB2_1-.Ltmp2, $4  }
0x97: {  	[hbm:s24], [sflag:s12] =	dma.local [spmem:s13], $0x1400  }
0x98: {  	_ =	swait.ge [sflag:s10], $0x1400  }
0x99: {  	[sflag:s10] =	ssyncset.done $0x0  }
0x9a: {  	[sflag:s10] =	ssyncadd.s32 $0xFFFFEC00  }
0x9b: {  	_ =	sfence.sel $0x180000  }
0x9c: {  	[bflag:$0x0] =	sbarrier.arrive $0xFFFF  }
0x9d: {  	p0 =	sne.s32 s2, $0x0;
	_ =	strace $0x9000004A  }
0x9e: {  	s0 =	sadd.s32 @!p0 $0x100000, s0;
	[bflag:$0x2] =	sbarrier.arrive $0xFFFF  }
0x9f: {  	[sflag:s0] =	ssyncadd.tile.s32 @!p0 $0x1;
	_ =	shalt  }
.Lfunc_end2:
_tile_overlayer_lowered:
.L_overlay_start_2:
0xa0: {  	(tag) =	ssettag $0x2  }
0xa1: {  	s0 =	rddreg [dreg:$0x0];
	s2 =	stileid.u32  }
0xa2: {  	s1 =	rddreg [dreg:$0x1];
	p0 =	sne.s32 s2, $0x0  }
0xa3: {  	s3 =	rddreg [dreg:$0x2];
	[bflag:$0x3] =	sbarrier.arrive $0xFFFF;
	s2 =	simm.s32 @!p0 $0x1C05  }
0xa4: {  	[timem:s3], [sflag:s2] =	dma.local @!p0 [hbm:s0], s1  }
0xa5: {  	s0 =	simm.s32 @!p0 $0x5  }
0xa6: {  	_ =	swait.ge @!p0 [sflag:s0], s1  }
0xa7: {  	s1 =	ssub.s32 @!p0 $0x0, s1;
	[sflag:s0] =	ssyncset.done @!p0 $0x0  }
0xa8: {  	[sflag:s0] =	ssyncadd.s32 @!p0 s1  }
0xa9: {  	[bflag:$0x3] =	sbarrier.arrive $0xFFFF  }
0xaa: {  	_ =	shalt  }

// kernel: kernel.19.cloned.1.call-start
scs
__scs_entry_jumppad:
0x0: {  	(pc) =	sbr.rel $0x88, $3  }
0x1: {  	(tag) =	ssettag $0x0;
	lr =	simm.s32 $0x1  }
0x2: {  	[smem:$0x3F97] =	sst lr;
	_ =	strace $0xD0000000  }
0x3: {  	_ = 	snop  }
0x4: {  	_ = 	snop  }
0x5: {  	_ = 	snop  }
0x6: {  	_ = 	snop  }
0x7: {  	_ = 	snop  }
__scs_overlays_trampoline_lowered:
0x8: {  	[smem:$0x3FA6] =	sst s0  }
0x9: {  	[smem:$0x3FA7] =	sst s1  }
0xa: {  	[smem:$0x3FA8] =	sst s2  }
0xb: {  	[smem:$0x3FA9] =	sst s3  }
0xc: {  	[smem:$0x3FAA] =	sst s4  }
0xd: {  	[smem:$0x3FAB] =	sst s5  }
0xe: {  	[smem:$0x3FAC] =	sst s6  }
0xf: {  	[smem:$0x3FAD] =	sst s7  }
0x10: {  	[smem:$0x3FAE] =	sst s8  }
0x11: {  	[smem:$0x3FAF] =	sst s9;
	s0 =	simm.s32 @!p0 $0x0  }
0x12: {  	s1 =	sld [smem:$0x3F95];
	s0 =	simm.s32 @p0 $0x1  }
0x13: {  	[smem:$0x3FB0] =	sst s0;
	s0 =	simm.s32 @!p1 $0x0  }
0x14: {  	s2 =	sld [smem:$0x3F94];
	s0 =	simm.s32 @p1 $0x1  }
0x15: {  	[smem:$0x3FB1] =	sst s0;
	s0 =	simm.s32 @!p2 $0x0  }
0x16: {  	s3 =	sld [smem:$0x3FDB];
	s0 =	simm.s32 @p2 $0x1  }
0x17: {  	s4 =	simm.s32 $0x1BF5;
	[smem:$0x3FB3] =	sst s0  }
0x18: {  	s0 =	sld [smem:$0x3F96];
	_ =	swait.ge [sflag:s4], $0x0  }
0x19: {  	s7 =	sld [smem:$0x3F97]  }
0x1a: {  	s8 =	sadd.s32 $0xFFFFE003, lr  }
0x1b: {  	s9 =	sadd.s32 $0xFFFFFEF7, lr;
	s5 =	simm.s32 $0xFFFFFFFF;
	p2 =	slt.u32 s8, $0xFFFFF086  }
0x1c: {  	p1 =	slt.u32 s9, $0xF7A;
	s5 =	simm.s32 @!p2 $0x0  }
0x1d: {  	s5 =	simm.s32 @p1 $0x1;
	p0 =	seq.s32 s7, s2  }
0x1e: {  	s7 =	smul.u32 @!p0 $0xF7A, s2;
	p2 =	seq.s32 @!p0 s5, $0x0  }
0x1f: {  	s9 =	smul.u32 $0xF7A, s1;
	s8 =	simm.s32 @!p0 $0x1BF5;
	p2 =	por !p2, p0  }
0x20: {  	[sflag:s8] =	ssyncset.s32 @!p0 $0xFFFFF086;
	s6 =	sadd.s32 @!p0 s3, s7;
	s7 =	simm.s32 @!p0 $0x108  }
0x21: {  	s3 =	sadd.s32 s3, s9;
	s6 =	sadd.s32 @!p0 $0x88, s6;
	s7 =	simm.s32 @p2 $0x1082  }
0x22: {  	[simem:s7], [sflag:s8] =	dma.local @!p0 [hbm:s6], $0xF7A  }
0x23: {  	s9 =	sor.u32 $0xD0000000, s2;
	s6 =	simm.s32 $0x108;
	_ =	swait.ge @!p0 [sflag:s8], $0x0  }
0x24: {  	s3 =	sadd.s32 $0x88, s3;
	s6 =	simm.s32 @!p1 $0x1082;
	[sflag:s4] =	ssyncset.s32 $0xFFFFF086  }
0x25: {  	[simem:s6], [sflag:s4] =	dma.local [hbm:s3], $0xF7A  }
0x26: {  	[smem:$0x3F97] =	sst s1;
	(tag) =	ssettag s2;
	_ =	strace s9  }
0x27: {  	s1 =	sld [smem:$0x3FA7]  }
0x28: {  	s2 =	sld [smem:$0x3FA8]  }
0x29: {  	s4 =	sld [smem:$0x3FAA]  }
0x2a: {  	p0 =	seq.s32 s5, $0x0;
	s5 =	sld [smem:$0x3FAB]  }
0x2b: {  	s6 =	sld [smem:$0x3FAC]  }
0x2c: {  	s7 =	sld [smem:$0x3FAD]  }
0x2d: {  	s3 =	simm.s32 $0x108;
	s8 =	sld [smem:$0x3FAE]  }
0x2e: {  	s3 =	simm.s32 @!p0 $0x1082;
	s9 =	sld [smem:$0x3FAF]  }
0x2f: {  	lr =	sadd.s32 s0, s3;
	s0 =	sld [smem:$0x3FA6]  }
0x30: {  	s3 =	sld [smem:$0x3FA9]  }
0x31: {  	[smem:$0x3FB2] =	sst s10  }
0x32: {  	s10 =	sld [smem:$0x3FB0];
	_ =	sdelay $0x3  }
0x33: {  	p0 =	seq.s32 s10, $0x1;
	s10 =	sld [smem:$0x3FB2];
	_ =	sdelay $0x3  }
0x34: {  	[smem:$0x3FB2] =	sst s10  }
0x35: {  	s10 =	sld [smem:$0x3FB1];
	_ =	sdelay $0x3  }
0x36: {  	p1 =	seq.s32 s10, $0x1;
	s10 =	sld [smem:$0x3FB2];
	_ =	sdelay $0x3  }
0x37: {  	[smem:$0x3FB2] =	sst s10  }
0x38: {  	s10 =	sld [smem:$0x3FB3]  }
0x39: {  	_ = 	snop;
	(pc) =	sbr.ind lr, $3  }
0x3a: {  	_ = 	snop  }
0x3b: {  	_ = 	snop  }
0x3c: {  	p2 =	seq.s32 s10, $0x1;
	s10 =	sld [smem:$0x3FB2]  }
0x3d: {  	_ =	shalt  }
0x3e: {  	_ =	shalt  }
0x3f: {  	_ =	shalt  }
0x40: {  	_ =	shalt  }
0x41: {  	_ =	shalt  }
0x42: {  	_ =	shalt  }
0x43: {  	_ =	shalt  }
0x44: {  	_ =	shalt  }
0x45: {  	_ =	shalt  }
0x46: {  	_ =	shalt  }
0x47: {  	_ =	shalt  }
0x48: {  	_ =	shalt  }
0x49: {  	_ =	shalt  }
0x4a: {  	_ =	shalt  }
0x4b: {  	_ =	shalt  }
0x4c: {  	_ =	shalt  }
0x4d: {  	_ =	shalt  }
0x4e: {  	_ =	shalt  }
0x4f: {  	_ =	shalt  }
0x50: {  	_ =	shalt  }
0x51: {  	_ =	shalt  }
0x52: {  	_ =	shalt  }
0x53: {  	_ =	shalt  }
0x54: {  	_ =	shalt  }
0x55: {  	_ =	shalt  }
0x56: {  	_ =	shalt  }
0x57: {  	_ =	shalt  }
0x58: {  	_ =	shalt  }
0x59: {  	_ =	shalt  }
0x5a: {  	_ =	shalt  }
0x5b: {  	_ =	shalt  }
0x5c: {  	_ =	shalt  }
0x5d: {  	_ =	shalt  }
0x5e: {  	_ =	shalt  }
0x5f: {  	_ =	shalt  }
0x60: {  	_ =	shalt  }
0x61: {  	_ =	shalt  }
0x62: {  	_ =	shalt  }
0x63: {  	_ =	shalt  }
0x64: {  	_ =	shalt  }
0x65: {  	_ =	shalt  }
0x66: {  	_ =	shalt  }
0x67: {  	_ =	shalt  }
0x68: {  	_ =	shalt  }
0x69: {  	_ =	shalt  }
0x6a: {  	_ =	shalt  }
0x6b: {  	_ =	shalt  }
0x6c: {  	_ =	shalt  }
0x6d: {  	_ =	shalt  }
0x6e: {  	_ =	shalt  }
0x6f: {  	_ =	shalt  }
0x70: {  	_ =	shalt  }
0x71: {  	_ =	shalt  }
0x72: {  	_ =	shalt  }
0x73: {  	_ =	shalt  }
0x74: {  	_ =	shalt  }
0x75: {  	_ =	shalt  }
0x76: {  	_ =	shalt  }
0x77: {  	_ =	shalt  }
0x78: {  	_ =	shalt  }
0x79: {  	_ =	shalt  }
0x7a: {  	_ =	shalt  }
0x7b: {  	_ =	shalt  }
0x7c: {  	_ =	shalt  }
0x7d: {  	_ =	shalt  }
0x7e: {  	_ =	shalt  }
0x7f: {  	_ =	shalt  }
0x80: {  	_ =	shalt  }
0x81: {  	_ =	shalt  }
0x82: {  	_ =	shalt  }
0x83: {  	_ =	shalt  }
0x84: {  	_ =	shalt  }
0x85: {  	_ =	shalt  }
0x86: {  	_ =	shalt  }
0x87: {  	_ =	shalt  }
.Lfunc_end0:
.L_simem_size_0:
called_computation.2_lowered:
.L_overlay_start_0:
0x88: {  	s2 =	sld [smem:$0x3FD9]  }
0x89: {  	s3 =	sld [smem:$0x3FFE];
	_ =	sdelay $0x1  }
0x8a: {  	s1 =	srdreg.scid  }
0x8b: {  	s0 =	sand.u32 $0x1, s1  }
0x8c: {  	s16 =	sshll.u32 s0, $0xA;
	s2 =	sadd.s32 s3, s2  }
0x8d: {  	s2 =	sadd.s32 s2, s16  }
0x8e: {  	[smem:$0x3FBE] =	sst s2  }
0x8f: {  	_ = 	snop  }
0x90: {  	(tm) =	ssettm $0x1  }
0x91: {  	s17 =	sld [smem:$0x3FFB];
	_ =	sdelay $0x3  }
0x92: {  	_ =	strace s17  }
0x93: {  	s2 =	sld [smem:$0x3FFC];
	_ =	sdelay $0x3  }
0x94: {  	_ =	strace s2  }
0x95: {  	s2 =	sld [smem:$0x3FFD];
	_ =	sdelay $0x3  }
0x96: {  	_ =	strace s2  }
0x97: {  	_ =	strace $0x8FFFFFFF  }
0x98: {  	s18 =	sld [smem:$0x3FDB];
	_ =	sdelay $0x1  }
0x99: {  	s19 =	simm.s32 $_scs_section_size  }
0x9a: {  	s4 =	simm.s32 $_size__tile_overlayer_lowered;
	s5 =	simm.s32 $_tile_overlayer_lowered  }
0x9b: {  	s22 =	simm.s32 $0x1BFF;
	s21 =	sshll.u32 s5, $0x1;
	s2 =	sadd.s32 s19, s18  }
0x9c: {  	s6 =	simm.s32 $0x0;
	s20 =	sshll.u32 s4, $0x1;
	s4 =	sadd.s32 s21, s2  }
0x9d: {  	[timem:s6], [sflag:s22] =	dma.local [hbm:s4], s20  }
0x9e: {  	_ =	swait.ge [sflag:s22], s20  }
0x9f: {  	s3 =	ssub.s32 $0x0, s20;
	[sflag:s22] =	ssyncset.done $0x0  }
0xa0: {  	[sflag:s22] =	ssyncadd.s32 s3;
	_ =	sdelay $0x1  }
0xa1: {  	s23 =	simm.s32 $0x1B8B  }
0xa2: {  	_ =	swait.ge [sflag:s23], $0x1  }
0xa3: {  	[sflag:s23] =	ssyncset.done $0x0  }
0xa4: {  	s25 =	simm.s32 $0x1B8E;
	s24 =	sld [smem:$0x3FFE];
	[sflag:s23] =	ssyncadd.s32 $0xFFFFFFFF  }
0xa5: {  	s26 =	simm.s32 $execute0_lowered;
	[smem:$0x3FD2] =	sst s25  }
0xa6: {  	s4 =	sshll.u32 s26, $0x1;
	_ =	strace $0x8000004C;
	[dreg:$0x1] =	wrdreg $0xFFFFFFFF  }
0xa7: {  	s28 =	simm.s32 $_size_execute0_lowered;
	s2 =	sadd.s32 s2, s4;
	[dreg:$0x0] =	wrdreg $0x0  }
0xa8: {  	s4 =	sshll.u32 s28, $0x1;
	[dreg:$0x2] =	wrdreg s2  }
0xa9: {  	[dreg:$0x3] =	wrdreg s4  }
0xaa: {  	[dreg:$0x4] =	wrdreg $0xC0  }
0xab: {  	_ =	task [dreg:s6], $0x5FFFF  }
0xac: {  	[dreg:$0x1] =	wrdreg $0xFFFFFFFF  }
0xad: {  	[dreg:$0x0] =	wrdreg $0x60  }
0xae: {  	[dreg:$0x2] =	wrdreg s24  }
0xaf: {  	[dreg:$0x3] =	wrdreg $0x130000  }
0xb0: {  	[dreg:$0x4] =	wrdreg $0x90000  }
0xb1: {  	[dreg:$0x5] =	wrdreg $0x9  }
0xb2: {  	_ =	task.clear_ibuf [dreg:s6], $0x6FFFF;
	_ =	strace $0x9000004C  }
0xb3: {  	s29 =	simm.s32 $0x9;
	_ =	strace $0x8000004E  }
0xb4: {  	_ =	swait.ge [sflag:s29], $0x1  }
0xb5: {  	[sflag:s29] =	ssyncadd.s32 $0xFFFFFFFF  }
0xb6: {  	_ =	strace $0x9000004E  }
0xb7: {  	_ =	sfence  }
0xb8: {  	s30 =	sld [smem:$0x0];
	_ =	sdelay $0x2  }
0xb9: {  	s31 =	sshll.u32 s1, $0xD;
	s1 =	sshrl.u32 s1, $0x2  }
0xba: {  	s3 =	sand.u32 $0x4000, s31;
	s1 =	sadd.s32 s1, s30  }
0xbb: {  	s0 =	sor.u32 s3, s0;
	s1 =	sshll.u32 s1, $0x11  }
0xbc: {  	s0 =	sor.u32 s1, s0  }
0xbd: {  	s0 =	sadd.s32 $0x8F2B, s0  }
0xbe: {  	[sflag:s0] =	ssyncadd.remote.s32 $0x1  }
0xbf: {  	_ =	sfence.sel $0xFFFF  }
0xc0: {  	[dreg:$0x0] =	wrdreg $0xFFFFFFFF;
	(pc) =	sbr.abs _section_cstart, $3  }
0xc1: {  	[dreg:$0x1] =	wrdreg $0xFFFFFFFF  }
0xc2: {  	_ =	task.clear_ibuf [dreg:s6], $0x2FFFF;
	_ =	strace $0x9FFFFFFF  }
0xc3: {  	(tm) =	ssettm $0x7FFFFFFF  }
tec
execute0_lowered:
.L_overlay_start_1:
0x0: {  	(tag) =	ssettag $0x1  }
0x1: {  	s5 =	rddreg [dreg:$0x0]  }
0x2: {  	s1 =	rddreg [dreg:$0x1]  }
0x3: {  	s0 =	srdreg.scid;
	s3 =	rddreg [dreg:$0x2]  }
0x4: {  	s2 =	stileid.u32;
	s4 =	simm.s32 $0x0;
	s15 =	simm.s32 $0x80  }
0x5: {  	s16 =	simm.s32 $0x5000;
	s17 =	simm.s32 $0x7000;
	s18 =	simm.s32 $0x1  }
0x6: {  	s19 =	simm.s32 $0x2;
	s20 =	simm.s32 $0x3;
	s21 =	simm.s32 $0x4  }
0x7: {  	s22 =	simm.s32 $0x4F00;
	s6 =	sand.u32 $0x1, s0;
	s0 =	rddreg [dreg:$0x3]  }
0x8: {  	s26 =	simm.s32 $0x0;
	s8 =	smul.u32 $0xA000, s2;
	[smem:$0x7FF] =	sst s4  }
0x9: {  	s12 =	sshll.u32 s2, $0x6;
	s7 =	sshll.u32 s6, $0x4;
	s9 =	smul.u32 $0x14000, s6  }
0xa: {  	s6 =	ssub.s32 $0x2, s6;
	_ =	strace $0x8000004D;
	s12 =	sor.u32 $0x1C05, s12  }
0xb: {  	s7 =	sor.u32 s2, s7;
	s24 =	sshrl.u32 s8, $0x3;
	s11 =	sshrl.u32 s6, $0x1  }
0xc: {  	s13 =	sadd.s32 s8, s1;
	s14 =	sadd.s32 s8, s3;
	s7 =	smul.u32 $0x500, s7  }
0xd: {  	s10 =	sadd.s32 s24, s5;
	s9 =	sadd.s32 s9, s5;
	s11 =	ssub.s32 s6, s11  }
0xe: {  	s13 =	sshrl.u32 s13, $0x3;
	s14 =	sshrl.u32 s14, $0x3;
	s23 =	sadd.s32 $0x9EE00, s9  }
0xf: {  	s8 =	sadd.s32 $0x4EE00, s10;
	s25 =	sadd.s32 $0x76E00, s9;
	s9 =	smax.u32 s11, $0x1  }
0x10: {  	s11 =	simm.s32 $0x2800;
	s7 =	sadd.s32 s7, s5;
	s23 =	sadd.s32 s24, s23  }
0x11: {  	s24 =	sadd.s32 s24, s25;
	s25 =	simm.s32 $0x4F80;
	s5 =	sadd.s32 $0x1CE00, s7  }
0x12: {  	s6 =	sadd.s32 $0x3E00, s7;
	s7 =	sadd.s32 $0x62E00, s10;
	s10 =	simm.s32 $0x5  }
.LBB2_1:
0x13: {  	[tilespmem:s4], [sflag:$0x5] =	stream.linear.gather [hbm4b:s5+s4], $0x2800, $0x38;
	[tilespmem:$0x1D000] =	vst v63  }
0x14: {  	_ =	swait.ge [sflag:s10], $0x2800  }
0x15: {  	[sflag:s10] =	ssyncset.done $0x0  }
0x16: {  	[sflag:s10] =	ssyncadd.s32 $0xFFFFD800  }
0x17: {  	[tilespmem:s11], [sflag:$0x5] =	stream.linear.gather [hbm4b:s6+s4], $0x2800, $0x38;
	[tilespmem:$0x1D000] =	vst v63  }
0x18: {  	_ =	swait.ge [sflag:s10], $0x2800  }
0x19: {  	[sflag:s10] =	ssyncset.done $0x0  }
0x1a: {  	[sflag:s10] =	ssyncadd.s32 $0xFFFFD800  }
0x1b: {  	[spmem:s13], [sflag:s12] =	dma.local [hbm:s7], $0x1400  }
0x1c: {  	_ =	swait.ge [sflag:s10], $0x1400  }
0x1d: {  	[sflag:s10] =	ssyncset.done $0x0  }
0x1e: {  	[sflag:s10] =	ssyncadd.s32 $0xFFFFEC00  }
0x1f: {  	[spmem:s14], [sflag:s12] =	dma.local [hbm:s7], $0x1400  }
0x20: {  	_ =	swait.ge [sflag:s10], $0x1400  }
0x21: {  	[sflag:s10] =	ssyncset.done $0x0  }
0x22: {  	[sflag:s10] =	ssyncadd.s32 $0xFFFFEC00  }
0x23: {  	[bflag:$0x0] =	sbarrier.arrive $0xFFFF  }
0x24: {  	[tilespmem:s16], [sflag:$0x1] =	stream.indirect.gather [spmem:s3], $0x40, s4, s15, $0xb8;
	[tilespmem:$0x1D000] =	vst v63  }
0x25: {  	_ = 	snop  }
0x26: {  	[tilespmem:s17], [sflag:$0x2] =	stream.indirect.gather [spmem:s3], $0x40, s15, s15, $0xb8;
	[tilespmem:$0x1D000] =	vst v63  }
0x27: {  	_ =	swait.ge [sflag:s18], $0x2000  }
0x28: {  	[sflag:s18] =	ssyncset.done $0x0  }
0x29: {  	s28 =	simm.s32 $0x2800;
	[sflag:s18] =	ssyncadd.s32 $0xFFFFE000  }
0x2a: {  	[spmem:s1] =	stream.indirect.scatter.add.f32 [tilespmem:s16], [sflag:$0x3], $0x40, s28, s15, $0xb8;
	[tilespmem:$0x1D000] =	vst v63  }
0x2b: {  	_ =	swait.ge [sflag:s19], $0x2000  }
0x2c: {  	[sflag:s19] =	ssyncset.done $0x0  }
0x2d: {  	s28 =	simm.s32 $0x2880;
	[sflag:s19] =	ssyncadd.s32 $0xFFFFE000  }
0x2e: {  	[spmem:s1] =	stream.indirect.scatter.add.f32 [tilespmem:s17], [sflag:$0x4], $0x40, s28, s15, $0xb8;
	[tilespmem:$0x1D000] =	vst v63  }
0x2f: {  	_ =	swait.ge [sflag:s20], $0x2000  }
0x30: {  	[sflag:s20] =	ssyncset.done $0x0  }
0x31: {  	s28 =	simm.s32 $0x100;
	[sflag:s20] =	ssyncadd.s32 $0xFFFFE000  }
0x32: {  	[tilespmem:s16], [sflag:$0x1] =	stream.indirect.gather [spmem:s3], $0x40, s28, s15, $0xb8;
	[tilespmem:$0x1D000] =	vst v63  }
0x33: {  	_ =	swait.ge [sflag:s21], $0x2000  }
0x34: {  	[sflag:s21] =	ssyncset.done $0x0  }
0x35: {  	s29 =	simm.s32 $0x180;
	s28 =	simm.s32 $0x400;
	[sflag:s21] =	ssyncadd.s32 $0xFFFFE000  }
.LBB2_2:
0x36: {  	[tilespmem:s17], [sflag:$0x2] =	stream.indirect.gather [spmem:s3], $0x40, s29, s15, $0xb8;
	[tilespmem:$0x1D000] =	vst v63  }
0x37: {  	s29 =	smov.u32 s28  }
0x38: {  	p0 =	sne.s32 s28, $0x9800;
	s28 =	sadd.s32 $0x400, s28;
	_ =	swait.ge [sflag:s18], $0x2000  }
0x39: {  	s29 =	sshra.s32 s29, $0x2;
	[sflag:s18] =	ssyncset.done $0x0  }
0x3a: {  	s30 =	sadd.s32 $0x2800, s29;
	[sflag:s18] =	ssyncadd.s32 $0xFFFFE000  }
0x3b: {  	[spmem:s1] =	stream.indirect.scatter.add.f32 [tilespmem:s16], [sflag:$0x3], $0x40, s30, s15, $0xb8;
	[tilespmem:$0x1D000] =	vst v63  }
0x3c: {  	_ =	swait.ge [sflag:s19], $0x2000  }
0x3d: {  	[sflag:s19] =	ssyncset.done $0x0  }
0x3e: {  	s30 =	sadd.s32 $0x2880, s29;
	[sflag:s19] =	ssyncadd.s32 $0xFFFFE000  }
0x3f: {  	[spmem:s1] =	stream.indirect.scatter.add.f32 [tilespmem:s17], [sflag:$0x4], $0x40, s30, s15, $0xb8;
	[tilespmem:$0x1D000] =	vst v63  }
0x40: {  	_ =	swait.ge [sflag:s20], $0x2000  }
0x41: {  	[sflag:s20] =	ssyncset.done $0x0  }
.Ltmp0:
0x42: {  	s30 =	sadd.s32 $0x100, s29;
	[sflag:s20] =	ssyncadd.s32 $0xFFFFE000;
	(pc) =	sbr.rel @p0 .LBB2_2-.Ltmp0, $4  }
0x43: {  	[tilespmem:s16], [sflag:$0x1] =	stream.indirect.gather [spmem:s3], $0x40, s30, s15, $0xb8;
	[tilespmem:$0x1D000] =	vst v63  }
0x44: {  	_ =	swait.ge [sflag:s21], $0x2000  }
0x45: {  	[sflag:s21] =	ssyncset.done $0x0  }
0x46: {  	s29 =	sadd.s32 $0x180, s29;
	[sflag:s21] =	ssyncadd.s32 $0xFFFFE000  }
0x47: {  	[tilespmem:s17], [sflag:$0x2] =	stream.indirect.gather [spmem:s3], $0x40, s29, s15, $0xb8;
	[tilespmem:$0x1D000] =	vst v63  }
0x48: {  	_ =	swait.ge [sflag:s18], $0x2000  }
0x49: {  	[sflag:s18] =	ssyncset.done $0x0  }
0x4a: {  	[sflag:s18] =	ssyncadd.s32 $0xFFFFE000  }
0x4b: {  	[spmem:s1] =	stream.indirect.scatter.add.f32 [tilespmem:s16], [sflag:$0x3], $0x40, s22, s15, $0xb8;
	[tilespmem:$0x1D000] =	vst v63  }
0x4c: {  	_ =	swait.ge [sflag:s19], $0x2000  }
0x4d: {  	[sflag:s19] =	ssyncset.done $0x0  }
0x4e: {  	[sflag:s19] =	ssyncadd.s32 $0xFFFFE000  }
0x4f: {  	[spmem:s1] =	stream.indirect.scatter.add.f32 [tilespmem:s17], [sflag:$0x4], $0x40, s25, s15, $0xb8;
	[tilespmem:$0x1D000] =	vst v63  }
0x50: {  	_ =	swait.ge [sflag:s20], $0x2000  }
0x51: {  	[sflag:s20] =	ssyncset.done $0x0  }
0x52: {  	[sflag:s20] =	ssyncadd.s32 $0xFFFFE000  }
0x53: {  	_ =	swait.ge [sflag:s21], $0x2000  }
0x54: {  	[sflag:s21] =	ssyncset.done $0x0  }
0x55: {  	[sflag:s21] =	ssyncadd.s32 $0xFFFFE000  }
0x56: {  	[bflag:$0x0] =	sbarrier.arrive $0xFFFF  }
0x57: {  	[hbm:s23], [sflag:s12] =	dma.local [spmem:s13], $0x1400  }
0x58: {  	_ =	swait.ge [sflag:s10], $0x1400  }
0x59: {  	[sflag:s10] =	ssyncset.done $0x0  }
0x5a: {  	[sflag:s10] =	ssyncadd.s32 $0xFFFFEC00  }
0x5b: {  	[spmem:s13], [sflag:s12] =	dma.local [hbm:s8], $0x1400  }
0x5c: {  	_ =	swait.ge [sflag:s10], $0x1400  }
0x5d: {  	[sflag:s10] =	ssyncset.done $0x0  }
0x5e: {  	[sflag:s10] =	ssyncadd.s32 $0xFFFFEC00  }
0x5f: {  	[spmem:s14], [sflag:s12] =	dma.local [hbm:s8], $0x1400  }
0x60: {  	_ =	swait.ge [sflag:s10], $0x1400  }
0x61: {  	[sflag:s10] =	ssyncset.done $0x0  }
0x62: {  	[sflag:s10] =	ssyncadd.s32 $0xFFFFEC00  }
0x63: {  	s28 =	simm.s32 $0x0;
	[bflag:$0x0] =	sbarrier.arrive $0xFFFF  }
0x64: {  	[tilespmem:s16], [sflag:$0x1] =	stream.indirect.gather [spmem:s3], $0x40, s28, s15, $0xb8;
	[tilespmem:$0x1D000] =	vst v63  }
0x65: {  	_ = 	snop  }
0x66: {  	[tilespmem:s17], [sflag:$0x2] =	stream.indirect.gather [spmem:s3], $0x40, s15, s15, $0xb8;
	[tilespmem:$0x1D000] =	vst v63  }
0x67: {  	_ =	swait.ge [sflag:s18], $0x2000  }
0x68: {  	[sflag:s18] =	ssyncset.done $0x0  }
0x69: {  	s28 =	simm.s32 $0x2800;
	[sflag:s18] =	ssyncadd.s32 $0xFFFFE000  }
0x6a: {  	[spmem:s1] =	stream.indirect.scatter.add.f32 [tilespmem:s16], [sflag:$0x3], $0x40, s28, s15, $0xb8;
	[tilespmem:$0x1D000] =	vst v63  }
0x6b: {  	_ =	swait.ge [sflag:s19], $0x2000  }
0x6c: {  	[sflag:s19] =	ssyncset.done $0x0  }
0x6d: {  	s28 =	simm.s32 $0x2880;
	[sflag:s19] =	ssyncadd.s32 $0xFFFFE000  }
0x6e: {  	[spmem:s1] =	stream.indirect.scatter.add.f32 [tilespmem:s17], [sflag:$0x4], $0x40, s28, s15, $0xb8;
	[tilespmem:$0x1D000] =	vst v63  }
0x6f: {  	_ =	swait.ge [sflag:s20], $0x2000  }
0x70: {  	[sflag:s20] =	ssyncset.done $0x0  }
0x71: {  	s28 =	simm.s32 $0x100;
	[sflag:s20] =	ssyncadd.s32 $0xFFFFE000  }
0x72: {  	[tilespmem:s16], [sflag:$0x1] =	stream.indirect.gather [spmem:s3], $0x40, s28, s15, $0xb8;
	[tilespmem:$0x1D000] =	vst v63  }
0x73: {  	_ =	swait.ge [sflag:s21], $0x2000  }
0x74: {  	[sflag:s21] =	ssyncset.done $0x0  }
0x75: {  	s29 =	simm.s32 $0x180;
	s28 =	simm.s32 $0x400;
	[sflag:s21] =	ssyncadd.s32 $0xFFFFE000  }
.LBB2_4:
0x76: {  	[tilespmem:s17], [sflag:$0x2] =	stream.indirect.gather [spmem:s3], $0x40, s29, s15, $0xb8;
	[tilespmem:$0x1D000] =	vst v63  }
0x77: {  	s29 =	smov.u32 s28  }
0x78: {  	p0 =	sne.s32 s28, $0x9800;
	s28 =	sadd.s32 $0x400, s28;
	_ =	swait.ge [sflag:s18], $0x2000  }
0x79: {  	s29 =	sshra.s32 s29, $0x2;
	[sflag:s18] =	ssyncset.done $0x0  }
0x7a: {  	s30 =	sadd.s32 $0x2800, s29;
	[sflag:s18] =	ssyncadd.s32 $0xFFFFE000  }
0x7b: {  	[spmem:s1] =	stream.indirect.scatter.add.f32 [tilespmem:s16], [sflag:$0x3], $0x40, s30, s15, $0xb8;
	[tilespmem:$0x1D000] =	vst v63  }
0x7c: {  	_ =	swait.ge [sflag:s19], $0x2000  }
0x7d: {  	[sflag:s19] =	ssyncset.done $0x0  }
0x7e: {  	s30 =	sadd.s32 $0x2880, s29;
	[sflag:s19] =	ssyncadd.s32 $0xFFFFE000  }
0x7f: {  	[spmem:s1] =	stream.indirect.scatter.add.f32 [tilespmem:s17], [sflag:$0x4], $0x40, s30, s15, $0xb8;
	[tilespmem:$0x1D000] =	vst v63  }
0x80: {  	_ =	swait.ge [sflag:s20], $0x2000  }
0x81: {  	[sflag:s20] =	ssyncset.done $0x0  }
.Ltmp1:
0x82: {  	s30 =	sadd.s32 $0x100, s29;
	[sflag:s20] =	ssyncadd.s32 $0xFFFFE000;
	(pc) =	sbr.rel @p0 .LBB2_4-.Ltmp1, $4  }
0x83: {  	[tilespmem:s16], [sflag:$0x1] =	stream.indirect.gather [spmem:s3], $0x40, s30, s15, $0xb8;
	[tilespmem:$0x1D000] =	vst v63  }
0x84: {  	_ =	swait.ge [sflag:s21], $0x2000  }
0x85: {  	[sflag:s21] =	ssyncset.done $0x0  }
0x86: {  	s29 =	sadd.s32 $0x180, s29;
	[sflag:s21] =	ssyncadd.s32 $0xFFFFE000  }
0x87: {  	[tilespmem:s17], [sflag:$0x2] =	stream.indirect.gather [spmem:s3], $0x40, s29, s15, $0xb8;
	[tilespmem:$0x1D000] =	vst v63  }
0x88: {  	_ =	swait.ge [sflag:s18], $0x2000  }
0x89: {  	[sflag:s18] =	ssyncset.done $0x0  }
0x8a: {  	[sflag:s18] =	ssyncadd.s32 $0xFFFFE000  }
0x8b: {  	[spmem:s1] =	stream.indirect.scatter.add.f32 [tilespmem:s16], [sflag:$0x3], $0x40, s22, s15, $0xb8;
	[tilespmem:$0x1D000] =	vst v63  }
0x8c: {  	_ =	swait.ge [sflag:s19], $0x2000  }
0x8d: {  	[sflag:s19] =	ssyncset.done $0x0  }
0x8e: {  	[sflag:s19] =	ssyncadd.s32 $0xFFFFE000  }
0x8f: {  	[spmem:s1] =	stream.indirect.scatter.add.f32 [tilespmem:s17], [sflag:$0x4], $0x40, s25, s15, $0xb8;
	[tilespmem:$0x1D000] =	vst v63  }
0x90: {  	_ =	swait.ge [sflag:s20], $0x2000  }
0x91: {  	[sflag:s20] =	ssyncset.done $0x0  }
0x92: {  	[sflag:s20] =	ssyncadd.s32 $0xFFFFE000  }
0x93: {  	_ =	swait.ge [sflag:s21], $0x2000  }
0x94: {  	s26 =	sadd.s32 $0x1, s26;
	[sflag:s21] =	ssyncset.done $0x0  }
0x95: {  	p0 =	sne.s32 s26, s9;
	[sflag:s21] =	ssyncadd.s32 $0xFFFFE000  }
.Ltmp2:
0x96: {  	[bflag:$0x0] =	sbarrier.arrive $0xFFFF;
	(pc) =	sbr.rel @p0 .LBB2_1-.Ltmp2, $4  }
0x97: {  	[hbm:s24], [sflag:s12] =	dma.local [spmem:s13], $0x1400  }
0x98: {  	_ =	swait.ge [sflag:s10], $0x1400  }
0x99: {  	[sflag:s10] =	ssyncset.done $0x0  }
0x9a: {  	[sflag:s10] =	ssyncadd.s32 $0xFFFFEC00  }
0x9b: {  	_ =	sfence.sel $0x180000  }
0x9c: {  	[bflag:$0x0] =	sbarrier.arrive $0xFFFF  }
0x9d: {  	p0 =	sne.s32 s2, $0x0;
	_ =	strace $0x9000004D  }
0x9e: {  	s0 =	sadd.s32 @!p0 $0x100000, s0;
	[bflag:$0x2] =	sbarrier.arrive $0xFFFF  }
0x9f: {  	[sflag:s0] =	ssyncadd.tile.s32 @!p0 $0x1;
	_ =	shalt  }
.Lfunc_end2:
_tile_overlayer_lowered:
.L_overlay_start_2:
0xa0: {  	(tag) =	ssettag $0x2  }
0xa1: {  	s0 =	rddreg [dreg:$0x0];
	s2 =	stileid.u32  }
0xa2: {  	s1 =	rddreg [dreg:$0x1];
	p0 =	sne.s32 s2, $0x0  }
0xa3: {  	s3 =	rddreg [dreg:$0x2];
	[bflag:$0x3] =	sbarrier.arrive $0xFFFF;
	s2 =	simm.s32 @!p0 $0x1C05  }
0xa4: {  	[timem:s3], [sflag:s2] =	dma.local @!p0 [hbm:s0], s1  }
0xa5: {  	s0 =	simm.s32 @!p0 $0x5  }
0xa6: {  	_ =	swait.ge @!p0 [sflag:s0], s1  }
0xa7: {  	s1 =	ssub.s32 @!p0 $0x0, s1;
	[sflag:s0] =	ssyncset.done @!p0 $0x0  }
0xa8: {  	[sflag:s0] =	ssyncadd.s32 @!p0 s1  }
0xa9: {  	[bflag:$0x3] =	sbarrier.arrive $0xFFFF  }
0xaa: {  	_ =	shalt  }

// kernel: kernel.22.cloned.1.call-start
scs
__scs_entry_jumppad:
0x0: {  	(pc) =	sbr.rel $0x88, $3  }
0x1: {  	(tag) =	ssettag $0x0;
	lr =	simm.s32 $0x1  }
0x2: {  	[smem:$0x3F97] =	sst lr;
	_ =	strace $0xD0000000  }
0x3: {  	_ = 	snop  }
0x4: {  	_ = 	snop  }
0x5: {  	_ = 	snop  }
0x6: {  	_ = 	snop  }
0x7: {  	_ = 	snop  }
__scs_overlays_trampoline_lowered:
0x8: {  	[smem:$0x3FA6] =	sst s0  }
0x9: {  	[smem:$0x3FA7] =	sst s1  }
0xa: {  	[smem:$0x3FA8] =	sst s2  }
0xb: {  	[smem:$0x3FA9] =	sst s3  }
0xc: {  	[smem:$0x3FAA] =	sst s4  }
0xd: {  	[smem:$0x3FAB] =	sst s5  }
0xe: {  	[smem:$0x3FAC] =	sst s6  }
0xf: {  	[smem:$0x3FAD] =	sst s7  }
0x10: {  	[smem:$0x3FAE] =	sst s8  }
0x11: {  	[smem:$0x3FAF] =	sst s9;
	s0 =	simm.s32 @!p0 $0x0  }
0x12: {  	s1 =	sld [smem:$0x3F95];
	s0 =	simm.s32 @p0 $0x1  }
0x13: {  	[smem:$0x3FB0] =	sst s0;
	s0 =	simm.s32 @!p1 $0x0  }
0x14: {  	s2 =	sld [smem:$0x3F94];
	s0 =	simm.s32 @p1 $0x1  }
0x15: {  	[smem:$0x3FB1] =	sst s0;
	s0 =	simm.s32 @!p2 $0x0  }
0x16: {  	s3 =	sld [smem:$0x3FDB];
	s0 =	simm.s32 @p2 $0x1  }
0x17: {  	s4 =	simm.s32 $0x1BF5;
	[smem:$0x3FB3] =	sst s0  }
0x18: {  	s0 =	sld [smem:$0x3F96];
	_ =	swait.ge [sflag:s4], $0x0  }
0x19: {  	s7 =	sld [smem:$0x3F97]  }
0x1a: {  	s8 =	sadd.s32 $0xFFFFE003, lr  }
0x1b: {  	s9 =	sadd.s32 $0xFFFFFEF7, lr;
	s5 =	simm.s32 $0xFFFFFFFF;
	p2 =	slt.u32 s8, $0xFFFFF086  }
0x1c: {  	p1 =	slt.u32 s9, $0xF7A;
	s5 =	simm.s32 @!p2 $0x0  }
0x1d: {  	s5 =	simm.s32 @p1 $0x1;
	p0 =	seq.s32 s7, s2  }
0x1e: {  	s7 =	smul.u32 @!p0 $0xF7A, s2;
	p2 =	seq.s32 @!p0 s5, $0x0  }
0x1f: {  	s9 =	smul.u32 $0xF7A, s1;
	s8 =	simm.s32 @!p0 $0x1BF5;
	p2 =	por !p2, p0  }
0x20: {  	[sflag:s8] =	ssyncset.s32 @!p0 $0xFFFFF086;
	s6 =	sadd.s32 @!p0 s3, s7;
	s7 =	simm.s32 @!p0 $0x108  }
0x21: {  	s3 =	sadd.s32 s3, s9;
	s6 =	sadd.s32 @!p0 $0x88, s6;
	s7 =	simm.s32 @p2 $0x1082  }
0x22: {  	[simem:s7], [sflag:s8] =	dma.local @!p0 [hbm:s6], $0xF7A  }
0x23: {  	s9 =	sor.u32 $0xD0000000, s2;
	s6 =	simm.s32 $0x108;
	_ =	swait.ge @!p0 [sflag:s8], $0x0  }
0x24: {  	s3 =	sadd.s32 $0x88, s3;
	s6 =	simm.s32 @!p1 $0x1082;
	[sflag:s4] =	ssyncset.s32 $0xFFFFF086  }
0x25: {  	[simem:s6], [sflag:s4] =	dma.local [hbm:s3], $0xF7A  }
0x26: {  	[smem:$0x3F97] =	sst s1;
	(tag) =	ssettag s2;
	_ =	strace s9  }
0x27: {  	s1 =	sld [smem:$0x3FA7]  }
0x28: {  	s2 =	sld [smem:$0x3FA8]  }
0x29: {  	s4 =	sld [smem:$0x3FAA]  }
0x2a: {  	p0 =	seq.s32 s5, $0x0;
	s5 =	sld [smem:$0x3FAB]  }
0x2b: {  	s6 =	sld [smem:$0x3FAC]  }
0x2c: {  	s7 =	sld [smem:$0x3FAD]  }
0x2d: {  	s3 =	simm.s32 $0x108;
	s8 =	sld [smem:$0x3FAE]  }
0x2e: {  	s3 =	simm.s32 @!p0 $0x1082;
	s9 =	sld [smem:$0x3FAF]  }
0x2f: {  	lr =	sadd.s32 s0, s3;
	s0 =	sld [smem:$0x3FA6]  }
0x30: {  	s3 =	sld [smem:$0x3FA9]  }
0x31: {  	[smem:$0x3FB2] =	sst s10  }
0x32: {  	s10 =	sld [smem:$0x3FB0];
	_ =	sdelay $0x3  }
0x33: {  	p0 =	seq.s32 s10, $0x1;
	s10 =	sld [smem:$0x3FB2];
	_ =	sdelay $0x3  }
0x34: {  	[smem:$0x3FB2] =	sst s10  }
0x35: {  	s10 =	sld [smem:$0x3FB1];
	_ =	sdelay $0x3  }
0x36: {  	p1 =	seq.s32 s10, $0x1;
	s10 =	sld [smem:$0x3FB2];
	_ =	sdelay $0x3  }
0x37: {  	[smem:$0x3FB2] =	sst s10  }
0x38: {  	s10 =	sld [smem:$0x3FB3]  }
0x39: {  	_ = 	snop;
	(pc) =	sbr.ind lr, $3  }
0x3a: {  	_ = 	snop  }
0x3b: {  	_ = 	snop  }
0x3c: {  	p2 =	seq.s32 s10, $0x1;
	s10 =	sld [smem:$0x3FB2]  }
0x3d: {  	_ =	shalt  }
0x3e: {  	_ =	shalt  }
0x3f: {  	_ =	shalt  }
0x40: {  	_ =	shalt  }
0x41: {  	_ =	shalt  }
0x42: {  	_ =	shalt  }
0x43: {  	_ =	shalt  }
0x44: {  	_ =	shalt  }
0x45: {  	_ =	shalt  }
0x46: {  	_ =	shalt  }
0x47: {  	_ =	shalt  }
0x48: {  	_ =	shalt  }
0x49: {  	_ =	shalt  }
0x4a: {  	_ =	shalt  }
0x4b: {  	_ =	shalt  }
0x4c: {  	_ =	shalt  }
0x4d: {  	_ =	shalt  }
0x4e: {  	_ =	shalt  }
0x4f: {  	_ =	shalt  }
0x50: {  	_ =	shalt  }
0x51: {  	_ =	shalt  }
0x52: {  	_ =	shalt  }
0x53: {  	_ =	shalt  }
0x54: {  	_ =	shalt  }
0x55: {  	_ =	shalt  }
0x56: {  	_ =	shalt  }
0x57: {  	_ =	shalt  }
0x58: {  	_ =	shalt  }
0x59: {  	_ =	shalt  }
0x5a: {  	_ =	shalt  }
0x5b: {  	_ =	shalt  }
0x5c: {  	_ =	shalt  }
0x5d: {  	_ =	shalt  }
0x5e: {  	_ =	shalt  }
0x5f: {  	_ =	shalt  }
0x60: {  	_ =	shalt  }
0x61: {  	_ =	shalt  }
0x62: {  	_ =	shalt  }
0x63: {  	_ =	shalt  }
0x64: {  	_ =	shalt  }
0x65: {  	_ =	shalt  }
0x66: {  	_ =	shalt  }
0x67: {  	_ =	shalt  }
0x68: {  	_ =	shalt  }
0x69: {  	_ =	shalt  }
0x6a: {  	_ =	shalt  }
0x6b: {  	_ =	shalt  }
0x6c: {  	_ =	shalt  }
0x6d: {  	_ =	shalt  }
0x6e: {  	_ =	shalt  }
0x6f: {  	_ =	shalt  }
0x70: {  	_ =	shalt  }
0x71: {  	_ =	shalt  }
0x72: {  	_ =	shalt  }
0x73: {  	_ =	shalt  }
0x74: {  	_ =	shalt  }
0x75: {  	_ =	shalt  }
0x76: {  	_ =	shalt  }
0x77: {  	_ =	shalt  }
0x78: {  	_ =	shalt  }
0x79: {  	_ =	shalt  }
0x7a: {  	_ =	shalt  }
0x7b: {  	_ =	shalt  }
0x7c: {  	_ =	shalt  }
0x7d: {  	_ =	shalt  }
0x7e: {  	_ =	shalt  }
0x7f: {  	_ =	shalt  }
0x80: {  	_ =	shalt  }
0x81: {  	_ =	shalt  }
0x82: {  	_ =	shalt  }
0x83: {  	_ =	shalt  }
0x84: {  	_ =	shalt  }
0x85: {  	_ =	shalt  }
0x86: {  	_ =	shalt  }
0x87: {  	_ =	shalt  }
.Lfunc_end0:
.L_simem_size_0:
called_computation.3_lowered:
.L_overlay_start_0:
0x88: {  	s2 =	sld [smem:$0x3FD9]  }
0x89: {  	s3 =	sld [smem:$0x3FFE];
	_ =	sdelay $0x1  }
0x8a: {  	s1 =	srdreg.scid  }
0x8b: {  	s0 =	sand.u32 $0x1, s1  }
0x8c: {  	s16 =	sshll.u32 s0, $0xA;
	s2 =	sadd.s32 s3, s2  }
0x8d: {  	s2 =	sadd.s32 s2, s16  }
0x8e: {  	[smem:$0x3FBE] =	sst s2  }
0x8f: {  	_ = 	snop  }
0x90: {  	(tm) =	ssettm $0x1  }
0x91: {  	s17 =	sld [smem:$0x3FFB];
	_ =	sdelay $0x3  }
0x92: {  	_ =	strace s17  }
0x93: {  	s2 =	sld [smem:$0x3FFC];
	_ =	sdelay $0x3  }
0x94: {  	_ =	strace s2  }
0x95: {  	s2 =	sld [smem:$0x3FFD];
	_ =	sdelay $0x3  }
0x96: {  	_ =	strace s2  }
0x97: {  	_ =	strace $0x8FFFFFFF  }
0x98: {  	s18 =	sld [smem:$0x3FDB];
	_ =	sdelay $0x1  }
0x99: {  	s19 =	simm.s32 $_scs_section_size  }
0x9a: {  	s4 =	simm.s32 $_size__tile_overlayer_lowered;
	s5 =	simm.s32 $_tile_overlayer_lowered  }
0x9b: {  	s22 =	simm.s32 $0x1BFF;
	s21 =	sshll.u32 s5, $0x1;
	s2 =	sadd.s32 s19, s18  }
0x9c: {  	s6 =	simm.s32 $0x0;
	s20 =	sshll.u32 s4, $0x1;
	s4 =	sadd.s32 s21, s2  }
0x9d: {  	[timem:s6], [sflag:s22] =	dma.local [hbm:s4], s20  }
0x9e: {  	_ =	swait.ge [sflag:s22], s20  }
0x9f: {  	s3 =	ssub.s32 $0x0, s20;
	[sflag:s22] =	ssyncset.done $0x0  }
0xa0: {  	[sflag:s22] =	ssyncadd.s32 s3;
	_ =	sdelay $0x1  }
0xa1: {  	s23 =	simm.s32 $0x1B8B  }
0xa2: {  	_ =	swait.ge [sflag:s23], $0x1  }
0xa3: {  	[sflag:s23] =	ssyncset.done $0x0  }
0xa4: {  	s25 =	simm.s32 $0x1B8E;
	s24 =	sld [smem:$0x3FFE];
	[sflag:s23] =	ssyncadd.s32 $0xFFFFFFFF  }
0xa5: {  	s26 =	simm.s32 $execute0_lowered;
	[smem:$0x3FD2] =	sst s25  }
0xa6: {  	s4 =	sshll.u32 s26, $0x1;
	_ =	strace $0x8000004F;
	[dreg:$0x1] =	wrdreg $0xFFFFFFFF  }
0xa7: {  	s28 =	simm.s32 $_size_execute0_lowered;
	s2 =	sadd.s32 s2, s4;
	[dreg:$0x0] =	wrdreg $0x0  }
0xa8: {  	s4 =	sshll.u32 s28, $0x1;
	[dreg:$0x2] =	wrdreg s2  }
0xa9: {  	[dreg:$0x3] =	wrdreg s4  }
0xaa: {  	[dreg:$0x4] =	wrdreg $0xC0  }
0xab: {  	_ =	task [dreg:s6], $0x5FFFF  }
0xac: {  	[dreg:$0x1] =	wrdreg $0xFFFFFFFF  }
0xad: {  	[dreg:$0x0] =	wrdreg $0x60  }
0xae: {  	[dreg:$0x2] =	wrdreg s24  }
0xaf: {  	[dreg:$0x3] =	wrdreg $0x120000  }
0xb0: {  	[dreg:$0x4] =	wrdreg $0xD0000  }
0xb1: {  	[dreg:$0x5] =	wrdreg $0x9  }
0xb2: {  	_ =	task.clear_ibuf [dreg:s6], $0x6FFFF;
	_ =	strace $0x9000004F  }
0xb3: {  	s29 =	simm.s32 $0x9;
	_ =	strace $0x80000051  }
0xb4: {  	_ =	swait.ge [sflag:s29], $0x1  }
0xb5: {  	[sflag:s29] =	ssyncadd.s32 $0xFFFFFFFF  }
0xb6: {  	_ =	strace $0x90000051  }
0xb7: {  	_ =	sfence  }
0xb8: {  	s30 =	sld [smem:$0x0];
	_ =	sdelay $0x2  }
0xb9: {  	s31 =	sshll.u32 s1, $0xD;
	s1 =	sshrl.u32 s1, $0x2  }
0xba: {  	s3 =	sand.u32 $0x4000, s31;
	s1 =	sadd.s32 s1, s30  }
0xbb: {  	s0 =	sor.u32 s3, s0;
	s1 =	sshll.u32 s1, $0x11  }
0xbc: {  	s0 =	sor.u32 s1, s0  }
0xbd: {  	s0 =	sadd.s32 $0x8F2B, s0  }
0xbe: {  	[sflag:s0] =	ssyncadd.remote.s32 $0x1  }
0xbf: {  	_ =	sfence.sel $0xFFFF  }
0xc0: {  	[dreg:$0x0] =	wrdreg $0xFFFFFFFF;
	(pc) =	sbr.abs _section_cstart, $3  }
0xc1: {  	[dreg:$0x1] =	wrdreg $0xFFFFFFFF  }
0xc2: {  	_ =	task.clear_ibuf [dreg:s6], $0x2FFFF;
	_ =	strace $0x9FFFFFFF  }
0xc3: {  	(tm) =	ssettm $0x7FFFFFFF  }
tec
execute0_lowered:
.L_overlay_start_1:
0x0: {  	(tag) =	ssettag $0x1  }
0x1: {  	s0 =	rddreg [dreg:$0x0]  }
0x2: {  	s1 =	rddreg [dreg:$0x1];
	s2 =	srdreg.scid  }
0x3: {  	s3 =	rddreg [dreg:$0x2];
	s10 =	stileid.u32;
	s6 =	simm.s32 $0x0  }
0x4: {  	s12 =	simm.s32 $0x11;
	s14 =	simm.s32 $0x80;
	s15 =	simm.s32 $0x5000  }
0x5: {  	s16 =	simm.s32 $0x6000;
	s18 =	simm.s32 $0x7000;
	s20 =	simm.s32 $0x8000  }
0x6: {  	s22 =	simm.s32 $0x9000;
	s28 =	simm.s32 $0xB000;
	s30 =	simm.s32 $0xC000  }
0x7: {  	s31 =	simm.s32 $0x1;
	s17 =	simm.s32 $0x5;
	s19 =	simm.s32 $0x6  }
0x8: {  	s29 =	simm.s32 $0xA;
	s13 =	simm.s32 $0xE;
	s2 =	sand.u32 $0x1, s2  }
0x9: {  	s5 =	smul.u32 $0x5000, s10;
	[smem:$0x7FF] =	sst s6;
	s26 =	sshll.u32 s10, $0x6  }
0xa: {  	s6 =	simm.s32 $0xC;
	s4 =	sshll.u32 s2, $0x4;
	s7 =	smul.u32 $0xA000, s2  }
0xb: {  	s2 =	ssub.s32 $0x2, s2;
	_ =	strace $0x80000050;
	s4 =	sor.u32 s10, s4  }
0xc: {  	s21 =	sshrl.u32 s5, $0x3;
	s9 =	sshrl.u32 s2, $0x1;
	s24 =	sadd.s32 s5, s1  }
0xd: {  	s5 =	sadd.s32 s5, s3;
	s10 =	simm.s32 $0x4;
	s4 =	smul.u32 $0x500, s4  }
0xe: {  	s8 =	sadd.s32 s21, s0;
	s2 =	ssub.s32 s2, s9;
	s5 =	sshrl.u32 s5, $0x3  }
0xf: {  	s11 =	sshrl.u32 s24, $0x3;
	s24 =	simm.s32 $0xF;
	[dreg:$0xa] =	wrdreg s5  }
0x10: {  	s25 =	sadd.s32 $0xDE00, s8;
	s2 =	smax.u32 s2, $0x1;
	[dreg:$0x8] =	wrdreg s11  }
0x11: {  	s5 =	simm.s32 $0xB;
	s8 =	simm.s32 $0xD;
	[dreg:$0x6] =	wrdreg s25  }
0x12: {  	s4 =	sadd.s32 s4, s0;
	[dreg:$0x7] =	wrdreg s2;
	s2 =	sor.u32 $0x1C11, s26  }
0x13: {  	s0 =	sadd.s32 s7, s0;
	s7 =	simm.s32 $0x0;
	[dreg:$0x9] =	wrdreg s2  }
0x14: {  	s25 =	simm.s32 $0xA000;
	s23 =	sadd.s32 $0x1CE00, s4;
	[dreg:$0xc] =	wrdreg s7  }
0x15: {  	s26 =	simm.s32 $0x9;
	s4 =	sadd.s32 $0x3E00, s4;
	[dreg:$0x4] =	wrdreg s23  }
0x16: {  	s0 =	sadd.s32 $0x26E00, s0;
	s2 =	simm.s32 $0x3;
	[dreg:$0x5] =	wrdreg s4  }
0x17: {  	s0 =	sadd.s32 s21, s0;
	s21 =	simm.s32 $0x7;
	s23 =	simm.s32 $0x8  }
0x18: {  	s4 =	simm.s32 $0x10;
	[dreg:$0xb] =	wrdreg s0;
	s0 =	simm.s32 $0x2  }
.LBB2_1:
0x19: {  	s7 =	simm.s32 $0x0;
	s11 =	rddreg [dreg:$0x4]  }
0x1a: {  	[tilespmem:s7], [sflag:$0x11] =	stream.linear.gather [hbm4b:s11+s7], $0x2800, $0x38;
	[tilespmem:$0x17000] =	vst v63  }
0x1b: {  	_ =	swait.ge [sflag:s12], $0x2800  }
0x1c: {  	s9 =	simm.s32 $0x0;
	[sflag:s12] =	ssyncset.done $0x0  }
0x1d: {  	s7 =	simm.s32 $0x2800;
	s11 =	rddreg [dreg:$0x5];
	[sflag:s12] =	ssyncadd.s32 $0xFFFFD800  }
0x1e: {  	[tilespmem:s7], [sflag:$0x11] =	stream.linear.gather [hbm4b:s11+s9], $0x2800, $0x38;
	[tilespmem:$0x17000] =	vst v63  }
0x1f: {  	s7 =	rddreg [dreg:$0x9];
	_ =	swait.ge [sflag:s12], $0x2800  }
0x20: {  	[sflag:s12] =	ssyncset.done $0x0;
	s11 =	rddreg [dreg:$0x6]  }
0x21: {  	s9 =	rddreg [dreg:$0x8];
	[sflag:s12] =	ssyncadd.s32 $0xFFFFD800  }
0x22: {  	[spmem:s9], [sflag:s7] =	dma.local [hbm:s11], $0xA00  }
0x23: {  	_ =	swait.ge [sflag:s12], $0xA00  }
0x24: {  	[sflag:s12] =	ssyncset.done $0x0  }
0x25: {  	s9 =	rddreg [dreg:$0xa];
	[sflag:s12] =	ssyncadd.s32 $0xFFFFF600  }
0x26: {  	[spmem:s9], [sflag:s7] =	dma.local [hbm:s11], $0xA00  }
0x27: {  	_ =	swait.ge [sflag:s12], $0xA00  }
0x28: {  	[sflag:s12] =	ssyncset.done $0x0  }
0x29: {  	[sflag:s12] =	ssyncadd.s32 $0xFFFFF600  }
0x2a: {  	s12 =	simm.s32 $0x0;
	[bflag:$0x0] =	sbarrier.arrive $0xFFFF  }
0x2b: {  	[tilespmem:s15], [sflag:$0x1] =	stream.indirect.gather [spmem:s3], $0x20, s12, s14, $0xb8;
	[tilespmem:$0x17000] =	vst v63  }
0x2c: {  	_ = 	snop  }
0x2d: {  	[tilespmem:s16], [sflag:$0x2] =	stream.indirect.gather [spmem:s3], $0x20, s14, s14, $0xb8;
	[tilespmem:$0x17000] =	vst v63  }
0x2e: {  	s7 =	simm.s32 $0x100  }
0x2f: {  	[tilespmem:s18], [sflag:$0x3] =	stream.indirect.gather [spmem:s3], $0x20, s7, s14, $0xb8;
	[tilespmem:$0x17000] =	vst v63  }
0x30: {  	s11 =	simm.s32 $0x180  }
0x31: {  	[tilespmem:s20], [sflag:$0x4] =	stream.indirect.gather [spmem:s3], $0x20, s11, s14, $0xb8;
	[tilespmem:$0x17000] =	vst v63  }
0x32: {  	s12 =	simm.s32 $0x200  }
0x33: {  	[tilespmem:s22], [sflag:$0x5] =	stream.indirect.gather [spmem:s3], $0x20, s12, s14, $0xb8;
	[tilespmem:$0x17000] =	vst v63  }
0x34: {  	s7 =	simm.s32 $0x280  }
0x35: {  	[tilespmem:s25], [sflag:$0x6] =	stream.indirect.gather [spmem:s3], $0x20, s7, s14, $0xb8;
	[tilespmem:$0x17000] =	vst v63  }
0x36: {  	s11 =	simm.s32 $0x300  }
0x37: {  	[tilespmem:s28], [sflag:$0x7] =	stream.indirect.gather [spmem:s3], $0x20, s11, s14, $0xb8;
	[tilespmem:$0x17000] =	vst v63  }
0x38: {  	s12 =	simm.s32 $0x380  }
0x39: {  	[tilespmem:s30], [sflag:$0x8] =	stream.indirect.gather [spmem:s3], $0x20, s12, s14, $0xb8;
	[tilespmem:$0x17000] =	vst v63  }
0x3a: {  	_ =	swait.ge [sflag:s31], $0x1000  }
0x3b: {  	[sflag:s31] =	ssyncset.done $0x0  }
0x3c: {  	s7 =	simm.s32 $0x2800;
	[sflag:s31] =	ssyncadd.s32 $0xFFFFF000  }
0x3d: {  	[spmem:s1] =	stream.indirect.scatter.add.f32 [tilespmem:s15], [sflag:$0x9], $0x20, s7, s14, $0xb8;
	[tilespmem:$0x17000] =	vst v63  }
0x3e: {  	_ =	swait.ge [sflag:s0], $0x1000  }
0x3f: {  	[sflag:s0] =	ssyncset.done $0x0  }
0x40: {  	s9 =	simm.s32 $0x2880;
	[sflag:s0] =	ssyncadd.s32 $0xFFFFF000  }
0x41: {  	[spmem:s1] =	stream.indirect.scatter.add.f32 [tilespmem:s16], [sflag:$0xA], $0x20, s9, s14, $0xb8;
	[tilespmem:$0x17000] =	vst v63  }
0x42: {  	_ =	swait.ge [sflag:s2], $0x1000  }
0x43: {  	[sflag:s2] =	ssyncset.done $0x0  }
0x44: {  	s12 =	simm.s32 $0x2900;
	[sflag:s2] =	ssyncadd.s32 $0xFFFFF000  }
0x45: {  	[spmem:s1] =	stream.indirect.scatter.add.f32 [tilespmem:s18], [sflag:$0xB], $0x20, s12, s14, $0xb8;
	[tilespmem:$0x17000] =	vst v63  }
0x46: {  	_ =	swait.ge [sflag:s10], $0x1000  }
0x47: {  	[sflag:s10] =	ssyncset.done $0x0  }
0x48: {  	s7 =	simm.s32 $0x2980;
	[sflag:s10] =	ssyncadd.s32 $0xFFFFF000  }
0x49: {  	[spmem:s1] =	stream.indirect.scatter.add.f32 [tilespmem:s20], [sflag:$0xC], $0x20, s7, s14, $0xb8;
	[tilespmem:$0x17000] =	vst v63  }
0x4a: {  	_ =	swait.ge [sflag:s17], $0x1000  }
0x4b: {  	[sflag:s17] =	ssyncset.done $0x0  }
0x4c: {  	s9 =	simm.s32 $0x2A00;
	[sflag:s17] =	ssyncadd.s32 $0xFFFFF000  }
0x4d: {  	[spmem:s1] =	stream.indirect.scatter.add.f32 [tilespmem:s22], [sflag:$0xD], $0x20, s9, s14, $0xb8;
	[tilespmem:$0x17000] =	vst v63  }
0x4e: {  	_ =	swait.ge [sflag:s19], $0x1000  }
0x4f: {  	[sflag:s19] =	ssyncset.done $0x0  }
0x50: {  	s12 =	simm.s32 $0x2A80;
	[sflag:s19] =	ssyncadd.s32 $0xFFFFF000  }
0x51: {  	[spmem:s1] =	stream.indirect.scatter.add.f32 [tilespmem:s25], [sflag:$0xE], $0x20, s12, s14, $0xb8;
	[tilespmem:$0x17000] =	vst v63  }
0x52: {  	_ =	swait.ge [sflag:s21], $0x1000  }
0x53: {  	[sflag:s21] =	ssyncset.done $0x0  }
0x54: {  	s7 =	simm.s32 $0x2B00;
	[sflag:s21] =	ssyncadd.s32 $0xFFFFF000  }
0x55: {  	[spmem:s1] =	stream.indirect.scatter.add.f32 [tilespmem:s28], [sflag:$0xF], $0x20, s7, s14, $0xb8;
	[tilespmem:$0x17000] =	vst v63  }
0x56: {  	_ =	swait.ge [sflag:s23], $0x1000  }
0x57: {  	[sflag:s23] =	ssyncset.done $0x0  }
0x58: {  	s9 =	simm.s32 $0x2B80;
	[sflag:s23] =	ssyncadd.s32 $0xFFFFF000  }
0x59: {  	[spmem:s1] =	stream.indirect.scatter.add.f32 [tilespmem:s30], [sflag:$0x10], $0x20, s9, s14, $0xb8;
	[tilespmem:$0x17000] =	vst v63  }
0x5a: {  	_ =	swait.ge [sflag:s26], $0x1000  }
0x5b: {  	[sflag:s26] =	ssyncset.done $0x0  }
0x5c: {  	s12 =	simm.s32 $0x400;
	[sflag:s26] =	ssyncadd.s32 $0xFFFFF000  }
0x5d: {  	[tilespmem:s15], [sflag:$0x1] =	stream.indirect.gather [spmem:s3], $0x20, s12, s14, $0xb8;
	[tilespmem:$0x17000] =	vst v63  }
0x5e: {  	_ =	swait.ge [sflag:s29], $0x1000  }
0x5f: {  	[sflag:s29] =	ssyncset.done $0x0  }
0x60: {  	s7 =	simm.s32 $0x480;
	[sflag:s29] =	ssyncadd.s32 $0xFFFFF000  }
0x61: {  	[tilespmem:s16], [sflag:$0x2] =	stream.indirect.gather [spmem:s3], $0x20, s7, s14, $0xb8;
	[tilespmem:$0x17000] =	vst v63  }
0x62: {  	_ =	swait.ge [sflag:s5], $0x1000  }
0x63: {  	[sflag:s5] =	ssyncset.done $0x0  }
0x64: {  	s9 =	simm.s32 $0x500;
	[sflag:s5] =	ssyncadd.s32 $0xFFFFF000  }
0x65: {  	[tilespmem:s18], [sflag:$0x3] =	stream.indirect.gather [spmem:s3], $0x20, s9, s14, $0xb8;
	[tilespmem:$0x17000] =	vst v63  }
0x66: {  	_ =	swait.ge [sflag:s6], $0x1000  }
0x67: {  	[sflag:s6] =	ssyncset.done $0x0  }
0x68: {  	s12 =	simm.s32 $0x580;
	[sflag:s6] =	ssyncadd.s32 $0xFFFFF000  }
0x69: {  	[tilespmem:s20], [sflag:$0x4] =	stream.indirect.gather [spmem:s3], $0x20, s12, s14, $0xb8;
	[tilespmem:$0x17000] =	vst v63  }
0x6a: {  	_ =	swait.ge [sflag:s8], $0x1000  }
0x6b: {  	[sflag:s8] =	ssyncset.done $0x0  }
0x6c: {  	s7 =	simm.s32 $0x600;
	[sflag:s8] =	ssyncadd.s32 $0xFFFFF000  }
0x6d: {  	[tilespmem:s22], [sflag:$0x5] =	stream.indirect.gather [spmem:s3], $0x20, s7, s14, $0xb8;
	[tilespmem:$0x17000] =	vst v63  }
0x6e: {  	_ =	swait.ge [sflag:s13], $0x1000  }
0x6f: {  	[sflag:s13] =	ssyncset.done $0x0  }
0x70: {  	s9 =	simm.s32 $0x680;
	[sflag:s13] =	ssyncadd.s32 $0xFFFFF000  }
0x71: {  	[tilespmem:s25], [sflag:$0x6] =	stream.indirect.gather [spmem:s3], $0x20, s9, s14, $0xb8;
	[tilespmem:$0x17000] =	vst v63  }
0x72: {  	_ =	swait.ge [sflag:s24], $0x1000  }
0x73: {  	[sflag:s24] =	ssyncset.done $0x0  }
0x74: {  	s12 =	simm.s32 $0x700;
	[sflag:s24] =	ssyncadd.s32 $0xFFFFF000  }
0x75: {  	[tilespmem:s28], [sflag:$0x7] =	stream.indirect.gather [spmem:s3], $0x20, s12, s14, $0xb8;
	[tilespmem:$0x17000] =	vst v63  }
0x76: {  	_ =	swait.ge [sflag:s4], $0x1000  }
0x77: {  	[sflag:s4] =	ssyncset.done $0x0  }
0x78: {  	s11 =	simm.s32 $0x780;
	s12 =	simm.s32 $0x1000;
	[sflag:s4] =	ssyncadd.s32 $0xFFFFF000  }
.LBB2_2:
0x79: {  	[tilespmem:s30], [sflag:$0x8] =	stream.indirect.gather [spmem:s3], $0x20, s11, s14, $0xb8;
	[tilespmem:$0x17000] =	vst v63  }
0x7a: {  	s11 =	smov.u32 s12  }
0x7b: {  	p0 =	sne.s32 s12, $0x8000;
	s12 =	sadd.s32 $0x1000, s12;
	_ =	swait.ge [sflag:s31], $0x1000  }
0x7c: {  	s11 =	sshra.s32 s11, $0x2;
	[sflag:s31] =	ssyncset.done $0x0  }
0x7d: {  	s9 =	sadd.s32 $0x2800, s11;
	[sflag:s31] =	ssyncadd.s32 $0xFFFFF000  }
0x7e: {  	[spmem:s1] =	stream.indirect.scatter.add.f32 [tilespmem:s15], [sflag:$0x9], $0x20, s9, s14, $0xb8;
	[tilespmem:$0x17000] =	vst v63  }
0x7f: {  	_ =	swait.ge [sflag:s0], $0x1000  }
0x80: {  	[sflag:s0] =	ssyncset.done $0x0  }
0x81: {  	s9 =	sadd.s32 $0x2880, s11;
	[sflag:s0] =	ssyncadd.s32 $0xFFFFF000  }
0x82: {  	[spmem:s1] =	stream.indirect.scatter.add.f32 [tilespmem:s16], [sflag:$0xA], $0x20, s9, s14, $0xb8;
	[tilespmem:$0x17000] =	vst v63  }
0x83: {  	_ =	swait.ge [sflag:s2], $0x1000  }
0x84: {  	[sflag:s2] =	ssyncset.done $0x0  }
0x85: {  	s9 =	sadd.s32 $0x2900, s11;
	[sflag:s2] =	ssyncadd.s32 $0xFFFFF000  }
0x86: {  	[spmem:s1] =	stream.indirect.scatter.add.f32 [tilespmem:s18], [sflag:$0xB], $0x20, s9, s14, $0xb8;
	[tilespmem:$0x17000] =	vst v63  }
0x87: {  	_ =	swait.ge [sflag:s10], $0x1000  }
0x88: {  	[sflag:s10] =	ssyncset.done $0x0  }
0x89: {  	s9 =	sadd.s32 $0x2980, s11;
	[sflag:s10] =	ssyncadd.s32 $0xFFFFF000  }
0x8a: {  	[spmem:s1] =	stream.indirect.scatter.add.f32 [tilespmem:s20], [sflag:$0xC], $0x20, s9, s14, $0xb8;
	[tilespmem:$0x17000] =	vst v63  }
0x8b: {  	_ =	swait.ge [sflag:s17], $0x1000  }
0x8c: {  	[sflag:s17] =	ssyncset.done $0x0  }
0x8d: {  	s9 =	sadd.s32 $0x2A00, s11;
	[sflag:s17] =	ssyncadd.s32 $0xFFFFF000  }
0x8e: {  	[spmem:s1] =	stream.indirect.scatter.add.f32 [tilespmem:s22], [sflag:$0xD], $0x20, s9, s14, $0xb8;
	[tilespmem:$0x17000] =	vst v63  }
0x8f: {  	_ =	swait.ge [sflag:s19], $0x1000  }
0x90: {  	[sflag:s19] =	ssyncset.done $0x0  }
0x91: {  	s9 =	sadd.s32 $0x2A80, s11;
	[sflag:s19] =	ssyncadd.s32 $0xFFFFF000  }
0x92: {  	[spmem:s1] =	stream.indirect.scatter.add.f32 [tilespmem:s25], [sflag:$0xE], $0x20, s9, s14, $0xb8;
	[tilespmem:$0x17000] =	vst v63  }
0x93: {  	_ =	swait.ge [sflag:s21], $0x1000  }
0x94: {  	[sflag:s21] =	ssyncset.done $0x0  }
0x95: {  	s9 =	sadd.s32 $0x2B00, s11;
	[sflag:s21] =	ssyncadd.s32 $0xFFFFF000  }
0x96: {  	[spmem:s1] =	stream.indirect.scatter.add.f32 [tilespmem:s28], [sflag:$0xF], $0x20, s9, s14, $0xb8;
	[tilespmem:$0x17000] =	vst v63  }
0x97: {  	_ =	swait.ge [sflag:s23], $0x1000  }
0x98: {  	[sflag:s23] =	ssyncset.done $0x0  }
0x99: {  	s9 =	sadd.s32 $0x2B80, s11;
	[sflag:s23] =	ssyncadd.s32 $0xFFFFF000  }
0x9a: {  	[spmem:s1] =	stream.indirect.scatter.add.f32 [tilespmem:s30], [sflag:$0x10], $0x20, s9, s14, $0xb8;
	[tilespmem:$0x17000] =	vst v63  }
0x9b: {  	_ =	swait.ge [sflag:s26], $0x1000  }
0x9c: {  	[sflag:s26] =	ssyncset.done $0x0  }
0x9d: {  	s9 =	sadd.s32 $0x400, s11;
	[sflag:s26] =	ssyncadd.s32 $0xFFFFF000  }
0x9e: {  	[tilespmem:s15], [sflag:$0x1] =	stream.indirect.gather [spmem:s3], $0x20, s9, s14, $0xb8;
	[tilespmem:$0x17000] =	vst v63  }
0x9f: {  	_ =	swait.ge [sflag:s29], $0x1000  }
0xa0: {  	[sflag:s29] =	ssyncset.done $0x0  }
0xa1: {  	s9 =	sadd.s32 $0x480, s11;
	[sflag:s29] =	ssyncadd.s32 $0xFFFFF000  }
0xa2: {  	[tilespmem:s16], [sflag:$0x2] =	stream.indirect.gather [spmem:s3], $0x20, s9, s14, $0xb8;
	[tilespmem:$0x17000] =	vst v63  }
0xa3: {  	_ =	swait.ge [sflag:s5], $0x1000  }
0xa4: {  	[sflag:s5] =	ssyncset.done $0x0  }
0xa5: {  	s9 =	sadd.s32 $0x500, s11;
	[sflag:s5] =	ssyncadd.s32 $0xFFFFF000  }
0xa6: {  	[tilespmem:s18], [sflag:$0x3] =	stream.indirect.gather [spmem:s3], $0x20, s9, s14, $0xb8;
	[tilespmem:$0x17000] =	vst v63  }
0xa7: {  	_ =	swait.ge [sflag:s6], $0x1000  }
0xa8: {  	[sflag:s6] =	ssyncset.done $0x0  }
0xa9: {  	s9 =	sadd.s32 $0x580, s11;
	[sflag:s6] =	ssyncadd.s32 $0xFFFFF000  }
0xaa: {  	[tilespmem:s20], [sflag:$0x4] =	stream.indirect.gather [spmem:s3], $0x20, s9, s14, $0xb8;
	[tilespmem:$0x17000] =	vst v63  }
0xab: {  	_ =	swait.ge [sflag:s8], $0x1000  }
0xac: {  	[sflag:s8] =	ssyncset.done $0x0  }
0xad: {  	s9 =	sadd.s32 $0x600, s11;
	[sflag:s8] =	ssyncadd.s32 $0xFFFFF000  }
0xae: {  	[tilespmem:s22], [sflag:$0x5] =	stream.indirect.gather [spmem:s3], $0x20, s9, s14, $0xb8;
	[tilespmem:$0x17000] =	vst v63  }
0xaf: {  	_ =	swait.ge [sflag:s13], $0x1000  }
0xb0: {  	[sflag:s13] =	ssyncset.done $0x0  }
0xb1: {  	s9 =	sadd.s32 $0x680, s11;
	[sflag:s13] =	ssyncadd.s32 $0xFFFFF000  }
0xb2: {  	[tilespmem:s25], [sflag:$0x6] =	stream.indirect.gather [spmem:s3], $0x20, s9, s14, $0xb8;
	[tilespmem:$0x17000] =	vst v63  }
0xb3: {  	_ =	swait.ge [sflag:s24], $0x1000  }
0xb4: {  	[sflag:s24] =	ssyncset.done $0x0  }
.Ltmp0:
0xb5: {  	s9 =	sadd.s32 $0x700, s11;
	[sflag:s24] =	ssyncadd.s32 $0xFFFFF000;
	(pc) =	sbr.rel @p0 .LBB2_2-.Ltmp0, $4  }
0xb6: {  	[tilespmem:s28], [sflag:$0x7] =	stream.indirect.gather [spmem:s3], $0x20, s9, s14, $0xb8;
	[tilespmem:$0x17000] =	vst v63  }
0xb7: {  	_ =	swait.ge [sflag:s4], $0x1000  }
0xb8: {  	[sflag:s4] =	ssyncset.done $0x0  }
0xb9: {  	s11 =	sadd.s32 $0x780, s11;
	[sflag:s4] =	ssyncadd.s32 $0xFFFFF000  }
0xba: {  	[tilespmem:s30], [sflag:$0x8] =	stream.indirect.gather [spmem:s3], $0x20, s11, s14, $0xb8;
	[tilespmem:$0x17000] =	vst v63  }
0xbb: {  	_ =	swait.ge [sflag:s31], $0x1000  }
0xbc: {  	[sflag:s31] =	ssyncset.done $0x0  }
0xbd: {  	s9 =	simm.s32 $0x4C00;
	[sflag:s31] =	ssyncadd.s32 $0xFFFFF000  }
0xbe: {  	[spmem:s1] =	stream.indirect.scatter.add.f32 [tilespmem:s15], [sflag:$0x9], $0x20, s9, s14, $0xb8;
	[tilespmem:$0x17000] =	vst v63  }
0xbf: {  	_ =	swait.ge [sflag:s0], $0x1000  }
0xc0: {  	[sflag:s0] =	ssyncset.done $0x0  }
0xc1: {  	s7 =	simm.s32 $0x4C80;
	[sflag:s0] =	ssyncadd.s32 $0xFFFFF000  }
0xc2: {  	[spmem:s1] =	stream.indirect.scatter.add.f32 [tilespmem:s16], [sflag:$0xA], $0x20, s7, s14, $0xb8;
	[tilespmem:$0x17000] =	vst v63  }
0xc3: {  	_ =	swait.ge [sflag:s2], $0x1000  }
0xc4: {  	[sflag:s2] =	ssyncset.done $0x0  }
0xc5: {  	s11 =	simm.s32 $0x4D00;
	[sflag:s2] =	ssyncadd.s32 $0xFFFFF000  }
0xc6: {  	[spmem:s1] =	stream.indirect.scatter.add.f32 [tilespmem:s18], [sflag:$0xB], $0x20, s11, s14, $0xb8;
	[tilespmem:$0x17000] =	vst v63  }
0xc7: {  	_ =	swait.ge [sflag:s10], $0x1000  }
0xc8: {  	[sflag:s10] =	ssyncset.done $0x0  }
0xc9: {  	s12 =	simm.s32 $0x4D80;
	[sflag:s10] =	ssyncadd.s32 $0xFFFFF000  }
0xca: {  	[spmem:s1] =	stream.indirect.scatter.add.f32 [tilespmem:s20], [sflag:$0xC], $0x20, s12, s14, $0xb8;
	[tilespmem:$0x17000] =	vst v63  }
0xcb: {  	_ =	swait.ge [sflag:s17], $0x1000  }
0xcc: {  	[sflag:s17] =	ssyncset.done $0x0  }
0xcd: {  	s7 =	simm.s32 $0x4E00;
	[sflag:s17] =	ssyncadd.s32 $0xFFFFF000  }
0xce: {  	[spmem:s1] =	stream.indirect.scatter.add.f32 [tilespmem:s22], [sflag:$0xD], $0x20, s7, s14, $0xb8;
	[tilespmem:$0x17000] =	vst v63  }
0xcf: {  	_ =	swait.ge [sflag:s19], $0x1000  }
0xd0: {  	[sflag:s19] =	ssyncset.done $0x0  }
0xd1: {  	s11 =	simm.s32 $0x4E80;
	[sflag:s19] =	ssyncadd.s32 $0xFFFFF000  }
0xd2: {  	[spmem:s1] =	stream.indirect.scatter.add.f32 [tilespmem:s25], [sflag:$0xE], $0x20, s11, s14, $0xb8;
	[tilespmem:$0x17000] =	vst v63  }
0xd3: {  	_ =	swait.ge [sflag:s21], $0x1000  }
0xd4: {  	[sflag:s21] =	ssyncset.done $0x0  }
0xd5: {  	s12 =	simm.s32 $0x4F00;
	[sflag:s21] =	ssyncadd.s32 $0xFFFFF000  }
0xd6: {  	[spmem:s1] =	stream.indirect.scatter.add.f32 [tilespmem:s28], [sflag:$0xF], $0x20, s12, s14, $0xb8;
	[tilespmem:$0x17000] =	vst v63  }
0xd7: {  	_ =	swait.ge [sflag:s23], $0x1000  }
0xd8: {  	[sflag:s23] =	ssyncset.done $0x0  }
0xd9: {  	s7 =	simm.s32 $0x4F80;
	[sflag:s23] =	ssyncadd.s32 $0xFFFFF000  }
0xda: {  	[spmem:s1] =	stream.indirect.scatter.add.f32 [tilespmem:s30], [sflag:$0x10], $0x20, s7, s14, $0xb8;
	[tilespmem:$0x17000] =	vst v63  }
0xdb: {  	_ =	swait.ge [sflag:s26], $0x1000  }
0xdc: {  	[sflag:s26] =	ssyncset.done $0x0  }
0xdd: {  	[sflag:s26] =	ssyncadd.s32 $0xFFFFF000  }
0xde: {  	_ =	swait.ge [sflag:s29], $0x1000  }
0xdf: {  	[sflag:s29] =	ssyncset.done $0x0  }
0xe0: {  	[sflag:s29] =	ssyncadd.s32 $0xFFFFF000  }
0xe1: {  	_ =	swait.ge [sflag:s5], $0x1000  }
0xe2: {  	[sflag:s5] =	ssyncset.done $0x0  }
0xe3: {  	[sflag:s5] =	ssyncadd.s32 $0xFFFFF000  }
0xe4: {  	_ =	swait.ge [sflag:s6], $0x1000  }
0xe5: {  	[sflag:s6] =	ssyncset.done $0x0  }
0xe6: {  	[sflag:s6] =	ssyncadd.s32 $0xFFFFF000  }
0xe7: {  	_ =	swait.ge [sflag:s8], $0x1000  }
0xe8: {  	[sflag:s8] =	ssyncset.done $0x0  }
0xe9: {  	[sflag:s8] =	ssyncadd.s32 $0xFFFFF000  }
0xea: {  	_ =	swait.ge [sflag:s13], $0x1000  }
0xeb: {  	[sflag:s13] =	ssyncset.done $0x0  }
0xec: {  	[sflag:s13] =	ssyncadd.s32 $0xFFFFF000  }
0xed: {  	_ =	swait.ge [sflag:s24], $0x1000  }
0xee: {  	[sflag:s24] =	ssyncset.done $0x0  }
0xef: {  	[sflag:s24] =	ssyncadd.s32 $0xFFFFF000  }
0xf0: {  	_ =	swait.ge [sflag:s4], $0x1000  }
0xf1: {  	[sflag:s4] =	ssyncset.done $0x0  }
0xf2: {  	[sflag:s4] =	ssyncadd.s32 $0xFFFFF000  }
0xf3: {  	[bflag:$0x0] =	sbarrier.arrive $0xFFFF  }
0xf4: {  	s9 =	rddreg [dreg:$0x8]  }
0xf5: {  	s12 =	rddreg [dreg:$0xb]  }
0xf6: {  	s7 =	rddreg [dreg:$0x9]  }
0xf7: {  	[hbm:s12], [sflag:s7] =	dma.local [spmem:s9], $0xA00  }
0xf8: {  	s12 =	simm.s32 $0x11  }
0xf9: {  	_ =	swait.ge [sflag:s12], $0xA00  }
0xfa: {  	s9 =	rddreg [dreg:$0xc]  }
0xfb: {  	s11 =	rddreg [dreg:$0x7];
	s7 =	sadd.s32 $0x1, s9  }
0xfc: {  	p0 =	sne.s32 s7, s11  }
.Ltmp1:
0xfd: {  	_ = 	snop;
	(pc) =	sbr.rel @p0 .LBB2_1-.Ltmp1, $3  }
0xfe: {  	_ =	sdelay $0x1  }
0xff: {  	[sflag:s12] =	ssyncset.done $0x0  }
0x100: {  	[sflag:s12] =	ssyncadd.s32 $0xFFFFF600;
	[dreg:$0xc] =	wrdreg s7  }
0x101: {  	_ =	sfence.sel $0x180000  }
0x102: {  	[bflag:$0x0] =	sbarrier.arrive $0xFFFF  }
0x103: {  	_ =	strace $0x90000050  }
0x104: {  	s0 =	stileid.u32;
	[bflag:$0x2] =	sbarrier.arrive $0xFFFF  }
0x105: {  	p0 =	sne.s32 s0, $0x0;
	s0 =	rddreg [dreg:$0x3]  }
0x106: {  	s0 =	sadd.s32 @!p0 $0x100000, s0  }
0x107: {  	[sflag:s0] =	ssyncadd.tile.s32 @!p0 $0x1;
	_ =	shalt  }
.Lfunc_end2:
_tile_overlayer_lowered:
.L_overlay_start_2:
0x108: {  	(tag) =	ssettag $0x2  }
0x109: {  	s0 =	rddreg [dreg:$0x0];
	s2 =	stileid.u32  }
0x10a: {  	s1 =	rddreg [dreg:$0x1];
	p0 =	sne.s32 s2, $0x0  }
0x10b: {  	s3 =	rddreg [dreg:$0x2];
	[bflag:$0x3] =	sbarrier.arrive $0xFFFF;
	s2 =	simm.s32 @!p0 $0x1C11  }
0x10c: {  	[timem:s3], [sflag:s2] =	dma.local @!p0 [hbm:s0], s1  }
0x10d: {  	s0 =	simm.s32 @!p0 $0x11  }
0x10e: {  	_ =	swait.ge @!p0 [sflag:s0], s1  }
0x10f: {  	s1 =	ssub.s32 @!p0 $0x0, s1;
	[sflag:s0] =	ssyncset.done @!p0 $0x0  }
0x110: {  	[sflag:s0] =	ssyncadd.s32 @!p0 s1  }
0x111: {  	[bflag:$0x3] =	sbarrier.arrive $0xFFFF  }
0x112: {  	_ =	shalt  }

// kernel: kernel.25.cloned.1.call-start
scs
__scs_entry_jumppad:
0x0: {  	(pc) =	sbr.rel $0x88, $3  }
0x1: {  	(tag) =	ssettag $0x0;
	lr =	simm.s32 $0x1  }
0x2: {  	[smem:$0x3F97] =	sst lr;
	_ =	strace $0xD0000000  }
0x3: {  	_ = 	snop  }
0x4: {  	_ = 	snop  }
0x5: {  	_ = 	snop  }
0x6: {  	_ = 	snop  }
0x7: {  	_ = 	snop  }
__scs_overlays_trampoline_lowered:
0x8: {  	[smem:$0x3FA6] =	sst s0  }
0x9: {  	[smem:$0x3FA7] =	sst s1  }
0xa: {  	[smem:$0x3FA8] =	sst s2  }
0xb: {  	[smem:$0x3FA9] =	sst s3  }
0xc: {  	[smem:$0x3FAA] =	sst s4  }
0xd: {  	[smem:$0x3FAB] =	sst s5  }
0xe: {  	[smem:$0x3FAC] =	sst s6  }
0xf: {  	[smem:$0x3FAD] =	sst s7  }
0x10: {  	[smem:$0x3FAE] =	sst s8  }
0x11: {  	[smem:$0x3FAF] =	sst s9;
	s0 =	simm.s32 @!p0 $0x0  }
0x12: {  	s1 =	sld [smem:$0x3F95];
	s0 =	simm.s32 @p0 $0x1  }
0x13: {  	[smem:$0x3FB0] =	sst s0;
	s0 =	simm.s32 @!p1 $0x0  }
0x14: {  	s2 =	sld [smem:$0x3F94];
	s0 =	simm.s32 @p1 $0x1  }
0x15: {  	[smem:$0x3FB1] =	sst s0;
	s0 =	simm.s32 @!p2 $0x0  }
0x16: {  	s3 =	sld [smem:$0x3FDB];
	s0 =	simm.s32 @p2 $0x1  }
0x17: {  	s4 =	simm.s32 $0x1BF5;
	[smem:$0x3FB3] =	sst s0  }
0x18: {  	s0 =	sld [smem:$0x3F96];
	_ =	swait.ge [sflag:s4], $0x0  }
0x19: {  	s7 =	sld [smem:$0x3F97]  }
0x1a: {  	s8 =	sadd.s32 $0xFFFFE003, lr  }
0x1b: {  	s9 =	sadd.s32 $0xFFFFFEF7, lr;
	s5 =	simm.s32 $0xFFFFFFFF;
	p2 =	slt.u32 s8, $0xFFFFF086  }
0x1c: {  	p1 =	slt.u32 s9, $0xF7A;
	s5 =	simm.s32 @!p2 $0x0  }
0x1d: {  	s5 =	simm.s32 @p1 $0x1;
	p0 =	seq.s32 s7, s2  }
0x1e: {  	s7 =	smul.u32 @!p0 $0xF7A, s2;
	p2 =	seq.s32 @!p0 s5, $0x0  }
0x1f: {  	s9 =	smul.u32 $0xF7A, s1;
	s8 =	simm.s32 @!p0 $0x1BF5;
	p2 =	por !p2, p0  }
0x20: {  	[sflag:s8] =	ssyncset.s32 @!p0 $0xFFFFF086;
	s6 =	sadd.s32 @!p0 s3, s7;
	s7 =	simm.s32 @!p0 $0x108  }
0x21: {  	s3 =	sadd.s32 s3, s9;
	s6 =	sadd.s32 @!p0 $0x88, s6;
	s7 =	simm.s32 @p2 $0x1082  }
0x22: {  	[simem:s7], [sflag:s8] =	dma.local @!p0 [hbm:s6], $0xF7A  }
0x23: {  	s9 =	sor.u32 $0xD0000000, s2;
	s6 =	simm.s32 $0x108;
	_ =	swait.ge @!p0 [sflag:s8], $0x0  }
0x24: {  	s3 =	sadd.s32 $0x88, s3;
	s6 =	simm.s32 @!p1 $0x1082;
	[sflag:s4] =	ssyncset.s32 $0xFFFFF086  }
0x25: {  	[simem:s6], [sflag:s4] =	dma.local [hbm:s3], $0xF7A  }
0x26: {  	[smem:$0x3F97] =	sst s1;
	(tag) =	ssettag s2;
	_ =	strace s9  }
0x27: {  	s1 =	sld [smem:$0x3FA7]  }
0x28: {  	s2 =	sld [smem:$0x3FA8]  }
0x29: {  	s4 =	sld [smem:$0x3FAA]  }
0x2a: {  	p0 =	seq.s32 s5, $0x0;
	s5 =	sld [smem:$0x3FAB]  }
0x2b: {  	s6 =	sld [smem:$0x3FAC]  }
0x2c: {  	s7 =	sld [smem:$0x3FAD]  }
0x2d: {  	s3 =	simm.s32 $0x108;
	s8 =	sld [smem:$0x3FAE]  }
0x2e: {  	s3 =	simm.s32 @!p0 $0x1082;
	s9 =	sld [smem:$0x3FAF]  }
0x2f: {  	lr =	sadd.s32 s0, s3;
	s0 =	sld [smem:$0x3FA6]  }
0x30: {  	s3 =	sld [smem:$0x3FA9]  }
0x31: {  	[smem:$0x3FB2] =	sst s10  }
0x32: {  	s10 =	sld [smem:$0x3FB0];
	_ =	sdelay $0x3  }
0x33: {  	p0 =	seq.s32 s10, $0x1;
	s10 =	sld [smem:$0x3FB2];
	_ =	sdelay $0x3  }
0x34: {  	[smem:$0x3FB2] =	sst s10  }
0x35: {  	s10 =	sld [smem:$0x3FB1];
	_ =	sdelay $0x3  }
0x36: {  	p1 =	seq.s32 s10, $0x1;
	s10 =	sld [smem:$0x3FB2];
	_ =	sdelay $0x3  }
0x37: {  	[smem:$0x3FB2] =	sst s10  }
0x38: {  	s10 =	sld [smem:$0x3FB3]  }
0x39: {  	_ = 	snop;
	(pc) =	sbr.ind lr, $3  }
0x3a: {  	_ = 	snop  }
0x3b: {  	_ = 	snop  }
0x3c: {  	p2 =	seq.s32 s10, $0x1;
	s10 =	sld [smem:$0x3FB2]  }
0x3d: {  	_ =	shalt  }
0x3e: {  	_ =	shalt  }
0x3f: {  	_ =	shalt  }
0x40: {  	_ =	shalt  }
0x41: {  	_ =	shalt  }
0x42: {  	_ =	shalt  }
0x43: {  	_ =	shalt  }
0x44: {  	_ =	shalt  }
0x45: {  	_ =	shalt  }
0x46: {  	_ =	shalt  }
0x47: {  	_ =	shalt  }
0x48: {  	_ =	shalt  }
0x49: {  	_ =	shalt  }
0x4a: {  	_ =	shalt  }
0x4b: {  	_ =	shalt  }
0x4c: {  	_ =	shalt  }
0x4d: {  	_ =	shalt  }
0x4e: {  	_ =	shalt  }
0x4f: {  	_ =	shalt  }
0x50: {  	_ =	shalt  }
0x51: {  	_ =	shalt  }
0x52: {  	_ =	shalt  }
0x53: {  	_ =	shalt  }
0x54: {  	_ =	shalt  }
0x55: {  	_ =	shalt  }
0x56: {  	_ =	shalt  }
0x57: {  	_ =	shalt  }
0x58: {  	_ =	shalt  }
0x59: {  	_ =	shalt  }
0x5a: {  	_ =	shalt  }
0x5b: {  	_ =	shalt  }
0x5c: {  	_ =	shalt  }
0x5d: {  	_ =	shalt  }
0x5e: {  	_ =	shalt  }
0x5f: {  	_ =	shalt  }
0x60: {  	_ =	shalt  }
0x61: {  	_ =	shalt  }
0x62: {  	_ =	shalt  }
0x63: {  	_ =	shalt  }
0x64: {  	_ =	shalt  }
0x65: {  	_ =	shalt  }
0x66: {  	_ =	shalt  }
0x67: {  	_ =	shalt  }
0x68: {  	_ =	shalt  }
0x69: {  	_ =	shalt  }
0x6a: {  	_ =	shalt  }
0x6b: {  	_ =	shalt  }
0x6c: {  	_ =	shalt  }
0x6d: {  	_ =	shalt  }
0x6e: {  	_ =	shalt  }
0x6f: {  	_ =	shalt  }
0x70: {  	_ =	shalt  }
0x71: {  	_ =	shalt  }
0x72: {  	_ =	shalt  }
0x73: {  	_ =	shalt  }
0x74: {  	_ =	shalt  }
0x75: {  	_ =	shalt  }
0x76: {  	_ =	shalt  }
0x77: {  	_ =	shalt  }
0x78: {  	_ =	shalt  }
0x79: {  	_ =	shalt  }
0x7a: {  	_ =	shalt  }
0x7b: {  	_ =	shalt  }
0x7c: {  	_ =	shalt  }
0x7d: {  	_ =	shalt  }
0x7e: {  	_ =	shalt  }
0x7f: {  	_ =	shalt  }
0x80: {  	_ =	shalt  }
0x81: {  	_ =	shalt  }
0x82: {  	_ =	shalt  }
0x83: {  	_ =	shalt  }
0x84: {  	_ =	shalt  }
0x85: {  	_ =	shalt  }
0x86: {  	_ =	shalt  }
0x87: {  	_ =	shalt  }
.Lfunc_end0:
.L_simem_size_0:
called_computation.4_lowered:
.L_overlay_start_0:
0x88: {  	s2 =	sld [smem:$0x3FD9]  }
0x89: {  	s3 =	sld [smem:$0x3FFE];
	_ =	sdelay $0x1  }
0x8a: {  	s1 =	srdreg.scid  }
0x8b: {  	s0 =	sand.u32 $0x1, s1  }
0x8c: {  	s16 =	sshll.u32 s0, $0xA;
	s2 =	sadd.s32 s3, s2  }
0x8d: {  	s2 =	sadd.s32 s2, s16  }
0x8e: {  	[smem:$0x3FBE] =	sst s2  }
0x8f: {  	_ = 	snop  }
0x90: {  	(tm) =	ssettm $0x1  }
0x91: {  	s17 =	sld [smem:$0x3FFB];
	_ =	sdelay $0x3  }
0x92: {  	_ =	strace s17  }
0x93: {  	s2 =	sld [smem:$0x3FFC];
	_ =	sdelay $0x3  }
0x94: {  	_ =	strace s2  }
0x95: {  	s2 =	sld [smem:$0x3FFD];
	_ =	sdelay $0x3  }
0x96: {  	_ =	strace s2  }
0x97: {  	_ =	strace $0x8FFFFFFF  }
0x98: {  	s18 =	sld [smem:$0x3FDB];
	_ =	sdelay $0x1  }
0x99: {  	s19 =	simm.s32 $_scs_section_size  }
0x9a: {  	s4 =	simm.s32 $_size__tile_overlayer_lowered;
	s5 =	simm.s32 $_tile_overlayer_lowered  }
0x9b: {  	s22 =	simm.s32 $0x1BFF;
	s21 =	sshll.u32 s5, $0x1;
	s2 =	sadd.s32 s19, s18  }
0x9c: {  	s6 =	simm.s32 $0x0;
	s20 =	sshll.u32 s4, $0x1;
	s4 =	sadd.s32 s21, s2  }
0x9d: {  	[timem:s6], [sflag:s22] =	dma.local [hbm:s4], s20  }
0x9e: {  	_ =	swait.ge [sflag:s22], s20  }
0x9f: {  	s3 =	ssub.s32 $0x0, s20;
	[sflag:s22] =	ssyncset.done $0x0  }
0xa0: {  	[sflag:s22] =	ssyncadd.s32 s3;
	_ =	sdelay $0x1  }
0xa1: {  	s23 =	simm.s32 $0x1B8B  }
0xa2: {  	_ =	swait.ge [sflag:s23], $0x1  }
0xa3: {  	[sflag:s23] =	ssyncset.done $0x0  }
0xa4: {  	s25 =	simm.s32 $0x1B8E;
	s24 =	sld [smem:$0x3FFE];
	[sflag:s23] =	ssyncadd.s32 $0xFFFFFFFF  }
0xa5: {  	s26 =	simm.s32 $execute0_lowered;
	[smem:$0x3FD2] =	sst s25  }
0xa6: {  	s4 =	sshll.u32 s26, $0x1;
	_ =	strace $0x80000052;
	[dreg:$0x1] =	wrdreg $0xFFFFFFFF  }
0xa7: {  	s28 =	simm.s32 $_size_execute0_lowered;
	s2 =	sadd.s32 s2, s4;
	[dreg:$0x0] =	wrdreg $0x0  }
0xa8: {  	s4 =	sshll.u32 s28, $0x1;
	[dreg:$0x2] =	wrdreg s2  }
0xa9: {  	[dreg:$0x3] =	wrdreg s4  }
0xaa: {  	[dreg:$0x4] =	wrdreg $0xC0  }
0xab: {  	_ =	task [dreg:s6], $0x5FFFF  }
0xac: {  	[dreg:$0x1] =	wrdreg $0xFFFFFFFF  }
0xad: {  	[dreg:$0x0] =	wrdreg $0x60  }
0xae: {  	[dreg:$0x2] =	wrdreg s24  }
0xaf: {  	[dreg:$0x3] =	wrdreg $0xB8000  }
0xb0: {  	[dreg:$0x4] =	wrdreg $0x90000  }
0xb1: {  	[dreg:$0x5] =	wrdreg $0x9  }
0xb2: {  	_ =	task.clear_ibuf [dreg:s6], $0x6FFFF;
	_ =	strace $0x90000052  }
0xb3: {  	s29 =	simm.s32 $0x9;
	_ =	strace $0x80000054  }
0xb4: {  	_ =	swait.ge [sflag:s29], $0x1  }
0xb5: {  	[sflag:s29] =	ssyncadd.s32 $0xFFFFFFFF  }
0xb6: {  	_ =	strace $0x90000054  }
0xb7: {  	_ =	sfence  }
0xb8: {  	s30 =	sld [smem:$0x0];
	_ =	sdelay $0x2  }
0xb9: {  	s31 =	sshll.u32 s1, $0xD;
	s1 =	sshrl.u32 s1, $0x2  }
0xba: {  	s3 =	sand.u32 $0x4000, s31;
	s1 =	sadd.s32 s1, s30  }
0xbb: {  	s0 =	sor.u32 s3, s0;
	s1 =	sshll.u32 s1, $0x11  }
0xbc: {  	s0 =	sor.u32 s1, s0  }
0xbd: {  	s0 =	sadd.s32 $0x8F2B, s0  }
0xbe: {  	[sflag:s0] =	ssyncadd.remote.s32 $0x1  }
0xbf: {  	_ =	sfence.sel $0xFFFF  }
0xc0: {  	[dreg:$0x0] =	wrdreg $0xFFFFFFFF;
	(pc) =	sbr.abs _section_cstart, $3  }
0xc1: {  	[dreg:$0x1] =	wrdreg $0xFFFFFFFF  }
0xc2: {  	_ =	task.clear_ibuf [dreg:s6], $0x2FFFF;
	_ =	strace $0x9FFFFFFF  }
0xc3: {  	(tm) =	ssettm $0x7FFFFFFF  }
tec
execute0_lowered:
.L_overlay_start_1:
0x0: {  	(tag) =	ssettag $0x1  }
0x1: {  	s0 =	rddreg [dreg:$0x0]  }
0x2: {  	s1 =	rddreg [dreg:$0x1];
	s2 =	srdreg.scid  }
0x3: {  	s3 =	rddreg [dreg:$0x2];
	s10 =	stileid.u32;
	s6 =	simm.s32 $0x0  }
0x4: {  	s12 =	simm.s32 $0x11;
	s14 =	simm.s32 $0x80;
	s15 =	simm.s32 $0x5000  }
0x5: {  	s16 =	simm.s32 $0x5800;
	s18 =	simm.s32 $0x6000;
	s20 =	simm.s32 $0x6800  }
0x6: {  	s22 =	simm.s32 $0x7000;
	s28 =	simm.s32 $0x8000;
	s30 =	simm.s32 $0x8800  }
0x7: {  	s31 =	simm.s32 $0x1;
	s17 =	simm.s32 $0x5;
	s19 =	simm.s32 $0x6  }
0x8: {  	s29 =	simm.s32 $0xA;
	s13 =	simm.s32 $0xE;
	s2 =	sand.u32 $0x1, s2  }
0x9: {  	s5 =	smul.u32 $0x2800, s10;
	[smem:$0x7FF] =	sst s6;
	s26 =	sshll.u32 s10, $0x6  }
0xa: {  	s6 =	simm.s32 $0xC;
	s4 =	sshll.u32 s2, $0x4;
	s7 =	smul.u32 $0x5000, s2  }
0xb: {  	s2 =	ssub.s32 $0x2, s2;
	_ =	strace $0x80000053;
	s4 =	sor.u32 s10, s4  }
0xc: {  	s21 =	sshrl.u32 s5, $0x3;
	s9 =	sshrl.u32 s2, $0x1;
	s24 =	sadd.s32 s5, s1  }
0xd: {  	s5 =	sadd.s32 s5, s3;
	s10 =	simm.s32 $0x4;
	s4 =	smul.u32 $0x500, s4  }
0xe: {  	s8 =	sadd.s32 s21, s0;
	s2 =	ssub.s32 s2, s9;
	s5 =	sshrl.u32 s5, $0x3  }
0xf: {  	s11 =	sshrl.u32 s24, $0x3;
	s24 =	simm.s32 $0xF;
	[dreg:$0xa] =	wrdreg s5  }
0x10: {  	s25 =	sadd.s32 $0xDE00, s8;
	s2 =	smax.u32 s2, $0x1;
	[dreg:$0x8] =	wrdreg s11  }
0x11: {  	s5 =	simm.s32 $0xB;
	s8 =	simm.s32 $0xD;
	[dreg:$0x6] =	wrdreg s25  }
0x12: {  	s4 =	sadd.s32 s4, s0;
	[dreg:$0x7] =	wrdreg s2;
	s2 =	sor.u32 $0x1C11, s26  }
0x13: {  	s0 =	sadd.s32 s7, s0;
	s7 =	simm.s32 $0x0;
	[dreg:$0x9] =	wrdreg s2  }
0x14: {  	s25 =	simm.s32 $0x7800;
	s23 =	sadd.s32 $0x1CE00, s4;
	[dreg:$0xc] =	wrdreg s7  }
0x15: {  	s26 =	simm.s32 $0x9;
	s4 =	sadd.s32 $0x3E00, s4;
	[dreg:$0x4] =	wrdreg s23  }
0x16: {  	s0 =	sadd.s32 $0x12E00, s0;
	s2 =	simm.s32 $0x3;
	[dreg:$0x5] =	wrdreg s4  }
0x17: {  	s0 =	sadd.s32 s21, s0;
	s21 =	simm.s32 $0x7;
	s23 =	simm.s32 $0x8  }
0x18: {  	s4 =	simm.s32 $0x10;
	[dreg:$0xb] =	wrdreg s0;
	s0 =	simm.s32 $0x2  }
.LBB2_1:
0x19: {  	s7 =	simm.s32 $0x0;
	s11 =	rddreg [dreg:$0x4]  }
0x1a: {  	[tilespmem:s7], [sflag:$0x11] =	stream.linear.gather [hbm4b:s11+s7], $0x2800, $0x38;
	[tilespmem:$0xE000] =	vst v63  }
0x1b: {  	_ =	swait.ge [sflag:s12], $0x2800  }
0x1c: {  	s9 =	simm.s32 $0x0;
	[sflag:s12] =	ssyncset.done $0x0  }
0x1d: {  	s7 =	simm.s32 $0x2800;
	s11 =	rddreg [dreg:$0x5];
	[sflag:s12] =	ssyncadd.s32 $0xFFFFD800  }
0x1e: {  	[tilespmem:s7], [sflag:$0x11] =	stream.linear.gather [hbm4b:s11+s9], $0x2800, $0x38;
	[tilespmem:$0xE000] =	vst v63  }
0x1f: {  	s7 =	rddreg [dreg:$0x9];
	_ =	swait.ge [sflag:s12], $0x2800  }
0x20: {  	[sflag:s12] =	ssyncset.done $0x0;
	s11 =	rddreg [dreg:$0x6]  }
0x21: {  	s9 =	rddreg [dreg:$0x8];
	[sflag:s12] =	ssyncadd.s32 $0xFFFFD800  }
0x22: {  	[spmem:s9], [sflag:s7] =	dma.local [hbm:s11], $0x500  }
0x23: {  	_ =	swait.ge [sflag:s12], $0x500  }
0x24: {  	[sflag:s12] =	ssyncset.done $0x0  }
0x25: {  	s9 =	rddreg [dreg:$0xa];
	[sflag:s12] =	ssyncadd.s32 $0xFFFFFB00  }
0x26: {  	[spmem:s9], [sflag:s7] =	dma.local [hbm:s11], $0x500  }
0x27: {  	_ =	swait.ge [sflag:s12], $0x500  }
0x28: {  	[sflag:s12] =	ssyncset.done $0x0  }
0x29: {  	[sflag:s12] =	ssyncadd.s32 $0xFFFFFB00  }
0x2a: {  	s12 =	simm.s32 $0x0;
	[bflag:$0x0] =	sbarrier.arrive $0xFFFF  }
0x2b: {  	[tilespmem:s15], [sflag:$0x1] =	stream.indirect.gather [spmem:s3], $0x10, s12, s14, $0xb8;
	[tilespmem:$0xE000] =	vst v63  }
0x2c: {  	_ = 	snop  }
0x2d: {  	[tilespmem:s16], [sflag:$0x2] =	stream.indirect.gather [spmem:s3], $0x10, s14, s14, $0xb8;
	[tilespmem:$0xE000] =	vst v63  }
0x2e: {  	s7 =	simm.s32 $0x100  }
0x2f: {  	[tilespmem:s18], [sflag:$0x3] =	stream.indirect.gather [spmem:s3], $0x10, s7, s14, $0xb8;
	[tilespmem:$0xE000] =	vst v63  }
0x30: {  	s11 =	simm.s32 $0x180  }
0x31: {  	[tilespmem:s20], [sflag:$0x4] =	stream.indirect.gather [spmem:s3], $0x10, s11, s14, $0xb8;
	[tilespmem:$0xE000] =	vst v63  }
0x32: {  	s12 =	simm.s32 $0x200  }
0x33: {  	[tilespmem:s22], [sflag:$0x5] =	stream.indirect.gather [spmem:s3], $0x10, s12, s14, $0xb8;
	[tilespmem:$0xE000] =	vst v63  }
0x34: {  	s7 =	simm.s32 $0x280  }
0x35: {  	[tilespmem:s25], [sflag:$0x6] =	stream.indirect.gather [spmem:s3], $0x10, s7, s14, $0xb8;
	[tilespmem:$0xE000] =	vst v63  }
0x36: {  	s11 =	simm.s32 $0x300  }
0x37: {  	[tilespmem:s28], [sflag:$0x7] =	stream.indirect.gather [spmem:s3], $0x10, s11, s14, $0xb8;
	[tilespmem:$0xE000] =	vst v63  }
0x38: {  	s12 =	simm.s32 $0x380  }
0x39: {  	[tilespmem:s30], [sflag:$0x8] =	stream.indirect.gather [spmem:s3], $0x10, s12, s14, $0xb8;
	[tilespmem:$0xE000] =	vst v63  }
0x3a: {  	_ =	swait.ge [sflag:s31], $0x800  }
0x3b: {  	[sflag:s31] =	ssyncset.done $0x0  }
0x3c: {  	s7 =	simm.s32 $0x2800;
	[sflag:s31] =	ssyncadd.s32 $0xFFFFF800  }
0x3d: {  	[spmem:s1] =	stream.indirect.scatter.add.f32 [tilespmem:s15], [sflag:$0x9], $0x10, s7, s14, $0xb8;
	[tilespmem:$0xE000] =	vst v63  }
0x3e: {  	_ =	swait.ge [sflag:s0], $0x800  }
0x3f: {  	[sflag:s0] =	ssyncset.done $0x0  }
0x40: {  	s9 =	simm.s32 $0x2880;
	[sflag:s0] =	ssyncadd.s32 $0xFFFFF800  }
0x41: {  	[spmem:s1] =	stream.indirect.scatter.add.f32 [tilespmem:s16], [sflag:$0xA], $0x10, s9, s14, $0xb8;
	[tilespmem:$0xE000] =	vst v63  }
0x42: {  	_ =	swait.ge [sflag:s2], $0x800  }
0x43: {  	[sflag:s2] =	ssyncset.done $0x0  }
0x44: {  	s12 =	simm.s32 $0x2900;
	[sflag:s2] =	ssyncadd.s32 $0xFFFFF800  }
0x45: {  	[spmem:s1] =	stream.indirect.scatter.add.f32 [tilespmem:s18], [sflag:$0xB], $0x10, s12, s14, $0xb8;
	[tilespmem:$0xE000] =	vst v63  }
0x46: {  	_ =	swait.ge [sflag:s10], $0x800  }
0x47: {  	[sflag:s10] =	ssyncset.done $0x0  }
0x48: {  	s7 =	simm.s32 $0x2980;
	[sflag:s10] =	ssyncadd.s32 $0xFFFFF800  }
0x49: {  	[spmem:s1] =	stream.indirect.scatter.add.f32 [tilespmem:s20], [sflag:$0xC], $0x10, s7, s14, $0xb8;
	[tilespmem:$0xE000] =	vst v63  }
0x4a: {  	_ =	swait.ge [sflag:s17], $0x800  }
0x4b: {  	[sflag:s17] =	ssyncset.done $0x0  }
0x4c: {  	s9 =	simm.s32 $0x2A00;
	[sflag:s17] =	ssyncadd.s32 $0xFFFFF800  }
0x4d: {  	[spmem:s1] =	stream.indirect.scatter.add.f32 [tilespmem:s22], [sflag:$0xD], $0x10, s9, s14, $0xb8;
	[tilespmem:$0xE000] =	vst v63  }
0x4e: {  	_ =	swait.ge [sflag:s19], $0x800  }
0x4f: {  	[sflag:s19] =	ssyncset.done $0x0  }
0x50: {  	s12 =	simm.s32 $0x2A80;
	[sflag:s19] =	ssyncadd.s32 $0xFFFFF800  }
0x51: {  	[spmem:s1] =	stream.indirect.scatter.add.f32 [tilespmem:s25], [sflag:$0xE], $0x10, s12, s14, $0xb8;
	[tilespmem:$0xE000] =	vst v63  }
0x52: {  	_ =	swait.ge [sflag:s21], $0x800  }
0x53: {  	[sflag:s21] =	ssyncset.done $0x0  }
0x54: {  	s7 =	simm.s32 $0x2B00;
	[sflag:s21] =	ssyncadd.s32 $0xFFFFF800  }
0x55: {  	[spmem:s1] =	stream.indirect.scatter.add.f32 [tilespmem:s28], [sflag:$0xF], $0x10, s7, s14, $0xb8;
	[tilespmem:$0xE000] =	vst v63  }
0x56: {  	_ =	swait.ge [sflag:s23], $0x800  }
0x57: {  	[sflag:s23] =	ssyncset.done $0x0  }
0x58: {  	s9 =	simm.s32 $0x2B80;
	[sflag:s23] =	ssyncadd.s32 $0xFFFFF800  }
0x59: {  	[spmem:s1] =	stream.indirect.scatter.add.f32 [tilespmem:s30], [sflag:$0x10], $0x10, s9, s14, $0xb8;
	[tilespmem:$0xE000] =	vst v63  }
0x5a: {  	_ =	swait.ge [sflag:s26], $0x800  }
0x5b: {  	[sflag:s26] =	ssyncset.done $0x0  }
0x5c: {  	s12 =	simm.s32 $0x400;
	[sflag:s26] =	ssyncadd.s32 $0xFFFFF800  }
0x5d: {  	[tilespmem:s15], [sflag:$0x1] =	stream.indirect.gather [spmem:s3], $0x10, s12, s14, $0xb8;
	[tilespmem:$0xE000] =	vst v63  }
0x5e: {  	_ =	swait.ge [sflag:s29], $0x800  }
0x5f: {  	[sflag:s29] =	ssyncset.done $0x0  }
0x60: {  	s7 =	simm.s32 $0x480;
	[sflag:s29] =	ssyncadd.s32 $0xFFFFF800  }
0x61: {  	[tilespmem:s16], [sflag:$0x2] =	stream.indirect.gather [spmem:s3], $0x10, s7, s14, $0xb8;
	[tilespmem:$0xE000] =	vst v63  }
0x62: {  	_ =	swait.ge [sflag:s5], $0x800  }
0x63: {  	[sflag:s5] =	ssyncset.done $0x0  }
0x64: {  	s9 =	simm.s32 $0x500;
	[sflag:s5] =	ssyncadd.s32 $0xFFFFF800  }
0x65: {  	[tilespmem:s18], [sflag:$0x3] =	stream.indirect.gather [spmem:s3], $0x10, s9, s14, $0xb8;
	[tilespmem:$0xE000] =	vst v63  }
0x66: {  	_ =	swait.ge [sflag:s6], $0x800  }
0x67: {  	[sflag:s6] =	ssyncset.done $0x0  }
0x68: {  	s12 =	simm.s32 $0x580;
	[sflag:s6] =	ssyncadd.s32 $0xFFFFF800  }
0x69: {  	[tilespmem:s20], [sflag:$0x4] =	stream.indirect.gather [spmem:s3], $0x10, s12, s14, $0xb8;
	[tilespmem:$0xE000] =	vst v63  }
0x6a: {  	_ =	swait.ge [sflag:s8], $0x800  }
0x6b: {  	[sflag:s8] =	ssyncset.done $0x0  }
0x6c: {  	s7 =	simm.s32 $0x600;
	[sflag:s8] =	ssyncadd.s32 $0xFFFFF800  }
0x6d: {  	[tilespmem:s22], [sflag:$0x5] =	stream.indirect.gather [spmem:s3], $0x10, s7, s14, $0xb8;
	[tilespmem:$0xE000] =	vst v63  }
0x6e: {  	_ =	swait.ge [sflag:s13], $0x800  }
0x6f: {  	[sflag:s13] =	ssyncset.done $0x0  }
0x70: {  	s9 =	simm.s32 $0x680;
	[sflag:s13] =	ssyncadd.s32 $0xFFFFF800  }
0x71: {  	[tilespmem:s25], [sflag:$0x6] =	stream.indirect.gather [spmem:s3], $0x10, s9, s14, $0xb8;
	[tilespmem:$0xE000] =	vst v63  }
0x72: {  	_ =	swait.ge [sflag:s24], $0x800  }
0x73: {  	[sflag:s24] =	ssyncset.done $0x0  }
0x74: {  	s12 =	simm.s32 $0x700;
	[sflag:s24] =	ssyncadd.s32 $0xFFFFF800  }
0x75: {  	[tilespmem:s28], [sflag:$0x7] =	stream.indirect.gather [spmem:s3], $0x10, s12, s14, $0xb8;
	[tilespmem:$0xE000] =	vst v63  }
0x76: {  	_ =	swait.ge [sflag:s4], $0x800  }
0x77: {  	[sflag:s4] =	ssyncset.done $0x0  }
0x78: {  	s11 =	simm.s32 $0x780;
	s12 =	simm.s32 $0x1000;
	[sflag:s4] =	ssyncadd.s32 $0xFFFFF800  }
.LBB2_2:
0x79: {  	[tilespmem:s30], [sflag:$0x8] =	stream.indirect.gather [spmem:s3], $0x10, s11, s14, $0xb8;
	[tilespmem:$0xE000] =	vst v63  }
0x7a: {  	s11 =	smov.u32 s12  }
0x7b: {  	p0 =	sne.s32 s12, $0x8000;
	s12 =	sadd.s32 $0x1000, s12;
	_ =	swait.ge [sflag:s31], $0x800  }
0x7c: {  	s11 =	sshra.s32 s11, $0x2;
	[sflag:s31] =	ssyncset.done $0x0  }
0x7d: {  	s9 =	sadd.s32 $0x2800, s11;
	[sflag:s31] =	ssyncadd.s32 $0xFFFFF800  }
0x7e: {  	[spmem:s1] =	stream.indirect.scatter.add.f32 [tilespmem:s15], [sflag:$0x9], $0x10, s9, s14, $0xb8;
	[tilespmem:$0xE000] =	vst v63  }
0x7f: {  	_ =	swait.ge [sflag:s0], $0x800  }
0x80: {  	[sflag:s0] =	ssyncset.done $0x0  }
0x81: {  	s9 =	sadd.s32 $0x2880, s11;
	[sflag:s0] =	ssyncadd.s32 $0xFFFFF800  }
0x82: {  	[spmem:s1] =	stream.indirect.scatter.add.f32 [tilespmem:s16], [sflag:$0xA], $0x10, s9, s14, $0xb8;
	[tilespmem:$0xE000] =	vst v63  }
0x83: {  	_ =	swait.ge [sflag:s2], $0x800  }
0x84: {  	[sflag:s2] =	ssyncset.done $0x0  }
0x85: {  	s9 =	sadd.s32 $0x2900, s11;
	[sflag:s2] =	ssyncadd.s32 $0xFFFFF800  }
0x86: {  	[spmem:s1] =	stream.indirect.scatter.add.f32 [tilespmem:s18], [sflag:$0xB], $0x10, s9, s14, $0xb8;
	[tilespmem:$0xE000] =	vst v63  }
0x87: {  	_ =	swait.ge [sflag:s10], $0x800  }
0x88: {  	[sflag:s10] =	ssyncset.done $0x0  }
0x89: {  	s9 =	sadd.s32 $0x2980, s11;
	[sflag:s10] =	ssyncadd.s32 $0xFFFFF800  }
0x8a: {  	[spmem:s1] =	stream.indirect.scatter.add.f32 [tilespmem:s20], [sflag:$0xC], $0x10, s9, s14, $0xb8;
	[tilespmem:$0xE000] =	vst v63  }
0x8b: {  	_ =	swait.ge [sflag:s17], $0x800  }
0x8c: {  	[sflag:s17] =	ssyncset.done $0x0  }
0x8d: {  	s9 =	sadd.s32 $0x2A00, s11;
	[sflag:s17] =	ssyncadd.s32 $0xFFFFF800  }
0x8e: {  	[spmem:s1] =	stream.indirect.scatter.add.f32 [tilespmem:s22], [sflag:$0xD], $0x10, s9, s14, $0xb8;
	[tilespmem:$0xE000] =	vst v63  }
0x8f: {  	_ =	swait.ge [sflag:s19], $0x800  }
0x90: {  	[sflag:s19] =	ssyncset.done $0x0  }
0x91: {  	s9 =	sadd.s32 $0x2A80, s11;
	[sflag:s19] =	ssyncadd.s32 $0xFFFFF800  }
0x92: {  	[spmem:s1] =	stream.indirect.scatter.add.f32 [tilespmem:s25], [sflag:$0xE], $0x10, s9, s14, $0xb8;
	[tilespmem:$0xE000] =	vst v63  }
0x93: {  	_ =	swait.ge [sflag:s21], $0x800  }
0x94: {  	[sflag:s21] =	ssyncset.done $0x0  }
0x95: {  	s9 =	sadd.s32 $0x2B00, s11;
	[sflag:s21] =	ssyncadd.s32 $0xFFFFF800  }
0x96: {  	[spmem:s1] =	stream.indirect.scatter.add.f32 [tilespmem:s28], [sflag:$0xF], $0x10, s9, s14, $0xb8;
	[tilespmem:$0xE000] =	vst v63  }
0x97: {  	_ =	swait.ge [sflag:s23], $0x800  }
0x98: {  	[sflag:s23] =	ssyncset.done $0x0  }
0x99: {  	s9 =	sadd.s32 $0x2B80, s11;
	[sflag:s23] =	ssyncadd.s32 $0xFFFFF800  }
0x9a: {  	[spmem:s1] =	stream.indirect.scatter.add.f32 [tilespmem:s30], [sflag:$0x10], $0x10, s9, s14, $0xb8;
	[tilespmem:$0xE000] =	vst v63  }
0x9b: {  	_ =	swait.ge [sflag:s26], $0x800  }
0x9c: {  	[sflag:s26] =	ssyncset.done $0x0  }
0x9d: {  	s9 =	sadd.s32 $0x400, s11;
	[sflag:s26] =	ssyncadd.s32 $0xFFFFF800  }
0x9e: {  	[tilespmem:s15], [sflag:$0x1] =	stream.indirect.gather [spmem:s3], $0x10, s9, s14, $0xb8;
	[tilespmem:$0xE000] =	vst v63  }
0x9f: {  	_ =	swait.ge [sflag:s29], $0x800  }
0xa0: {  	[sflag:s29] =	ssyncset.done $0x0  }
0xa1: {  	s9 =	sadd.s32 $0x480, s11;
	[sflag:s29] =	ssyncadd.s32 $0xFFFFF800  }
0xa2: {  	[tilespmem:s16], [sflag:$0x2] =	stream.indirect.gather [spmem:s3], $0x10, s9, s14, $0xb8;
	[tilespmem:$0xE000] =	vst v63  }
0xa3: {  	_ =	swait.ge [sflag:s5], $0x800  }
0xa4: {  	[sflag:s5] =	ssyncset.done $0x0  }
0xa5: {  	s9 =	sadd.s32 $0x500, s11;
	[sflag:s5] =	ssyncadd.s32 $0xFFFFF800  }
0xa6: {  	[tilespmem:s18], [sflag:$0x3] =	stream.indirect.gather [spmem:s3], $0x10, s9, s14, $0xb8;
	[tilespmem:$0xE000] =	vst v63  }
0xa7: {  	_ =	swait.ge [sflag:s6], $0x800  }
0xa8: {  	[sflag:s6] =	ssyncset.done $0x0  }
0xa9: {  	s9 =	sadd.s32 $0x580, s11;
	[sflag:s6] =	ssyncadd.s32 $0xFFFFF800  }
0xaa: {  	[tilespmem:s20], [sflag:$0x4] =	stream.indirect.gather [spmem:s3], $0x10, s9, s14, $0xb8;
	[tilespmem:$0xE000] =	vst v63  }
0xab: {  	_ =	swait.ge [sflag:s8], $0x800  }
0xac: {  	[sflag:s8] =	ssyncset.done $0x0  }
0xad: {  	s9 =	sadd.s32 $0x600, s11;
	[sflag:s8] =	ssyncadd.s32 $0xFFFFF800  }
0xae: {  	[tilespmem:s22], [sflag:$0x5] =	stream.indirect.gather [spmem:s3], $0x10, s9, s14, $0xb8;
	[tilespmem:$0xE000] =	vst v63  }
0xaf: {  	_ =	swait.ge [sflag:s13], $0x800  }
0xb0: {  	[sflag:s13] =	ssyncset.done $0x0  }
0xb1: {  	s9 =	sadd.s32 $0x680, s11;
	[sflag:s13] =	ssyncadd.s32 $0xFFFFF800  }
0xb2: {  	[tilespmem:s25], [sflag:$0x6] =	stream.indirect.gather [spmem:s3], $0x10, s9, s14, $0xb8;
	[tilespmem:$0xE000] =	vst v63  }
0xb3: {  	_ =	swait.ge [sflag:s24], $0x800  }
0xb4: {  	[sflag:s24] =	ssyncset.done $0x0  }
.Ltmp0:
0xb5: {  	s9 =	sadd.s32 $0x700, s11;
	[sflag:s24] =	ssyncadd.s32 $0xFFFFF800;
	(pc) =	sbr.rel @p0 .LBB2_2-.Ltmp0, $4  }
0xb6: {  	[tilespmem:s28], [sflag:$0x7] =	stream.indirect.gather [spmem:s3], $0x10, s9, s14, $0xb8;
	[tilespmem:$0xE000] =	vst v63  }
0xb7: {  	_ =	swait.ge [sflag:s4], $0x800  }
0xb8: {  	[sflag:s4] =	ssyncset.done $0x0  }
0xb9: {  	s11 =	sadd.s32 $0x780, s11;
	[sflag:s4] =	ssyncadd.s32 $0xFFFFF800  }
0xba: {  	[tilespmem:s30], [sflag:$0x8] =	stream.indirect.gather [spmem:s3], $0x10, s11, s14, $0xb8;
	[tilespmem:$0xE000] =	vst v63  }
0xbb: {  	_ =	swait.ge [sflag:s31], $0x800  }
0xbc: {  	[sflag:s31] =	ssyncset.done $0x0  }
0xbd: {  	s9 =	simm.s32 $0x4C00;
	[sflag:s31] =	ssyncadd.s32 $0xFFFFF800  }
0xbe: {  	[spmem:s1] =	stream.indirect.scatter.add.f32 [tilespmem:s15], [sflag:$0x9], $0x10, s9, s14, $0xb8;
	[tilespmem:$0xE000] =	vst v63  }
0xbf: {  	_ =	swait.ge [sflag:s0], $0x800  }
0xc0: {  	[sflag:s0] =	ssyncset.done $0x0  }
0xc1: {  	s7 =	simm.s32 $0x4C80;
	[sflag:s0] =	ssyncadd.s32 $0xFFFFF800  }
0xc2: {  	[spmem:s1] =	stream.indirect.scatter.add.f32 [tilespmem:s16], [sflag:$0xA], $0x10, s7, s14, $0xb8;
	[tilespmem:$0xE000] =	vst v63  }
0xc3: {  	_ =	swait.ge [sflag:s2], $0x800  }
0xc4: {  	[sflag:s2] =	ssyncset.done $0x0  }
0xc5: {  	s11 =	simm.s32 $0x4D00;
	[sflag:s2] =	ssyncadd.s32 $0xFFFFF800  }
0xc6: {  	[spmem:s1] =	stream.indirect.scatter.add.f32 [tilespmem:s18], [sflag:$0xB], $0x10, s11, s14, $0xb8;
	[tilespmem:$0xE000] =	vst v63  }
0xc7: {  	_ =	swait.ge [sflag:s10], $0x800  }
0xc8: {  	[sflag:s10] =	ssyncset.done $0x0  }
0xc9: {  	s12 =	simm.s32 $0x4D80;
	[sflag:s10] =	ssyncadd.s32 $0xFFFFF800  }
0xca: {  	[spmem:s1] =	stream.indirect.scatter.add.f32 [tilespmem:s20], [sflag:$0xC], $0x10, s12, s14, $0xb8;
	[tilespmem:$0xE000] =	vst v63  }
0xcb: {  	_ =	swait.ge [sflag:s17], $0x800  }
0xcc: {  	[sflag:s17] =	ssyncset.done $0x0  }
0xcd: {  	s7 =	simm.s32 $0x4E00;
	[sflag:s17] =	ssyncadd.s32 $0xFFFFF800  }
0xce: {  	[spmem:s1] =	stream.indirect.scatter.add.f32 [tilespmem:s22], [sflag:$0xD], $0x10, s7, s14, $0xb8;
	[tilespmem:$0xE000] =	vst v63  }
0xcf: {  	_ =	swait.ge [sflag:s19], $0x800  }
0xd0: {  	[sflag:s19] =	ssyncset.done $0x0  }
0xd1: {  	s11 =	simm.s32 $0x4E80;
	[sflag:s19] =	ssyncadd.s32 $0xFFFFF800  }
0xd2: {  	[spmem:s1] =	stream.indirect.scatter.add.f32 [tilespmem:s25], [sflag:$0xE], $0x10, s11, s14, $0xb8;
	[tilespmem:$0xE000] =	vst v63  }
0xd3: {  	_ =	swait.ge [sflag:s21], $0x800  }
0xd4: {  	[sflag:s21] =	ssyncset.done $0x0  }
0xd5: {  	s12 =	simm.s32 $0x4F00;
	[sflag:s21] =	ssyncadd.s32 $0xFFFFF800  }
0xd6: {  	[spmem:s1] =	stream.indirect.scatter.add.f32 [tilespmem:s28], [sflag:$0xF], $0x10, s12, s14, $0xb8;
	[tilespmem:$0xE000] =	vst v63  }
0xd7: {  	_ =	swait.ge [sflag:s23], $0x800  }
0xd8: {  	[sflag:s23] =	ssyncset.done $0x0  }
0xd9: {  	s7 =	simm.s32 $0x4F80;
	[sflag:s23] =	ssyncadd.s32 $0xFFFFF800  }
0xda: {  	[spmem:s1] =	stream.indirect.scatter.add.f32 [tilespmem:s30], [sflag:$0x10], $0x10, s7, s14, $0xb8;
	[tilespmem:$0xE000] =	vst v63  }
0xdb: {  	_ =	swait.ge [sflag:s26], $0x800  }
0xdc: {  	[sflag:s26] =	ssyncset.done $0x0  }
0xdd: {  	[sflag:s26] =	ssyncadd.s32 $0xFFFFF800  }
0xde: {  	_ =	swait.ge [sflag:s29], $0x800  }
0xdf: {  	[sflag:s29] =	ssyncset.done $0x0  }
0xe0: {  	[sflag:s29] =	ssyncadd.s32 $0xFFFFF800  }
0xe1: {  	_ =	swait.ge [sflag:s5], $0x800  }
0xe2: {  	[sflag:s5] =	ssyncset.done $0x0  }
0xe3: {  	[sflag:s5] =	ssyncadd.s32 $0xFFFFF800  }
0xe4: {  	_ =	swait.ge [sflag:s6], $0x800  }
0xe5: {  	[sflag:s6] =	ssyncset.done $0x0  }
0xe6: {  	[sflag:s6] =	ssyncadd.s32 $0xFFFFF800  }
0xe7: {  	_ =	swait.ge [sflag:s8], $0x800  }
0xe8: {  	[sflag:s8] =	ssyncset.done $0x0  }
0xe9: {  	[sflag:s8] =	ssyncadd.s32 $0xFFFFF800  }
0xea: {  	_ =	swait.ge [sflag:s13], $0x800  }
0xeb: {  	[sflag:s13] =	ssyncset.done $0x0  }
0xec: {  	[sflag:s13] =	ssyncadd.s32 $0xFFFFF800  }
0xed: {  	_ =	swait.ge [sflag:s24], $0x800  }
0xee: {  	[sflag:s24] =	ssyncset.done $0x0  }
0xef: {  	[sflag:s24] =	ssyncadd.s32 $0xFFFFF800  }
0xf0: {  	_ =	swait.ge [sflag:s4], $0x800  }
0xf1: {  	[sflag:s4] =	ssyncset.done $0x0  }
0xf2: {  	[sflag:s4] =	ssyncadd.s32 $0xFFFFF800  }
0xf3: {  	[bflag:$0x0] =	sbarrier.arrive $0xFFFF  }
0xf4: {  	s9 =	rddreg [dreg:$0x8]  }
0xf5: {  	s12 =	rddreg [dreg:$0xb]  }
0xf6: {  	s7 =	rddreg [dreg:$0x9]  }
0xf7: {  	[hbm:s12], [sflag:s7] =	dma.local [spmem:s9], $0x500  }
0xf8: {  	s12 =	simm.s32 $0x11  }
0xf9: {  	_ =	swait.ge [sflag:s12], $0x500  }
0xfa: {  	s9 =	rddreg [dreg:$0xc]  }
0xfb: {  	s11 =	rddreg [dreg:$0x7];
	s7 =	sadd.s32 $0x1, s9  }
0xfc: {  	p0 =	sne.s32 s7, s11  }
.Ltmp1:
0xfd: {  	_ = 	snop;
	(pc) =	sbr.rel @p0 .LBB2_1-.Ltmp1, $3  }
0xfe: {  	_ =	sdelay $0x1  }
0xff: {  	[sflag:s12] =	ssyncset.done $0x0  }
0x100: {  	[sflag:s12] =	ssyncadd.s32 $0xFFFFFB00;
	[dreg:$0xc] =	wrdreg s7  }
0x101: {  	_ =	sfence.sel $0x180000  }
0x102: {  	[bflag:$0x0] =	sbarrier.arrive $0xFFFF  }
0x103: {  	_ =	strace $0x90000053  }
0x104: {  	s0 =	stileid.u32;
	[bflag:$0x2] =	sbarrier.arrive $0xFFFF  }
0x105: {  	p0 =	sne.s32 s0, $0x0;
	s0 =	rddreg [dreg:$0x3]  }
0x106: {  	s0 =	sadd.s32 @!p0 $0x100000, s0  }
0x107: {  	[sflag:s0] =	ssyncadd.tile.s32 @!p0 $0x1;
	_ =	shalt  }
.Lfunc_end2:
_tile_overlayer_lowered:
.L_overlay_start_2:
0x108: {  	(tag) =	ssettag $0x2  }
0x109: {  	s0 =	rddreg [dreg:$0x0];
	s2 =	stileid.u32  }
0x10a: {  	s1 =	rddreg [dreg:$0x1];
	p0 =	sne.s32 s2, $0x0  }
0x10b: {  	s3 =	rddreg [dreg:$0x2];
	[bflag:$0x3] =	sbarrier.arrive $0xFFFF;
	s2 =	simm.s32 @!p0 $0x1C11  }
0x10c: {  	[timem:s3], [sflag:s2] =	dma.local @!p0 [hbm:s0], s1  }
0x10d: {  	s0 =	simm.s32 @!p0 $0x11  }
0x10e: {  	_ =	swait.ge @!p0 [sflag:s0], s1  }
0x10f: {  	s1 =	ssub.s32 @!p0 $0x0, s1;
	[sflag:s0] =	ssyncset.done @!p0 $0x0  }
0x110: {  	[sflag:s0] =	ssyncadd.s32 @!p0 s1  }
0x111: {  	[bflag:$0x3] =	sbarrier.arrive $0xFFFF  }
0x112: {  	_ =	shalt  }

</sc_bundles>
